<compile_context>
chip_gen: v7x
topology: tpu7x:2x2x1
jax: 0.10.2.dev20260603
libtpu: 0.0.44.dev20260713+nightly
codegen_flags: <defaults>
</compile_context>

<pallas_src>
import functools

import jax
import jax.numpy as jnp
from jax import lax
from jax.experimental import pallas as pl
from jax.experimental.pallas import tpu as pltpu
from jax.experimental.pallas import tpu_sc as plsc

B = 8
N = 500000
NVOX = 4096
PLANE = 4 * NVOX
CH_P = 512
NCH = 61
T244 = NCH * CH_P

_MESH = plsc.VectorSubcoreMesh(core_axis_name="c", subcore_axis_name="s")


@functools.partial(
    pl.kernel,
    mesh=_MESH,
    out_type=jax.ShapeDtypeStruct((B * NVOX * 3,), jnp.float32),
    scratch_types=[
        pltpu.VMEM((24, CH_P), jnp.float32),
        pltpu.VMEM((24, CH_P), jnp.float32),
        pltpu.VMEM((24, CH_P), jnp.float32),
        pltpu.VMEM((4 * PLANE,), jnp.float32),
        pltpu.VMEM((NVOX,), jnp.float32),
        pltpu.VMEM((2 * NVOX,), jnp.float32),
        pltpu.VMEM((NVOX * 3,), jnp.float32),
        pltpu.VMEM_SHARED((16, NVOX), jnp.float32),
        pltpu.SemaphoreType.DMA,
        pltpu.SemaphoreType.DMA,
        pltpu.SemaphoreType.DMA,
    ],
    compiler_params=pltpu.CompilerParams(needs_layout_passes=False),
)
def _voxelize(x_hbm, t_hbm, out_hbm, buf0, buf1, buf2, acc, comb, fin2,
              outb, shared, sem0, sem1, sem2):
    core = lax.axis_index("c")
    s = lax.axis_index("s")

    iota = lax.iota(jnp.int32, 16)
    iota3 = iota * 3
    onef = jnp.full((16,), 1.0, jnp.float32)
    z16 = jnp.zeros((16,), jnp.float32)

    pstart0 = (s * 244 + jnp.minimum(s, 2)) * 128

    def _src(ch):
        return x_hbm.at[pl.ds(0, 24), pl.ds(pstart0 + ch * CH_P, CH_P)]

    bufs = (buf0, buf1, buf2)
    sems = (sem0, sem1, sem2)

    pltpu.async_copy(_src(0), bufs[0], sems[0])
    pltpu.async_copy(_src(1), bufs[1], sems[1])

    def _zero(i, carry):
        acc[pl.ds(i * 16, 16)] = z16
        return carry

    lax.fori_loop(0, 4 * PLANE // 16, _zero, 0)

    def _make_group(buf, unroll):
        def _group(g, carry):
            for u in range(unroll):
                sl = pl.ds((g * unroll + u) * 16, 16)
                for bl in range(4):
                    row = core * 4 + bl
                    xv = buf[row, sl]
                    yv = buf[8 + row, sl]
                    zv = buf[16 + row, sl]
                    ix = (xv * 16.0).astype(jnp.int32)
                    iy = (yv * 16.0).astype(jnp.int32)
                    iz = (zv * 16.0).astype(jnp.int32)
                    vid = ((ix << 8) | (iy << 4) | iz) + bl * PLANE
                    plsc.addupdate_scatter(acc, [vid], xv)
                    plsc.addupdate_scatter(acc, [vid + NVOX], yv)
                    plsc.addupdate_scatter(acc, [vid + 2 * NVOX], zv)
                    plsc.addupdate_scatter(acc, [vid + 3 * NVOX], onef)
            return carry

        return _group

    _groups = tuple(_make_group(bf, 4) for bf in bufs)
    _group01 = _make_group(buf0, 1)

    def _tri(i, carry):
        for k in range(3):
            ch = 3 * i + k
            k2 = (k + 2) % 3
            pltpu.make_async_copy(_src(ch), bufs[k], sems[k]).wait()

            @pl.when(ch + 2 < NCH)
            def _(ch=ch, k2=k2):
                pltpu.async_copy(_src(ch + 2), bufs[k2], sems[k2])

            lax.fori_loop(0, CH_P // 64, _groups[k], 0)
        return carry

    lax.fori_loop(0, NCH // 3, _tri, 0)

    pltpu.make_async_copy(_src(NCH - 1), bufs[0], sems[0]).wait()
    lax.fori_loop(0, CH_P // 64, _groups[0], 0)

    @pl.when(s < 2)
    def _():
        pltpu.sync_copy(
            x_hbm.at[pl.ds(0, 24), pl.ds(pstart0 + T244, 128)],
            buf0.at[:, pl.ds(0, 128)])
        lax.fori_loop(0, 8, _group01, 0)

    @pl.when(s == 15)
    def _():
        pltpu.sync_copy(t_hbm, buf0.at[:, pl.ds(0, 128)])
        lax.fori_loop(0, 2, _group01, 0)

    myoff = s * NVOX

    def _mround(i, carry):
        t = lax.rem(s + 1 + i, 16)
        pltpu.sync_copy(acc.at[pl.ds(t * NVOX, NVOX)], shared.at[s])
        plsc.subcore_barrier()
        u = lax.rem(s + 15 - i, 16)
        pltpu.sync_copy(shared.at[u], comb)
        plsc.subcore_barrier()

        def _add(k, carry2):
            sl = pl.ds(myoff + k * 16, 16)
            acc[sl] = acc[sl] + comb[pl.ds(k * 16, 16)]
            return carry2

        lax.fori_loop(0, NVOX // 16, _add, 0)
        return carry

    lax.fori_loop(0, 15, _mround, 0)

    pltpu.sync_copy(acc.at[pl.ds(myoff, NVOX)], shared.at[s])
    plsc.subcore_barrier()

    @pl.when((s & 3) == 0)
    def _():
        bl = s >> 2
        b = core * 4 + bl
        pltpu.sync_copy(shared.at[4 * bl + 1], comb)
        pltpu.sync_copy(shared.at[4 * bl + 2], fin2.at[pl.ds(0, NVOX)])
        pltpu.sync_copy(shared.at[4 * bl + 3], fin2.at[pl.ds(NVOX, NVOX)])

        def _fin(g, carry):
            vb = g * 16
            sx = acc[pl.ds(myoff + vb, 16)]
            sy = comb[pl.ds(vb, 16)]
            sz = fin2[pl.ds(vb, 16)]
            cn = fin2[pl.ds(NVOX + vb, 16)]
            d = jnp.maximum(cn, 1.0)
            m = cn > 1.0
            vout = g * 48 + iota3
            plsc.store_scatter(outb, [vout], jnp.where(m, sx / d, z16))
            plsc.store_scatter(outb, [vout + 1], jnp.where(m, sy / d, z16))
            plsc.store_scatter(outb, [vout + 2], jnp.where(m, sz / d, z16))
            return carry

        lax.fori_loop(0, NVOX // 16, _fin, 0)
        pltpu.sync_copy(outb, out_hbm.at[pl.ds(b * (NVOX * 3), NVOX * 3)])


def kernel(x):
    planes = jnp.transpose(x, (2, 0, 1)).reshape(24, N)
    tail = jnp.pad(planes[:, 3906 * 128:], ((0, 0), (0, 96)))
    out = _voxelize(planes, tail)
    return out.reshape(B, NVOX, 3)

# --- scband reference (transcript-rebuilt; emitter-appended) ---
"""Pipeline reference for scband-voxelizer-62826781606551 (READ-ONLY COPY).

The authoritative reference and input builder live on the scoring server;
editing this copy changes nothing except your own understanding.
"""

import jax, jax.numpy as jnp
import numpy as np

NUM_DESIRED_DISTS = 4096
GRID = 16  # GRID**3 == NUM_DESIRED_DISTS


def _voxel_ids(x, grid):
    # x: (B, N, 3) with coords in [0, 1)
    ids3 = jnp.clip(jnp.floor(x * grid).astype(jnp.int32), 0, grid - 1)
    return ids3[..., 0] * grid * grid + ids3[..., 1] * grid + ids3[..., 2]  # (B, N)


def setup_inputs(seed: int = 0) -> dict:
    key = jax.random.key(seed)
    x = jax.random.uniform(key, (8, 500000, 3), dtype=jnp.float32)
    return {"x": x}


def reference(x):
    # Voxelizer.forward: estimate one normal distribution (mean) per voxel,
    # keep voxels with sample_counts > 1, reshape to (batch, -1, 3).
    B, N, _ = x.shape
    vid = _voxel_ids(x, GRID)  # (B, N)
    seg = (jnp.arange(B, dtype=jnp.int32)[:, None] * NUM_DESIRED_DISTS + vid).reshape(-1)
    pts = x.reshape(-1, 3)
    num_segments = B * NUM_DESIRED_DISTS
    sums = jax.ops.segment_sum(pts, seg, num_segments=num_segments)
    counts = jax.ops.segment_sum(jnp.ones((B * N,), jnp.float32), seg, num_segments=num_segments)
    means = sums / jnp.maximum(counts, 1.0)[:, None]  # dists: per-voxel distribution means
    valid = counts > 1.0  # sample_counts > 1
    valid_dists = jnp.where(valid[:, None], means, jnp.zeros_like(means)).reshape(B, NUM_DESIRED_DISTS, 3)
    return valid_dists

if __name__ == "__main__":
    import jax
    _d = setup_inputs()
    print(jax.jit(kernel)(*tuple(_d.values())))

</pallas_src>

<mosaic_0001>
#map = affine_map<(d0, d1) -> (0, 0)>
#map1 = affine_map<(d0, d1) -> (0)>
module attributes {stable_mosaic.version = 14 : i64} {
  func.func @_voxelize(%arg0: i32, %arg1: i32, %arg2: memref<24x500000xf32, #tpu.memory_space<hbm>>, %arg3: memref<24x128xf32, #tpu.memory_space<hbm>>, %arg4: memref<98304xf32, #tpu.memory_space<hbm>>, %arg5: memref<24x512xf32, #tpu.memory_space<vmem>>, %arg6: memref<24x512xf32, #tpu.memory_space<vmem>>, %arg7: memref<24x512xf32, #tpu.memory_space<vmem>>, %arg8: memref<65536xf32, #tpu.memory_space<vmem>>, %arg9: memref<4096xf32, #tpu.memory_space<vmem>>, %arg10: memref<8192xf32, #tpu.memory_space<vmem>>, %arg11: memref<12288xf32, #tpu.memory_space<vmem>>, %arg12: memref<16x4096xf32, #tpu.memory_space<vmem_shared>>, %arg13: memref<!tpu.dma_semaphore, #tpu.memory_space<semaphore_mem>>, %arg14: memref<!tpu.dma_semaphore, #tpu.memory_space<semaphore_mem>>, %arg15: memref<!tpu.dma_semaphore, #tpu.memory_space<semaphore_mem>>) attributes {dimension_semantics = [#tpu.dimension_semantics<core_parallel>, #tpu.dimension_semantics<subcore_parallel>], iteration_bounds = array<i64: 2, 16>, scalar_prefetch = 0 : i64, scratch_operands = 11 : i64, tpu.core_type = #tpu.core_type<sc_vector_subcore>, window_params = [{transform_indices = #map}, {transform_indices = #map}, {transform_indices = #map1}]} {
    %iota3A = tpu.iota {dimensions = array<i32: 0>} : vector<16xi32>
    %mul3A = arith.constant 3 : i32
    %mul3A_0 = vector.broadcast %mul3A : i32 to vector<16xi32>
    %mul3A_1 = arith.muli %iota3A, %mul3A_0 : vector<16xi32>
    %broadcast_in_dim3A = arith.constant 1.000000e+00 : f32
    %broadcast_in_dim3A_2 = vector.broadcast %broadcast_in_dim3A : f32 to vector<16xf32>
    %broadcast_in_dim3A_3 = arith.constant 0.000000e+00 : f32
    %broadcast_in_dim3A_4 = vector.broadcast %broadcast_in_dim3A_3 : f32 to vector<16xf32>
    %mul3A_5 = arith.constant 244 : i32
    %mul3A_6 = arith.muli %arg1, %mul3A_5 : i32
    %min3A = arith.constant 2 : i32
    %min3A_7 = arith.minsi %arg1, %min3A : i32
    %add3A = arith.addi %mul3A_6, %min3A_7 : i32
    %mul3A_8 = arith.constant 128 : i32
    %mul3A_9 = arith.muli %add3A, %mul3A_8 : i32
    %add3A_10 = arith.constant 0 : i32
    %add3A_11 = arith.addi %mul3A_9, %add3A_10 : i32
    %dma_start3A = arith.constant 0 : i32
    %dma_start3A_12 = tpu.memref_slice %arg2[%dma_start3A, %add3A_11] : memref<24x500000xf32, #tpu.memory_space<hbm>> -> memref<24x512xf32, #tpu.memory_space<hbm>>
    %dma_start3A_13 = arith.constant 0 : i32
    %dma_start3A_14 = tpu.memref_slice %arg2[%dma_start3A_13, %add3A_11] : memref<24x500000xf32, #tpu.memory_space<hbm>> -> memref<24x512xf32, #tpu.memory_space<hbm>>
    tpu.enqueue_dma source(%dma_start3A_14 : memref<24x512xf32, #tpu.memory_space<hbm>>) target(%arg5 : memref<24x512xf32, #tpu.memory_space<vmem>>) target_semaphore(%arg13 : memref<!tpu.dma_semaphore, #tpu.memory_space<semaphore_mem>>)
    %add3A_15 = arith.constant 512 : i32
    %add3A_16 = arith.addi %mul3A_9, %add3A_15 : i32
    %dma_start3A_17 = arith.constant 0 : i32
    %dma_start3A_18 = tpu.memref_slice %arg2[%dma_start3A_17, %add3A_16] : memref<24x500000xf32, #tpu.memory_space<hbm>> -> memref<24x512xf32, #tpu.memory_space<hbm>>
    %dma_start3A_19 = arith.constant 0 : i32
    %dma_start3A_20 = tpu.memref_slice %arg2[%dma_start3A_19, %add3A_16] : memref<24x500000xf32, #tpu.memory_space<hbm>> -> memref<24x512xf32, #tpu.memory_space<hbm>>
    tpu.enqueue_dma source(%dma_start3A_20 : memref<24x512xf32, #tpu.memory_space<hbm>>) target(%arg6 : memref<24x512xf32, #tpu.memory_space<vmem>>) target_semaphore(%arg14 : memref<!tpu.dma_semaphore, #tpu.memory_space<semaphore_mem>>)
    %scan3A = arith.constant 0 : i32
    %scan3A_21 = arith.constant 0 : i32
    %scan3A_22 = arith.constant 4096 : i32
    %scan3A_23 = arith.addi %scan3A_21, %scan3A_22 : i32
    %scan3A_24 = arith.constant 1 : i32
    scf.for %scan3A_63 = %scan3A_21 to %scan3A_23 step %scan3A_24  : i32 {
      %mul3A_64 = arith.constant 16 : i32
      %mul3A_65 = arith.muli %scan3A_63, %mul3A_64 : i32
      %swap3A = arith.index_cast %mul3A_65 : i32 to index
      %swap3A_66 = tpu.vector_load %arg8[%swap3A] {strides = array<i32>} : memref<65536xf32, #tpu.memory_space<vmem>>, vector<16xf32>,
      tpu.vector_store %arg8[%swap3A], %broadcast_in_dim3A_4 {strides = array<i32>} : memref<65536xf32, #tpu.memory_space<vmem>>, vector<16xf32>,
    }
    %scan3A_25 = arith.constant 4096 : i32
    %scan3A_26 = arith.constant 0 : i32
    %scan3A_27 = arith.constant 0 : i32
    %scan3A_28 = arith.constant 20 : i32
    %scan3A_29 = arith.addi %scan3A_27, %scan3A_28 : i32
    %scan3A_30 = arith.constant 1 : i32
    scf.for %scan3A_63 = %scan3A_27 to %scan3A_29 step %scan3A_30  : i32 {
      %mul3A_64 = arith.constant 3 : i32
      %mul3A_65 = arith.muli %mul3A_64, %scan3A_63 : i32
      %add3A_66 = arith.constant 0 : i32
      %add3A_67 = arith.addi %mul3A_65, %add3A_66 : i32
      %mul3A_68 = arith.constant 512 : i32
      %mul3A_69 = arith.muli %add3A_67, %mul3A_68 : i32
      %add3A_70 = arith.addi %mul3A_9, %mul3A_69 : i32
      %dma_wait3A_71 = arith.constant 0 : i32
      %dma_wait3A_72 = tpu.memref_slice %arg2[%dma_wait3A_71, %add3A_70] : memref<24x500000xf32, #tpu.memory_space<hbm>> -> memref<24x512xf32, #tpu.memory_space<hbm>>
      %dma_wait3A_73 = arith.constant 0 : i32
      %dma_wait3A_74 = tpu.memref_slice %arg2[%dma_wait3A_73, %add3A_70] : memref<24x500000xf32, #tpu.memory_space<hbm>> -> memref<24x512xf32, #tpu.memory_space<hbm>>
      tpu.wait_dma2 semaphore(%arg13 : memref<!tpu.dma_semaphore, #tpu.memory_space<semaphore_mem>>) src(%dma_wait3A_74 : memref<24x512xf32, #tpu.memory_space<hbm>>) dst(%arg5 : memref<24x512xf32, #tpu.memory_space<vmem>>)
      %add3A_75 = arith.constant 2 : i32
      %add3A_76 = arith.addi %add3A_67, %add3A_75 : i32
      %lt3A_77 = arith.constant 61 : i32
      %lt3A_78 = arith.cmpi slt, %add3A_76, %lt3A_77 : i32
      %convert_element_type3A_79 = arith.extui %lt3A_78 : i1 to i32
      %cond3A_80 = arith.constant 0 : i32
      %cond3A_81 = arith.cmpi ne, %convert_element_type3A_79, %cond3A_80 : i32
      scf.if %cond3A_81 {
        %add3A_136 = arith.constant 2 : i32
        %add3A_137 = arith.addi %add3A_67, %add3A_136 : i32
        %mul3A_138 = arith.constant 512 : i32
        %mul3A_139 = arith.muli %add3A_137, %mul3A_138 : i32
        %add3A_140 = arith.addi %mul3A_9, %mul3A_139 : i32
        %dma_start3A_141 = arith.constant 0 : i32
        %dma_start3A_142 = tpu.memref_slice %arg2[%dma_start3A_141, %add3A_140] : memref<24x500000xf32, #tpu.memory_space<hbm>> -> memref<24x512xf32, #tpu.memory_space<hbm>>
        %dma_start3A_143 = arith.constant 0 : i32
        %dma_start3A_144 = tpu.memref_slice %arg2[%dma_start3A_143, %add3A_140] : memref<24x500000xf32, #tpu.memory_space<hbm>> -> memref<24x512xf32, #tpu.memory_space<hbm>>
        tpu.enqueue_dma source(%dma_start3A_144 : memref<24x512xf32, #tpu.memory_space<hbm>>) target(%arg7 : memref<24x512xf32, #tpu.memory_space<vmem>>) target_semaphore(%arg15 : memref<!tpu.dma_semaphore, #tpu.memory_space<semaphore_mem>>)
      } else {
      }
      %scan3A_82 = arith.constant 0 : i32
      %scan3A_83 = arith.constant 0 : i32
      %scan3A_84 = arith.constant 8 : i32
      %scan3A_85 = arith.addi %scan3A_83, %scan3A_84 : i32
      %scan3A_86 = arith.constant 1 : i32
      scf.for %scan3A_136 = %scan3A_83 to %scan3A_85 step %scan3A_86  : i32 {
        %mul3A_137 = arith.constant 4 : i32
        %mul3A_138 = arith.muli %scan3A_136, %mul3A_137 : i32
        %add3A_139 = arith.constant 0 : i32
        %add3A_140 = arith.addi %mul3A_138, %add3A_139 : i32
        %mul3A_141 = arith.constant 16 : i32
        %mul3A_142 = arith.muli %add3A_140, %mul3A_141 : i32
        %mul3A_143 = arith.constant 4 : i32
        %mul3A_144 = arith.muli %arg0, %mul3A_143 : i32
        %add3A_145 = arith.constant 0 : i32
        %add3A_146 = arith.addi %mul3A_144, %add3A_145 : i32
        %get3A = arith.index_cast %add3A_146 : i32 to index
        %get3A_147 = arith.index_cast %mul3A_142 : i32 to index
        %get3A_148 = tpu.vector_load %arg5[%get3A, %get3A_147] {strides = array<i32>} : memref<24x512xf32, #tpu.memory_space<vmem>>, vector<16xf32>,
        %add3A_149 = arith.constant 8 : i32
        %add3A_150 = arith.addi %add3A_149, %add3A_146 : i32
        %get3A_151 = arith.index_cast %add3A_150 : i32 to index
        %get3A_152 = arith.index_cast %mul3A_142 : i32 to index
        %get3A_153 = tpu.vector_load %arg5[%get3A_151, %get3A_152] {strides = array<i32>} : memref<24x512xf32, #tpu.memory_space<vmem>>, vector<16xf32>,
        %add3A_154 = arith.constant 16 : i32
        %add3A_155 = arith.addi %add3A_154, %add3A_146 : i32
        %get3A_156 = arith.index_cast %add3A_155 : i32 to index
        %get3A_157 = arith.index_cast %mul3A_142 : i32 to index
        %get3A_158 = tpu.vector_load %arg5[%get3A_156, %get3A_157] {strides = array<i32>} : memref<24x512xf32, #tpu.memory_space<vmem>>, vector<16xf32>,
        %mul3A_159 = arith.constant 1.600000e+01 : f32
        %mul3A_160 = vector.broadcast %mul3A_159 : f32 to vector<16xf32>
        %mul3A_161 = arith.mulf %get3A_148, %mul3A_160 : vector<16xf32>
        %convert_element_type3A_162 = arith.fptosi %mul3A_161 : vector<16xf32> to vector<16xi32>
        %mul3A_163 = arith.constant 1.600000e+01 : f32
        %mul3A_164 = vector.broadcast %mul3A_163 : f32 to vector<16xf32>
        %mul3A_165 = arith.mulf %get3A_153, %mul3A_164 : vector<16xf32>
        %convert_element_type3A_166 = arith.fptosi %mul3A_165 : vector<16xf32> to vector<16xi32>
        %mul3A_167 = arith.constant 1.600000e+01 : f32
        %mul3A_168 = vector.broadcast %mul3A_167 : f32 to vector<16xf32>
        %mul3A_169 = arith.mulf %get3A_158, %mul3A_168 : vector<16xf32>
        %convert_element_type3A_170 = arith.fptosi %mul3A_169 : vector<16xf32> to vector<16xi32>
        %shift_left3A = arith.constant 8 : i32
        %shift_left3A_171 = vector.broadcast %shift_left3A : i32 to vector<16xi32>
        %shift_left3A_172 = arith.shli %convert_element_type3A_162, %shift_left3A_171 : vector<16xi32>
        %shift_left3A_173 = arith.constant 4 : i32
        %shift_left3A_174 = vector.broadcast %shift_left3A_173 : i32 to vector<16xi32>
        %shift_left3A_175 = arith.shli %convert_element_type3A_166, %shift_left3A_174 : vector<16xi32>
        %or3A = arith.ori %shift_left3A_172, %shift_left3A_175 : vector<16xi32>
        %or3A_176 = arith.ori %or3A, %convert_element_type3A_170 : vector<16xi32>
        %add3A_177 = arith.constant 0 : i32
        %add3A_178 = vector.broadcast %add3A_177 : i32 to vector<16xi32>
        %add3A_179 = arith.addi %or3A_176, %add3A_178 : vector<16xi32>
        tpu.vector_store_idx %arg8[%add3A_179], %get3A_148 {add = true} : memref<65536xf32, #tpu.memory_space<vmem>>[vector<16xi32>], vector<16xf32>,
        %add3A_180 = arith.constant 4096 : i32
        %add3A_181 = vector.broadcast %add3A_180 : i32 to vector<16xi32>
        %add3A_182 = arith.addi %add3A_179, %add3A_181 : vector<16xi32>
        tpu.vector_store_idx %arg8[%add3A_182], %get3A_153 {add = true} : memref<65536xf32, #tpu.memory_space<vmem>>[vector<16xi32>], vector<16xf32>,
        %add3A_183 = arith.constant 8192 : i32
        %add3A_184 = vector.broadcast %add3A_183 : i32 to vector<16xi32>
        %add3A_185 = arith.addi %add3A_179, %add3A_184 : vector<16xi32>
        tpu.vector_store_idx %arg8[%add3A_185], %get3A_158 {add = true} : memref<65536xf32, #tpu.memory_space<vmem>>[vector<16xi32>], vector<16xf32>,
        %add3A_186 = arith.constant 12288 : i32
        %add3A_187 = vector.broadcast %add3A_186 : i32 to vector<16xi32>
        %add3A_188 = arith.addi %add3A_179, %add3A_187 : vector<16xi32>
        tpu.vector_store_idx %arg8[%add3A_188], %broadcast_in_dim3A_2 {add = true} : memref<65536xf32, #tpu.memory_space<vmem>>[vector<16xi32>], vector<16xf32>,
        %mul3A_189 = arith.constant 4 : i32
        %mul3A_190 = arith.muli %arg0, %mul3A_189 : i32
        %add3A_191 = arith.constant 1 : i32
        %add3A_192 = arith.addi %mul3A_190, %add3A_191 : i32
        %get3A_193 = arith.index_cast %add3A_192 : i32 to index
        %get3A_194 = arith.index_cast %mul3A_142 : i32 to index
        %get3A_195 = tpu.vector_load %arg5[%get3A_193, %get3A_194] {strides = array<i32>} : memref<24x512xf32, #tpu.memory_space<vmem>>, vector<16xf32>,
        %add3A_196 = arith.constant 8 : i32
        %add3A_197 = arith.addi %add3A_196, %add3A_192 : i32
        %get3A_198 = arith.index_cast %add3A_197 : i32 to index
        %get3A_199 = arith.index_cast %mul3A_142 : i32 to index
        %get3A_200 = tpu.vector_load %arg5[%get3A_198, %get3A_199] {strides = array<i32>} : memref<24x512xf32, #tpu.memory_space<vmem>>, vector<16xf32>,
        %add3A_201 = arith.constant 16 : i32
        %add3A_202 = arith.addi %add3A_201, %add3A_192 : i32
        %get3A_203 = arith.index_cast %add3A_202 : i32 to index
        %get3A_204 = arith.index_cast %mul3A_142 : i32 to index
        %get3A_205 = tpu.vector_load %arg5[%get3A_203, %get3A_204] {strides = array<i32>} : memref<24x512xf32, #tpu.memory_space<vmem>>, vector<16xf32>,
        %mul3A_206 = arith.constant 1.600000e+01 : f32
        %mul3A_207 = vector.broadcast %mul3A_206 : f32 to vector<16xf32>
        %mul3A_208 = arith.mulf %get3A_195, %mul3A_207 : vector<16xf32>
        %convert_element_type3A_209 = arith.fptosi %mul3A_208 : vector<16xf32> to vector<16xi32>
        %mul3A_210 = arith.constant 1.600000e+01 : f32
        %mul3A_211 = vector.broadcast %mul3A_210 : f32 to vector<16xf32>
        %mul3A_212 = arith.mulf %get3A_200, %mul3A_211 : vector<16xf32>
        %convert_element_type3A_213 = arith.fptosi %mul3A_212 : vector<16xf32> to vector<16xi32>
        %mul3A_214 = arith.constant 1.600000e+01 : f32
        %mul3A_215 = vector.broadcast %mul3A_214 : f32 to vector<16xf32>
        %mul3A_216 = arith.mulf %get3A_205, %mul3A_215 : vector<16xf32>
        %convert_element_type3A_217 = arith.fptosi %mul3A_216 : vector<16xf32> to vector<16xi32>
        %shift_left3A_218 = arith.constant 8 : i32
        %shift_left3A_219 = vector.broadcast %shift_left3A_218 : i32 to vector<16xi32>
        %shift_left3A_220 = arith.shli %convert_element_type3A_209, %shift_left3A_219 : vector<16xi32>
        %shift_left3A_221 = arith.constant 4 : i32
        %shift_left3A_222 = vector.broadcast %shift_left3A_221 : i32 to vector<16xi32>
        %shift_left3A_223 = arith.shli %convert_element_type3A_213, %shift_left3A_222 : vector<16xi32>
        %or3A_224 = arith.ori %shift_left3A_220, %shift_left3A_223 : vector<16xi32>
        %or3A_225 = arith.ori %or3A_224, %convert_element_type3A_217 : vector<16xi32>
        %add3A_226 = arith.constant 16384 : i32
        %add3A_227 = vector.broadcast %add3A_226 : i32 to vector<16xi32>
        %add3A_228 = arith.addi %or3A_225, %add3A_227 : vector<16xi32>
        tpu.vector_store_idx %arg8[%add3A_228], %get3A_195 {add = true} : memref<65536xf32, #tpu.memory_space<vmem>>[vector<16xi32>], vector<16xf32>,
        %add3A_229 = arith.constant 4096 : i32
        %add3A_230 = vector.broadcast %add3A_229 : i32 to vector<16xi32>
        %add3A_231 = arith.addi %add3A_228, %add3A_230 : vector<16xi32>
        tpu.vector_store_idx %arg8[%add3A_231], %get3A_200 {add = true} : memref<65536xf32, #tpu.memory_space<vmem>>[vector<16xi32>], vector<16xf32>,
        %add3A_232 = arith.constant 8192 : i32
        %add3A_233 = vector.broadcast %add3A_232 : i32 to vector<16xi32>
        %add3A_234 = arith.addi %add3A_228, %add3A_233 : vector<16xi32>
        tpu.vector_store_idx %arg8[%add3A_234], %get3A_205 {add = true} : memref<65536xf32, #tpu.memory_space<vmem>>[vector<16xi32>], vector<16xf32>,
        %add3A_235 = arith.constant 12288 : i32
        %add3A_236 = vector.broadcast %add3A_235 : i32 to vector<16xi32>
        %add3A_237 = arith.addi %add3A_228, %add3A_236 : vector<16xi32>
        tpu.vector_store_idx %arg8[%add3A_237], %broadcast_in_dim3A_2 {add = true} : memref<65536xf32, #tpu.memory_space<vmem>>[vector<16xi32>], vector<16xf32>,
        %mul3A_238 = arith.constant 4 : i32
        %mul3A_239 = arith.muli %arg0, %mul3A_238 : i32
        %add3A_240 = arith.constant 2 : i32
        %add3A_241 = arith.addi %mul3A_239, %add3A_240 : i32
        %get3A_242 = arith.index_cast %add3A_241 : i32 to index
        %get3A_243 = arith.index_cast %mul3A_142 : i32 to index
        %get3A_244 = tpu.vector_load %arg5[%get3A_242, %get3A_243] {strides = array<i32>} : memref<24x512xf32, #tpu.memory_space<vmem>>, vector<16xf32>,
        %add3A_245 = arith.constant 8 : i32
        %add3A_246 = arith.addi %add3A_245, %add3A_241 : i32
        %get3A_247 = arith.index_cast %add3A_246 : i32 to index
        %get3A_248 = arith.index_cast %mul3A_142 : i32 to index
        %get3A_249 = tpu.vector_load %arg5[%get3A_247, %get3A_248] {strides = array<i32>} : memref<24x512xf32, #tpu.memory_space<vmem>>, vector<16xf32>,
        %add3A_250 = arith.constant 16 : i32
        %add3A_251 = arith.addi %add3A_250, %add3A_241 : i32
        %get3A_252 = arith.index_cast %add3A_251 : i32 to index
        %get3A_253 = arith.index_cast %mul3A_142 : i32 to index
        %get3A_254 = tpu.vector_load %arg5[%get3A_252, %get3A_253] {strides = array<i32>} : memref<24x512xf32, #tpu.memory_space<vmem>>, vector<16xf32>,
        %mul3A_255 = arith.constant 1.600000e+01 : f32
        %mul3A_256 = vector.broadcast %mul3A_255 : f32 to vector<16xf32>
        %mul3A_257 = arith.mulf %get3A_244, %mul3A_256 : vector<16xf32>
        %convert_element_type3A_258 = arith.fptosi %mul3A_257 : vector<16xf32> to vector<16xi32>
        %mul3A_259 = arith.constant 1.600000e+01 : f32
        %mul3A_260 = vector.broadcast %mul3A_259 : f32 to vector<16xf32>
        %mul3A_261 = arith.mulf %get3A_249, %mul3A_260 : vector<16xf32>
        %convert_element_type3A_262 = arith.fptosi %mul3A_261 : vector<16xf32> to vector<16xi32>
        %mul3A_263 = arith.constant 1.600000e+01 : f32
        %mul3A_264 = vector.broadcast %mul3A_263 : f32 to vector<16xf32>
        %mul3A_265 = arith.mulf %get3A_254, %mul3A_264 : vector<16xf32>
        %convert_element_type3A_266 = arith.fptosi %mul3A_265 : vector<16xf32> to vector<16xi32>
        %shift_left3A_267 = arith.constant 8 : i32
        %shift_left3A_268 = vector.broadcast %shift_left3A_267 : i32 to vector<16xi32>
        %shift_left3A_269 = arith.shli %convert_element_type3A_258, %shift_left3A_268 : vector<16xi32>
        %shift_left3A_270 = arith.constant 4 : i32
        %shift_left3A_271 = vector.broadcast %shift_left3A_270 : i32 to vector<16xi32>
        %shift_left3A_272 = arith.shli %convert_element_type3A_262, %shift_left3A_271 : vector<16xi32>
        %or3A_273 = arith.ori %shift_left3A_269, %shift_left3A_272 : vector<16xi32>
        %or3A_274 = arith.ori %or3A_273, %convert_element_type3A_266 : vector<16xi32>
        %add3A_275 = arith.constant 32768 : i32
        %add3A_276 = vector.broadcast %add3A_275 : i32 to vector<16xi32>
        %add3A_277 = arith.addi %or3A_274, %add3A_276 : vector<16xi32>
        tpu.vector_store_idx %arg8[%add3A_277], %get3A_244 {add = true} : memref<65536xf32, #tpu.memory_space<vmem>>[vector<16xi32>], vector<16xf32>,
        %add3A_278 = arith.constant 4096 : i32
        %add3A_279 = vector.broadcast %add3A_278 : i32 to vector<16xi32>
        %add3A_280 = arith.addi %add3A_277, %add3A_279 : vector<16xi32>
        tpu.vector_store_idx %arg8[%add3A_280], %get3A_249 {add = true} : memref<65536xf32, #tpu.memory_space<vmem>>[vector<16xi32>], vector<16xf32>,
        %add3A_281 = arith.constant 8192 : i32
        %add3A_282 = vector.broadcast %add3A_281 : i32 to vector<16xi32>
        %add3A_283 = arith.addi %add3A_277, %add3A_282 : vector<16xi32>
        tpu.vector_store_idx %arg8[%add3A_283], %get3A_254 {add = true} : memref<65536xf32, #tpu.memory_space<vmem>>[vector<16xi32>], vector<16xf32>,
        %add3A_284 = arith.constant 12288 : i32
        %add3A_285 = vector.broadcast %add3A_284 : i32 to vector<16xi32>
        %add3A_286 = arith.addi %add3A_277, %add3A_285 : vector<16xi32>
        tpu.vector_store_idx %arg8[%add3A_286], %broadcast_in_dim3A_2 {add = true} : memref<65536xf32, #tpu.memory_space<vmem>>[vector<16xi32>], vector<16xf32>,
        %mul3A_287 = arith.constant 4 : i32
        %mul3A_288 = arith.muli %arg0, %mul3A_287 : i32
        %add3A_289 = arith.constant 3 : i32
        %add3A_290 = arith.addi %mul3A_288, %add3A_289 : i32
        %get3A_291 = arith.index_cast %add3A_290 : i32 to index
        %get3A_292 = arith.index_cast %mul3A_142 : i32 to index
        %get3A_293 = tpu.vector_load %arg5[%get3A_291, %get3A_292] {strides = array<i32>} : memref<24x512xf32, #tpu.memory_space<vmem>>, vector<16xf32>,
        %add3A_294 = arith.constant 8 : i32
        %add3A_295 = arith.addi %add3A_294, %add3A_290 : i32
        %get3A_296 = arith.index_cast %add3A_295 : i32 to index
        %get3A_297 = arith.index_cast %mul3A_142 : i32 to index
        %get3A_298 = tpu.vector_load %arg5[%get3A_296, %get3A_297] {strides = array<i32>} : memref<24x512xf32, #tpu.memory_space<vmem>>, vector<16xf32>,
        %add3A_299 = arith.constant 16 : i32
        %add3A_300 = arith.addi %add3A_299, %add3A_290 : i32
        %get3A_301 = arith.index_cast %add3A_300 : i32 to index
        %get3A_302 = arith.index_cast %mul3A_142 : i32 to index
        %get3A_303 = tpu.vector_load %arg5[%get3A_301, %get3A_302] {strides = array<i32>} : memref<24x512xf32, #tpu.memory_space<vmem>>, vector<16xf32>,
        %mul3A_304 = arith.constant 1.600000e+01 : f32
        %mul3A_305 = vector.broadcast %mul3A_304 : f32 to vector<16xf32>
        %mul3A_306 = arith.mulf %get3A_293, %mul3A_305 : vector<16xf32>
        %convert_element_type3A_307 = arith.fptosi %mul3A_306 : vector<16xf32> to vector<16xi32>
        %mul3A_308 = arith.constant 1.600000e+01 : f32
        %mul3A_309 = vector.broadcast %mul3A_308 : f32 to vector<16xf32>
        %mul3A_310 = arith.mulf %get3A_298, %mul3A_309 : vector<16xf32>
        %convert_element_type3A_311 = arith.fptosi %mul3A_310 : vector<16xf32> to vector<16xi32>
        %mul3A_312 = arith.constant 1.600000e+01 : f32
        %mul3A_313 = vector.broadcast %mul3A_312 : f32 to vector<16xf32>
        %mul3A_314 = arith.mulf %get3A_303, %mul3A_313 : vector<16xf32>
        %convert_element_type3A_315 = arith.fptosi %mul3A_314 : vector<16xf32> to vector<16xi32>
        %shift_left3A_316 = arith.constant 8 : i32
        %shift_left3A_317 = vector.broadcast %shift_left3A_316 : i32 to vector<16xi32>
        %shift_left3A_318 = arith.shli %convert_element_type3A_307, %shift_left3A_317 : vector<16xi32>
        %shift_left3A_319 = arith.constant 4 : i32
        %shift_left3A_320 = vector.broadcast %shift_left3A_319 : i32 to vector<16xi32>
        %shift_left3A_321 = arith.shli %convert_element_type3A_311, %shift_left3A_320 : vector<16xi32>
        %or3A_322 = arith.ori %shift_left3A_318, %shift_left3A_321 : vector<16xi32>
        %or3A_323 = arith.ori %or3A_322, %convert_element_type3A_315 : vector<16xi32>
        %add3A_324 = arith.constant 49152 : i32
        %add3A_325 = vector.broadcast %add3A_324 : i32 to vector<16xi32>
        %add3A_326 = arith.addi %or3A_323, %add3A_325 : vector<16xi32>
        tpu.vector_store_idx %arg8[%add3A_326], %get3A_293 {add = true} : memref<65536xf32, #tpu.memory_space<vmem>>[vector<16xi32>], vector<16xf32>,
        %add3A_327 = arith.constant 4096 : i32
        %add3A_328 = vector.broadcast %add3A_327 : i32 to vector<16xi32>
        %add3A_329 = arith.addi %add3A_326, %add3A_328 : vector<16xi32>
        tpu.vector_store_idx %arg8[%add3A_329], %get3A_298 {add = true} : memref<65536xf32, #tpu.memory_space<vmem>>[vector<16xi32>], vector<16xf32>,
        %add3A_330 = arith.constant 8192 : i32
        %add3A_331 = vector.broadcast %add3A_330 : i32 to vector<16xi32>
        %add3A_332 = arith.addi %add3A_326, %add3A_331 : vector<16xi32>
        tpu.vector_store_idx %arg8[%add3A_332], %get3A_303 {add = true} : memref<65536xf32, #tpu.memory_space<vmem>>[vector<16xi32>], vector<16xf32>,
        %add3A_333 = arith.constant 12288 : i32
        %add3A_334 = vector.broadcast %add3A_333 : i32 to vector<16xi32>
        %add3A_335 = arith.addi %add3A_326, %add3A_334 : vector<16xi32>
        tpu.vector_store_idx %arg8[%add3A_335], %broadcast_in_dim3A_2 {add = true} : memref<65536xf32, #tpu.memory_space<vmem>>[vector<16xi32>], vector<16xf32>,
        %mul3A_336 = arith.constant 4 : i32
        %mul3A_337 = arith.muli %scan3A_136, %mul3A_336 : i32
        %add3A_338 = arith.constant 1 : i32
        %add3A_339 = arith.addi %mul3A_337, %add3A_338 : i32
        %mul3A_340 = arith.constant 16 : i32
        %mul3A_341 = arith.muli %add3A_339, %mul3A_340 : i32
        %mul3A_342 = arith.constant 4 : i32
        %mul3A_343 = arith.muli %arg0, %mul3A_342 : i32
        %add3A_344 = arith.constant 0 : i32
        %add3A_345 = arith.addi %mul3A_343, %add3A_344 : i32
        %get3A_346 = arith.index_cast %add3A_345 : i32 to index
        %get3A_347 = arith.index_cast %mul3A_341 : i32 to index
        %get3A_348 = tpu.vector_load %arg5[%get3A_346, %get3A_347] {strides = array<i32>} : memref<24x512xf32, #tpu.memory_space<vmem>>, vector<16xf32>,
        %add3A_349 = arith.constant 8 : i32
        %add3A_350 = arith.addi %add3A_349, %add3A_345 : i32
        %get3A_351 = arith.index_cast %add3A_350 : i32 to index
        %get3A_352 = arith.index_cast %mul3A_341 : i32 to index
        %get3A_353 = tpu.vector_load %arg5[%get3A_351, %get3A_352] {strides = array<i32>} : memref<24x512xf32, #tpu.memory_space<vmem>>, vector<16xf32>,
        %add3A_354 = arith.constant 16 : i32
        %add3A_355 = arith.addi %add3A_354, %add3A_345 : i32
        %get3A_356 = arith.index_cast %add3A_355 : i32 to index
        %get3A_357 = arith.index_cast %mul3A_341 : i32 to index
        %get3A_358 = tpu.vector_load %arg5[%get3A_356, %get3A_357] {strides = array<i32>} : memref<24x512xf32, #tpu.memory_space<vmem>>, vector<16xf32>,
        %mul3A_359 = arith.constant 1.600000e+01 : f32
        %mul3A_360 = vector.broadcast %mul3A_359 : f32 to vector<16xf32>
        %mul3A_361 = arith.mulf %get3A_348, %mul3A_360 : vector<16xf32>
        %convert_element_type3A_362 = arith.fptosi %mul3A_361 : vector<16xf32> to vector<16xi32>
        %mul3A_363 = arith.constant 1.600000e+01 : f32
        %mul3A_364 = vector.broadcast %mul3A_363 : f32 to vector<16xf32>
        %mul3A_365 = arith.mulf %get3A_353, %mul3A_364 : vector<16xf32>
        %convert_element_type3A_366 = arith.fptosi %mul3A_365 : vector<16xf32> to vector<16xi32>
        %mul3A_367 = arith.constant 1.600000e+01 : f32
        %mul3A_368 = vector.broadcast %mul3A_367 : f32 to vector<16xf32>
        %mul3A_369 = arith.mulf %get3A_358, %mul3A_368 : vector<16xf32>
        %convert_element_type3A_370 = arith.fptosi %mul3A_369 : vector<16xf32> to vector<16xi32>
        %shift_left3A_371 = arith.constant 8 : i32
        %shift_left3A_372 = vector.broadcast %shift_left3A_371 : i32 to vector<16xi32>
        %shift_left3A_373 = arith.shli %convert_element_type3A_362, %shift_left3A_372 : vector<16xi32>
        %shift_left3A_374 = arith.constant 4 : i32
        %shift_left3A_375 = vector.broadcast %shift_left3A_374 : i32 to vector<16xi32>
        %shift_left3A_376 = arith.shli %convert_element_type3A_366, %shift_left3A_375 : vector<16xi32>
        %or3A_377 = arith.ori %shift_left3A_373, %shift_left3A_376 : vector<16xi32>
        %or3A_378 = arith.ori %or3A_377, %convert_element_type3A_370 : vector<16xi32>
        %add3A_379 = arith.constant 0 : i32
        %add3A_380 = vector.broadcast %add3A_379 : i32 to vector<16xi32>
        %add3A_381 = arith.addi %or3A_378, %add3A_380 : vector<16xi32>
        tpu.vector_store_idx %arg8[%add3A_381], %get3A_348 {add = true} : memref<65536xf32, #tpu.memory_space<vmem>>[vector<16xi32>], vector<16xf32>,
        %add3A_382 = arith.constant 4096 : i32
        %add3A_383 = vector.broadcast %add3A_382 : i32 to vector<16xi32>
        %add3A_384 = arith.addi %add3A_381, %add3A_383 : vector<16xi32>
        tpu.vector_store_idx %arg8[%add3A_384], %get3A_353 {add = true} : memref<65536xf32, #tpu.memory_space<vmem>>[vector<16xi32>], vector<16xf32>,
        %add3A_385 = arith.constant 8192 : i32
        %add3A_386 = vector.broadcast %add3A_385 : i32 to vector<16xi32>
        %add3A_387 = arith.addi %add3A_381, %add3A_386 : vector<16xi32>
        tpu.vector_store_idx %arg8[%add3A_387], %get3A_358 {add = true} : memref<65536xf32, #tpu.memory_space<vmem>>[vector<16xi32>], vector<16xf32>,
        %add3A_388 = arith.constant 12288 : i32
        %add3A_389 = vector.broadcast %add3A_388 : i32 to vector<16xi32>
        %add3A_390 = arith.addi %add3A_381, %add3A_389 : vector<16xi32>
        tpu.vector_store_idx %arg8[%add3A_390], %broadcast_in_dim3A_2 {add = true} : memref<65536xf32, #tpu.memory_space<vmem>>[vector<16xi32>], vector<16xf32>,
        %mul3A_391 = arith.constant 4 : i32
        %mul3A_392 = arith.muli %arg0, %mul3A_391 : i32
        %add3A_393 = arith.constant 1 : i32
        %add3A_394 = arith.addi %mul3A_392, %add3A_393 : i32
        %get3A_395 = arith.index_cast %add3A_394 : i32 to index
        %get3A_396 = arith.index_cast %mul3A_341 : i32 to index
        %get3A_397 = tpu.vector_load %arg5[%get3A_395, %get3A_396] {strides = array<i32>} : memref<24x512xf32, #tpu.memory_space<vmem>>, vector<16xf32>,
        %add3A_398 = arith.constant 8 : i32
        %add3A_399 = arith.addi %add3A_398, %add3A_394 : i32
        %get3A_400 = arith.index_cast %add3A_399 : i32 to index
        %get3A_401 = arith.index_cast %mul3A_341 : i32 to index
        %get3A_402 = tpu.vector_load %arg5[%get3A_400, %get3A_401] {strides = array<i32>} : memref<24x512xf32, #tpu.memory_space<vmem>>, vector<16xf32>,
        %add3A_403 = arith.constant 16 : i32
        %add3A_404 = arith.addi %add3A_403, %add3A_394 : i32
        %get3A_405 = arith.index_cast %add3A_404 : i32 to index
        %get3A_406 = arith.index_cast %mul3A_341 : i32 to index
        %get3A_407 = tpu.vector_load %arg5[%get3A_405, %get3A_406] {strides = array<i32>} : memref<24x512xf32, #tpu.memory_space<vmem>>, vector<16xf32>,
        %mul3A_408 = arith.constant 1.600000e+01 : f32
        %mul3A_409 = vector.broadcast %mul3A_408 : f32 to vector<16xf32>
        %mul3A_410 = arith.mulf %get3A_397, %mul3A_409 : vector<16xf32>
        %convert_element_type3A_411 = arith.fptosi %mul3A_410 : vector<16xf32> to vector<16xi32>
        %mul3A_412 = arith.constant 1.600000e+01 : f32
        %mul3A_413 = vector.broadcast %mul3A_412 : f32 to vector<16xf32>
        %mul3A_414 = arith.mulf %get3A_402, %mul3A_413 : vector<16xf32>
        %convert_element_type3A_415 = arith.fptosi %mul3A_414 : vector<16xf32> to vector<16xi32>
        %mul3A_416 = arith.constant 1.600000e+01 : f32
        %mul3A_417 = vector.broadcast %mul3A_416 : f32 to vector<16xf32>
        %mul3A_418 = arith.mulf %get3A_407, %mul3A_417 : vector<16xf32>
        %convert_element_type3A_419 = arith.fptosi %mul3A_418 : vector<16xf32> to vector<16xi32>
        %shift_left3A_420 = arith.constant 8 : i32
        %shift_left3A_421 = vector.broadcast %shift_left3A_420 : i32 to vector<16xi32>
        %shift_left3A_422 = arith.shli %convert_element_type3A_411, %shift_left3A_421 : vector<16xi32>
        %shift_left3A_423 = arith.constant 4 : i32
        %shift_left3A_424 = vector.broadcast %shift_left3A_423 : i32 to vector<16xi32>
        %shift_left3A_425 = arith.shli %convert_element_type3A_415, %shift_left3A_424 : vector<16xi32>
        %or3A_426 = arith.ori %shift_left3A_422, %shift_left3A_425 : vector<16xi32>
        %or3A_427 = arith.ori %or3A_426, %convert_element_type3A_419 : vector<16xi32>
        %add3A_428 = arith.constant 16384 : i32
        %add3A_429 = vector.broadcast %add3A_428 : i32 to vector<16xi32>
        %add3A_430 = arith.addi %or3A_427, %add3A_429 : vector<16xi32>
        tpu.vector_store_idx %arg8[%add3A_430], %get3A_397 {add = true} : memref<65536xf32, #tpu.memory_space<vmem>>[vector<16xi32>], vector<16xf32>,
        %add3A_431 = arith.constant 4096 : i32
        %add3A_432 = vector.broadcast %add3A_431 : i32 to vector<16xi32>
        %add3A_433 = arith.addi %add3A_430, %add3A_432 : vector<16xi32>
        tpu.vector_store_idx %arg8[%add3A_433], %get3A_402 {add = true} : memref<65536xf32, #tpu.memory_space<vmem>>[vector<16xi32>], vector<16xf32>,
        %add3A_434 = arith.constant 8192 : i32
        %add3A_435 = vector.broadcast %add3A_434 : i32 to vector<16xi32>
        %add3A_436 = arith.addi %add3A_430, %add3A_435 : vector<16xi32>
        tpu.vector_store_idx %arg8[%add3A_436], %get3A_407 {add = true} : memref<65536xf32, #tpu.memory_space<vmem>>[vector<16xi32>], vector<16xf32>,
        %add3A_437 = arith.constant 12288 : i32
        %add3A_438 = vector.broadcast %add3A_437 : i32 to vector<16xi32>
        %add3A_439 = arith.addi %add3A_430, %add3A_438 : vector<16xi32>
        tpu.vector_store_idx %arg8[%add3A_439], %broadcast_in_dim3A_2 {add = true} : memref<65536xf32, #tpu.memory_space<vmem>>[vector<16xi32>], vector<16xf32>,
        %mul3A_440 = arith.constant 4 : i32
        %mul3A_441 = arith.muli %arg0, %mul3A_440 : i32
        %add3A_442 = arith.constant 2 : i32
        %add3A_443 = arith.addi %mul3A_441, %add3A_442 : i32
        %get3A_444 = arith.index_cast %add3A_443 : i32 to index
        %get3A_445 = arith.index_cast %mul3A_341 : i32 to index
        %get3A_446 = tpu.vector_load %arg5[%get3A_444, %get3A_445] {strides = array<i32>} : memref<24x512xf32, #tpu.memory_space<vmem>>, vector<16xf32>,
        %add3A_447 = arith.constant 8 : i32
        %add3A_448 = arith.addi %add3A_447, %add3A_443 : i32
        %get3A_449 = arith.index_cast %add3A_448 : i32 to index
        %get3A_450 = arith.index_cast %mul3A_341 : i32 to index
        %get3A_451 = tpu.vector_load %arg5[%get3A_449, %get3A_450] {strides = array<i32>} : memref<24x512xf32, #tpu.memory_space<vmem>>, vector<16xf32>,
        %add3A_452 = arith.constant 16 : i32
        %add3A_453 = arith.addi %add3A_452, %add3A_443 : i32
        %get3A_454 = arith.index_cast %add3A_453 : i32 to index
        %get3A_455 = arith.index_cast %mul3A_341 : i32 to index
        %get3A_456 = tpu.vector_load %arg5[%get3A_454, %get3A_455] {strides = array<i32>} : memref<24x512xf32, #tpu.memory_space<vmem>>, vector<16xf32>,
        %mul3A_457 = arith.constant 1.600000e+01 : f32
        %mul3A_458 = vector.broadcast %mul3A_457 : f32 to vector<16xf32>
        %mul3A_459 = arith.mulf %get3A_446, %mul3A_458 : vector<16xf32>
        %convert_element_type3A_460 = arith.fptosi %mul3A_459 : vector<16xf32> to vector<16xi32>
        %mul3A_461 = arith.constant 1.600000e+01 : f32
        %mul3A_462 = vector.broadcast %mul3A_461 : f32 to vector<16xf32>
        %mul3A_463 = arith.mulf %get3A_451, %mul3A_462 : vector<16xf32>
        %convert_element_type3A_464 = arith.fptosi %mul3A_463 : vector<16xf32> to vector<16xi32>
        %mul3A_465 = arith.constant 1.600000e+01 : f32
        %mul3A_466 = vector.broadcast %mul3A_465 : f32 to vector<16xf32>
        %mul3A_467 = arith.mulf %get3A_456, %mul3A_466 : vector<16xf32>
        %convert_element_type3A_468 = arith.fptosi %mul3A_467 : vector<16xf32> to vector<16xi32>
        %shift_left3A_469 = arith.constant 8 : i32
        %shift_left3A_470 = vector.broadcast %shift_left3A_469 : i32 to vector<16xi32>
        %shift_left3A_471 = arith.shli %convert_element_type3A_460, %shift_left3A_470 : vector<16xi32>
        %shift_left3A_472 = arith.constant 4 : i32
        %shift_left3A_473 = vector.broadcast %shift_left3A_472 : i32 to vector<16xi32>
        %shift_left3A_474 = arith.shli %convert_element_type3A_464, %shift_left3A_473 : vector<16xi32>
        %or3A_475 = arith.ori %shift_left3A_471, %shift_left3A_474 : vector<16xi32>
        %or3A_476 = arith.ori %or3A_475, %convert_element_type3A_468 : vector<16xi32>
        %add3A_477 = arith.constant 32768 : i32
        %add3A_478 = vector.broadcast %add3A_477 : i32 to vector<16xi32>
        %add3A_479 = arith.addi %or3A_476, %add3A_478 : vector<16xi32>
        tpu.vector_store_idx %arg8[%add3A_479], %get3A_446 {add = true} : memref<65536xf32, #tpu.memory_space<vmem>>[vector<16xi32>], vector<16xf32>,
        %add3A_480 = arith.constant 4096 : i32
        %add3A_481 = vector.broadcast %add3A_480 : i32 to vector<16xi32>
        %add3A_482 = arith.addi %add3A_479, %add3A_481 : vector<16xi32>
        tpu.vector_store_idx %arg8[%add3A_482], %get3A_451 {add = true} : memref<65536xf32, #tpu.memory_space<vmem>>[vector<16xi32>], vector<16xf32>,
        %add3A_483 = arith.constant 8192 : i32
        %add3A_484 = vector.broadcast %add3A_483 : i32 to vector<16xi32>
        %add3A_485 = arith.addi %add3A_479, %add3A_484 : vector<16xi32>
        tpu.vector_store_idx %arg8[%add3A_485], %get3A_456 {add = true} : memref<65536xf32, #tpu.memory_space<vmem>>[vector<16xi32>], vector<16xf32>,
        %add3A_486 = arith.constant 12288 : i32
        %add3A_487 = vector.broadcast %add3A_486 : i32 to vector<16xi32>
        %add3A_488 = arith.addi %add3A_479, %add3A_487 : vector<16xi32>
        tpu.vector_store_idx %arg8[%add3A_488], %broadcast_in_dim3A_2 {add = true} : memref<65536xf32, #tpu.memory_space<vmem>>[vector<16xi32>], vector<16xf32>,
        %mul3A_489 = arith.constant 4 : i32
        %mul3A_490 = arith.muli %arg0, %mul3A_489 : i32
        %add3A_491 = arith.constant 3 : i32
        %add3A_492 = arith.addi %mul3A_490, %add3A_491 : i32
        %get3A_493 = arith.index_cast %add3A_492 : i32 to index
        %get3A_494 = arith.index_cast %mul3A_341 : i32 to index
        %get3A_495 = tpu.vector_load %arg5[%get3A_493, %get3A_494] {strides = array<i32>} : memref<24x512xf32, #tpu.memory_space<vmem>>, vector<16xf32>,
        %add3A_496 = arith.constant 8 : i32
        %add3A_497 = arith.addi %add3A_496, %add3A_492 : i32
        %get3A_498 = arith.index_cast %add3A_497 : i32 to index
        %get3A_499 = arith.index_cast %mul3A_341 : i32 to index
        %get3A_500 = tpu.vector_load %arg5[%get3A_498, %get3A_499] {strides = array<i32>} : memref<24x512xf32, #tpu.memory_space<vmem>>, vector<16xf32>,
        %add3A_501 = arith.constant 16 : i32
        %add3A_502 = arith.addi %add3A_501, %add3A_492 : i32
        %get3A_503 = arith.index_cast %add3A_502 : i32 to index
        %get3A_504 = arith.index_cast %mul3A_341 : i32 to index
        %get3A_505 = tpu.vector_load %arg5[%get3A_503, %get3A_504] {strides = array<i32>} : memref<24x512xf32, #tpu.memory_space<vmem>>, vector<16xf32>,
        %mul3A_506 = arith.constant 1.600000e+01 : f32
        %mul3A_507 = vector.broadcast %mul3A_506 : f32 to vector<16xf32>
        %mul3A_508 = arith.mulf %get3A_495, %mul3A_507 : vector<16xf32>
        %convert_element_type3A_509 = arith.fptosi %mul3A_508 : vector<16xf32> to vector<16xi32>
        %mul3A_510 = arith.constant 1.600000e+01 : f32
        %mul3A_511 = vector.broadcast %mul3A_510 : f32 to vector<16xf32>
        %mul3A_512 = arith.mulf %get3A_500, %mul3A_511 : vector<16xf32>
        %convert_element_type3A_513 = arith.fptosi %mul3A_512 : vector<16xf32> to vector<16xi32>
        %mul3A_514 = arith.constant 1.600000e+01 : f32
        %mul3A_515 = vector.broadcast %mul3A_514 : f32 to vector<16xf32>
        %mul3A_516 = arith.mulf %get3A_505, %mul3A_515 : vector<16xf32>
        %convert_element_type3A_517 = arith.fptosi %mul3A_516 : vector<16xf32> to vector<16xi32>
        %shift_left3A_518 = arith.constant 8 : i32
        %shift_left3A_519 = vector.broadcast %shift_left3A_518 : i32 to vector<16xi32>
        %shift_left3A_520 = arith.shli %convert_element_type3A_509, %shift_left3A_519 : vector<16xi32>
        %shift_left3A_521 = arith.constant 4 : i32
        %shift_left3A_522 = vector.broadcast %shift_left3A_521 : i32 to vector<16xi32>
        %shift_left3A_523 = arith.shli %convert_element_type3A_513, %shift_left3A_522 : vector<16xi32>
        %or3A_524 = arith.ori %shift_left3A_520, %shift_left3A_523 : vector<16xi32>
        %or3A_525 = arith.ori %or3A_524, %convert_element_type3A_517 : vector<16xi32>
        %add3A_526 = arith.constant 49152 : i32
        %add3A_527 = vector.broadcast %add3A_526 : i32 to vector<16xi32>
        %add3A_528 = arith.addi %or3A_525, %add3A_527 : vector<16xi32>
        tpu.vector_store_idx %arg8[%add3A_528], %get3A_495 {add = true} : memref<65536xf32, #tpu.memory_space<vmem>>[vector<16xi32>], vector<16xf32>,
        %add3A_529 = arith.constant 4096 : i32
        %add3A_530 = vector.broadcast %add3A_529 : i32 to vector<16xi32>
        %add3A_531 = arith.addi %add3A_528, %add3A_530 : vector<16xi32>
        tpu.vector_store_idx %arg8[%add3A_531], %get3A_500 {add = true} : memref<65536xf32, #tpu.memory_space<vmem>>[vector<16xi32>], vector<16xf32>,
        %add3A_532 = arith.constant 8192 : i32
        %add3A_533 = vector.broadcast %add3A_532 : i32 to vector<16xi32>
        %add3A_534 = arith.addi %add3A_528, %add3A_533 : vector<16xi32>
        tpu.vector_store_idx %arg8[%add3A_534], %get3A_505 {add = true} : memref<65536xf32, #tpu.memory_space<vmem>>[vector<16xi32>], vector<16xf32>,
        %add3A_535 = arith.constant 12288 : i32
        %add3A_536 = vector.broadcast %add3A_535 : i32 to vector<16xi32>
        %add3A_537 = arith.addi %add3A_528, %add3A_536 : vector<16xi32>
        tpu.vector_store_idx %arg8[%add3A_537], %broadcast_in_dim3A_2 {add = true} : memref<65536xf32, #tpu.memory_space<vmem>>[vector<16xi32>], vector<16xf32>,
        %mul3A_538 = arith.constant 4 : i32
        %mul3A_539 = arith.muli %scan3A_136, %mul3A_538 : i32
        %add3A_540 = arith.constant 2 : i32
        %add3A_541 = arith.addi %mul3A_539, %add3A_540 : i32
        %mul3A_542 = arith.constant 16 : i32
        %mul3A_543 = arith.muli %add3A_541, %mul3A_542 : i32
        %mul3A_544 = arith.constant 4 : i32
        %mul3A_545 = arith.muli %arg0, %mul3A_544 : i32
        %add3A_546 = arith.constant 0 : i32
        %add3A_547 = arith.addi %mul3A_545, %add3A_546 : i32
        %get3A_548 = arith.index_cast %add3A_547 : i32 to index
        %get3A_549 = arith.index_cast %mul3A_543 : i32 to index
        %get3A_550 = tpu.vector_load %arg5[%get3A_548, %get3A_549] {strides = array<i32>} : memref<24x512xf32, #tpu.memory_space<vmem>>, vector<16xf32>,
        %add3A_551 = arith.constant 8 : i32
        %add3A_552 = arith.addi %add3A_551, %add3A_547 : i32
        %get3A_553 = arith.index_cast %add3A_552 : i32 to index
        %get3A_554 = arith.index_cast %mul3A_543 : i32 to index
        %get3A_555 = tpu.vector_load %arg5[%get3A_553, %get3A_554] {strides = array<i32>} : memref<24x512xf32, #tpu.memory_space<vmem>>, vector<16xf32>,
        %add3A_556 = arith.constant 16 : i32
        %add3A_557 = arith.addi %add3A_556, %add3A_547 : i32
        %get3A_558 = arith.index_cast %add3A_557 : i32 to index
        %get3A_559 = arith.index_cast %mul3A_543 : i32 to index
        %get3A_560 = tpu.vector_load %arg5[%get3A_558, %get3A_559] {strides = array<i32>} : memref<24x512xf32, #tpu.memory_space<vmem>>, vector<16xf32>,
        %mul3A_561 = arith.constant 1.600000e+01 : f32
        %mul3A_562 = vector.broadcast %mul3A_561 : f32 to vector<16xf32>
        %mul3A_563 = arith.mulf %get3A_550, %mul3A_562 : vector<16xf32>
        %convert_element_type3A_564 = arith.fptosi %mul3A_563 : vector<16xf32> to vector<16xi32>
        %mul3A_565 = arith.constant 1.600000e+01 : f32
        %mul3A_566 = vector.broadcast %mul3A_565 : f32 to vector<16xf32>
        %mul3A_567 = arith.mulf %get3A_555, %mul3A_566 : vector<16xf32>
        %convert_element_type3A_568 = arith.fptosi %mul3A_567 : vector<16xf32> to vector<16xi32>
        %mul3A_569 = arith.constant 1.600000e+01 : f32
        %mul3A_570 = vector.broadcast %mul3A_569 : f32 to vector<16xf32>
        %mul3A_571 = arith.mulf %get3A_560, %mul3A_570 : vector<16xf32>
        %convert_element_type3A_572 = arith.fptosi %mul3A_571 : vector<16xf32> to vector<16xi32>
        %shift_left3A_573 = arith.constant 8 : i32
        %shift_left3A_574 = vector.broadcast %shift_left3A_573 : i32 to vector<16xi32>
        %shift_left3A_575 = arith.shli %convert_element_type3A_564, %shift_left3A_574 : vector<16xi32>
        %shift_left3A_576 = arith.constant 4 : i32
        %shift_left3A_577 = vector.broadcast %shift_left3A_576 : i32 to vector<16xi32>
        %shift_left3A_578 = arith.shli %convert_element_type3A_568, %shift_left3A_577 : vector<16xi32>
        %or3A_579 = arith.ori %shift_left3A_575, %shift_left3A_578 : vector<16xi32>
        %or3A_580 = arith.ori %or3A_579, %convert_element_type3A_572 : vector<16xi32>
        %add3A_581 = arith.constant 0 : i32
        %add3A_582 = vector.broadcast %add3A_581 : i32 to vector<16xi32>
        %add3A_583 = arith.addi %or3A_580, %add3A_582 : vector<16xi32>
        tpu.vector_store_idx %arg8[%add3A_583], %get3A_550 {add = true} : memref<65536xf32, #tpu.memory_space<vmem>>[vector<16xi32>], vector<16xf32>,
        %add3A_584 = arith.constant 4096 : i32
        %add3A_585 = vector.broadcast %add3A_584 : i32 to vector<16xi32>
        %add3A_586 = arith.addi %add3A_583, %add3A_585 : vector<16xi32>
        tpu.vector_store_idx %arg8[%add3A_586], %get3A_555 {add = true} : memref<65536xf32, #tpu.memory_space<vmem>>[vector<16xi32>], vector<16xf32>,
        %add3A_587 = arith.constant 8192 : i32
        %add3A_588 = vector.broadcast %add3A_587 : i32 to vector<16xi32>
        %add3A_589 = arith.addi %add3A_583, %add3A_588 : vector<16xi32>
        tpu.vector_store_idx %arg8[%add3A_589], %get3A_560 {add = true} : memref<65536xf32, #tpu.memory_space<vmem>>[vector<16xi32>], vector<16xf32>,
        %add3A_590 = arith.constant 12288 : i32
        %add3A_591 = vector.broadcast %add3A_590 : i32 to vector<16xi32>
        %add3A_592 = arith.addi %add3A_583, %add3A_591 : vector<16xi32>
        tpu.vector_store_idx %arg8[%add3A_592], %broadcast_in_dim3A_2 {add = true} : memref<65536xf32, #tpu.memory_space<vmem>>[vector<16xi32>], vector<16xf32>,
        %mul3A_593 = arith.constant 4 : i32
        %mul3A_594 = arith.muli %arg0, %mul3A_593 : i32
        %add3A_595 = arith.constant 1 : i32
        %add3A_596 = arith.addi %mul3A_594, %add3A_595 : i32
        %get3A_597 = arith.index_cast %add3A_596 : i32 to index
        %get3A_598 = arith.index_cast %mul3A_543 : i32 to index
        %get3A_599 = tpu.vector_load %arg5[%get3A_597, %get3A_598] {strides = array<i32>} : memref<24x512xf32, #tpu.memory_space<vmem>>, vector<16xf32>,
        %add3A_600 = arith.constant 8 : i32
        %add3A_601 = arith.addi %add3A_600, %add3A_596 : i32
        %get3A_602 = arith.index_cast %add3A_601 : i32 to index
        %get3A_603 = arith.index_cast %mul3A_543 : i32 to index
        %get3A_604 = tpu.vector_load %arg5[%get3A_602, %get3A_603] {strides = array<i32>} : memref<24x512xf32, #tpu.memory_space<vmem>>, vector<16xf32>,
        %add3A_605 = arith.constant 16 : i32
        %add3A_606 = arith.addi %add3A_605, %add3A_596 : i32
        %get3A_607 = arith.index_cast %add3A_606 : i32 to index
        %get3A_608 = arith.index_cast %mul3A_543 : i32 to index
        %get3A_609 = tpu.vector_load %arg5[%get3A_607, %get3A_608] {strides = array<i32>} : memref<24x512xf32, #tpu.memory_space<vmem>>, vector<16xf32>,
        %mul3A_610 = arith.constant 1.600000e+01 : f32
        %mul3A_611 = vector.broadcast %mul3A_610 : f32 to vector<16xf32>
        %mul3A_612 = arith.mulf %get3A_599, %mul3A_611 : vector<16xf32>
        %convert_element_type3A_613 = arith.fptosi %mul3A_612 : vector<16xf32> to vector<16xi32>
        %mul3A_614 = arith.constant 1.600000e+01 : f32
        %mul3A_615 = vector.broadcast %mul3A_614 : f32 to vector<16xf32>
        %mul3A_616 = arith.mulf %get3A_604, %mul3A_615 : vector<16xf32>
        %convert_element_type3A_617 = arith.fptosi %mul3A_616 : vector<16xf32> to vector<16xi32>
        %mul3A_618 = arith.constant 1.600000e+01 : f32
        %mul3A_619 = vector.broadcast %mul3A_618 : f32 to vector<16xf32>
        %mul3A_620 = arith.mulf %get3A_609, %mul3A_619 : vector<16xf32>
        %convert_element_type3A_621 = arith.fptosi %mul3A_620 : vector<16xf32> to vector<16xi32>
        %shift_left3A_622 = arith.constant 8 : i32
        %shift_left3A_623 = vector.broadcast %shift_left3A_622 : i32 to vector<16xi32>
        %shift_left3A_624 = arith.shli %convert_element_type3A_613, %shift_left3A_623 : vector<16xi32>
        %shift_left3A_625 = arith.constant 4 : i32
        %shift_left3A_626 = vector.broadcast %shift_left3A_625 : i32 to vector<16xi32>
        %shift_left3A_627 = arith.shli %convert_element_type3A_617, %shift_left3A_626 : vector<16xi32>
        %or3A_628 = arith.ori %shift_left3A_624, %shift_left3A_627 : vector<16xi32>
        %or3A_629 = arith.ori %or3A_628, %convert_element_type3A_621 : vector<16xi32>
        %add3A_630 = arith.constant 16384 : i32
        %add3A_631 = vector.broadcast %add3A_630 : i32 to vector<16xi32>
        %add3A_632 = arith.addi %or3A_629, %add3A_631 : vector<16xi32>
        tpu.vector_store_idx %arg8[%add3A_632], %get3A_599 {add = true} : memref<65536xf32, #tpu.memory_space<vmem>>[vector<16xi32>], vector<16xf32>,
        %add3A_633 = arith.constant 4096 : i32
        %add3A_634 = vector.broadcast %add3A_633 : i32 to vector<16xi32>
        %add3A_635 = arith.addi %add3A_632, %add3A_634 : vector<16xi32>
        tpu.vector_store_idx %arg8[%add3A_635], %get3A_604 {add = true} : memref<65536xf32, #tpu.memory_space<vmem>>[vector<16xi32>], vector<16xf32>,
        %add3A_636 = arith.constant 8192 : i32
        %add3A_637 = vector.broadcast %add3A_636 : i32 to vector<16xi32>
        %add3A_638 = arith.addi %add3A_632, %add3A_637 : vector<16xi32>
        tpu.vector_store_idx %arg8[%add3A_638], %get3A_609 {add = true} : memref<65536xf32, #tpu.memory_space<vmem>>[vector<16xi32>], vector<16xf32>,
        %add3A_639 = arith.constant 12288 : i32
        %add3A_640 = vector.broadcast %add3A_639 : i32 to vector<16xi32>
        %add3A_641 = arith.addi %add3A_632, %add3A_640 : vector<16xi32>
        tpu.vector_store_idx %arg8[%add3A_641], %broadcast_in_dim3A_2 {add = true} : memref<65536xf32, #tpu.memory_space<vmem>>[vector<16xi32>], vector<16xf32>,
        %mul3A_642 = arith.constant 4 : i32
        %mul3A_643 = arith.muli %arg0, %mul3A_642 : i32
        %add3A_644 = arith.constant 2 : i32
        %add3A_645 = arith.addi %mul3A_643, %add3A_644 : i32
        %get3A_646 = arith.index_cast %add3A_645 : i32 to index
        %get3A_647 = arith.index_cast %mul3A_543 : i32 to index
        %get3A_648 = tpu.vector_load %arg5[%get3A_646, %get3A_647] {strides = array<i32>} : memref<24x512xf32, #tpu.memory_space<vmem>>, vector<16xf32>,
        %add3A_649 = arith.constant 8 : i32
        %add3A_650 = arith.addi %add3A_649, %add3A_645 : i32
        %get3A_651 = arith.index_cast %add3A_650 : i32 to index
        %get3A_652 = arith.index_cast %mul3A_543 : i32 to index
        %get3A_653 = tpu.vector_load %arg5[%get3A_651, %get3A_652] {strides = array<i32>} : memref<24x512xf32, #tpu.memory_space<vmem>>, vector<16xf32>,
        %add3A_654 = arith.constant 16 : i32
        %add3A_655 = arith.addi %add3A_654, %add3A_645 : i32
        %get3A_656 = arith.index_cast %add3A_655 : i32 to index
        %get3A_657 = arith.index_cast %mul3A_543 : i32 to index
        %get3A_658 = tpu.vector_load %arg5[%get3A_656, %get3A_657] {strides = array<i32>} : memref<24x512xf32, #tpu.memory_space<vmem>>, vector<16xf32>,
        %mul3A_659 = arith.constant 1.600000e+01 : f32
        %mul3A_660 = vector.broadcast %mul3A_659 : f32 to vector<16xf32>
        %mul3A_661 = arith.mulf %get3A_648, %mul3A_660 : vector<16xf32>
        %convert_element_type3A_662 = arith.fptosi %mul3A_661 : vector<16xf32> to vector<16xi32>
        %mul3A_663 = arith.constant 1.600000e+01 : f32
        %mul3A_664 = vector.broadcast %mul3A_663 : f32 to vector<16xf32>
        %mul3A_665 = arith.mulf %get3A_653, %mul3A_664 : vector<16xf32>
        %convert_element_type3A_666 = arith.fptosi %mul3A_665 : vector<16xf32> to vector<16xi32>
        %mul3A_667 = arith.constant 1.600000e+01 : f32
        %mul3A_668 = vector.broadcast %mul3A_667 : f32 to vector<16xf32>
        %mul3A_669 = arith.mulf %get3A_658, %mul3A_668 : vector<16xf32>
        %convert_element_type3A_670 = arith.fptosi %mul3A_669 : vector<16xf32> to vector<16xi32>
        %shift_left3A_671 = arith.constant 8 : i32
        %shift_left3A_672 = vector.broadcast %shift_left3A_671 : i32 to vector<16xi32>
        %shift_left3A_673 = arith.shli %convert_element_type3A_662, %shift_left3A_672 : vector<16xi32>
        %shift_left3A_674 = arith.constant 4 : i32
        %shift_left3A_675 = vector.broadcast %shift_left3A_674 : i32 to vector<16xi32>
        %shift_left3A_676 = arith.shli %convert_element_type3A_666, %shift_left3A_675 : vector<16xi32>
        %or3A_677 = arith.ori %shift_left3A_673, %shift_left3A_676 : vector<16xi32>
        %or3A_678 = arith.ori %or3A_677, %convert_element_type3A_670 : vector<16xi32>
        %add3A_679 = arith.constant 32768 : i32
        %add3A_680 = vector.broadcast %add3A_679 : i32 to vector<16xi32>
        %add3A_681 = arith.addi %or3A_678, %add3A_680 : vector<16xi32>
        tpu.vector_store_idx %arg8[%add3A_681], %get3A_648 {add = true} : memref<65536xf32, #tpu.memory_space<vmem>>[vector<16xi32>], vector<16xf32>,
        %add3A_682 = arith.constant 4096 : i32
        %add3A_683 = vector.broadcast %add3A_682 : i32 to vector<16xi32>
        %add3A_684 = arith.addi %add3A_681, %add3A_683 : vector<16xi32>
        tpu.vector_store_idx %arg8[%add3A_684], %get3A_653 {add = true} : memref<65536xf32, #tpu.memory_space<vmem>>[vector<16xi32>], vector<16xf32>,
        %add3A_685 = arith.constant 8192 : i32
        %add3A_686 = vector.broadcast %add3A_685 : i32 to vector<16xi32>
        %add3A_687 = arith.addi %add3A_681, %add3A_686 : vector<16xi32>
        tpu.vector_store_idx %arg8[%add3A_687], %get3A_658 {add = true} : memref<65536xf32, #tpu.memory_space<vmem>>[vector<16xi32>], vector<16xf32>,
        %add3A_688 = arith.constant 12288 : i32
        %add3A_689 = vector.broadcast %add3A_688 : i32 to vector<16xi32>
        %add3A_690 = arith.addi %add3A_681, %add3A_689 : vector<16xi32>
        tpu.vector_store_idx %arg8[%add3A_690], %broadcast_in_dim3A_2 {add = true} : memref<65536xf32, #tpu.memory_space<vmem>>[vector<16xi32>], vector<16xf32>,
        %mul3A_691 = arith.constant 4 : i32
        %mul3A_692 = arith.muli %arg0, %mul3A_691 : i32
        %add3A_693 = arith.constant 3 : i32
        %add3A_694 = arith.addi %mul3A_692, %add3A_693 : i32
        %get3A_695 = arith.index_cast %add3A_694 : i32 to index
        %get3A_696 = arith.index_cast %mul3A_543 : i32 to index
        %get3A_697 = tpu.vector_load %arg5[%get3A_695, %get3A_696] {strides = array<i32>} : memref<24x512xf32, #tpu.memory_space<vmem>>, vector<16xf32>,
        %add3A_698 = arith.constant 8 : i32
        %add3A_699 = arith.addi %add3A_698, %add3A_694 : i32
        %get3A_700 = arith.index_cast %add3A_699 : i32 to index
        %get3A_701 = arith.index_cast %mul3A_543 : i32 to index
        %get3A_702 = tpu.vector_load %arg5[%get3A_700, %get3A_701] {strides = array<i32>} : memref<24x512xf32, #tpu.memory_space<vmem>>, vector<16xf32>,
        %add3A_703 = arith.constant 16 : i32
        %add3A_704 = arith.addi %add3A_703, %add3A_694 : i32
        %get3A_705 = arith.index_cast %add3A_704 : i32 to index
        %get3A_706 = arith.index_cast %mul3A_543 : i32 to index
        %get3A_707 = tpu.vector_load %arg5[%get3A_705, %get3A_706] {strides = array<i32>} : memref<24x512xf32, #tpu.memory_space<vmem>>, vector<16xf32>,
        %mul3A_708 = arith.constant 1.600000e+01 : f32
        %mul3A_709 = vector.broadcast %mul3A_708 : f32 to vector<16xf32>
        %mul3A_710 = arith.mulf %get3A_697, %mul3A_709 : vector<16xf32>
        %convert_element_type3A_711 = arith.fptosi %mul3A_710 : vector<16xf32> to vector<16xi32>
        %mul3A_712 = arith.constant 1.600000e+01 : f32
        %mul3A_713 = vector.broadcast %mul3A_712 : f32 to vector<16xf32>
        %mul3A_714 = arith.mulf %get3A_702, %mul3A_713 : vector<16xf32>
        %convert_element_type3A_715 = arith.fptosi %mul3A_714 : vector<16xf32> to vector<16xi32>
        %mul3A_716 = arith.constant 1.600000e+01 : f32
        %mul3A_717 = vector.broadcast %mul3A_716 : f32 to vector<16xf32>
        %mul3A_718 = arith.mulf %get3A_707, %mul3A_717 : vector<16xf32>
        %convert_element_type3A_719 = arith.fptosi %mul3A_718 : vector<16xf32> to vector<16xi32>
        %shift_left3A_720 = arith.constant 8 : i32
        %shift_left3A_721 = vector.broadcast %shift_left3A_720 : i32 to vector<16xi32>
        %shift_left3A_722 = arith.shli %convert_element_type3A_711, %shift_left3A_721 : vector<16xi32>
        %shift_left3A_723 = arith.constant 4 : i32
        %shift_left3A_724 = vector.broadcast %shift_left3A_723 : i32 to vector<16xi32>
        %shift_left3A_725 = arith.shli %convert_element_type3A_715, %shift_left3A_724 : vector<16xi32>
        %or3A_726 = arith.ori %shift_left3A_722, %shift_left3A_725 : vector<16xi32>
        %or3A_727 = arith.ori %or3A_726, %convert_element_type3A_719 : vector<16xi32>
        %add3A_728 = arith.constant 49152 : i32
        %add3A_729 = vector.broadcast %add3A_728 : i32 to vector<16xi32>
        %add3A_730 = arith.addi %or3A_727, %add3A_729 : vector<16xi32>
        tpu.vector_store_idx %arg8[%add3A_730], %get3A_697 {add = true} : memref<65536xf32, #tpu.memory_space<vmem>>[vector<16xi32>], vector<16xf32>,
        %add3A_731 = arith.constant 4096 : i32
        %add3A_732 = vector.broadcast %add3A_731 : i32 to vector<16xi32>
        %add3A_733 = arith.addi %add3A_730, %add3A_732 : vector<16xi32>
        tpu.vector_store_idx %arg8[%add3A_733], %get3A_702 {add = true} : memref<65536xf32, #tpu.memory_space<vmem>>[vector<16xi32>], vector<16xf32>,
        %add3A_734 = arith.constant 8192 : i32
        %add3A_735 = vector.broadcast %add3A_734 : i32 to vector<16xi32>
        %add3A_736 = arith.addi %add3A_730, %add3A_735 : vector<16xi32>
        tpu.vector_store_idx %arg8[%add3A_736], %get3A_707 {add = true} : memref<65536xf32, #tpu.memory_space<vmem>>[vector<16xi32>], vector<16xf32>,
        %add3A_737 = arith.constant 12288 : i32
        %add3A_738 = vector.broadcast %add3A_737 : i32 to vector<16xi32>
        %add3A_739 = arith.addi %add3A_730, %add3A_738 : vector<16xi32>
        tpu.vector_store_idx %arg8[%add3A_739], %broadcast_in_dim3A_2 {add = true} : memref<65536xf32, #tpu.memory_space<vmem>>[vector<16xi32>], vector<16xf32>,
        %mul3A_740 = arith.constant 4 : i32
        %mul3A_741 = arith.muli %scan3A_136, %mul3A_740 : i32
        %add3A_742 = arith.constant 3 : i32
        %add3A_743 = arith.addi %mul3A_741, %add3A_742 : i32
        %mul3A_744 = arith.constant 16 : i32
        %mul3A_745 = arith.muli %add3A_743, %mul3A_744 : i32
        %mul3A_746 = arith.constant 4 : i32
        %mul3A_747 = arith.muli %arg0, %mul3A_746 : i32
        %add3A_748 = arith.constant 0 : i32
        %add3A_749 = arith.addi %mul3A_747, %add3A_748 : i32
        %get3A_750 = arith.index_cast %add3A_749 : i32 to index
        %get3A_751 = arith.index_cast %mul3A_745 : i32 to index
        %get3A_752 = tpu.vector_load %arg5[%get3A_750, %get3A_751] {strides = array<i32>} : memref<24x512xf32, #tpu.memory_space<vmem>>, vector<16xf32>,
        %add3A_753 = arith.constant 8 : i32
        %add3A_754 = arith.addi %add3A_753, %add3A_749 : i32
        %get3A_755 = arith.index_cast %add3A_754 : i32 to index
        %get3A_756 = arith.index_cast %mul3A_745 : i32 to index
        %get3A_757 = tpu.vector_load %arg5[%get3A_755, %get3A_756] {strides = array<i32>} : memref<24x512xf32, #tpu.memory_space<vmem>>, vector<16xf32>,
        %add3A_758 = arith.constant 16 : i32
        %add3A_759 = arith.addi %add3A_758, %add3A_749 : i32
        %get3A_760 = arith.index_cast %add3A_759 : i32 to index
        %get3A_761 = arith.index_cast %mul3A_745 : i32 to index
        %get3A_762 = tpu.vector_load %arg5[%get3A_760, %get3A_761] {strides = array<i32>} : memref<24x512xf32, #tpu.memory_space<vmem>>, vector<16xf32>,
        %mul3A_763 = arith.constant 1.600000e+01 : f32
        %mul3A_764 = vector.broadcast %mul3A_763 : f32 to vector<16xf32>
        %mul3A_765 = arith.mulf %get3A_752, %mul3A_764 : vector<16xf32>
        %convert_element_type3A_766 = arith.fptosi %mul3A_765 : vector<16xf32> to vector<16xi32>
        %mul3A_767 = arith.constant 1.600000e+01 : f32
        %mul3A_768 = vector.broadcast %mul3A_767 : f32 to vector<16xf32>
        %mul3A_769 = arith.mulf %get3A_757, %mul3A_768 : vector<16xf32>
        %convert_element_type3A_770 = arith.fptosi %mul3A_769 : vector<16xf32> to vector<16xi32>
        %mul3A_771 = arith.constant 1.600000e+01 : f32
        %mul3A_772 = vector.broadcast %mul3A_771 : f32 to vector<16xf32>
        %mul3A_773 = arith.mulf %get3A_762, %mul3A_772 : vector<16xf32>
        %convert_element_type3A_774 = arith.fptosi %mul3A_773 : vector<16xf32> to vector<16xi32>
        %shift_left3A_775 = arith.constant 8 : i32
        %shift_left3A_776 = vector.broadcast %shift_left3A_775 : i32 to vector<16xi32>
        %shift_left3A_777 = arith.shli %convert_element_type3A_766, %shift_left3A_776 : vector<16xi32>
        %shift_left3A_778 = arith.constant 4 : i32
        %shift_left3A_779 = vector.broadcast %shift_left3A_778 : i32 to vector<16xi32>
        %shift_left3A_780 = arith.shli %convert_element_type3A_770, %shift_left3A_779 : vector<16xi32>
        %or3A_781 = arith.ori %shift_left3A_777, %shift_left3A_780 : vector<16xi32>
        %or3A_782 = arith.ori %or3A_781, %convert_element_type3A_774 : vector<16xi32>
        %add3A_783 = arith.constant 0 : i32
        %add3A_784 = vector.broadcast %add3A_783 : i32 to vector<16xi32>
        %add3A_785 = arith.addi %or3A_782, %add3A_784 : vector<16xi32>
        tpu.vector_store_idx %arg8[%add3A_785], %get3A_752 {add = true} : memref<65536xf32, #tpu.memory_space<vmem>>[vector<16xi32>], vector<16xf32>,
        %add3A_786 = arith.constant 4096 : i32
        %add3A_787 = vector.broadcast %add3A_786 : i32 to vector<16xi32>
        %add3A_788 = arith.addi %add3A_785, %add3A_787 : vector<16xi32>
        tpu.vector_store_idx %arg8[%add3A_788], %get3A_757 {add = true} : memref<65536xf32, #tpu.memory_space<vmem>>[vector<16xi32>], vector<16xf32>,
        %add3A_789 = arith.constant 8192 : i32
        %add3A_790 = vector.broadcast %add3A_789 : i32 to vector<16xi32>
        %add3A_791 = arith.addi %add3A_785, %add3A_790 : vector<16xi32>
        tpu.vector_store_idx %arg8[%add3A_791], %get3A_762 {add = true} : memref<65536xf32, #tpu.memory_space<vmem>>[vector<16xi32>], vector<16xf32>,
        %add3A_792 = arith.constant 12288 : i32
        %add3A_793 = vector.broadcast %add3A_792 : i32 to vector<16xi32>
        %add3A_794 = arith.addi %add3A_785, %add3A_793 : vector<16xi32>
        tpu.vector_store_idx %arg8[%add3A_794], %broadcast_in_dim3A_2 {add = true} : memref<65536xf32, #tpu.memory_space<vmem>>[vector<16xi32>], vector<16xf32>,
        %mul3A_795 = arith.constant 4 : i32
        %mul3A_796 = arith.muli %arg0, %mul3A_795 : i32
        %add3A_797 = arith.constant 1 : i32
        %add3A_798 = arith.addi %mul3A_796, %add3A_797 : i32
        %get3A_799 = arith.index_cast %add3A_798 : i32 to index
        %get3A_800 = arith.index_cast %mul3A_745 : i32 to index
        %get3A_801 = tpu.vector_load %arg5[%get3A_799, %get3A_800] {strides = array<i32>} : memref<24x512xf32, #tpu.memory_space<vmem>>, vector<16xf32>,
        %add3A_802 = arith.constant 8 : i32
        %add3A_803 = arith.addi %add3A_802, %add3A_798 : i32
        %get3A_804 = arith.index_cast %add3A_803 : i32 to index
        %get3A_805 = arith.index_cast %mul3A_745 : i32 to index
        %get3A_806 = tpu.vector_load %arg5[%get3A_804, %get3A_805] {strides = array<i32>} : memref<24x512xf32, #tpu.memory_space<vmem>>, vector<16xf32>,
        %add3A_807 = arith.constant 16 : i32
        %add3A_808 = arith.addi %add3A_807, %add3A_798 : i32
        %get3A_809 = arith.index_cast %add3A_808 : i32 to index
        %get3A_810 = arith.index_cast %mul3A_745 : i32 to index
        %get3A_811 = tpu.vector_load %arg5[%get3A_809, %get3A_810] {strides = array<i32>} : memref<24x512xf32, #tpu.memory_space<vmem>>, vector<16xf32>,
        %mul3A_812 = arith.constant 1.600000e+01 : f32
        %mul3A_813 = vector.broadcast %mul3A_812 : f32 to vector<16xf32>
        %mul3A_814 = arith.mulf %get3A_801, %mul3A_813 : vector<16xf32>
        %convert_element_type3A_815 = arith.fptosi %mul3A_814 : vector<16xf32> to vector<16xi32>
        %mul3A_816 = arith.constant 1.600000e+01 : f32
        %mul3A_817 = vector.broadcast %mul3A_816 : f32 to vector<16xf32>
        %mul3A_818 = arith.mulf %get3A_806, %mul3A_817 : vector<16xf32>
        %convert_element_type3A_819 = arith.fptosi %mul3A_818 : vector<16xf32> to vector<16xi32>
        %mul3A_820 = arith.constant 1.600000e+01 : f32
        %mul3A_821 = vector.broadcast %mul3A_820 : f32 to vector<16xf32>
        %mul3A_822 = arith.mulf %get3A_811, %mul3A_821 : vector<16xf32>
        %convert_element_type3A_823 = arith.fptosi %mul3A_822 : vector<16xf32> to vector<16xi32>
        %shift_left3A_824 = arith.constant 8 : i32
        %shift_left3A_825 = vector.broadcast %shift_left3A_824 : i32 to vector<16xi32>
        %shift_left3A_826 = arith.shli %convert_element_type3A_815, %shift_left3A_825 : vector<16xi32>
        %shift_left3A_827 = arith.constant 4 : i32
        %shift_left3A_828 = vector.broadcast %shift_left3A_827 : i32 to vector<16xi32>
        %shift_left3A_829 = arith.shli %convert_element_type3A_819, %shift_left3A_828 : vector<16xi32>
        %or3A_830 = arith.ori %shift_left3A_826, %shift_left3A_829 : vector<16xi32>
        %or3A_831 = arith.ori %or3A_830, %convert_element_type3A_823 : vector<16xi32>
        %add3A_832 = arith.constant 16384 : i32
        %add3A_833 = vector.broadcast %add3A_832 : i32 to vector<16xi32>
        %add3A_834 = arith.addi %or3A_831, %add3A_833 : vector<16xi32>
        tpu.vector_store_idx %arg8[%add3A_834], %get3A_801 {add = true} : memref<65536xf32, #tpu.memory_space<vmem>>[vector<16xi32>], vector<16xf32>,
        %add3A_835 = arith.constant 4096 : i32
        %add3A_836 = vector.broadcast %add3A_835 : i32 to vector<16xi32>
        %add3A_837 = arith.addi %add3A_834, %add3A_836 : vector<16xi32>
        tpu.vector_store_idx %arg8[%add3A_837], %get3A_806 {add = true} : memref<65536xf32, #tpu.memory_space<vmem>>[vector<16xi32>], vector<16xf32>,
        %add3A_838 = arith.constant 8192 : i32
        %add3A_839 = vector.broadcast %add3A_838 : i32 to vector<16xi32>
        %add3A_840 = arith.addi %add3A_834, %add3A_839 : vector<16xi32>
        tpu.vector_store_idx %arg8[%add3A_840], %get3A_811 {add = true} : memref<65536xf32, #tpu.memory_space<vmem>>[vector<16xi32>], vector<16xf32>,
        %add3A_841 = arith.constant 12288 : i32
        %add3A_842 = vector.broadcast %add3A_841 : i32 to vector<16xi32>
        %add3A_843 = arith.addi %add3A_834, %add3A_842 : vector<16xi32>
        tpu.vector_store_idx %arg8[%add3A_843], %broadcast_in_dim3A_2 {add = true} : memref<65536xf32, #tpu.memory_space<vmem>>[vector<16xi32>], vector<16xf32>,
        %mul3A_844 = arith.constant 4 : i32
        %mul3A_845 = arith.muli %arg0, %mul3A_844 : i32
        %add3A_846 = arith.constant 2 : i32
        %add3A_847 = arith.addi %mul3A_845, %add3A_846 : i32
        %get3A_848 = arith.index_cast %add3A_847 : i32 to index
        %get3A_849 = arith.index_cast %mul3A_745 : i32 to index
        %get3A_850 = tpu.vector_load %arg5[%get3A_848, %get3A_849] {strides = array<i32>} : memref<24x512xf32, #tpu.memory_space<vmem>>, vector<16xf32>,
        %add3A_851 = arith.constant 8 : i32
        %add3A_852 = arith.addi %add3A_851, %add3A_847 : i32
        %get3A_853 = arith.index_cast %add3A_852 : i32 to index
        %get3A_854 = arith.index_cast %mul3A_745 : i32 to index
        %get3A_855 = tpu.vector_load %arg5[%get3A_853, %get3A_854] {strides = array<i32>} : memref<24x512xf32, #tpu.memory_space<vmem>>, vector<16xf32>,
        %add3A_856 = arith.constant 16 : i32
        %add3A_857 = arith.addi %add3A_856, %add3A_847 : i32
        %get3A_858 = arith.index_cast %add3A_857 : i32 to index
        %get3A_859 = arith.index_cast %mul3A_745 : i32 to index
        %get3A_860 = tpu.vector_load %arg5[%get3A_858, %get3A_859] {strides = array<i32>} : memref<24x512xf32, #tpu.memory_space<vmem>>, vector<16xf32>,
        %mul3A_861 = arith.constant 1.600000e+01 : f32
        %mul3A_862 = vector.broadcast %mul3A_861 : f32 to vector<16xf32>
        %mul3A_863 = arith.mulf %get3A_850, %mul3A_862 : vector<16xf32>
        %convert_element_type3A_864 = arith.fptosi %mul3A_863 : vector<16xf32> to vector<16xi32>
        %mul3A_865 = arith.constant 1.600000e+01 : f32
        %mul3A_866 = vector.broadcast %mul3A_865 : f32 to vector<16xf32>
        %mul3A_867 = arith.mulf %get3A_855, %mul3A_866 : vector<16xf32>
        %convert_element_type3A_868 = arith.fptosi %mul3A_867 : vector<16xf32> to vector<16xi32>
        %mul3A_869 = arith.constant 1.600000e+01 : f32
        %mul3A_870 = vector.broadcast %mul3A_869 : f32 to vector<16xf32>
        %mul3A_871 = arith.mulf %get3A_860, %mul3A_870 : vector<16xf32>
        %convert_element_type3A_872 = arith.fptosi %mul3A_871 : vector<16xf32> to vector<16xi32>
        %shift_left3A_873 = arith.constant 8 : i32
        %shift_left3A_874 = vector.broadcast %shift_left3A_873 : i32 to vector<16xi32>
        %shift_left3A_875 = arith.shli %convert_element_type3A_864, %shift_left3A_874 : vector<16xi32>
        %shift_left3A_876 = arith.constant 4 : i32
        %shift_left3A_877 = vector.broadcast %shift_left3A_876 : i32 to vector<16xi32>
        %shift_left3A_878 = arith.shli %convert_element_type3A_868, %shift_left3A_877 : vector<16xi32>
        %or3A_879 = arith.ori %shift_left3A_875, %shift_left3A_878 : vector<16xi32>
        %or3A_880 = arith.ori %or3A_879, %convert_element_type3A_872 : vector<16xi32>
        %add3A_881 = arith.constant 32768 : i32
        %add3A_882 = vector.broadcast %add3A_881 : i32 to vector<16xi32>
        %add3A_883 = arith.addi %or3A_880, %add3A_882 : vector<16xi32>
        tpu.vector_store_idx %arg8[%add3A_883], %get3A_850 {add = true} : memref<65536xf32, #tpu.memory_space<vmem>>[vector<16xi32>], vector<16xf32>,
        %add3A_884 = arith.constant 4096 : i32
        %add3A_885 = vector.broadcast %add3A_884 : i32 to vector<16xi32>
        %add3A_886 = arith.addi %add3A_883, %add3A_885 : vector<16xi32>
        tpu.vector_store_idx %arg8[%add3A_886], %get3A_855 {add = true} : memref<65536xf32, #tpu.memory_space<vmem>>[vector<16xi32>], vector<16xf32>,
        %add3A_887 = arith.constant 8192 : i32
        %add3A_888 = vector.broadcast %add3A_887 : i32 to vector<16xi32>
        %add3A_889 = arith.addi %add3A_883, %add3A_888 : vector<16xi32>
        tpu.vector_store_idx %arg8[%add3A_889], %get3A_860 {add = true} : memref<65536xf32, #tpu.memory_space<vmem>>[vector<16xi32>], vector<16xf32>,
        %add3A_890 = arith.constant 12288 : i32
        %add3A_891 = vector.broadcast %add3A_890 : i32 to vector<16xi32>
        %add3A_892 = arith.addi %add3A_883, %add3A_891 : vector<16xi32>
        tpu.vector_store_idx %arg8[%add3A_892], %broadcast_in_dim3A_2 {add = true} : memref<65536xf32, #tpu.memory_space<vmem>>[vector<16xi32>], vector<16xf32>,
        %mul3A_893 = arith.constant 4 : i32
        %mul3A_894 = arith.muli %arg0, %mul3A_893 : i32
        %add3A_895 = arith.constant 3 : i32
        %add3A_896 = arith.addi %mul3A_894, %add3A_895 : i32
        %get3A_897 = arith.index_cast %add3A_896 : i32 to index
        %get3A_898 = arith.index_cast %mul3A_745 : i32 to index
        %get3A_899 = tpu.vector_load %arg5[%get3A_897, %get3A_898] {strides = array<i32>} : memref<24x512xf32, #tpu.memory_space<vmem>>, vector<16xf32>,
        %add3A_900 = arith.constant 8 : i32
        %add3A_901 = arith.addi %add3A_900, %add3A_896 : i32
        %get3A_902 = arith.index_cast %add3A_901 : i32 to index
        %get3A_903 = arith.index_cast %mul3A_745 : i32 to index
        %get3A_904 = tpu.vector_load %arg5[%get3A_902, %get3A_903] {strides = array<i32>} : memref<24x512xf32, #tpu.memory_space<vmem>>, vector<16xf32>,
        %add3A_905 = arith.constant 16 : i32
        %add3A_906 = arith.addi %add3A_905, %add3A_896 : i32
        %get3A_907 = arith.index_cast %add3A_906 : i32 to index
        %get3A_908 = arith.index_cast %mul3A_745 : i32 to index
        %get3A_909 = tpu.vector_load %arg5[%get3A_907, %get3A_908] {strides = array<i32>} : memref<24x512xf32, #tpu.memory_space<vmem>>, vector<16xf32>,
        %mul3A_910 = arith.constant 1.600000e+01 : f32
        %mul3A_911 = vector.broadcast %mul3A_910 : f32 to vector<16xf32>
        %mul3A_912 = arith.mulf %get3A_899, %mul3A_911 : vector<16xf32>
        %convert_element_type3A_913 = arith.fptosi %mul3A_912 : vector<16xf32> to vector<16xi32>
        %mul3A_914 = arith.constant 1.600000e+01 : f32
        %mul3A_915 = vector.broadcast %mul3A_914 : f32 to vector<16xf32>
        %mul3A_916 = arith.mulf %get3A_904, %mul3A_915 : vector<16xf32>
        %convert_element_type3A_917 = arith.fptosi %mul3A_916 : vector<16xf32> to vector<16xi32>
        %mul3A_918 = arith.constant 1.600000e+01 : f32
        %mul3A_919 = vector.broadcast %mul3A_918 : f32 to vector<16xf32>
        %mul3A_920 = arith.mulf %get3A_909, %mul3A_919 : vector<16xf32>
        %convert_element_type3A_921 = arith.fptosi %mul3A_920 : vector<16xf32> to vector<16xi32>
        %shift_left3A_922 = arith.constant 8 : i32
        %shift_left3A_923 = vector.broadcast %shift_left3A_922 : i32 to vector<16xi32>
        %shift_left3A_924 = arith.shli %convert_element_type3A_913, %shift_left3A_923 : vector<16xi32>
        %shift_left3A_925 = arith.constant 4 : i32
        %shift_left3A_926 = vector.broadcast %shift_left3A_925 : i32 to vector<16xi32>
        %shift_left3A_927 = arith.shli %convert_element_type3A_917, %shift_left3A_926 : vector<16xi32>
        %or3A_928 = arith.ori %shift_left3A_924, %shift_left3A_927 : vector<16xi32>
        %or3A_929 = arith.ori %or3A_928, %convert_element_type3A_921 : vector<16xi32>
        %add3A_930 = arith.constant 49152 : i32
        %add3A_931 = vector.broadcast %add3A_930 : i32 to vector<16xi32>
        %add3A_932 = arith.addi %or3A_929, %add3A_931 : vector<16xi32>
        tpu.vector_store_idx %arg8[%add3A_932], %get3A_899 {add = true} : memref<65536xf32, #tpu.memory_space<vmem>>[vector<16xi32>], vector<16xf32>,
        %add3A_933 = arith.constant 4096 : i32
        %add3A_934 = vector.broadcast %add3A_933 : i32 to vector<16xi32>
        %add3A_935 = arith.addi %add3A_932, %add3A_934 : vector<16xi32>
        tpu.vector_store_idx %arg8[%add3A_935], %get3A_904 {add = true} : memref<65536xf32, #tpu.memory_space<vmem>>[vector<16xi32>], vector<16xf32>,
        %add3A_936 = arith.constant 8192 : i32
        %add3A_937 = vector.broadcast %add3A_936 : i32 to vector<16xi32>
        %add3A_938 = arith.addi %add3A_932, %add3A_937 : vector<16xi32>
        tpu.vector_store_idx %arg8[%add3A_938], %get3A_909 {add = true} : memref<65536xf32, #tpu.memory_space<vmem>>[vector<16xi32>], vector<16xf32>,
        %add3A_939 = arith.constant 12288 : i32
        %add3A_940 = vector.broadcast %add3A_939 : i32 to vector<16xi32>
        %add3A_941 = arith.addi %add3A_932, %add3A_940 : vector<16xi32>
        tpu.vector_store_idx %arg8[%add3A_941], %broadcast_in_dim3A_2 {add = true} : memref<65536xf32, #tpu.memory_space<vmem>>[vector<16xi32>], vector<16xf32>,
      }
      %scan3A_87 = arith.constant 8 : i32
      %mul3A_88 = arith.constant 3 : i32
      %mul3A_89 = arith.muli %mul3A_88, %scan3A_63 : i32
      %add3A_90 = arith.constant 1 : i32
      %add3A_91 = arith.addi %mul3A_89, %add3A_90 : i32
      %mul3A_92 = arith.constant 512 : i32
      %mul3A_93 = arith.muli %add3A_91, %mul3A_92 : i32
      %add3A_94 = arith.addi %mul3A_9, %mul3A_93 : i32
      %dma_wait3A_95 = arith.constant 0 : i32
      %dma_wait3A_96 = tpu.memref_slice %arg2[%dma_wait3A_95, %add3A_94] : memref<24x500000xf32, #tpu.memory_space<hbm>> -> memref<24x512xf32, #tpu.memory_space<hbm>>
      %dma_wait3A_97 = arith.constant 0 : i32
      %dma_wait3A_98 = tpu.memref_slice %arg2[%dma_wait3A_97, %add3A_94] : memref<24x500000xf32, #tpu.memory_space<hbm>> -> memref<24x512xf32, #tpu.memory_space<hbm>>
      tpu.wait_dma2 semaphore(%arg14 : memref<!tpu.dma_semaphore, #tpu.memory_space<semaphore_mem>>) src(%dma_wait3A_98 : memref<24x512xf32, #tpu.memory_space<hbm>>) dst(%arg6 : memref<24x512xf32, #tpu.memory_space<vmem>>)
      %add3A_99 = arith.constant 2 : i32
      %add3A_100 = arith.addi %add3A_91, %add3A_99 : i32
      %lt3A_101 = arith.constant 61 : i32
      %lt3A_102 = arith.cmpi slt, %add3A_100, %lt3A_101 : i32
      %convert_element_type3A_103 = arith.extui %lt3A_102 : i1 to i32
      %cond3A_104 = arith.constant 0 : i32
      %cond3A_105 = arith.cmpi ne, %convert_element_type3A_103, %cond3A_104 : i32
      scf.if %cond3A_105 {
        %add3A_136 = arith.constant 2 : i32
        %add3A_137 = arith.addi %add3A_91, %add3A_136 : i32
        %mul3A_138 = arith.constant 512 : i32
        %mul3A_139 = arith.muli %add3A_137, %mul3A_138 : i32
        %add3A_140 = arith.addi %mul3A_9, %mul3A_139 : i32
        %dma_start3A_141 = arith.constant 0 : i32
        %dma_start3A_142 = tpu.memref_slice %arg2[%dma_start3A_141, %add3A_140] : memref<24x500000xf32, #tpu.memory_space<hbm>> -> memref<24x512xf32, #tpu.memory_space<hbm>>
        %dma_start3A_143 = arith.constant 0 : i32
        %dma_start3A_144 = tpu.memref_slice %arg2[%dma_start3A_143, %add3A_140] : memref<24x500000xf32, #tpu.memory_space<hbm>> -> memref<24x512xf32, #tpu.memory_space<hbm>>
        tpu.enqueue_dma source(%dma_start3A_144 : memref<24x512xf32, #tpu.memory_space<hbm>>) target(%arg5 : memref<24x512xf32, #tpu.memory_space<vmem>>) target_semaphore(%arg13 : memref<!tpu.dma_semaphore, #tpu.memory_space<semaphore_mem>>)
      } else {
      }
      %scan3A_106 = arith.constant 0 : i32
      %scan3A_107 = arith.constant 0 : i32
      %scan3A_108 = arith.constant 8 : i32
      %scan3A_109 = arith.addi %scan3A_107, %scan3A_108 : i32
      %scan3A_110 = arith.constant 1 : i32
      scf.for %scan3A_136 = %scan3A_107 to %scan3A_109 step %scan3A_110  : i32 {
        %mul3A_137 = arith.constant 4 : i32
        %mul3A_138 = arith.muli %scan3A_136, %mul3A_137 : i32
        %add3A_139 = arith.constant 0 : i32
        %add3A_140 = arith.addi %mul3A_138, %add3A_139 : i32
        %mul3A_141 = arith.constant 16 : i32
        %mul3A_142 = arith.muli %add3A_140, %mul3A_141 : i32
        %mul3A_143 = arith.constant 4 : i32
        %mul3A_144 = arith.muli %arg0, %mul3A_143 : i32
        %add3A_145 = arith.constant 0 : i32
        %add3A_146 = arith.addi %mul3A_144, %add3A_145 : i32
        %get3A = arith.index_cast %add3A_146 : i32 to index
        %get3A_147 = arith.index_cast %mul3A_142 : i32 to index
        %get3A_148 = tpu.vector_load %arg6[%get3A, %get3A_147] {strides = array<i32>} : memref<24x512xf32, #tpu.memory_space<vmem>>, vector<16xf32>,
        %add3A_149 = arith.constant 8 : i32
        %add3A_150 = arith.addi %add3A_149, %add3A_146 : i32
        %get3A_151 = arith.index_cast %add3A_150 : i32 to index
        %get3A_152 = arith.index_cast %mul3A_142 : i32 to index
        %get3A_153 = tpu.vector_load %arg6[%get3A_151, %get3A_152] {strides = array<i32>} : memref<24x512xf32, #tpu.memory_space<vmem>>, vector<16xf32>,
        %add3A_154 = arith.constant 16 : i32
        %add3A_155 = arith.addi %add3A_154, %add3A_146 : i32
        %get3A_156 = arith.index_cast %add3A_155 : i32 to index
        %get3A_157 = arith.index_cast %mul3A_142 : i32 to index
        %get3A_158 = tpu.vector_load %arg6[%get3A_156, %get3A_157] {strides = array<i32>} : memref<24x512xf32, #tpu.memory_space<vmem>>, vector<16xf32>,
        %mul3A_159 = arith.constant 1.600000e+01 : f32
        %mul3A_160 = vector.broadcast %mul3A_159 : f32 to vector<16xf32>
        %mul3A_161 = arith.mulf %get3A_148, %mul3A_160 : vector<16xf32>
        %convert_element_type3A_162 = arith.fptosi %mul3A_161 : vector<16xf32> to vector<16xi32>
        %mul3A_163 = arith.constant 1.600000e+01 : f32
        %mul3A_164 = vector.broadcast %mul3A_163 : f32 to vector<16xf32>
        %mul3A_165 = arith.mulf %get3A_153, %mul3A_164 : vector<16xf32>
        %convert_element_type3A_166 = arith.fptosi %mul3A_165 : vector<16xf32> to vector<16xi32>
        %mul3A_167 = arith.constant 1.600000e+01 : f32
        %mul3A_168 = vector.broadcast %mul3A_167 : f32 to vector<16xf32>
        %mul3A_169 = arith.mulf %get3A_158, %mul3A_168 : vector<16xf32>
        %convert_element_type3A_170 = arith.fptosi %mul3A_169 : vector<16xf32> to vector<16xi32>
        %shift_left3A = arith.constant 8 : i32
        %shift_left3A_171 = vector.broadcast %shift_left3A : i32 to vector<16xi32>
        %shift_left3A_172 = arith.shli %convert_element_type3A_162, %shift_left3A_171 : vector<16xi32>
        %shift_left3A_173 = arith.constant 4 : i32
        %shift_left3A_174 = vector.broadcast %shift_left3A_173 : i32 to vector<16xi32>
        %shift_left3A_175 = arith.shli %convert_element_type3A_166, %shift_left3A_174 : vector<16xi32>
        %or3A = arith.ori %shift_left3A_172, %shift_left3A_175 : vector<16xi32>
        %or3A_176 = arith.ori %or3A, %convert_element_type3A_170 : vector<16xi32>
        %add3A_177 = arith.constant 0 : i32
        %add3A_178 = vector.broadcast %add3A_177 : i32 to vector<16xi32>
        %add3A_179 = arith.addi %or3A_176, %add3A_178 : vector<16xi32>
        tpu.vector_store_idx %arg8[%add3A_179], %get3A_148 {add = true} : memref<65536xf32, #tpu.memory_space<vmem>>[vector<16xi32>], vector<16xf32>,
        %add3A_180 = arith.constant 4096 : i32
        %add3A_181 = vector.broadcast %add3A_180 : i32 to vector<16xi32>
        %add3A_182 = arith.addi %add3A_179, %add3A_181 : vector<16xi32>
        tpu.vector_store_idx %arg8[%add3A_182], %get3A_153 {add = true} : memref<65536xf32, #tpu.memory_space<vmem>>[vector<16xi32>], vector<16xf32>,
        %add3A_183 = arith.constant 8192 : i32
        %add3A_184 = vector.broadcast %add3A_183 : i32 to vector<16xi32>
        %add3A_185 = arith.addi %add3A_179, %add3A_184 : vector<16xi32>
        tpu.vector_store_idx %arg8[%add3A_185], %get3A_158 {add = true} : memref<65536xf32, #tpu.memory_space<vmem>>[vector<16xi32>], vector<16xf32>,
        %add3A_186 = arith.constant 12288 : i32
        %add3A_187 = vector.broadcast %add3A_186 : i32 to vector<16xi32>
        %add3A_188 = arith.addi %add3A_179, %add3A_187 : vector<16xi32>
        tpu.vector_store_idx %arg8[%add3A_188], %broadcast_in_dim3A_2 {add = true} : memref<65536xf32, #tpu.memory_space<vmem>>[vector<16xi32>], vector<16xf32>,
        %mul3A_189 = arith.constant 4 : i32
        %mul3A_190 = arith.muli %arg0, %mul3A_189 : i32
        %add3A_191 = arith.constant 1 : i32
        %add3A_192 = arith.addi %mul3A_190, %add3A_191 : i32
        %get3A_193 = arith.index_cast %add3A_192 : i32 to index
        %get3A_194 = arith.index_cast %mul3A_142 : i32 to index
        %get3A_195 = tpu.vector_load %arg6[%get3A_193, %get3A_194] {strides = array<i32>} : memref<24x512xf32, #tpu.memory_space<vmem>>, vector<16xf32>,
        %add3A_196 = arith.constant 8 : i32
        %add3A_197 = arith.addi %add3A_196, %add3A_192 : i32
        %get3A_198 = arith.index_cast %add3A_197 : i32 to index
        %get3A_199 = arith.index_cast %mul3A_142 : i32 to index
        %get3A_200 = tpu.vector_load %arg6[%get3A_198, %get3A_199] {strides = array<i32>} : memref<24x512xf32, #tpu.memory_space<vmem>>, vector<16xf32>,
        %add3A_201 = arith.constant 16 : i32
        %add3A_202 = arith.addi %add3A_201, %add3A_192 : i32
        %get3A_203 = arith.index_cast %add3A_202 : i32 to index
        %get3A_204 = arith.index_cast %mul3A_142 : i32 to index
        %get3A_205 = tpu.vector_load %arg6[%get3A_203, %get3A_204] {strides = array<i32>} : memref<24x512xf32, #tpu.memory_space<vmem>>, vector<16xf32>,
        %mul3A_206 = arith.constant 1.600000e+01 : f32
        %mul3A_207 = vector.broadcast %mul3A_206 : f32 to vector<16xf32>
        %mul3A_208 = arith.mulf %get3A_195, %mul3A_207 : vector<16xf32>
        %convert_element_type3A_209 = arith.fptosi %mul3A_208 : vector<16xf32> to vector<16xi32>
        %mul3A_210 = arith.constant 1.600000e+01 : f32
        %mul3A_211 = vector.broadcast %mul3A_210 : f32 to vector<16xf32>
        %mul3A_212 = arith.mulf %get3A_200, %mul3A_211 : vector<16xf32>
        %convert_element_type3A_213 = arith.fptosi %mul3A_212 : vector<16xf32> to vector<16xi32>
        %mul3A_214 = arith.constant 1.600000e+01 : f32
        %mul3A_215 = vector.broadcast %mul3A_214 : f32 to vector<16xf32>
        %mul3A_216 = arith.mulf %get3A_205, %mul3A_215 : vector<16xf32>
        %convert_element_type3A_217 = arith.fptosi %mul3A_216 : vector<16xf32> to vector<16xi32>
        %shift_left3A_218 = arith.constant 8 : i32
        %shift_left3A_219 = vector.broadcast %shift_left3A_218 : i32 to vector<16xi32>
        %shift_left3A_220 = arith.shli %convert_element_type3A_209, %shift_left3A_219 : vector<16xi32>
        %shift_left3A_221 = arith.constant 4 : i32
        %shift_left3A_222 = vector.broadcast %shift_left3A_221 : i32 to vector<16xi32>
        %shift_left3A_223 = arith.shli %convert_element_type3A_213, %shift_left3A_222 : vector<16xi32>
        %or3A_224 = arith.ori %shift_left3A_220, %shift_left3A_223 : vector<16xi32>
        %or3A_225 = arith.ori %or3A_224, %convert_element_type3A_217 : vector<16xi32>
        %add3A_226 = arith.constant 16384 : i32
        %add3A_227 = vector.broadcast %add3A_226 : i32 to vector<16xi32>
        %add3A_228 = arith.addi %or3A_225, %add3A_227 : vector<16xi32>
        tpu.vector_store_idx %arg8[%add3A_228], %get3A_195 {add = true} : memref<65536xf32, #tpu.memory_space<vmem>>[vector<16xi32>], vector<16xf32>,
        %add3A_229 = arith.constant 4096 : i32
        %add3A_230 = vector.broadcast %add3A_229 : i32 to vector<16xi32>
        %add3A_231 = arith.addi %add3A_228, %add3A_230 : vector<16xi32>
        tpu.vector_store_idx %arg8[%add3A_231], %get3A_200 {add = true} : memref<65536xf32, #tpu.memory_space<vmem>>[vector<16xi32>], vector<16xf32>,
        %add3A_232 = arith.constant 8192 : i32
        %add3A_233 = vector.broadcast %add3A_232 : i32 to vector<16xi32>
        %add3A_234 = arith.addi %add3A_228, %add3A_233 : vector<16xi32>
        tpu.vector_store_idx %arg8[%add3A_234], %get3A_205 {add = true} : memref<65536xf32, #tpu.memory_space<vmem>>[vector<16xi32>], vector<16xf32>,
        %add3A_235 = arith.constant 12288 : i32
        %add3A_236 = vector.broadcast %add3A_235 : i32 to vector<16xi32>
        %add3A_237 = arith.addi %add3A_228, %add3A_236 : vector<16xi32>
        tpu.vector_store_idx %arg8[%add3A_237], %broadcast_in_dim3A_2 {add = true} : memref<65536xf32, #tpu.memory_space<vmem>>[vector<16xi32>], vector<16xf32>,
        %mul3A_238 = arith.constant 4 : i32
        %mul3A_239 = arith.muli %arg0, %mul3A_238 : i32
        %add3A_240 = arith.constant 2 : i32
        %add3A_241 = arith.addi %mul3A_239, %add3A_240 : i32
        %get3A_242 = arith.index_cast %add3A_241 : i32 to index
        %get3A_243 = arith.index_cast %mul3A_142 : i32 to index
        %get3A_244 = tpu.vector_load %arg6[%get3A_242, %get3A_243] {strides = array<i32>} : memref<24x512xf32, #tpu.memory_space<vmem>>, vector<16xf32>,
        %add3A_245 = arith.constant 8 : i32
        %add3A_246 = arith.addi %add3A_245, %add3A_241 : i32
        %get3A_247 = arith.index_cast %add3A_246 : i32 to index
        %get3A_248 = arith.index_cast %mul3A_142 : i32 to index
        %get3A_249 = tpu.vector_load %arg6[%get3A_247, %get3A_248] {strides = array<i32>} : memref<24x512xf32, #tpu.memory_space<vmem>>, vector<16xf32>,
        %add3A_250 = arith.constant 16 : i32
        %add3A_251 = arith.addi %add3A_250, %add3A_241 : i32
        %get3A_252 = arith.index_cast %add3A_251 : i32 to index
        %get3A_253 = arith.index_cast %mul3A_142 : i32 to index
        %get3A_254 = tpu.vector_load %arg6[%get3A_252, %get3A_253] {strides = array<i32>} : memref<24x512xf32, #tpu.memory_space<vmem>>, vector<16xf32>,
        %mul3A_255 = arith.constant 1.600000e+01 : f32
        %mul3A_256 = vector.broadcast %mul3A_255 : f32 to vector<16xf32>
        %mul3A_257 = arith.mulf %get3A_244, %mul3A_256 : vector<16xf32>
        %convert_element_type3A_258 = arith.fptosi %mul3A_257 : vector<16xf32> to vector<16xi32>
        %mul3A_259 = arith.constant 1.600000e+01 : f32
        %mul3A_260 = vector.broadcast %mul3A_259 : f32 to vector<16xf32>
        %mul3A_261 = arith.mulf %get3A_249, %mul3A_260 : vector<16xf32>
        %convert_element_type3A_262 = arith.fptosi %mul3A_261 : vector<16xf32> to vector<16xi32>
        %mul3A_263 = arith.constant 1.600000e+01 : f32
        %mul3A_264 = vector.broadcast %mul3A_263 : f32 to vector<16xf32>
        %mul3A_265 = arith.mulf %get3A_254, %mul3A_264 : vector<16xf32>
        %convert_element_type3A_266 = arith.fptosi %mul3A_265 : vector<16xf32> to vector<16xi32>
        %shift_left3A_267 = arith.constant 8 : i32
        %shift_left3A_268 = vector.broadcast %shift_left3A_267 : i32 to vector<16xi32>
        %shift_left3A_269 = arith.shli %convert_element_type3A_258, %shift_left3A_268 : vector<16xi32>
        %shift_left3A_270 = arith.constant 4 : i32
        %shift_left3A_271 = vector.broadcast %shift_left3A_270 : i32 to vector<16xi32>
        %shift_left3A_272 = arith.shli %convert_element_type3A_262, %shift_left3A_271 : vector<16xi32>
        %or3A_273 = arith.ori %shift_left3A_269, %shift_left3A_272 : vector<16xi32>
        %or3A_274 = arith.ori %or3A_273, %convert_element_type3A_266 : vector<16xi32>
        %add3A_275 = arith.constant 32768 : i32
        %add3A_276 = vector.broadcast %add3A_275 : i32 to vector<16xi32>
        %add3A_277 = arith.addi %or3A_274, %add3A_276 : vector<16xi32>
        tpu.vector_store_idx %arg8[%add3A_277], %get3A_244 {add = true} : memref<65536xf32, #tpu.memory_space<vmem>>[vector<16xi32>], vector<16xf32>,
        %add3A_278 = arith.constant 4096 : i32
        %add3A_279 = vector.broadcast %add3A_278 : i32 to vector<16xi32>
        %add3A_280 = arith.addi %add3A_277, %add3A_279 : vector<16xi32>
        tpu.vector_store_idx %arg8[%add3A_280], %get3A_249 {add = true} : memref<65536xf32, #tpu.memory_space<vmem>>[vector<16xi32>], vector<16xf32>,
        %add3A_281 = arith.constant 8192 : i32
        %add3A_282 = vector.broadcast %add3A_281 : i32 to vector<16xi32>
        %add3A_283 = arith.addi %add3A_277, %add3A_282 : vector<16xi32>
        tpu.vector_store_idx %arg8[%add3A_283], %get3A_254 {add = true} : memref<65536xf32, #tpu.memory_space<vmem>>[vector<16xi32>], vector<16xf32>,
        %add3A_284 = arith.constant 12288 : i32
        %add3A_285 = vector.broadcast %add3A_284 : i32 to vector<16xi32>
        %add3A_286 = arith.addi %add3A_277, %add3A_285 : vector<16xi32>
        tpu.vector_store_idx %arg8[%add3A_286], %broadcast_in_dim3A_2 {add = true} : memref<65536xf32, #tpu.memory_space<vmem>>[vector<16xi32>], vector<16xf32>,
        %mul3A_287 = arith.constant 4 : i32
        %mul3A_288 = arith.muli %arg0, %mul3A_287 : i32
        %add3A_289 = arith.constant 3 : i32
        %add3A_290 = arith.addi %mul3A_288, %add3A_289 : i32
        %get3A_291 = arith.index_cast %add3A_290 : i32 to index
        %get3A_292 = arith.index_cast %mul3A_142 : i32 to index
        %get3A_293 = tpu.vector_load %arg6[%get3A_291, %get3A_292] {strides = array<i32>} : memref<24x512xf32, #tpu.memory_space<vmem>>, vector<16xf32>,
        %add3A_294 = arith.constant 8 : i32
        %add3A_295 = arith.addi %add3A_294, %add3A_290 : i32
        %get3A_296 = arith.index_cast %add3A_295 : i32 to index
        %get3A_297 = arith.index_cast %mul3A_142 : i32 to index
        %get3A_298 = tpu.vector_load %arg6[%get3A_296, %get3A_297] {strides = array<i32>} : memref<24x512xf32, #tpu.memory_space<vmem>>, vector<16xf32>,
        %add3A_299 = arith.constant 16 : i32
        %add3A_300 = arith.addi %add3A_299, %add3A_290 : i32
        %get3A_301 = arith.index_cast %add3A_300 : i32 to index
        %get3A_302 = arith.index_cast %mul3A_142 : i32 to index
        %get3A_303 = tpu.vector_load %arg6[%get3A_301, %get3A_302] {strides = array<i32>} : memref<24x512xf32, #tpu.memory_space<vmem>>, vector<16xf32>,
        %mul3A_304 = arith.constant 1.600000e+01 : f32
        %mul3A_305 = vector.broadcast %mul3A_304 : f32 to vector<16xf32>
        %mul3A_306 = arith.mulf %get3A_293, %mul3A_305 : vector<16xf32>
        %convert_element_type3A_307 = arith.fptosi %mul3A_306 : vector<16xf32> to vector<16xi32>
        %mul3A_308 = arith.constant 1.600000e+01 : f32
        %mul3A_309 = vector.broadcast %mul3A_308 : f32 to vector<16xf32>
        %mul3A_310 = arith.mulf %get3A_298, %mul3A_309 : vector<16xf32>
        %convert_element_type3A_311 = arith.fptosi %mul3A_310 : vector<16xf32> to vector<16xi32>
        %mul3A_312 = arith.constant 1.600000e+01 : f32
        %mul3A_313 = vector.broadcast %mul3A_312 : f32 to vector<16xf32>
        %mul3A_314 = arith.mulf %get3A_303, %mul3A_313 : vector<16xf32>
        %convert_element_type3A_315 = arith.fptosi %mul3A_314 : vector<16xf32> to vector<16xi32>
        %shift_left3A_316 = arith.constant 8 : i32
        %shift_left3A_317 = vector.broadcast %shift_left3A_316 : i32 to vector<16xi32>
        %shift_left3A_318 = arith.shli %convert_element_type3A_307, %shift_left3A_317 : vector<16xi32>
        %shift_left3A_319 = arith.constant 4 : i32
        %shift_left3A_320 = vector.broadcast %shift_left3A_319 : i32 to vector<16xi32>
        %shift_left3A_321 = arith.shli %convert_element_type3A_311, %shift_left3A_320 : vector<16xi32>
        %or3A_322 = arith.ori %shift_left3A_318, %shift_left3A_321 : vector<16xi32>
        %or3A_323 = arith.ori %or3A_322, %convert_element_type3A_315 : vector<16xi32>
        %add3A_324 = arith.constant 49152 : i32
        %add3A_325 = vector.broadcast %add3A_324 : i32 to vector<16xi32>
        %add3A_326 = arith.addi %or3A_323, %add3A_325 : vector<16xi32>
        tpu.vector_store_idx %arg8[%add3A_326], %get3A_293 {add = true} : memref<65536xf32, #tpu.memory_space<vmem>>[vector<16xi32>], vector<16xf32>,
        %add3A_327 = arith.constant 4096 : i32
        %add3A_328 = vector.broadcast %add3A_327 : i32 to vector<16xi32>
        %add3A_329 = arith.addi %add3A_326, %add3A_328 : vector<16xi32>
        tpu.vector_store_idx %arg8[%add3A_329], %get3A_298 {add = true} : memref<65536xf32, #tpu.memory_space<vmem>>[vector<16xi32>], vector<16xf32>,
        %add3A_330 = arith.constant 8192 : i32
        %add3A_331 = vector.broadcast %add3A_330 : i32 to vector<16xi32>
        %add3A_332 = arith.addi %add3A_326, %add3A_331 : vector<16xi32>
        tpu.vector_store_idx %arg8[%add3A_332], %get3A_303 {add = true} : memref<65536xf32, #tpu.memory_space<vmem>>[vector<16xi32>], vector<16xf32>,
        %add3A_333 = arith.constant 12288 : i32
        %add3A_334 = vector.broadcast %add3A_333 : i32 to vector<16xi32>
        %add3A_335 = arith.addi %add3A_326, %add3A_334 : vector<16xi32>
        tpu.vector_store_idx %arg8[%add3A_335], %broadcast_in_dim3A_2 {add = true} : memref<65536xf32, #tpu.memory_space<vmem>>[vector<16xi32>], vector<16xf32>,
        %mul3A_336 = arith.constant 4 : i32
        %mul3A_337 = arith.muli %scan3A_136, %mul3A_336 : i32
        %add3A_338 = arith.constant 1 : i32
        %add3A_339 = arith.addi %mul3A_337, %add3A_338 : i32
        %mul3A_340 = arith.constant 16 : i32
        %mul3A_341 = arith.muli %add3A_339, %mul3A_340 : i32
        %mul3A_342 = arith.constant 4 : i32
        %mul3A_343 = arith.muli %arg0, %mul3A_342 : i32
        %add3A_344 = arith.constant 0 : i32
        %add3A_345 = arith.addi %mul3A_343, %add3A_344 : i32
        %get3A_346 = arith.index_cast %add3A_345 : i32 to index
        %get3A_347 = arith.index_cast %mul3A_341 : i32 to index
        %get3A_348 = tpu.vector_load %arg6[%get3A_346, %get3A_347] {strides = array<i32>} : memref<24x512xf32, #tpu.memory_space<vmem>>, vector<16xf32>,
        %add3A_349 = arith.constant 8 : i32
        %add3A_350 = arith.addi %add3A_349, %add3A_345 : i32
        %get3A_351 = arith.index_cast %add3A_350 : i32 to index
        %get3A_352 = arith.index_cast %mul3A_341 : i32 to index
        %get3A_353 = tpu.vector_load %arg6[%get3A_351, %get3A_352] {strides = array<i32>} : memref<24x512xf32, #tpu.memory_space<vmem>>, vector<16xf32>,
        %add3A_354 = arith.constant 16 : i32
        %add3A_355 = arith.addi %add3A_354, %add3A_345 : i32
        %get3A_356 = arith.index_cast %add3A_355 : i32 to index
        %get3A_357 = arith.index_cast %mul3A_341 : i32 to index
        %get3A_358 = tpu.vector_load %arg6[%get3A_356, %get3A_357] {strides = array<i32>} : memref<24x512xf32, #tpu.memory_space<vmem>>, vector<16xf32>,
        %mul3A_359 = arith.constant 1.600000e+01 : f32
        %mul3A_360 = vector.broadcast %mul3A_359 : f32 to vector<16xf32>
        %mul3A_361 = arith.mulf %get3A_348, %mul3A_360 : vector<16xf32>
        %convert_element_type3A_362 = arith.fptosi %mul3A_361 : vector<16xf32> to vector<16xi32>
        %mul3A_363 = arith.constant 1.600000e+01 : f32
        %mul3A_364 = vector.broadcast %mul3A_363 : f32 to vector<16xf32>
        %mul3A_365 = arith.mulf %get3A_353, %mul3A_364 : vector<16xf32>
        %convert_element_type3A_366 = arith.fptosi %mul3A_365 : vector<16xf32> to vector<16xi32>
        %mul3A_367 = arith.constant 1.600000e+01 : f32
        %mul3A_368 = vector.broadcast %mul3A_367 : f32 to vector<16xf32>
        %mul3A_369 = arith.mulf %get3A_358, %mul3A_368 : vector<16xf32>
        %convert_element_type3A_370 = arith.fptosi %mul3A_369 : vector<16xf32> to vector<16xi32>
        %shift_left3A_371 = arith.constant 8 : i32
        %shift_left3A_372 = vector.broadcast %shift_left3A_371 : i32 to vector<16xi32>
        %shift_left3A_373 = arith.shli %convert_element_type3A_362, %shift_left3A_372 : vector<16xi32>
        %shift_left3A_374 = arith.constant 4 : i32
        %shift_left3A_375 = vector.broadcast %shift_left3A_374 : i32 to vector<16xi32>
        %shift_left3A_376 = arith.shli %convert_element_type3A_366, %shift_left3A_375 : vector<16xi32>
        %or3A_377 = arith.ori %shift_left3A_373, %shift_left3A_376 : vector<16xi32>
        %or3A_378 = arith.ori %or3A_377, %convert_element_type3A_370 : vector<16xi32>
        %add3A_379 = arith.constant 0 : i32
        %add3A_380 = vector.broadcast %add3A_379 : i32 to vector<16xi32>
        %add3A_381 = arith.addi %or3A_378, %add3A_380 : vector<16xi32>
        tpu.vector_store_idx %arg8[%add3A_381], %get3A_348 {add = true} : memref<65536xf32, #tpu.memory_space<vmem>>[vector<16xi32>], vector<16xf32>,
        %add3A_382 = arith.constant 4096 : i32
        %add3A_383 = vector.broadcast %add3A_382 : i32 to vector<16xi32>
        %add3A_384 = arith.addi %add3A_381, %add3A_383 : vector<16xi32>
        tpu.vector_store_idx %arg8[%add3A_384], %get3A_353 {add = true} : memref<65536xf32, #tpu.memory_space<vmem>>[vector<16xi32>], vector<16xf32>,
        %add3A_385 = arith.constant 8192 : i32
        %add3A_386 = vector.broadcast %add3A_385 : i32 to vector<16xi32>
        %add3A_387 = arith.addi %add3A_381, %add3A_386 : vector<16xi32>
        tpu.vector_store_idx %arg8[%add3A_387], %get3A_358 {add = true} : memref<65536xf32, #tpu.memory_space<vmem>>[vector<16xi32>], vector<16xf32>,
        %add3A_388 = arith.constant 12288 : i32
        %add3A_389 = vector.broadcast %add3A_388 : i32 to vector<16xi32>
        %add3A_390 = arith.addi %add3A_381, %add3A_389 : vector<16xi32>
        tpu.vector_store_idx %arg8[%add3A_390], %broadcast_in_dim3A_2 {add = true} : memref<65536xf32, #tpu.memory_space<vmem>>[vector<16xi32>], vector<16xf32>,
        %mul3A_391 = arith.constant 4 : i32
        %mul3A_392 = arith.muli %arg0, %mul3A_391 : i32
        %add3A_393 = arith.constant 1 : i32
        %add3A_394 = arith.addi %mul3A_392, %add3A_393 : i32
        %get3A_395 = arith.index_cast %add3A_394 : i32 to index
        %get3A_396 = arith.index_cast %mul3A_341 : i32 to index
        %get3A_397 = tpu.vector_load %arg6[%get3A_395, %get3A_396] {strides = array<i32>} : memref<24x512xf32, #tpu.memory_space<vmem>>, vector<16xf32>,
        %add3A_398 = arith.constant 8 : i32
        %add3A_399 = arith.addi %add3A_398, %add3A_394 : i32
        %get3A_400 = arith.index_cast %add3A_399 : i32 to index
        %get3A_401 = arith.index_cast %mul3A_341 : i32 to index
        %get3A_402 = tpu.vector_load %arg6[%get3A_400, %get3A_401] {strides = array<i32>} : memref<24x512xf32, #tpu.memory_space<vmem>>, vector<16xf32>,
        %add3A_403 = arith.constant 16 : i32
        %add3A_404 = arith.addi %add3A_403, %add3A_394 : i32
        %get3A_405 = arith.index_cast %add3A_404 : i32 to index
        %get3A_406 = arith.index_cast %mul3A_341 : i32 to index
        %get3A_407 = tpu.vector_load %arg6[%get3A_405, %get3A_406] {strides = array<i32>} : memref<24x512xf32, #tpu.memory_space<vmem>>, vector<16xf32>,
        %mul3A_408 = arith.constant 1.600000e+01 : f32
        %mul3A_409 = vector.broadcast %mul3A_408 : f32 to vector<16xf32>
        %mul3A_410 = arith.mulf %get3A_397, %mul3A_409 : vector<16xf32>
        %convert_element_type3A_411 = arith.fptosi %mul3A_410 : vector<16xf32> to vector<16xi32>
        %mul3A_412 = arith.constant 1.600000e+01 : f32
        %mul3A_413 = vector.broadcast %mul3A_412 : f32 to vector<16xf32>
        %mul3A_414 = arith.mulf %get3A_402, %mul3A_413 : vector<16xf32>
        %convert_element_type3A_415 = arith.fptosi %mul3A_414 : vector<16xf32> to vector<16xi32>
        %mul3A_416 = arith.constant 1.600000e+01 : f32
        %mul3A_417 = vector.broadcast %mul3A_416 : f32 to vector<16xf32>
        %mul3A_418 = arith.mulf %get3A_407, %mul3A_417 : vector<16xf32>
        %convert_element_type3A_419 = arith.fptosi %mul3A_418 : vector<16xf32> to vector<16xi32>
        %shift_left3A_420 = arith.constant 8 : i32
        %shift_left3A_421 = vector.broadcast %shift_left3A_420 : i32 to vector<16xi32>
        %shift_left3A_422 = arith.shli %convert_element_type3A_411, %shift_left3A_421 : vector<16xi32>
        %shift_left3A_423 = arith.constant 4 : i32
        %shift_left3A_424 = vector.broadcast %shift_left3A_423 : i32 to vector<16xi32>
        %shift_left3A_425 = arith.shli %convert_element_type3A_415, %shift_left3A_424 : vector<16xi32>
        %or3A_426 = arith.ori %shift_left3A_422, %shift_left3A_425 : vector<16xi32>
        %or3A_427 = arith.ori %or3A_426, %convert_element_type3A_419 : vector<16xi32>
        %add3A_428 = arith.constant 16384 : i32
        %add3A_429 = vector.broadcast %add3A_428 : i32 to vector<16xi32>
        %add3A_430 = arith.addi %or3A_427, %add3A_429 : vector<16xi32>
        tpu.vector_store_idx %arg8[%add3A_430], %get3A_397 {add = true} : memref<65536xf32, #tpu.memory_space<vmem>>[vector<16xi32>], vector<16xf32>,
        %add3A_431 = arith.constant 4096 : i32
        %add3A_432 = vector.broadcast %add3A_431 : i32 to vector<16xi32>
        %add3A_433 = arith.addi %add3A_430, %add3A_432 : vector<16xi32>
        tpu.vector_store_idx %arg8[%add3A_433], %get3A_402 {add = true} : memref<65536xf32, #tpu.memory_space<vmem>>[vector<16xi32>], vector<16xf32>,
        %add3A_434 = arith.constant 8192 : i32
        %add3A_435 = vector.broadcast %add3A_434 : i32 to vector<16xi32>
        %add3A_436 = arith.addi %add3A_430, %add3A_435 : vector<16xi32>
        tpu.vector_store_idx %arg8[%add3A_436], %get3A_407 {add = true} : memref<65536xf32, #tpu.memory_space<vmem>>[vector<16xi32>], vector<16xf32>,
        %add3A_437 = arith.constant 12288 : i32
        %add3A_438 = vector.broadcast %add3A_437 : i32 to vector<16xi32>
        %add3A_439 = arith.addi %add3A_430, %add3A_438 : vector<16xi32>
        tpu.vector_store_idx %arg8[%add3A_439], %broadcast_in_dim3A_2 {add = true} : memref<65536xf32, #tpu.memory_space<vmem>>[vector<16xi32>], vector<16xf32>,
        %mul3A_440 = arith.constant 4 : i32
        %mul3A_441 = arith.muli %arg0, %mul3A_440 : i32
        %add3A_442 = arith.constant 2 : i32
        %add3A_443 = arith.addi %mul3A_441, %add3A_442 : i32
        %get3A_444 = arith.index_cast %add3A_443 : i32 to index
        %get3A_445 = arith.index_cast %mul3A_341 : i32 to index
        %get3A_446 = tpu.vector_load %arg6[%get3A_444, %get3A_445] {strides = array<i32>} : memref<24x512xf32, #tpu.memory_space<vmem>>, vector<16xf32>,
        %add3A_447 = arith.constant 8 : i32
        %add3A_448 = arith.addi %add3A_447, %add3A_443 : i32
        %get3A_449 = arith.index_cast %add3A_448 : i32 to index
        %get3A_450 = arith.index_cast %mul3A_341 : i32 to index
        %get3A_451 = tpu.vector_load %arg6[%get3A_449, %get3A_450] {strides = array<i32>} : memref<24x512xf32, #tpu.memory_space<vmem>>, vector<16xf32>,
        %add3A_452 = arith.constant 16 : i32
        %add3A_453 = arith.addi %add3A_452, %add3A_443 : i32
        %get3A_454 = arith.index_cast %add3A_453 : i32 to index
        %get3A_455 = arith.index_cast %mul3A_341 : i32 to index
        %get3A_456 = tpu.vector_load %arg6[%get3A_454, %get3A_455] {strides = array<i32>} : memref<24x512xf32, #tpu.memory_space<vmem>>, vector<16xf32>,
        %mul3A_457 = arith.constant 1.600000e+01 : f32
        %mul3A_458 = vector.broadcast %mul3A_457 : f32 to vector<16xf32>
        %mul3A_459 = arith.mulf %get3A_446, %mul3A_458 : vector<16xf32>
        %convert_element_type3A_460 = arith.fptosi %mul3A_459 : vector<16xf32> to vector<16xi32>
        %mul3A_461 = arith.constant 1.600000e+01 : f32
        %mul3A_462 = vector.broadcast %mul3A_461 : f32 to vector<16xf32>
        %mul3A_463 = arith.mulf %get3A_451, %mul3A_462 : vector<16xf32>
        %convert_element_type3A_464 = arith.fptosi %mul3A_463 : vector<16xf32> to vector<16xi32>
        %mul3A_465 = arith.constant 1.600000e+01 : f32
        %mul3A_466 = vector.broadcast %mul3A_465 : f32 to vector<16xf32>
        %mul3A_467 = arith.mulf %get3A_456, %mul3A_466 : vector<16xf32>
        %convert_element_type3A_468 = arith.fptosi %mul3A_467 : vector<16xf32> to vector<16xi32>
        %shift_left3A_469 = arith.constant 8 : i32
        %shift_left3A_470 = vector.broadcast %shift_left3A_469 : i32 to vector<16xi32>
        %shift_left3A_471 = arith.shli %convert_element_type3A_460, %shift_left3A_470 : vector<16xi32>
        %shift_left3A_472 = arith.constant 4 : i32
        %shift_left3A_473 = vector.broadcast %shift_left3A_472 : i32 to vector<16xi32>
        %shift_left3A_474 = arith.shli %convert_element_type3A_464, %shift_left3A_473 : vector<16xi32>
        %or3A_475 = arith.ori %shift_left3A_471, %shift_left3A_474 : vector<16xi32>
        %or3A_476 = arith.ori %or3A_475, %convert_element_type3A_468 : vector<16xi32>
        %add3A_477 = arith.constant 32768 : i32
        %add3A_478 = vector.broadcast %add3A_477 : i32 to vector<16xi32>
        %add3A_479 = arith.addi %or3A_476, %add3A_478 : vector<16xi32>
        tpu.vector_store_idx %arg8[%add3A_479], %get3A_446 {add = true} : memref<65536xf32, #tpu.memory_space<vmem>>[vector<16xi32>], vector<16xf32>,
        %add3A_480 = arith.constant 4096 : i32
        %add3A_481 = vector.broadcast %add3A_480 : i32 to vector<16xi32>
        %add3A_482 = arith.addi %add3A_479, %add3A_481 : vector<16xi32>
        tpu.vector_store_idx %arg8[%add3A_482], %get3A_451 {add = true} : memref<65536xf32, #tpu.memory_space<vmem>>[vector<16xi32>], vector<16xf32>,
        %add3A_483 = arith.constant 8192 : i32
        %add3A_484 = vector.broadcast %add3A_483 : i32 to vector<16xi32>
        %add3A_485 = arith.addi %add3A_479, %add3A_484 : vector<16xi32>
        tpu.vector_store_idx %arg8[%add3A_485], %get3A_456 {add = true} : memref<65536xf32, #tpu.memory_space<vmem>>[vector<16xi32>], vector<16xf32>,
        %add3A_486 = arith.constant 12288 : i32
        %add3A_487 = vector.broadcast %add3A_486 : i32 to vector<16xi32>
        %add3A_488 = arith.addi %add3A_479, %add3A_487 : vector<16xi32>
        tpu.vector_store_idx %arg8[%add3A_488], %broadcast_in_dim3A_2 {add = true} : memref<65536xf32, #tpu.memory_space<vmem>>[vector<16xi32>], vector<16xf32>,
        %mul3A_489 = arith.constant 4 : i32
        %mul3A_490 = arith.muli %arg0, %mul3A_489 : i32
        %add3A_491 = arith.constant 3 : i32
        %add3A_492 = arith.addi %mul3A_490, %add3A_491 : i32
        %get3A_493 = arith.index_cast %add3A_492 : i32 to index
        %get3A_494 = arith.index_cast %mul3A_341 : i32 to index
        %get3A_495 = tpu.vector_load %arg6[%get3A_493, %get3A_494] {strides = array<i32>} : memref<24x512xf32, #tpu.memory_space<vmem>>, vector<16xf32>,
        %add3A_496 = arith.constant 8 : i32
        %add3A_497 = arith.addi %add3A_496, %add3A_492 : i32
        %get3A_498 = arith.index_cast %add3A_497 : i32 to index
        %get3A_499 = arith.index_cast %mul3A_341 : i32 to index
        %get3A_500 = tpu.vector_load %arg6[%get3A_498, %get3A_499] {strides = array<i32>} : memref<24x512xf32, #tpu.memory_space<vmem>>, vector<16xf32>,
        %add3A_501 = arith.constant 16 : i32
        %add3A_502 = arith.addi %add3A_501, %add3A_492 : i32
        %get3A_503 = arith.index_cast %add3A_502 : i32 to index
        %get3A_504 = arith.index_cast %mul3A_341 : i32 to index
        %get3A_505 = tpu.vector_load %arg6[%get3A_503, %get3A_504] {strides = array<i32>} : memref<24x512xf32, #tpu.memory_space<vmem>>, vector<16xf32>,
        %mul3A_506 = arith.constant 1.600000e+01 : f32
        %mul3A_507 = vector.broadcast %mul3A_506 : f32 to vector<16xf32>
        %mul3A_508 = arith.mulf %get3A_495, %mul3A_507 : vector<16xf32>
        %convert_element_type3A_509 = arith.fptosi %mul3A_508 : vector<16xf32> to vector<16xi32>
        %mul3A_510 = arith.constant 1.600000e+01 : f32
        %mul3A_511 = vector.broadcast %mul3A_510 : f32 to vector<16xf32>
        %mul3A_512 = arith.mulf %get3A_500, %mul3A_511 : vector<16xf32>
        %convert_element_type3A_513 = arith.fptosi %mul3A_512 : vector<16xf32> to vector<16xi32>
        %mul3A_514 = arith.constant 1.600000e+01 : f32
        %mul3A_515 = vector.broadcast %mul3A_514 : f32 to vector<16xf32>
        %mul3A_516 = arith.mulf %get3A_505, %mul3A_515 : vector<16xf32>
        %convert_element_type3A_517 = arith.fptosi %mul3A_516 : vector<16xf32> to vector<16xi32>
        %shift_left3A_518 = arith.constant 8 : i32
        %shift_left3A_519 = vector.broadcast %shift_left3A_518 : i32 to vector<16xi32>
        %shift_left3A_520 = arith.shli %convert_element_type3A_509, %shift_left3A_519 : vector<16xi32>
        %shift_left3A_521 = arith.constant 4 : i32
        %shift_left3A_522 = vector.broadcast %shift_left3A_521 : i32 to vector<16xi32>
        %shift_left3A_523 = arith.shli %convert_element_type3A_513, %shift_left3A_522 : vector<16xi32>
        %or3A_524 = arith.ori %shift_left3A_520, %shift_left3A_523 : vector<16xi32>
        %or3A_525 = arith.ori %or3A_524, %convert_element_type3A_517 : vector<16xi32>
        %add3A_526 = arith.constant 49152 : i32
        %add3A_527 = vector.broadcast %add3A_526 : i32 to vector<16xi32>
        %add3A_528 = arith.addi %or3A_525, %add3A_527 : vector<16xi32>
        tpu.vector_store_idx %arg8[%add3A_528], %get3A_495 {add = true} : memref<65536xf32, #tpu.memory_space<vmem>>[vector<16xi32>], vector<16xf32>,
        %add3A_529 = arith.constant 4096 : i32
        %add3A_530 = vector.broadcast %add3A_529 : i32 to vector<16xi32>
        %add3A_531 = arith.addi %add3A_528, %add3A_530 : vector<16xi32>
        tpu.vector_store_idx %arg8[%add3A_531], %get3A_500 {add = true} : memref<65536xf32, #tpu.memory_space<vmem>>[vector<16xi32>], vector<16xf32>,
        %add3A_532 = arith.constant 8192 : i32
        %add3A_533 = vector.broadcast %add3A_532 : i32 to vector<16xi32>
        %add3A_534 = arith.addi %add3A_528, %add3A_533 : vector<16xi32>
        tpu.vector_store_idx %arg8[%add3A_534], %get3A_505 {add = true} : memref<65536xf32, #tpu.memory_space<vmem>>[vector<16xi32>], vector<16xf32>,
        %add3A_535 = arith.constant 12288 : i32
        %add3A_536 = vector.broadcast %add3A_535 : i32 to vector<16xi32>
        %add3A_537 = arith.addi %add3A_528, %add3A_536 : vector<16xi32>
        tpu.vector_store_idx %arg8[%add3A_537], %broadcast_in_dim3A_2 {add = true} : memref<65536xf32, #tpu.memory_space<vmem>>[vector<16xi32>], vector<16xf32>,
        %mul3A_538 = arith.constant 4 : i32
        %mul3A_539 = arith.muli %scan3A_136, %mul3A_538 : i32
        %add3A_540 = arith.constant 2 : i32
        %add3A_541 = arith.addi %mul3A_539, %add3A_540 : i32
        %mul3A_542 = arith.constant 16 : i32
        %mul3A_543 = arith.muli %add3A_541, %mul3A_542 : i32
        %mul3A_544 = arith.constant 4 : i32
        %mul3A_545 = arith.muli %arg0, %mul3A_544 : i32
        %add3A_546 = arith.constant 0 : i32
        %add3A_547 = arith.addi %mul3A_545, %add3A_546 : i32
        %get3A_548 = arith.index_cast %add3A_547 : i32 to index
        %get3A_549 = arith.index_cast %mul3A_543 : i32 to index
        %get3A_550 = tpu.vector_load %arg6[%get3A_548, %get3A_549] {strides = array<i32>} : memref<24x512xf32, #tpu.memory_space<vmem>>, vector<16xf32>,
        %add3A_551 = arith.constant 8 : i32
        %add3A_552 = arith.addi %add3A_551, %add3A_547 : i32
        %get3A_553 = arith.index_cast %add3A_552 : i32 to index
        %get3A_554 = arith.index_cast %mul3A_543 : i32 to index
        %get3A_555 = tpu.vector_load %arg6[%get3A_553, %get3A_554] {strides = array<i32>} : memref<24x512xf32, #tpu.memory_space<vmem>>, vector<16xf32>,
        %add3A_556 = arith.constant 16 : i32
        %add3A_557 = arith.addi %add3A_556, %add3A_547 : i32
        %get3A_558 = arith.index_cast %add3A_557 : i32 to index
        %get3A_559 = arith.index_cast %mul3A_543 : i32 to index
        %get3A_560 = tpu.vector_load %arg6[%get3A_558, %get3A_559] {strides = array<i32>} : memref<24x512xf32, #tpu.memory_space<vmem>>, vector<16xf32>,
        %mul3A_561 = arith.constant 1.600000e+01 : f32
        %mul3A_562 = vector.broadcast %mul3A_561 : f32 to vector<16xf32>
        %mul3A_563 = arith.mulf %get3A_550, %mul3A_562 : vector<16xf32>
        %convert_element_type3A_564 = arith.fptosi %mul3A_563 : vector<16xf32> to vector<16xi32>
        %mul3A_565 = arith.constant 1.600000e+01 : f32
        %mul3A_566 = vector.broadcast %mul3A_565 : f32 to vector<16xf32>
        %mul3A_567 = arith.mulf %get3A_555, %mul3A_566 : vector<16xf32>
        %convert_element_type3A_568 = arith.fptosi %mul3A_567 : vector<16xf32> to vector<16xi32>
        %mul3A_569 = arith.constant 1.600000e+01 : f32
        %mul3A_570 = vector.broadcast %mul3A_569 : f32 to vector<16xf32>
        %mul3A_571 = arith.mulf %get3A_560, %mul3A_570 : vector<16xf32>
        %convert_element_type3A_572 = arith.fptosi %mul3A_571 : vector<16xf32> to vector<16xi32>
        %shift_left3A_573 = arith.constant 8 : i32
        %shift_left3A_574 = vector.broadcast %shift_left3A_573 : i32 to vector<16xi32>
        %shift_left3A_575 = arith.shli %convert_element_type3A_564, %shift_left3A_574 : vector<16xi32>
        %shift_left3A_576 = arith.constant 4 : i32
        %shift_left3A_577 = vector.broadcast %shift_left3A_576 : i32 to vector<16xi32>
        %shift_left3A_578 = arith.shli %convert_element_type3A_568, %shift_left3A_577 : vector<16xi32>
        %or3A_579 = arith.ori %shift_left3A_575, %shift_left3A_578 : vector<16xi32>
        %or3A_580 = arith.ori %or3A_579, %convert_element_type3A_572 : vector<16xi32>
        %add3A_581 = arith.constant 0 : i32
        %add3A_582 = vector.broadcast %add3A_581 : i32 to vector<16xi32>
        %add3A_583 = arith.addi %or3A_580, %add3A_582 : vector<16xi32>
        tpu.vector_store_idx %arg8[%add3A_583], %get3A_550 {add = true} : memref<65536xf32, #tpu.memory_space<vmem>>[vector<16xi32>], vector<16xf32>,
        %add3A_584 = arith.constant 4096 : i32
        %add3A_585 = vector.broadcast %add3A_584 : i32 to vector<16xi32>
        %add3A_586 = arith.addi %add3A_583, %add3A_585 : vector<16xi32>
        tpu.vector_store_idx %arg8[%add3A_586], %get3A_555 {add = true} : memref<65536xf32, #tpu.memory_space<vmem>>[vector<16xi32>], vector<16xf32>,
        %add3A_587 = arith.constant 8192 : i32
        %add3A_588 = vector.broadcast %add3A_587 : i32 to vector<16xi32>
        %add3A_589 = arith.addi %add3A_583, %add3A_588 : vector<16xi32>
        tpu.vector_store_idx %arg8[%add3A_589], %get3A_560 {add = true} : memref<65536xf32, #tpu.memory_space<vmem>>[vector<16xi32>], vector<16xf32>,
        %add3A_590 = arith.constant 12288 : i32
        %add3A_591 = vector.broadcast %add3A_590 : i32 to vector<16xi32>
        %add3A_592 = arith.addi %add3A_583, %add3A_591 : vector<16xi32>
        tpu.vector_store_idx %arg8[%add3A_592], %broadcast_in_dim3A_2 {add = true} : memref<65536xf32, #tpu.memory_space<vmem>>[vector<16xi32>], vector<16xf32>,
        %mul3A_593 = arith.constant 4 : i32
        %mul3A_594 = arith.muli %arg0, %mul3A_593 : i32
        %add3A_595 = arith.constant 1 : i32
        %add3A_596 = arith.addi %mul3A_594, %add3A_595 : i32
        %get3A_597 = arith.index_cast %add3A_596 : i32 to index
        %get3A_598 = arith.index_cast %mul3A_543 : i32 to index
        %get3A_599 = tpu.vector_load %arg6[%get3A_597, %get3A_598] {strides = array<i32>} : memref<24x512xf32, #tpu.memory_space<vmem>>, vector<16xf32>,
        %add3A_600 = arith.constant 8 : i32
        %add3A_601 = arith.addi %add3A_600, %add3A_596 : i32
        %get3A_602 = arith.index_cast %add3A_601 : i32 to index
        %get3A_603 = arith.index_cast %mul3A_543 : i32 to index
        %get3A_604 = tpu.vector_load %arg6[%get3A_602, %get3A_603] {strides = array<i32>} : memref<24x512xf32, #tpu.memory_space<vmem>>, vector<16xf32>,
        %add3A_605 = arith.constant 16 : i32
        %add3A_606 = arith.addi %add3A_605, %add3A_596 : i32
        %get3A_607 = arith.index_cast %add3A_606 : i32 to index
        %get3A_608 = arith.index_cast %mul3A_543 : i32 to index
        %get3A_609 = tpu.vector_load %arg6[%get3A_607, %get3A_608] {strides = array<i32>} : memref<24x512xf32, #tpu.memory_space<vmem>>, vector<16xf32>,
        %mul3A_610 = arith.constant 1.600000e+01 : f32
        %mul3A_611 = vector.broadcast %mul3A_610 : f32 to vector<16xf32>
        %mul3A_612 = arith.mulf %get3A_599, %mul3A_611 : vector<16xf32>
        %convert_element_type3A_613 = arith.fptosi %mul3A_612 : vector<16xf32> to vector<16xi32>
        %mul3A_614 = arith.constant 1.600000e+01 : f32
        %mul3A_615 = vector.broadcast %mul3A_614 : f32 to vector<16xf32>
        %mul3A_616 = arith.mulf %get3A_604, %mul3A_615 : vector<16xf32>
        %convert_element_type3A_617 = arith.fptosi %mul3A_616 : vector<16xf32> to vector<16xi32>
        %mul3A_618 = arith.constant 1.600000e+01 : f32
        %mul3A_619 = vector.broadcast %mul3A_618 : f32 to vector<16xf32>
        %mul3A_620 = arith.mulf %get3A_609, %mul3A_619 : vector<16xf32>
        %convert_element_type3A_621 = arith.fptosi %mul3A_620 : vector<16xf32> to vector<16xi32>
        %shift_left3A_622 = arith.constant 8 : i32
        %shift_left3A_623 = vector.broadcast %shift_left3A_622 : i32 to vector<16xi32>
        %shift_left3A_624 = arith.shli %convert_element_type3A_613, %shift_left3A_623 : vector<16xi32>
        %shift_left3A_625 = arith.constant 4 : i32
        %shift_left3A_626 = vector.broadcast %shift_left3A_625 : i32 to vector<16xi32>
        %shift_left3A_627 = arith.shli %convert_element_type3A_617, %shift_left3A_626 : vector<16xi32>
        %or3A_628 = arith.ori %shift_left3A_624, %shift_left3A_627 : vector<16xi32>
        %or3A_629 = arith.ori %or3A_628, %convert_element_type3A_621 : vector<16xi32>
        %add3A_630 = arith.constant 16384 : i32
        %add3A_631 = vector.broadcast %add3A_630 : i32 to vector<16xi32>
        %add3A_632 = arith.addi %or3A_629, %add3A_631 : vector<16xi32>
        tpu.vector_store_idx %arg8[%add3A_632], %get3A_599 {add = true} : memref<65536xf32, #tpu.memory_space<vmem>>[vector<16xi32>], vector<16xf32>,
        %add3A_633 = arith.constant 4096 : i32
        %add3A_634 = vector.broadcast %add3A_633 : i32 to vector<16xi32>
        %add3A_635 = arith.addi %add3A_632, %add3A_634 : vector<16xi32>
        tpu.vector_store_idx %arg8[%add3A_635], %get3A_604 {add = true} : memref<65536xf32, #tpu.memory_space<vmem>>[vector<16xi32>], vector<16xf32>,
        %add3A_636 = arith.constant 8192 : i32
        %add3A_637 = vector.broadcast %add3A_636 : i32 to vector<16xi32>
        %add3A_638 = arith.addi %add3A_632, %add3A_637 : vector<16xi32>
        tpu.vector_store_idx %arg8[%add3A_638], %get3A_609 {add = true} : memref<65536xf32, #tpu.memory_space<vmem>>[vector<16xi32>], vector<16xf32>,
        %add3A_639 = arith.constant 12288 : i32
        %add3A_640 = vector.broadcast %add3A_639 : i32 to vector<16xi32>
        %add3A_641 = arith.addi %add3A_632, %add3A_640 : vector<16xi32>
        tpu.vector_store_idx %arg8[%add3A_641], %broadcast_in_dim3A_2 {add = true} : memref<65536xf32, #tpu.memory_space<vmem>>[vector<16xi32>], vector<16xf32>,
        %mul3A_642 = arith.constant 4 : i32
        %mul3A_643 = arith.muli %arg0, %mul3A_642 : i32
        %add3A_644 = arith.constant 2 : i32
        %add3A_645 = arith.addi %mul3A_643, %add3A_644 : i32
        %get3A_646 = arith.index_cast %add3A_645 : i32 to index
        %get3A_647 = arith.index_cast %mul3A_543 : i32 to index
        %get3A_648 = tpu.vector_load %arg6[%get3A_646, %get3A_647] {strides = array<i32>} : memref<24x512xf32, #tpu.memory_space<vmem>>, vector<16xf32>,
        %add3A_649 = arith.constant 8 : i32
        %add3A_650 = arith.addi %add3A_649, %add3A_645 : i32
        %get3A_651 = arith.index_cast %add3A_650 : i32 to index
        %get3A_652 = arith.index_cast %mul3A_543 : i32 to index
        %get3A_653 = tpu.vector_load %arg6[%get3A_651, %get3A_652] {strides = array<i32>} : memref<24x512xf32, #tpu.memory_space<vmem>>, vector<16xf32>,
        %add3A_654 = arith.constant 16 : i32
        %add3A_655 = arith.addi %add3A_654, %add3A_645 : i32
        %get3A_656 = arith.index_cast %add3A_655 : i32 to index
        %get3A_657 = arith.index_cast %mul3A_543 : i32 to index
        %get3A_658 = tpu.vector_load %arg6[%get3A_656, %get3A_657] {strides = array<i32>} : memref<24x512xf32, #tpu.memory_space<vmem>>, vector<16xf32>,
        %mul3A_659 = arith.constant 1.600000e+01 : f32
        %mul3A_660 = vector.broadcast %mul3A_659 : f32 to vector<16xf32>
        %mul3A_661 = arith.mulf %get3A_648, %mul3A_660 : vector<16xf32>
        %convert_element_type3A_662 = arith.fptosi %mul3A_661 : vector<16xf32> to vector<16xi32>
        %mul3A_663 = arith.constant 1.600000e+01 : f32
        %mul3A_664 = vector.broadcast %mul3A_663 : f32 to vector<16xf32>
        %mul3A_665 = arith.mulf %get3A_653, %mul3A_664 : vector<16xf32>
        %convert_element_type3A_666 = arith.fptosi %mul3A_665 : vector<16xf32> to vector<16xi32>
        %mul3A_667 = arith.constant 1.600000e+01 : f32
        %mul3A_668 = vector.broadcast %mul3A_667 : f32 to vector<16xf32>
        %mul3A_669 = arith.mulf %get3A_658, %mul3A_668 : vector<16xf32>
        %convert_element_type3A_670 = arith.fptosi %mul3A_669 : vector<16xf32> to vector<16xi32>
        %shift_left3A_671 = arith.constant 8 : i32
        %shift_left3A_672 = vector.broadcast %shift_left3A_671 : i32 to vector<16xi32>
        %shift_left3A_673 = arith.shli %convert_element_type3A_662, %shift_left3A_672 : vector<16xi32>
        %shift_left3A_674 = arith.constant 4 : i32
        %shift_left3A_675 = vector.broadcast %shift_left3A_674 : i32 to vector<16xi32>
        %shift_left3A_676 = arith.shli %convert_element_type3A_666, %shift_left3A_675 : vector<16xi32>
        %or3A_677 = arith.ori %shift_left3A_673, %shift_left3A_676 : vector<16xi32>
        %or3A_678 = arith.ori %or3A_677, %convert_element_type3A_670 : vector<16xi32>
        %add3A_679 = arith.constant 32768 : i32
        %add3A_680 = vector.broadcast %add3A_679 : i32 to vector<16xi32>
        %add3A_681 = arith.addi %or3A_678, %add3A_680 : vector<16xi32>
        tpu.vector_store_idx %arg8[%add3A_681], %get3A_648 {add = true} : memref<65536xf32, #tpu.memory_space<vmem>>[vector<16xi32>], vector<16xf32>,
        %add3A_682 = arith.constant 4096 : i32
        %add3A_683 = vector.broadcast %add3A_682 : i32 to vector<16xi32>
        %add3A_684 = arith.addi %add3A_681, %add3A_683 : vector<16xi32>
        tpu.vector_store_idx %arg8[%add3A_684], %get3A_653 {add = true} : memref<65536xf32, #tpu.memory_space<vmem>>[vector<16xi32>], vector<16xf32>,
        %add3A_685 = arith.constant 8192 : i32
        %add3A_686 = vector.broadcast %add3A_685 : i32 to vector<16xi32>
        %add3A_687 = arith.addi %add3A_681, %add3A_686 : vector<16xi32>
        tpu.vector_store_idx %arg8[%add3A_687], %get3A_658 {add = true} : memref<65536xf32, #tpu.memory_space<vmem>>[vector<16xi32>], vector<16xf32>,
        %add3A_688 = arith.constant 12288 : i32
        %add3A_689 = vector.broadcast %add3A_688 : i32 to vector<16xi32>
        %add3A_690 = arith.addi %add3A_681, %add3A_689 : vector<16xi32>
        tpu.vector_store_idx %arg8[%add3A_690], %broadcast_in_dim3A_2 {add = true} : memref<65536xf32, #tpu.memory_space<vmem>>[vector<16xi32>], vector<16xf32>,
        %mul3A_691 = arith.constant 4 : i32
        %mul3A_692 = arith.muli %arg0, %mul3A_691 : i32
        %add3A_693 = arith.constant 3 : i32
        %add3A_694 = arith.addi %mul3A_692, %add3A_693 : i32
        %get3A_695 = arith.index_cast %add3A_694 : i32 to index
        %get3A_696 = arith.index_cast %mul3A_543 : i32 to index
        %get3A_697 = tpu.vector_load %arg6[%get3A_695, %get3A_696] {strides = array<i32>} : memref<24x512xf32, #tpu.memory_space<vmem>>, vector<16xf32>,
        %add3A_698 = arith.constant 8 : i32
        %add3A_699 = arith.addi %add3A_698, %add3A_694 : i32
        %get3A_700 = arith.index_cast %add3A_699 : i32 to index
        %get3A_701 = arith.index_cast %mul3A_543 : i32 to index
        %get3A_702 = tpu.vector_load %arg6[%get3A_700, %get3A_701] {strides = array<i32>} : memref<24x512xf32, #tpu.memory_space<vmem>>, vector<16xf32>,
        %add3A_703 = arith.constant 16 : i32
        %add3A_704 = arith.addi %add3A_703, %add3A_694 : i32
        %get3A_705 = arith.index_cast %add3A_704 : i32 to index
        %get3A_706 = arith.index_cast %mul3A_543 : i32 to index
        %get3A_707 = tpu.vector_load %arg6[%get3A_705, %get3A_706] {strides = array<i32>} : memref<24x512xf32, #tpu.memory_space<vmem>>, vector<16xf32>,
        %mul3A_708 = arith.constant 1.600000e+01 : f32
        %mul3A_709 = vector.broadcast %mul3A_708 : f32 to vector<16xf32>
        %mul3A_710 = arith.mulf %get3A_697, %mul3A_709 : vector<16xf32>
        %convert_element_type3A_711 = arith.fptosi %mul3A_710 : vector<16xf32> to vector<16xi32>
        %mul3A_712 = arith.constant 1.600000e+01 : f32
        %mul3A_713 = vector.broadcast %mul3A_712 : f32 to vector<16xf32>
        %mul3A_714 = arith.mulf %get3A_702, %mul3A_713 : vector<16xf32>
        %convert_element_type3A_715 = arith.fptosi %mul3A_714 : vector<16xf32> to vector<16xi32>
        %mul3A_716 = arith.constant 1.600000e+01 : f32
        %mul3A_717 = vector.broadcast %mul3A_716 : f32 to vector<16xf32>
        %mul3A_718 = arith.mulf %get3A_707, %mul3A_717 : vector<16xf32>
        %convert_element_type3A_719 = arith.fptosi %mul3A_718 : vector<16xf32> to vector<16xi32>
        %shift_left3A_720 = arith.constant 8 : i32
        %shift_left3A_721 = vector.broadcast %shift_left3A_720 : i32 to vector<16xi32>
        %shift_left3A_722 = arith.shli %convert_element_type3A_711, %shift_left3A_721 : vector<16xi32>
        %shift_left3A_723 = arith.constant 4 : i32
        %shift_left3A_724 = vector.broadcast %shift_left3A_723 : i32 to vector<16xi32>
        %shift_left3A_725 = arith.shli %convert_element_type3A_715, %shift_left3A_724 : vector<16xi32>
        %or3A_726 = arith.ori %shift_left3A_722, %shift_left3A_725 : vector<16xi32>
        %or3A_727 = arith.ori %or3A_726, %convert_element_type3A_719 : vector<16xi32>
        %add3A_728 = arith.constant 49152 : i32
        %add3A_729 = vector.broadcast %add3A_728 : i32 to vector<16xi32>
        %add3A_730 = arith.addi %or3A_727, %add3A_729 : vector<16xi32>
        tpu.vector_store_idx %arg8[%add3A_730], %get3A_697 {add = true} : memref<65536xf32, #tpu.memory_space<vmem>>[vector<16xi32>], vector<16xf32>,
        %add3A_731 = arith.constant 4096 : i32
        %add3A_732 = vector.broadcast %add3A_731 : i32 to vector<16xi32>
        %add3A_733 = arith.addi %add3A_730, %add3A_732 : vector<16xi32>
        tpu.vector_store_idx %arg8[%add3A_733], %get3A_702 {add = true} : memref<65536xf32, #tpu.memory_space<vmem>>[vector<16xi32>], vector<16xf32>,
        %add3A_734 = arith.constant 8192 : i32
        %add3A_735 = vector.broadcast %add3A_734 : i32 to vector<16xi32>
        %add3A_736 = arith.addi %add3A_730, %add3A_735 : vector<16xi32>
        tpu.vector_store_idx %arg8[%add3A_736], %get3A_707 {add = true} : memref<65536xf32, #tpu.memory_space<vmem>>[vector<16xi32>], vector<16xf32>,
        %add3A_737 = arith.constant 12288 : i32
        %add3A_738 = vector.broadcast %add3A_737 : i32 to vector<16xi32>
        %add3A_739 = arith.addi %add3A_730, %add3A_738 : vector<16xi32>
        tpu.vector_store_idx %arg8[%add3A_739], %broadcast_in_dim3A_2 {add = true} : memref<65536xf32, #tpu.memory_space<vmem>>[vector<16xi32>], vector<16xf32>,
        %mul3A_740 = arith.constant 4 : i32
        %mul3A_741 = arith.muli %scan3A_136, %mul3A_740 : i32
        %add3A_742 = arith.constant 3 : i32
        %add3A_743 = arith.addi %mul3A_741, %add3A_742 : i32
        %mul3A_744 = arith.constant 16 : i32
        %mul3A_745 = arith.muli %add3A_743, %mul3A_744 : i32
        %mul3A_746 = arith.constant 4 : i32
        %mul3A_747 = arith.muli %arg0, %mul3A_746 : i32
        %add3A_748 = arith.constant 0 : i32
        %add3A_749 = arith.addi %mul3A_747, %add3A_748 : i32
        %get3A_750 = arith.index_cast %add3A_749 : i32 to index
        %get3A_751 = arith.index_cast %mul3A_745 : i32 to index
        %get3A_752 = tpu.vector_load %arg6[%get3A_750, %get3A_751] {strides = array<i32>} : memref<24x512xf32, #tpu.memory_space<vmem>>, vector<16xf32>,
        %add3A_753 = arith.constant 8 : i32
        %add3A_754 = arith.addi %add3A_753, %add3A_749 : i32
        %get3A_755 = arith.index_cast %add3A_754 : i32 to index
        %get3A_756 = arith.index_cast %mul3A_745 : i32 to index
        %get3A_757 = tpu.vector_load %arg6[%get3A_755, %get3A_756] {strides = array<i32>} : memref<24x512xf32, #tpu.memory_space<vmem>>, vector<16xf32>,
        %add3A_758 = arith.constant 16 : i32
        %add3A_759 = arith.addi %add3A_758, %add3A_749 : i32
        %get3A_760 = arith.index_cast %add3A_759 : i32 to index
        %get3A_761 = arith.index_cast %mul3A_745 : i32 to index
        %get3A_762 = tpu.vector_load %arg6[%get3A_760, %get3A_761] {strides = array<i32>} : memref<24x512xf32, #tpu.memory_space<vmem>>, vector<16xf32>,
        %mul3A_763 = arith.constant 1.600000e+01 : f32
        %mul3A_764 = vector.broadcast %mul3A_763 : f32 to vector<16xf32>
        %mul3A_765 = arith.mulf %get3A_752, %mul3A_764 : vector<16xf32>
        %convert_element_type3A_766 = arith.fptosi %mul3A_765 : vector<16xf32> to vector<16xi32>
        %mul3A_767 = arith.constant 1.600000e+01 : f32
        %mul3A_768 = vector.broadcast %mul3A_767 : f32 to vector<16xf32>
        %mul3A_769 = arith.mulf %get3A_757, %mul3A_768 : vector<16xf32>
        %convert_element_type3A_770 = arith.fptosi %mul3A_769 : vector<16xf32> to vector<16xi32>
        %mul3A_771 = arith.constant 1.600000e+01 : f32
        %mul3A_772 = vector.broadcast %mul3A_771 : f32 to vector<16xf32>
        %mul3A_773 = arith.mulf %get3A_762, %mul3A_772 : vector<16xf32>
        %convert_element_type3A_774 = arith.fptosi %mul3A_773 : vector<16xf32> to vector<16xi32>
        %shift_left3A_775 = arith.constant 8 : i32
        %shift_left3A_776 = vector.broadcast %shift_left3A_775 : i32 to vector<16xi32>
        %shift_left3A_777 = arith.shli %convert_element_type3A_766, %shift_left3A_776 : vector<16xi32>
        %shift_left3A_778 = arith.constant 4 : i32
        %shift_left3A_779 = vector.broadcast %shift_left3A_778 : i32 to vector<16xi32>
        %shift_left3A_780 = arith.shli %convert_element_type3A_770, %shift_left3A_779 : vector<16xi32>
        %or3A_781 = arith.ori %shift_left3A_777, %shift_left3A_780 : vector<16xi32>
        %or3A_782 = arith.ori %or3A_781, %convert_element_type3A_774 : vector<16xi32>
        %add3A_783 = arith.constant 0 : i32
        %add3A_784 = vector.broadcast %add3A_783 : i32 to vector<16xi32>
        %add3A_785 = arith.addi %or3A_782, %add3A_784 : vector<16xi32>
        tpu.vector_store_idx %arg8[%add3A_785], %get3A_752 {add = true} : memref<65536xf32, #tpu.memory_space<vmem>>[vector<16xi32>], vector<16xf32>,
        %add3A_786 = arith.constant 4096 : i32
        %add3A_787 = vector.broadcast %add3A_786 : i32 to vector<16xi32>
        %add3A_788 = arith.addi %add3A_785, %add3A_787 : vector<16xi32>
        tpu.vector_store_idx %arg8[%add3A_788], %get3A_757 {add = true} : memref<65536xf32, #tpu.memory_space<vmem>>[vector<16xi32>], vector<16xf32>,
        %add3A_789 = arith.constant 8192 : i32
        %add3A_790 = vector.broadcast %add3A_789 : i32 to vector<16xi32>
        %add3A_791 = arith.addi %add3A_785, %add3A_790 : vector<16xi32>
        tpu.vector_store_idx %arg8[%add3A_791], %get3A_762 {add = true} : memref<65536xf32, #tpu.memory_space<vmem>>[vector<16xi32>], vector<16xf32>,
        %add3A_792 = arith.constant 12288 : i32
        %add3A_793 = vector.broadcast %add3A_792 : i32 to vector<16xi32>
        %add3A_794 = arith.addi %add3A_785, %add3A_793 : vector<16xi32>
        tpu.vector_store_idx %arg8[%add3A_794], %broadcast_in_dim3A_2 {add = true} : memref<65536xf32, #tpu.memory_space<vmem>>[vector<16xi32>], vector<16xf32>,
        %mul3A_795 = arith.constant 4 : i32
        %mul3A_796 = arith.muli %arg0, %mul3A_795 : i32
        %add3A_797 = arith.constant 1 : i32
        %add3A_798 = arith.addi %mul3A_796, %add3A_797 : i32
        %get3A_799 = arith.index_cast %add3A_798 : i32 to index
        %get3A_800 = arith.index_cast %mul3A_745 : i32 to index
        %get3A_801 = tpu.vector_load %arg6[%get3A_799, %get3A_800] {strides = array<i32>} : memref<24x512xf32, #tpu.memory_space<vmem>>, vector<16xf32>,
        %add3A_802 = arith.constant 8 : i32
        %add3A_803 = arith.addi %add3A_802, %add3A_798 : i32
        %get3A_804 = arith.index_cast %add3A_803 : i32 to index
        %get3A_805 = arith.index_cast %mul3A_745 : i32 to index
        %get3A_806 = tpu.vector_load %arg6[%get3A_804, %get3A_805] {strides = array<i32>} : memref<24x512xf32, #tpu.memory_space<vmem>>, vector<16xf32>,
        %add3A_807 = arith.constant 16 : i32
        %add3A_808 = arith.addi %add3A_807, %add3A_798 : i32
        %get3A_809 = arith.index_cast %add3A_808 : i32 to index
        %get3A_810 = arith.index_cast %mul3A_745 : i32 to index
        %get3A_811 = tpu.vector_load %arg6[%get3A_809, %get3A_810] {strides = array<i32>} : memref<24x512xf32, #tpu.memory_space<vmem>>, vector<16xf32>,
        %mul3A_812 = arith.constant 1.600000e+01 : f32
        %mul3A_813 = vector.broadcast %mul3A_812 : f32 to vector<16xf32>
        %mul3A_814 = arith.mulf %get3A_801, %mul3A_813 : vector<16xf32>
        %convert_element_type3A_815 = arith.fptosi %mul3A_814 : vector<16xf32> to vector<16xi32>
        %mul3A_816 = arith.constant 1.600000e+01 : f32
        %mul3A_817 = vector.broadcast %mul3A_816 : f32 to vector<16xf32>
        %mul3A_818 = arith.mulf %get3A_806, %mul3A_817 : vector<16xf32>
        %convert_element_type3A_819 = arith.fptosi %mul3A_818 : vector<16xf32> to vector<16xi32>
        %mul3A_820 = arith.constant 1.600000e+01 : f32
        %mul3A_821 = vector.broadcast %mul3A_820 : f32 to vector<16xf32>
        %mul3A_822 = arith.mulf %get3A_811, %mul3A_821 : vector<16xf32>
        %convert_element_type3A_823 = arith.fptosi %mul3A_822 : vector<16xf32> to vector<16xi32>
        %shift_left3A_824 = arith.constant 8 : i32
        %shift_left3A_825 = vector.broadcast %shift_left3A_824 : i32 to vector<16xi32>
        %shift_left3A_826 = arith.shli %convert_element_type3A_815, %shift_left3A_825 : vector<16xi32>
        %shift_left3A_827 = arith.constant 4 : i32
        %shift_left3A_828 = vector.broadcast %shift_left3A_827 : i32 to vector<16xi32>
        %shift_left3A_829 = arith.shli %convert_element_type3A_819, %shift_left3A_828 : vector<16xi32>
        %or3A_830 = arith.ori %shift_left3A_826, %shift_left3A_829 : vector<16xi32>
        %or3A_831 = arith.ori %or3A_830, %convert_element_type3A_823 : vector<16xi32>
        %add3A_832 = arith.constant 16384 : i32
        %add3A_833 = vector.broadcast %add3A_832 : i32 to vector<16xi32>
        %add3A_834 = arith.addi %or3A_831, %add3A_833 : vector<16xi32>
        tpu.vector_store_idx %arg8[%add3A_834], %get3A_801 {add = true} : memref<65536xf32, #tpu.memory_space<vmem>>[vector<16xi32>], vector<16xf32>,
        %add3A_835 = arith.constant 4096 : i32
        %add3A_836 = vector.broadcast %add3A_835 : i32 to vector<16xi32>
        %add3A_837 = arith.addi %add3A_834, %add3A_836 : vector<16xi32>
        tpu.vector_store_idx %arg8[%add3A_837], %get3A_806 {add = true} : memref<65536xf32, #tpu.memory_space<vmem>>[vector<16xi32>], vector<16xf32>,
        %add3A_838 = arith.constant 8192 : i32
        %add3A_839 = vector.broadcast %add3A_838 : i32 to vector<16xi32>
        %add3A_840 = arith.addi %add3A_834, %add3A_839 : vector<16xi32>
        tpu.vector_store_idx %arg8[%add3A_840], %get3A_811 {add = true} : memref<65536xf32, #tpu.memory_space<vmem>>[vector<16xi32>], vector<16xf32>,
        %add3A_841 = arith.constant 12288 : i32
        %add3A_842 = vector.broadcast %add3A_841 : i32 to vector<16xi32>
        %add3A_843 = arith.addi %add3A_834, %add3A_842 : vector<16xi32>
        tpu.vector_store_idx %arg8[%add3A_843], %broadcast_in_dim3A_2 {add = true} : memref<65536xf32, #tpu.memory_space<vmem>>[vector<16xi32>], vector<16xf32>,
        %mul3A_844 = arith.constant 4 : i32
        %mul3A_845 = arith.muli %arg0, %mul3A_844 : i32
        %add3A_846 = arith.constant 2 : i32
        %add3A_847 = arith.addi %mul3A_845, %add3A_846 : i32
        %get3A_848 = arith.index_cast %add3A_847 : i32 to index
        %get3A_849 = arith.index_cast %mul3A_745 : i32 to index
        %get3A_850 = tpu.vector_load %arg6[%get3A_848, %get3A_849] {strides = array<i32>} : memref<24x512xf32, #tpu.memory_space<vmem>>, vector<16xf32>,
        %add3A_851 = arith.constant 8 : i32
        %add3A_852 = arith.addi %add3A_851, %add3A_847 : i32
        %get3A_853 = arith.index_cast %add3A_852 : i32 to index
        %get3A_854 = arith.index_cast %mul3A_745 : i32 to index
        %get3A_855 = tpu.vector_load %arg6[%get3A_853, %get3A_854] {strides = array<i32>} : memref<24x512xf32, #tpu.memory_space<vmem>>, vector<16xf32>,
        %add3A_856 = arith.constant 16 : i32
        %add3A_857 = arith.addi %add3A_856, %add3A_847 : i32
        %get3A_858 = arith.index_cast %add3A_857 : i32 to index
        %get3A_859 = arith.index_cast %mul3A_745 : i32 to index
        %get3A_860 = tpu.vector_load %arg6[%get3A_858, %get3A_859] {strides = array<i32>} : memref<24x512xf32, #tpu.memory_space<vmem>>, vector<16xf32>,
        %mul3A_861 = arith.constant 1.600000e+01 : f32
        %mul3A_862 = vector.broadcast %mul3A_861 : f32 to vector<16xf32>
        %mul3A_863 = arith.mulf %get3A_850, %mul3A_862 : vector<16xf32>
        %convert_element_type3A_864 = arith.fptosi %mul3A_863 : vector<16xf32> to vector<16xi32>
        %mul3A_865 = arith.constant 1.600000e+01 : f32
        %mul3A_866 = vector.broadcast %mul3A_865 : f32 to vector<16xf32>
        %mul3A_867 = arith.mulf %get3A_855, %mul3A_866 : vector<16xf32>
        %convert_element_type3A_868 = arith.fptosi %mul3A_867 : vector<16xf32> to vector<16xi32>
        %mul3A_869 = arith.constant 1.600000e+01 : f32
        %mul3A_870 = vector.broadcast %mul3A_869 : f32 to vector<16xf32>
        %mul3A_871 = arith.mulf %get3A_860, %mul3A_870 : vector<16xf32>
        %convert_element_type3A_872 = arith.fptosi %mul3A_871 : vector<16xf32> to vector<16xi32>
        %shift_left3A_873 = arith.constant 8 : i32
        %shift_left3A_874 = vector.broadcast %shift_left3A_873 : i32 to vector<16xi32>
        %shift_left3A_875 = arith.shli %convert_element_type3A_864, %shift_left3A_874 : vector<16xi32>
        %shift_left3A_876 = arith.constant 4 : i32
        %shift_left3A_877 = vector.broadcast %shift_left3A_876 : i32 to vector<16xi32>
        %shift_left3A_878 = arith.shli %convert_element_type3A_868, %shift_left3A_877 : vector<16xi32>
        %or3A_879 = arith.ori %shift_left3A_875, %shift_left3A_878 : vector<16xi32>
        %or3A_880 = arith.ori %or3A_879, %convert_element_type3A_872 : vector<16xi32>
        %add3A_881 = arith.constant 32768 : i32
        %add3A_882 = vector.broadcast %add3A_881 : i32 to vector<16xi32>
        %add3A_883 = arith.addi %or3A_880, %add3A_882 : vector<16xi32>
        tpu.vector_store_idx %arg8[%add3A_883], %get3A_850 {add = true} : memref<65536xf32, #tpu.memory_space<vmem>>[vector<16xi32>], vector<16xf32>,
        %add3A_884 = arith.constant 4096 : i32
        %add3A_885 = vector.broadcast %add3A_884 : i32 to vector<16xi32>
        %add3A_886 = arith.addi %add3A_883, %add3A_885 : vector<16xi32>
        tpu.vector_store_idx %arg8[%add3A_886], %get3A_855 {add = true} : memref<65536xf32, #tpu.memory_space<vmem>>[vector<16xi32>], vector<16xf32>,
        %add3A_887 = arith.constant 8192 : i32
        %add3A_888 = vector.broadcast %add3A_887 : i32 to vector<16xi32>
        %add3A_889 = arith.addi %add3A_883, %add3A_888 : vector<16xi32>
        tpu.vector_store_idx %arg8[%add3A_889], %get3A_860 {add = true} : memref<65536xf32, #tpu.memory_space<vmem>>[vector<16xi32>], vector<16xf32>,
        %add3A_890 = arith.constant 12288 : i32
        %add3A_891 = vector.broadcast %add3A_890 : i32 to vector<16xi32>
        %add3A_892 = arith.addi %add3A_883, %add3A_891 : vector<16xi32>
        tpu.vector_store_idx %arg8[%add3A_892], %broadcast_in_dim3A_2 {add = true} : memref<65536xf32, #tpu.memory_space<vmem>>[vector<16xi32>], vector<16xf32>,
        %mul3A_893 = arith.constant 4 : i32
        %mul3A_894 = arith.muli %arg0, %mul3A_893 : i32
        %add3A_895 = arith.constant 3 : i32
        %add3A_896 = arith.addi %mul3A_894, %add3A_895 : i32
        %get3A_897 = arith.index_cast %add3A_896 : i32 to index
        %get3A_898 = arith.index_cast %mul3A_745 : i32 to index
        %get3A_899 = tpu.vector_load %arg6[%get3A_897, %get3A_898] {strides = array<i32>} : memref<24x512xf32, #tpu.memory_space<vmem>>, vector<16xf32>,
        %add3A_900 = arith.constant 8 : i32
        %add3A_901 = arith.addi %add3A_900, %add3A_896 : i32
        %get3A_902 = arith.index_cast %add3A_901 : i32 to index
        %get3A_903 = arith.index_cast %mul3A_745 : i32 to index
        %get3A_904 = tpu.vector_load %arg6[%get3A_902, %get3A_903] {strides = array<i32>} : memref<24x512xf32, #tpu.memory_space<vmem>>, vector<16xf32>,
        %add3A_905 = arith.constant 16 : i32
        %add3A_906 = arith.addi %add3A_905, %add3A_896 : i32
        %get3A_907 = arith.index_cast %add3A_906 : i32 to index
        %get3A_908 = arith.index_cast %mul3A_745 : i32 to index
        %get3A_909 = tpu.vector_load %arg6[%get3A_907, %get3A_908] {strides = array<i32>} : memref<24x512xf32, #tpu.memory_space<vmem>>, vector<16xf32>,
        %mul3A_910 = arith.constant 1.600000e+01 : f32
        %mul3A_911 = vector.broadcast %mul3A_910 : f32 to vector<16xf32>
        %mul3A_912 = arith.mulf %get3A_899, %mul3A_911 : vector<16xf32>
        %convert_element_type3A_913 = arith.fptosi %mul3A_912 : vector<16xf32> to vector<16xi32>
        %mul3A_914 = arith.constant 1.600000e+01 : f32
        %mul3A_915 = vector.broadcast %mul3A_914 : f32 to vector<16xf32>
        %mul3A_916 = arith.mulf %get3A_904, %mul3A_915 : vector<16xf32>
        %convert_element_type3A_917 = arith.fptosi %mul3A_916 : vector<16xf32> to vector<16xi32>
        %mul3A_918 = arith.constant 1.600000e+01 : f32
        %mul3A_919 = vector.broadcast %mul3A_918 : f32 to vector<16xf32>
        %mul3A_920 = arith.mulf %get3A_909, %mul3A_919 : vector<16xf32>
        %convert_element_type3A_921 = arith.fptosi %mul3A_920 : vector<16xf32> to vector<16xi32>
        %shift_left3A_922 = arith.constant 8 : i32
        %shift_left3A_923 = vector.broadcast %shift_left3A_922 : i32 to vector<16xi32>
        %shift_left3A_924 = arith.shli %convert_element_type3A_913, %shift_left3A_923 : vector<16xi32>
        %shift_left3A_925 = arith.constant 4 : i32
        %shift_left3A_926 = vector.broadcast %shift_left3A_925 : i32 to vector<16xi32>
        %shift_left3A_927 = arith.shli %convert_element_type3A_917, %shift_left3A_926 : vector<16xi32>
        %or3A_928 = arith.ori %shift_left3A_924, %shift_left3A_927 : vector<16xi32>
        %or3A_929 = arith.ori %or3A_928, %convert_element_type3A_921 : vector<16xi32>
        %add3A_930 = arith.constant 49152 : i32
        %add3A_931 = vector.broadcast %add3A_930 : i32 to vector<16xi32>
        %add3A_932 = arith.addi %or3A_929, %add3A_931 : vector<16xi32>
        tpu.vector_store_idx %arg8[%add3A_932], %get3A_899 {add = true} : memref<65536xf32, #tpu.memory_space<vmem>>[vector<16xi32>], vector<16xf32>,
        %add3A_933 = arith.constant 4096 : i32
        %add3A_934 = vector.broadcast %add3A_933 : i32 to vector<16xi32>
        %add3A_935 = arith.addi %add3A_932, %add3A_934 : vector<16xi32>
        tpu.vector_store_idx %arg8[%add3A_935], %get3A_904 {add = true} : memref<65536xf32, #tpu.memory_space<vmem>>[vector<16xi32>], vector<16xf32>,
        %add3A_936 = arith.constant 8192 : i32
        %add3A_937 = vector.broadcast %add3A_936 : i32 to vector<16xi32>
        %add3A_938 = arith.addi %add3A_932, %add3A_937 : vector<16xi32>
        tpu.vector_store_idx %arg8[%add3A_938], %get3A_909 {add = true} : memref<65536xf32, #tpu.memory_space<vmem>>[vector<16xi32>], vector<16xf32>,
        %add3A_939 = arith.constant 12288 : i32
        %add3A_940 = vector.broadcast %add3A_939 : i32 to vector<16xi32>
        %add3A_941 = arith.addi %add3A_932, %add3A_940 : vector<16xi32>
        tpu.vector_store_idx %arg8[%add3A_941], %broadcast_in_dim3A_2 {add = true} : memref<65536xf32, #tpu.memory_space<vmem>>[vector<16xi32>], vector<16xf32>,
      }
      %scan3A_111 = arith.constant 8 : i32
      %mul3A_112 = arith.constant 3 : i32
      %mul3A_113 = arith.muli %mul3A_112, %scan3A_63 : i32
      %add3A_114 = arith.constant 2 : i32
      %add3A_115 = arith.addi %mul3A_113, %add3A_114 : i32
      %mul3A_116 = arith.constant 512 : i32
      %mul3A_117 = arith.muli %add3A_115, %mul3A_116 : i32
      %add3A_118 = arith.addi %mul3A_9, %mul3A_117 : i32
      %dma_wait3A_119 = arith.constant 0 : i32
      %dma_wait3A_120 = tpu.memref_slice %arg2[%dma_wait3A_119, %add3A_118] : memref<24x500000xf32, #tpu.memory_space<hbm>> -> memref<24x512xf32, #tpu.memory_space<hbm>>
      %dma_wait3A_121 = arith.constant 0 : i32
      %dma_wait3A_122 = tpu.memref_slice %arg2[%dma_wait3A_121, %add3A_118] : memref<24x500000xf32, #tpu.memory_space<hbm>> -> memref<24x512xf32, #tpu.memory_space<hbm>>
      tpu.wait_dma2 semaphore(%arg15 : memref<!tpu.dma_semaphore, #tpu.memory_space<semaphore_mem>>) src(%dma_wait3A_122 : memref<24x512xf32, #tpu.memory_space<hbm>>) dst(%arg7 : memref<24x512xf32, #tpu.memory_space<vmem>>)
      %add3A_123 = arith.constant 2 : i32
      %add3A_124 = arith.addi %add3A_115, %add3A_123 : i32
      %lt3A_125 = arith.constant 61 : i32
      %lt3A_126 = arith.cmpi slt, %add3A_124, %lt3A_125 : i32
      %convert_element_type3A_127 = arith.extui %lt3A_126 : i1 to i32
      %cond3A_128 = arith.constant 0 : i32
      %cond3A_129 = arith.cmpi ne, %convert_element_type3A_127, %cond3A_128 : i32
      scf.if %cond3A_129 {
        %add3A_136 = arith.constant 2 : i32
        %add3A_137 = arith.addi %add3A_115, %add3A_136 : i32
        %mul3A_138 = arith.constant 512 : i32
        %mul3A_139 = arith.muli %add3A_137, %mul3A_138 : i32
        %add3A_140 = arith.addi %mul3A_9, %mul3A_139 : i32
        %dma_start3A_141 = arith.constant 0 : i32
        %dma_start3A_142 = tpu.memref_slice %arg2[%dma_start3A_141, %add3A_140] : memref<24x500000xf32, #tpu.memory_space<hbm>> -> memref<24x512xf32, #tpu.memory_space<hbm>>
        %dma_start3A_143 = arith.constant 0 : i32
        %dma_start3A_144 = tpu.memref_slice %arg2[%dma_start3A_143, %add3A_140] : memref<24x500000xf32, #tpu.memory_space<hbm>> -> memref<24x512xf32, #tpu.memory_space<hbm>>
        tpu.enqueue_dma source(%dma_start3A_144 : memref<24x512xf32, #tpu.memory_space<hbm>>) target(%arg6 : memref<24x512xf32, #tpu.memory_space<vmem>>) target_semaphore(%arg14 : memref<!tpu.dma_semaphore, #tpu.memory_space<semaphore_mem>>)
      } else {
      }
      %scan3A_130 = arith.constant 0 : i32
      %scan3A_131 = arith.constant 0 : i32
      %scan3A_132 = arith.constant 8 : i32
      %scan3A_133 = arith.addi %scan3A_131, %scan3A_132 : i32
      %scan3A_134 = arith.constant 1 : i32
      scf.for %scan3A_136 = %scan3A_131 to %scan3A_133 step %scan3A_134  : i32 {
        %mul3A_137 = arith.constant 4 : i32
        %mul3A_138 = arith.muli %scan3A_136, %mul3A_137 : i32
        %add3A_139 = arith.constant 0 : i32
        %add3A_140 = arith.addi %mul3A_138, %add3A_139 : i32
        %mul3A_141 = arith.constant 16 : i32
        %mul3A_142 = arith.muli %add3A_140, %mul3A_141 : i32
        %mul3A_143 = arith.constant 4 : i32
        %mul3A_144 = arith.muli %arg0, %mul3A_143 : i32
        %add3A_145 = arith.constant 0 : i32
        %add3A_146 = arith.addi %mul3A_144, %add3A_145 : i32
        %get3A = arith.index_cast %add3A_146 : i32 to index
        %get3A_147 = arith.index_cast %mul3A_142 : i32 to index
        %get3A_148 = tpu.vector_load %arg7[%get3A, %get3A_147] {strides = array<i32>} : memref<24x512xf32, #tpu.memory_space<vmem>>, vector<16xf32>,
        %add3A_149 = arith.constant 8 : i32
        %add3A_150 = arith.addi %add3A_149, %add3A_146 : i32
        %get3A_151 = arith.index_cast %add3A_150 : i32 to index
        %get3A_152 = arith.index_cast %mul3A_142 : i32 to index
        %get3A_153 = tpu.vector_load %arg7[%get3A_151, %get3A_152] {strides = array<i32>} : memref<24x512xf32, #tpu.memory_space<vmem>>, vector<16xf32>,
        %add3A_154 = arith.constant 16 : i32
        %add3A_155 = arith.addi %add3A_154, %add3A_146 : i32
        %get3A_156 = arith.index_cast %add3A_155 : i32 to index
        %get3A_157 = arith.index_cast %mul3A_142 : i32 to index
        %get3A_158 = tpu.vector_load %arg7[%get3A_156, %get3A_157] {strides = array<i32>} : memref<24x512xf32, #tpu.memory_space<vmem>>, vector<16xf32>,
        %mul3A_159 = arith.constant 1.600000e+01 : f32
        %mul3A_160 = vector.broadcast %mul3A_159 : f32 to vector<16xf32>
        %mul3A_161 = arith.mulf %get3A_148, %mul3A_160 : vector<16xf32>
        %convert_element_type3A_162 = arith.fptosi %mul3A_161 : vector<16xf32> to vector<16xi32>
        %mul3A_163 = arith.constant 1.600000e+01 : f32
        %mul3A_164 = vector.broadcast %mul3A_163 : f32 to vector<16xf32>
        %mul3A_165 = arith.mulf %get3A_153, %mul3A_164 : vector<16xf32>
        %convert_element_type3A_166 = arith.fptosi %mul3A_165 : vector<16xf32> to vector<16xi32>
        %mul3A_167 = arith.constant 1.600000e+01 : f32
        %mul3A_168 = vector.broadcast %mul3A_167 : f32 to vector<16xf32>
        %mul3A_169 = arith.mulf %get3A_158, %mul3A_168 : vector<16xf32>
        %convert_element_type3A_170 = arith.fptosi %mul3A_169 : vector<16xf32> to vector<16xi32>
        %shift_left3A = arith.constant 8 : i32
        %shift_left3A_171 = vector.broadcast %shift_left3A : i32 to vector<16xi32>
        %shift_left3A_172 = arith.shli %convert_element_type3A_162, %shift_left3A_171 : vector<16xi32>
        %shift_left3A_173 = arith.constant 4 : i32
        %shift_left3A_174 = vector.broadcast %shift_left3A_173 : i32 to vector<16xi32>
        %shift_left3A_175 = arith.shli %convert_element_type3A_166, %shift_left3A_174 : vector<16xi32>
        %or3A = arith.ori %shift_left3A_172, %shift_left3A_175 : vector<16xi32>
        %or3A_176 = arith.ori %or3A, %convert_element_type3A_170 : vector<16xi32>
        %add3A_177 = arith.constant 0 : i32
        %add3A_178 = vector.broadcast %add3A_177 : i32 to vector<16xi32>
        %add3A_179 = arith.addi %or3A_176, %add3A_178 : vector<16xi32>
        tpu.vector_store_idx %arg8[%add3A_179], %get3A_148 {add = true} : memref<65536xf32, #tpu.memory_space<vmem>>[vector<16xi32>], vector<16xf32>,
        %add3A_180 = arith.constant 4096 : i32
        %add3A_181 = vector.broadcast %add3A_180 : i32 to vector<16xi32>
        %add3A_182 = arith.addi %add3A_179, %add3A_181 : vector<16xi32>
        tpu.vector_store_idx %arg8[%add3A_182], %get3A_153 {add = true} : memref<65536xf32, #tpu.memory_space<vmem>>[vector<16xi32>], vector<16xf32>,
        %add3A_183 = arith.constant 8192 : i32
        %add3A_184 = vector.broadcast %add3A_183 : i32 to vector<16xi32>
        %add3A_185 = arith.addi %add3A_179, %add3A_184 : vector<16xi32>
        tpu.vector_store_idx %arg8[%add3A_185], %get3A_158 {add = true} : memref<65536xf32, #tpu.memory_space<vmem>>[vector<16xi32>], vector<16xf32>,
        %add3A_186 = arith.constant 12288 : i32
        %add3A_187 = vector.broadcast %add3A_186 : i32 to vector<16xi32>
        %add3A_188 = arith.addi %add3A_179, %add3A_187 : vector<16xi32>
        tpu.vector_store_idx %arg8[%add3A_188], %broadcast_in_dim3A_2 {add = true} : memref<65536xf32, #tpu.memory_space<vmem>>[vector<16xi32>], vector<16xf32>,
        %mul3A_189 = arith.constant 4 : i32
        %mul3A_190 = arith.muli %arg0, %mul3A_189 : i32
        %add3A_191 = arith.constant 1 : i32
        %add3A_192 = arith.addi %mul3A_190, %add3A_191 : i32
        %get3A_193 = arith.index_cast %add3A_192 : i32 to index
        %get3A_194 = arith.index_cast %mul3A_142 : i32 to index
        %get3A_195 = tpu.vector_load %arg7[%get3A_193, %get3A_194] {strides = array<i32>} : memref<24x512xf32, #tpu.memory_space<vmem>>, vector<16xf32>,
        %add3A_196 = arith.constant 8 : i32
        %add3A_197 = arith.addi %add3A_196, %add3A_192 : i32
        %get3A_198 = arith.index_cast %add3A_197 : i32 to index
        %get3A_199 = arith.index_cast %mul3A_142 : i32 to index
        %get3A_200 = tpu.vector_load %arg7[%get3A_198, %get3A_199] {strides = array<i32>} : memref<24x512xf32, #tpu.memory_space<vmem>>, vector<16xf32>,
        %add3A_201 = arith.constant 16 : i32
        %add3A_202 = arith.addi %add3A_201, %add3A_192 : i32
        %get3A_203 = arith.index_cast %add3A_202 : i32 to index
        %get3A_204 = arith.index_cast %mul3A_142 : i32 to index
        %get3A_205 = tpu.vector_load %arg7[%get3A_203, %get3A_204] {strides = array<i32>} : memref<24x512xf32, #tpu.memory_space<vmem>>, vector<16xf32>,
        %mul3A_206 = arith.constant 1.600000e+01 : f32
        %mul3A_207 = vector.broadcast %mul3A_206 : f32 to vector<16xf32>
        %mul3A_208 = arith.mulf %get3A_195, %mul3A_207 : vector<16xf32>
        %convert_element_type3A_209 = arith.fptosi %mul3A_208 : vector<16xf32> to vector<16xi32>
        %mul3A_210 = arith.constant 1.600000e+01 : f32
        %mul3A_211 = vector.broadcast %mul3A_210 : f32 to vector<16xf32>
        %mul3A_212 = arith.mulf %get3A_200, %mul3A_211 : vector<16xf32>
        %convert_element_type3A_213 = arith.fptosi %mul3A_212 : vector<16xf32> to vector<16xi32>
        %mul3A_214 = arith.constant 1.600000e+01 : f32
        %mul3A_215 = vector.broadcast %mul3A_214 : f32 to vector<16xf32>
        %mul3A_216 = arith.mulf %get3A_205, %mul3A_215 : vector<16xf32>
        %convert_element_type3A_217 = arith.fptosi %mul3A_216 : vector<16xf32> to vector<16xi32>
        %shift_left3A_218 = arith.constant 8 : i32
        %shift_left3A_219 = vector.broadcast %shift_left3A_218 : i32 to vector<16xi32>
        %shift_left3A_220 = arith.shli %convert_element_type3A_209, %shift_left3A_219 : vector<16xi32>
        %shift_left3A_221 = arith.constant 4 : i32
        %shift_left3A_222 = vector.broadcast %shift_left3A_221 : i32 to vector<16xi32>
        %shift_left3A_223 = arith.shli %convert_element_type3A_213, %shift_left3A_222 : vector<16xi32>
        %or3A_224 = arith.ori %shift_left3A_220, %shift_left3A_223 : vector<16xi32>
        %or3A_225 = arith.ori %or3A_224, %convert_element_type3A_217 : vector<16xi32>
        %add3A_226 = arith.constant 16384 : i32
        %add3A_227 = vector.broadcast %add3A_226 : i32 to vector<16xi32>
        %add3A_228 = arith.addi %or3A_225, %add3A_227 : vector<16xi32>
        tpu.vector_store_idx %arg8[%add3A_228], %get3A_195 {add = true} : memref<65536xf32, #tpu.memory_space<vmem>>[vector<16xi32>], vector<16xf32>,
        %add3A_229 = arith.constant 4096 : i32
        %add3A_230 = vector.broadcast %add3A_229 : i32 to vector<16xi32>
        %add3A_231 = arith.addi %add3A_228, %add3A_230 : vector<16xi32>
        tpu.vector_store_idx %arg8[%add3A_231], %get3A_200 {add = true} : memref<65536xf32, #tpu.memory_space<vmem>>[vector<16xi32>], vector<16xf32>,
        %add3A_232 = arith.constant 8192 : i32
        %add3A_233 = vector.broadcast %add3A_232 : i32 to vector<16xi32>
        %add3A_234 = arith.addi %add3A_228, %add3A_233 : vector<16xi32>
        tpu.vector_store_idx %arg8[%add3A_234], %get3A_205 {add = true} : memref<65536xf32, #tpu.memory_space<vmem>>[vector<16xi32>], vector<16xf32>,
        %add3A_235 = arith.constant 12288 : i32
        %add3A_236 = vector.broadcast %add3A_235 : i32 to vector<16xi32>
        %add3A_237 = arith.addi %add3A_228, %add3A_236 : vector<16xi32>
        tpu.vector_store_idx %arg8[%add3A_237], %broadcast_in_dim3A_2 {add = true} : memref<65536xf32, #tpu.memory_space<vmem>>[vector<16xi32>], vector<16xf32>,
        %mul3A_238 = arith.constant 4 : i32
        %mul3A_239 = arith.muli %arg0, %mul3A_238 : i32
        %add3A_240 = arith.constant 2 : i32
        %add3A_241 = arith.addi %mul3A_239, %add3A_240 : i32
        %get3A_242 = arith.index_cast %add3A_241 : i32 to index
        %get3A_243 = arith.index_cast %mul3A_142 : i32 to index
        %get3A_244 = tpu.vector_load %arg7[%get3A_242, %get3A_243] {strides = array<i32>} : memref<24x512xf32, #tpu.memory_space<vmem>>, vector<16xf32>,
        %add3A_245 = arith.constant 8 : i32
        %add3A_246 = arith.addi %add3A_245, %add3A_241 : i32
        %get3A_247 = arith.index_cast %add3A_246 : i32 to index
        %get3A_248 = arith.index_cast %mul3A_142 : i32 to index
        %get3A_249 = tpu.vector_load %arg7[%get3A_247, %get3A_248] {strides = array<i32>} : memref<24x512xf32, #tpu.memory_space<vmem>>, vector<16xf32>,
        %add3A_250 = arith.constant 16 : i32
        %add3A_251 = arith.addi %add3A_250, %add3A_241 : i32
        %get3A_252 = arith.index_cast %add3A_251 : i32 to index
        %get3A_253 = arith.index_cast %mul3A_142 : i32 to index
        %get3A_254 = tpu.vector_load %arg7[%get3A_252, %get3A_253] {strides = array<i32>} : memref<24x512xf32, #tpu.memory_space<vmem>>, vector<16xf32>,
        %mul3A_255 = arith.constant 1.600000e+01 : f32
        %mul3A_256 = vector.broadcast %mul3A_255 : f32 to vector<16xf32>
        %mul3A_257 = arith.mulf %get3A_244, %mul3A_256 : vector<16xf32>
        %convert_element_type3A_258 = arith.fptosi %mul3A_257 : vector<16xf32> to vector<16xi32>
        %mul3A_259 = arith.constant 1.600000e+01 : f32
        %mul3A_260 = vector.broadcast %mul3A_259 : f32 to vector<16xf32>
        %mul3A_261 = arith.mulf %get3A_249, %mul3A_260 : vector<16xf32>
        %convert_element_type3A_262 = arith.fptosi %mul3A_261 : vector<16xf32> to vector<16xi32>
        %mul3A_263 = arith.constant 1.600000e+01 : f32
        %mul3A_264 = vector.broadcast %mul3A_263 : f32 to vector<16xf32>
        %mul3A_265 = arith.mulf %get3A_254, %mul3A_264 : vector<16xf32>
        %convert_element_type3A_266 = arith.fptosi %mul3A_265 : vector<16xf32> to vector<16xi32>
        %shift_left3A_267 = arith.constant 8 : i32
        %shift_left3A_268 = vector.broadcast %shift_left3A_267 : i32 to vector<16xi32>
        %shift_left3A_269 = arith.shli %convert_element_type3A_258, %shift_left3A_268 : vector<16xi32>
        %shift_left3A_270 = arith.constant 4 : i32
        %shift_left3A_271 = vector.broadcast %shift_left3A_270 : i32 to vector<16xi32>
        %shift_left3A_272 = arith.shli %convert_element_type3A_262, %shift_left3A_271 : vector<16xi32>
        %or3A_273 = arith.ori %shift_left3A_269, %shift_left3A_272 : vector<16xi32>
        %or3A_274 = arith.ori %or3A_273, %convert_element_type3A_266 : vector<16xi32>
        %add3A_275 = arith.constant 32768 : i32
        %add3A_276 = vector.broadcast %add3A_275 : i32 to vector<16xi32>
        %add3A_277 = arith.addi %or3A_274, %add3A_276 : vector<16xi32>
        tpu.vector_store_idx %arg8[%add3A_277], %get3A_244 {add = true} : memref<65536xf32, #tpu.memory_space<vmem>>[vector<16xi32>], vector<16xf32>,
        %add3A_278 = arith.constant 4096 : i32
        %add3A_279 = vector.broadcast %add3A_278 : i32 to vector<16xi32>
        %add3A_280 = arith.addi %add3A_277, %add3A_279 : vector<16xi32>
        tpu.vector_store_idx %arg8[%add3A_280], %get3A_249 {add = true} : memref<65536xf32, #tpu.memory_space<vmem>>[vector<16xi32>], vector<16xf32>,
        %add3A_281 = arith.constant 8192 : i32
        %add3A_282 = vector.broadcast %add3A_281 : i32 to vector<16xi32>
        %add3A_283 = arith.addi %add3A_277, %add3A_282 : vector<16xi32>
        tpu.vector_store_idx %arg8[%add3A_283], %get3A_254 {add = true} : memref<65536xf32, #tpu.memory_space<vmem>>[vector<16xi32>], vector<16xf32>,
        %add3A_284 = arith.constant 12288 : i32
        %add3A_285 = vector.broadcast %add3A_284 : i32 to vector<16xi32>
        %add3A_286 = arith.addi %add3A_277, %add3A_285 : vector<16xi32>
        tpu.vector_store_idx %arg8[%add3A_286], %broadcast_in_dim3A_2 {add = true} : memref<65536xf32, #tpu.memory_space<vmem>>[vector<16xi32>], vector<16xf32>,
        %mul3A_287 = arith.constant 4 : i32
        %mul3A_288 = arith.muli %arg0, %mul3A_287 : i32
        %add3A_289 = arith.constant 3 : i32
        %add3A_290 = arith.addi %mul3A_288, %add3A_289 : i32
        %get3A_291 = arith.index_cast %add3A_290 : i32 to index
        %get3A_292 = arith.index_cast %mul3A_142 : i32 to index
        %get3A_293 = tpu.vector_load %arg7[%get3A_291, %get3A_292] {strides = array<i32>} : memref<24x512xf32, #tpu.memory_space<vmem>>, vector<16xf32>,
        %add3A_294 = arith.constant 8 : i32
        %add3A_295 = arith.addi %add3A_294, %add3A_290 : i32
        %get3A_296 = arith.index_cast %add3A_295 : i32 to index
        %get3A_297 = arith.index_cast %mul3A_142 : i32 to index
        %get3A_298 = tpu.vector_load %arg7[%get3A_296, %get3A_297] {strides = array<i32>} : memref<24x512xf32, #tpu.memory_space<vmem>>, vector<16xf32>,
        %add3A_299 = arith.constant 16 : i32
        %add3A_300 = arith.addi %add3A_299, %add3A_290 : i32
        %get3A_301 = arith.index_cast %add3A_300 : i32 to index
        %get3A_302 = arith.index_cast %mul3A_142 : i32 to index
        %get3A_303 = tpu.vector_load %arg7[%get3A_301, %get3A_302] {strides = array<i32>} : memref<24x512xf32, #tpu.memory_space<vmem>>, vector<16xf32>,
        %mul3A_304 = arith.constant 1.600000e+01 : f32
        %mul3A_305 = vector.broadcast %mul3A_304 : f32 to vector<16xf32>
        %mul3A_306 = arith.mulf %get3A_293, %mul3A_305 : vector<16xf32>
        %convert_element_type3A_307 = arith.fptosi %mul3A_306 : vector<16xf32> to vector<16xi32>
        %mul3A_308 = arith.constant 1.600000e+01 : f32
        %mul3A_309 = vector.broadcast %mul3A_308 : f32 to vector<16xf32>
        %mul3A_310 = arith.mulf %get3A_298, %mul3A_309 : vector<16xf32>
        %convert_element_type3A_311 = arith.fptosi %mul3A_310 : vector<16xf32> to vector<16xi32>
        %mul3A_312 = arith.constant 1.600000e+01 : f32
        %mul3A_313 = vector.broadcast %mul3A_312 : f32 to vector<16xf32>
        %mul3A_314 = arith.mulf %get3A_303, %mul3A_313 : vector<16xf32>
        %convert_element_type3A_315 = arith.fptosi %mul3A_314 : vector<16xf32> to vector<16xi32>
        %shift_left3A_316 = arith.constant 8 : i32
        %shift_left3A_317 = vector.broadcast %shift_left3A_316 : i32 to vector<16xi32>
        %shift_left3A_318 = arith.shli %convert_element_type3A_307, %shift_left3A_317 : vector<16xi32>
        %shift_left3A_319 = arith.constant 4 : i32
        %shift_left3A_320 = vector.broadcast %shift_left3A_319 : i32 to vector<16xi32>
        %shift_left3A_321 = arith.shli %convert_element_type3A_311, %shift_left3A_320 : vector<16xi32>
        %or3A_322 = arith.ori %shift_left3A_318, %shift_left3A_321 : vector<16xi32>
        %or3A_323 = arith.ori %or3A_322, %convert_element_type3A_315 : vector<16xi32>
        %add3A_324 = arith.constant 49152 : i32
        %add3A_325 = vector.broadcast %add3A_324 : i32 to vector<16xi32>
        %add3A_326 = arith.addi %or3A_323, %add3A_325 : vector<16xi32>
        tpu.vector_store_idx %arg8[%add3A_326], %get3A_293 {add = true} : memref<65536xf32, #tpu.memory_space<vmem>>[vector<16xi32>], vector<16xf32>,
        %add3A_327 = arith.constant 4096 : i32
        %add3A_328 = vector.broadcast %add3A_327 : i32 to vector<16xi32>
        %add3A_329 = arith.addi %add3A_326, %add3A_328 : vector<16xi32>
        tpu.vector_store_idx %arg8[%add3A_329], %get3A_298 {add = true} : memref<65536xf32, #tpu.memory_space<vmem>>[vector<16xi32>], vector<16xf32>,
        %add3A_330 = arith.constant 8192 : i32
        %add3A_331 = vector.broadcast %add3A_330 : i32 to vector<16xi32>
        %add3A_332 = arith.addi %add3A_326, %add3A_331 : vector<16xi32>
        tpu.vector_store_idx %arg8[%add3A_332], %get3A_303 {add = true} : memref<65536xf32, #tpu.memory_space<vmem>>[vector<16xi32>], vector<16xf32>,
        %add3A_333 = arith.constant 12288 : i32
        %add3A_334 = vector.broadcast %add3A_333 : i32 to vector<16xi32>
        %add3A_335 = arith.addi %add3A_326, %add3A_334 : vector<16xi32>
        tpu.vector_store_idx %arg8[%add3A_335], %broadcast_in_dim3A_2 {add = true} : memref<65536xf32, #tpu.memory_space<vmem>>[vector<16xi32>], vector<16xf32>,
        %mul3A_336 = arith.constant 4 : i32
        %mul3A_337 = arith.muli %scan3A_136, %mul3A_336 : i32
        %add3A_338 = arith.constant 1 : i32
        %add3A_339 = arith.addi %mul3A_337, %add3A_338 : i32
        %mul3A_340 = arith.constant 16 : i32
        %mul3A_341 = arith.muli %add3A_339, %mul3A_340 : i32
        %mul3A_342 = arith.constant 4 : i32
        %mul3A_343 = arith.muli %arg0, %mul3A_342 : i32
        %add3A_344 = arith.constant 0 : i32
        %add3A_345 = arith.addi %mul3A_343, %add3A_344 : i32
        %get3A_346 = arith.index_cast %add3A_345 : i32 to index
        %get3A_347 = arith.index_cast %mul3A_341 : i32 to index
        %get3A_348 = tpu.vector_load %arg7[%get3A_346, %get3A_347] {strides = array<i32>} : memref<24x512xf32, #tpu.memory_space<vmem>>, vector<16xf32>,
        %add3A_349 = arith.constant 8 : i32
        %add3A_350 = arith.addi %add3A_349, %add3A_345 : i32
        %get3A_351 = arith.index_cast %add3A_350 : i32 to index
        %get3A_352 = arith.index_cast %mul3A_341 : i32 to index
        %get3A_353 = tpu.vector_load %arg7[%get3A_351, %get3A_352] {strides = array<i32>} : memref<24x512xf32, #tpu.memory_space<vmem>>, vector<16xf32>,
        %add3A_354 = arith.constant 16 : i32
        %add3A_355 = arith.addi %add3A_354, %add3A_345 : i32
        %get3A_356 = arith.index_cast %add3A_355 : i32 to index
        %get3A_357 = arith.index_cast %mul3A_341 : i32 to index
        %get3A_358 = tpu.vector_load %arg7[%get3A_356, %get3A_357] {strides = array<i32>} : memref<24x512xf32, #tpu.memory_space<vmem>>, vector<16xf32>,
        %mul3A_359 = arith.constant 1.600000e+01 : f32
        %mul3A_360 = vector.broadcast %mul3A_359 : f32 to vector<16xf32>
        %mul3A_361 = arith.mulf %get3A_348, %mul3A_360 : vector<16xf32>
        %convert_element_type3A_362 = arith.fptosi %mul3A_361 : vector<16xf32> to vector<16xi32>
        %mul3A_363 = arith.constant 1.600000e+01 : f32
        %mul3A_364 = vector.broadcast %mul3A_363 : f32 to vector<16xf32>
        %mul3A_365 = arith.mulf %get3A_353, %mul3A_364 : vector<16xf32>
        %convert_element_type3A_366 = arith.fptosi %mul3A_365 : vector<16xf32> to vector<16xi32>
        %mul3A_367 = arith.constant 1.600000e+01 : f32
        %mul3A_368 = vector.broadcast %mul3A_367 : f32 to vector<16xf32>
        %mul3A_369 = arith.mulf %get3A_358, %mul3A_368 : vector<16xf32>
        %convert_element_type3A_370 = arith.fptosi %mul3A_369 : vector<16xf32> to vector<16xi32>
        %shift_left3A_371 = arith.constant 8 : i32
        %shift_left3A_372 = vector.broadcast %shift_left3A_371 : i32 to vector<16xi32>
        %shift_left3A_373 = arith.shli %convert_element_type3A_362, %shift_left3A_372 : vector<16xi32>
        %shift_left3A_374 = arith.constant 4 : i32
        %shift_left3A_375 = vector.broadcast %shift_left3A_374 : i32 to vector<16xi32>
        %shift_left3A_376 = arith.shli %convert_element_type3A_366, %shift_left3A_375 : vector<16xi32>
        %or3A_377 = arith.ori %shift_left3A_373, %shift_left3A_376 : vector<16xi32>
        %or3A_378 = arith.ori %or3A_377, %convert_element_type3A_370 : vector<16xi32>
        %add3A_379 = arith.constant 0 : i32
        %add3A_380 = vector.broadcast %add3A_379 : i32 to vector<16xi32>
        %add3A_381 = arith.addi %or3A_378, %add3A_380 : vector<16xi32>
        tpu.vector_store_idx %arg8[%add3A_381], %get3A_348 {add = true} : memref<65536xf32, #tpu.memory_space<vmem>>[vector<16xi32>], vector<16xf32>,
        %add3A_382 = arith.constant 4096 : i32
        %add3A_383 = vector.broadcast %add3A_382 : i32 to vector<16xi32>
        %add3A_384 = arith.addi %add3A_381, %add3A_383 : vector<16xi32>
        tpu.vector_store_idx %arg8[%add3A_384], %get3A_353 {add = true} : memref<65536xf32, #tpu.memory_space<vmem>>[vector<16xi32>], vector<16xf32>,
        %add3A_385 = arith.constant 8192 : i32
        %add3A_386 = vector.broadcast %add3A_385 : i32 to vector<16xi32>
        %add3A_387 = arith.addi %add3A_381, %add3A_386 : vector<16xi32>
        tpu.vector_store_idx %arg8[%add3A_387], %get3A_358 {add = true} : memref<65536xf32, #tpu.memory_space<vmem>>[vector<16xi32>], vector<16xf32>,
        %add3A_388 = arith.constant 12288 : i32
        %add3A_389 = vector.broadcast %add3A_388 : i32 to vector<16xi32>
        %add3A_390 = arith.addi %add3A_381, %add3A_389 : vector<16xi32>
        tpu.vector_store_idx %arg8[%add3A_390], %broadcast_in_dim3A_2 {add = true} : memref<65536xf32, #tpu.memory_space<vmem>>[vector<16xi32>], vector<16xf32>,
        %mul3A_391 = arith.constant 4 : i32
        %mul3A_392 = arith.muli %arg0, %mul3A_391 : i32
        %add3A_393 = arith.constant 1 : i32
        %add3A_394 = arith.addi %mul3A_392, %add3A_393 : i32
        %get3A_395 = arith.index_cast %add3A_394 : i32 to index
        %get3A_396 = arith.index_cast %mul3A_341 : i32 to index
        %get3A_397 = tpu.vector_load %arg7[%get3A_395, %get3A_396] {strides = array<i32>} : memref<24x512xf32, #tpu.memory_space<vmem>>, vector<16xf32>,
        %add3A_398 = arith.constant 8 : i32
        %add3A_399 = arith.addi %add3A_398, %add3A_394 : i32
        %get3A_400 = arith.index_cast %add3A_399 : i32 to index
        %get3A_401 = arith.index_cast %mul3A_341 : i32 to index
        %get3A_402 = tpu.vector_load %arg7[%get3A_400, %get3A_401] {strides = array<i32>} : memref<24x512xf32, #tpu.memory_space<vmem>>, vector<16xf32>,
        %add3A_403 = arith.constant 16 : i32
        %add3A_404 = arith.addi %add3A_403, %add3A_394 : i32
        %get3A_405 = arith.index_cast %add3A_404 : i32 to index
        %get3A_406 = arith.index_cast %mul3A_341 : i32 to index
        %get3A_407 = tpu.vector_load %arg7[%get3A_405, %get3A_406] {strides = array<i32>} : memref<24x512xf32, #tpu.memory_space<vmem>>, vector<16xf32>,
        %mul3A_408 = arith.constant 1.600000e+01 : f32
        %mul3A_409 = vector.broadcast %mul3A_408 : f32 to vector<16xf32>
        %mul3A_410 = arith.mulf %get3A_397, %mul3A_409 : vector<16xf32>
        %convert_element_type3A_411 = arith.fptosi %mul3A_410 : vector<16xf32> to vector<16xi32>
        %mul3A_412 = arith.constant 1.600000e+01 : f32
        %mul3A_413 = vector.broadcast %mul3A_412 : f32 to vector<16xf32>
        %mul3A_414 = arith.mulf %get3A_402, %mul3A_413 : vector<16xf32>
        %convert_element_type3A_415 = arith.fptosi %mul3A_414 : vector<16xf32> to vector<16xi32>
        %mul3A_416 = arith.constant 1.600000e+01 : f32
        %mul3A_417 = vector.broadcast %mul3A_416 : f32 to vector<16xf32>
        %mul3A_418 = arith.mulf %get3A_407, %mul3A_417 : vector<16xf32>
        %convert_element_type3A_419 = arith.fptosi %mul3A_418 : vector<16xf32> to vector<16xi32>
        %shift_left3A_420 = arith.constant 8 : i32
        %shift_left3A_421 = vector.broadcast %shift_left3A_420 : i32 to vector<16xi32>
        %shift_left3A_422 = arith.shli %convert_element_type3A_411, %shift_left3A_421 : vector<16xi32>
        %shift_left3A_423 = arith.constant 4 : i32
        %shift_left3A_424 = vector.broadcast %shift_left3A_423 : i32 to vector<16xi32>
        %shift_left3A_425 = arith.shli %convert_element_type3A_415, %shift_left3A_424 : vector<16xi32>
        %or3A_426 = arith.ori %shift_left3A_422, %shift_left3A_425 : vector<16xi32>
        %or3A_427 = arith.ori %or3A_426, %convert_element_type3A_419 : vector<16xi32>
        %add3A_428 = arith.constant 16384 : i32
        %add3A_429 = vector.broadcast %add3A_428 : i32 to vector<16xi32>
        %add3A_430 = arith.addi %or3A_427, %add3A_429 : vector<16xi32>
        tpu.vector_store_idx %arg8[%add3A_430], %get3A_397 {add = true} : memref<65536xf32, #tpu.memory_space<vmem>>[vector<16xi32>], vector<16xf32>,
        %add3A_431 = arith.constant 4096 : i32
        %add3A_432 = vector.broadcast %add3A_431 : i32 to vector<16xi32>
        %add3A_433 = arith.addi %add3A_430, %add3A_432 : vector<16xi32>
        tpu.vector_store_idx %arg8[%add3A_433], %get3A_402 {add = true} : memref<65536xf32, #tpu.memory_space<vmem>>[vector<16xi32>], vector<16xf32>,
        %add3A_434 = arith.constant 8192 : i32
        %add3A_435 = vector.broadcast %add3A_434 : i32 to vector<16xi32>
        %add3A_436 = arith.addi %add3A_430, %add3A_435 : vector<16xi32>
        tpu.vector_store_idx %arg8[%add3A_436], %get3A_407 {add = true} : memref<65536xf32, #tpu.memory_space<vmem>>[vector<16xi32>], vector<16xf32>,
        %add3A_437 = arith.constant 12288 : i32
        %add3A_438 = vector.broadcast %add3A_437 : i32 to vector<16xi32>
        %add3A_439 = arith.addi %add3A_430, %add3A_438 : vector<16xi32>
        tpu.vector_store_idx %arg8[%add3A_439], %broadcast_in_dim3A_2 {add = true} : memref<65536xf32, #tpu.memory_space<vmem>>[vector<16xi32>], vector<16xf32>,
        %mul3A_440 = arith.constant 4 : i32
        %mul3A_441 = arith.muli %arg0, %mul3A_440 : i32
        %add3A_442 = arith.constant 2 : i32
        %add3A_443 = arith.addi %mul3A_441, %add3A_442 : i32
        %get3A_444 = arith.index_cast %add3A_443 : i32 to index
        %get3A_445 = arith.index_cast %mul3A_341 : i32 to index
        %get3A_446 = tpu.vector_load %arg7[%get3A_444, %get3A_445] {strides = array<i32>} : memref<24x512xf32, #tpu.memory_space<vmem>>, vector<16xf32>,
        %add3A_447 = arith.constant 8 : i32
        %add3A_448 = arith.addi %add3A_447, %add3A_443 : i32
        %get3A_449 = arith.index_cast %add3A_448 : i32 to index
        %get3A_450 = arith.index_cast %mul3A_341 : i32 to index
        %get3A_451 = tpu.vector_load %arg7[%get3A_449, %get3A_450] {strides = array<i32>} : memref<24x512xf32, #tpu.memory_space<vmem>>, vector<16xf32>,
        %add3A_452 = arith.constant 16 : i32
        %add3A_453 = arith.addi %add3A_452, %add3A_443 : i32
        %get3A_454 = arith.index_cast %add3A_453 : i32 to index
        %get3A_455 = arith.index_cast %mul3A_341 : i32 to index
        %get3A_456 = tpu.vector_load %arg7[%get3A_454, %get3A_455] {strides = array<i32>} : memref<24x512xf32, #tpu.memory_space<vmem>>, vector<16xf32>,
        %mul3A_457 = arith.constant 1.600000e+01 : f32
        %mul3A_458 = vector.broadcast %mul3A_457 : f32 to vector<16xf32>
        %mul3A_459 = arith.mulf %get3A_446, %mul3A_458 : vector<16xf32>
        %convert_element_type3A_460 = arith.fptosi %mul3A_459 : vector<16xf32> to vector<16xi32>
        %mul3A_461 = arith.constant 1.600000e+01 : f32
        %mul3A_462 = vector.broadcast %mul3A_461 : f32 to vector<16xf32>
        %mul3A_463 = arith.mulf %get3A_451, %mul3A_462 : vector<16xf32>
        %convert_element_type3A_464 = arith.fptosi %mul3A_463 : vector<16xf32> to vector<16xi32>
        %mul3A_465 = arith.constant 1.600000e+01 : f32
        %mul3A_466 = vector.broadcast %mul3A_465 : f32 to vector<16xf32>
        %mul3A_467 = arith.mulf %get3A_456, %mul3A_466 : vector<16xf32>
        %convert_element_type3A_468 = arith.fptosi %mul3A_467 : vector<16xf32> to vector<16xi32>
        %shift_left3A_469 = arith.constant 8 : i32
        %shift_left3A_470 = vector.broadcast %shift_left3A_469 : i32 to vector<16xi32>
        %shift_left3A_471 = arith.shli %convert_element_type3A_460, %shift_left3A_470 : vector<16xi32>
        %shift_left3A_472 = arith.constant 4 : i32
        %shift_left3A_473 = vector.broadcast %shift_left3A_472 : i32 to vector<16xi32>
        %shift_left3A_474 = arith.shli %convert_element_type3A_464, %shift_left3A_473 : vector<16xi32>
        %or3A_475 = arith.ori %shift_left3A_471, %shift_left3A_474 : vector<16xi32>
        %or3A_476 = arith.ori %or3A_475, %convert_element_type3A_468 : vector<16xi32>
        %add3A_477 = arith.constant 32768 : i32
        %add3A_478 = vector.broadcast %add3A_477 : i32 to vector<16xi32>
        %add3A_479 = arith.addi %or3A_476, %add3A_478 : vector<16xi32>
        tpu.vector_store_idx %arg8[%add3A_479], %get3A_446 {add = true} : memref<65536xf32, #tpu.memory_space<vmem>>[vector<16xi32>], vector<16xf32>,
        %add3A_480 = arith.constant 4096 : i32
        %add3A_481 = vector.broadcast %add3A_480 : i32 to vector<16xi32>
        %add3A_482 = arith.addi %add3A_479, %add3A_481 : vector<16xi32>
        tpu.vector_store_idx %arg8[%add3A_482], %get3A_451 {add = true} : memref<65536xf32, #tpu.memory_space<vmem>>[vector<16xi32>], vector<16xf32>,
        %add3A_483 = arith.constant 8192 : i32
        %add3A_484 = vector.broadcast %add3A_483 : i32 to vector<16xi32>
        %add3A_485 = arith.addi %add3A_479, %add3A_484 : vector<16xi32>
        tpu.vector_store_idx %arg8[%add3A_485], %get3A_456 {add = true} : memref<65536xf32, #tpu.memory_space<vmem>>[vector<16xi32>], vector<16xf32>,
        %add3A_486 = arith.constant 12288 : i32
        %add3A_487 = vector.broadcast %add3A_486 : i32 to vector<16xi32>
        %add3A_488 = arith.addi %add3A_479, %add3A_487 : vector<16xi32>
        tpu.vector_store_idx %arg8[%add3A_488], %broadcast_in_dim3A_2 {add = true} : memref<65536xf32, #tpu.memory_space<vmem>>[vector<16xi32>], vector<16xf32>,
        %mul3A_489 = arith.constant 4 : i32
        %mul3A_490 = arith.muli %arg0, %mul3A_489 : i32
        %add3A_491 = arith.constant 3 : i32
        %add3A_492 = arith.addi %mul3A_490, %add3A_491 : i32
        %get3A_493 = arith.index_cast %add3A_492 : i32 to index
        %get3A_494 = arith.index_cast %mul3A_341 : i32 to index
        %get3A_495 = tpu.vector_load %arg7[%get3A_493, %get3A_494] {strides = array<i32>} : memref<24x512xf32, #tpu.memory_space<vmem>>, vector<16xf32>,
        %add3A_496 = arith.constant 8 : i32
        %add3A_497 = arith.addi %add3A_496, %add3A_492 : i32
        %get3A_498 = arith.index_cast %add3A_497 : i32 to index
        %get3A_499 = arith.index_cast %mul3A_341 : i32 to index
        %get3A_500 = tpu.vector_load %arg7[%get3A_498, %get3A_499] {strides = array<i32>} : memref<24x512xf32, #tpu.memory_space<vmem>>, vector<16xf32>,
        %add3A_501 = arith.constant 16 : i32
        %add3A_502 = arith.addi %add3A_501, %add3A_492 : i32
        %get3A_503 = arith.index_cast %add3A_502 : i32 to index
        %get3A_504 = arith.index_cast %mul3A_341 : i32 to index
        %get3A_505 = tpu.vector_load %arg7[%get3A_503, %get3A_504] {strides = array<i32>} : memref<24x512xf32, #tpu.memory_space<vmem>>, vector<16xf32>,
        %mul3A_506 = arith.constant 1.600000e+01 : f32
        %mul3A_507 = vector.broadcast %mul3A_506 : f32 to vector<16xf32>
        %mul3A_508 = arith.mulf %get3A_495, %mul3A_507 : vector<16xf32>
        %convert_element_type3A_509 = arith.fptosi %mul3A_508 : vector<16xf32> to vector<16xi32>
        %mul3A_510 = arith.constant 1.600000e+01 : f32
        %mul3A_511 = vector.broadcast %mul3A_510 : f32 to vector<16xf32>
        %mul3A_512 = arith.mulf %get3A_500, %mul3A_511 : vector<16xf32>
        %convert_element_type3A_513 = arith.fptosi %mul3A_512 : vector<16xf32> to vector<16xi32>
        %mul3A_514 = arith.constant 1.600000e+01 : f32
        %mul3A_515 = vector.broadcast %mul3A_514 : f32 to vector<16xf32>
        %mul3A_516 = arith.mulf %get3A_505, %mul3A_515 : vector<16xf32>
        %convert_element_type3A_517 = arith.fptosi %mul3A_516 : vector<16xf32> to vector<16xi32>
        %shift_left3A_518 = arith.constant 8 : i32
        %shift_left3A_519 = vector.broadcast %shift_left3A_518 : i32 to vector<16xi32>
        %shift_left3A_520 = arith.shli %convert_element_type3A_509, %shift_left3A_519 : vector<16xi32>
        %shift_left3A_521 = arith.constant 4 : i32
        %shift_left3A_522 = vector.broadcast %shift_left3A_521 : i32 to vector<16xi32>
        %shift_left3A_523 = arith.shli %convert_element_type3A_513, %shift_left3A_522 : vector<16xi32>
        %or3A_524 = arith.ori %shift_left3A_520, %shift_left3A_523 : vector<16xi32>
        %or3A_525 = arith.ori %or3A_524, %convert_element_type3A_517 : vector<16xi32>
        %add3A_526 = arith.constant 49152 : i32
        %add3A_527 = vector.broadcast %add3A_526 : i32 to vector<16xi32>
        %add3A_528 = arith.addi %or3A_525, %add3A_527 : vector<16xi32>
        tpu.vector_store_idx %arg8[%add3A_528], %get3A_495 {add = true} : memref<65536xf32, #tpu.memory_space<vmem>>[vector<16xi32>], vector<16xf32>,
        %add3A_529 = arith.constant 4096 : i32
        %add3A_530 = vector.broadcast %add3A_529 : i32 to vector<16xi32>
        %add3A_531 = arith.addi %add3A_528, %add3A_530 : vector<16xi32>
        tpu.vector_store_idx %arg8[%add3A_531], %get3A_500 {add = true} : memref<65536xf32, #tpu.memory_space<vmem>>[vector<16xi32>], vector<16xf32>,
        %add3A_532 = arith.constant 8192 : i32
        %add3A_533 = vector.broadcast %add3A_532 : i32 to vector<16xi32>
        %add3A_534 = arith.addi %add3A_528, %add3A_533 : vector<16xi32>
        tpu.vector_store_idx %arg8[%add3A_534], %get3A_505 {add = true} : memref<65536xf32, #tpu.memory_space<vmem>>[vector<16xi32>], vector<16xf32>,
        %add3A_535 = arith.constant 12288 : i32
        %add3A_536 = vector.broadcast %add3A_535 : i32 to vector<16xi32>
        %add3A_537 = arith.addi %add3A_528, %add3A_536 : vector<16xi32>
        tpu.vector_store_idx %arg8[%add3A_537], %broadcast_in_dim3A_2 {add = true} : memref<65536xf32, #tpu.memory_space<vmem>>[vector<16xi32>], vector<16xf32>,
        %mul3A_538 = arith.constant 4 : i32
        %mul3A_539 = arith.muli %scan3A_136, %mul3A_538 : i32
        %add3A_540 = arith.constant 2 : i32
        %add3A_541 = arith.addi %mul3A_539, %add3A_540 : i32
        %mul3A_542 = arith.constant 16 : i32
        %mul3A_543 = arith.muli %add3A_541, %mul3A_542 : i32
        %mul3A_544 = arith.constant 4 : i32
        %mul3A_545 = arith.muli %arg0, %mul3A_544 : i32
        %add3A_546 = arith.constant 0 : i32
        %add3A_547 = arith.addi %mul3A_545, %add3A_546 : i32
        %get3A_548 = arith.index_cast %add3A_547 : i32 to index
        %get3A_549 = arith.index_cast %mul3A_543 : i32 to index
        %get3A_550 = tpu.vector_load %arg7[%get3A_548, %get3A_549] {strides = array<i32>} : memref<24x512xf32, #tpu.memory_space<vmem>>, vector<16xf32>,
        %add3A_551 = arith.constant 8 : i32
        %add3A_552 = arith.addi %add3A_551, %add3A_547 : i32
        %get3A_553 = arith.index_cast %add3A_552 : i32 to index
        %get3A_554 = arith.index_cast %mul3A_543 : i32 to index
        %get3A_555 = tpu.vector_load %arg7[%get3A_553, %get3A_554] {strides = array<i32>} : memref<24x512xf32, #tpu.memory_space<vmem>>, vector<16xf32>,
        %add3A_556 = arith.constant 16 : i32
        %add3A_557 = arith.addi %add3A_556, %add3A_547 : i32
        %get3A_558 = arith.index_cast %add3A_557 : i32 to index
        %get3A_559 = arith.index_cast %mul3A_543 : i32 to index
        %get3A_560 = tpu.vector_load %arg7[%get3A_558, %get3A_559] {strides = array<i32>} : memref<24x512xf32, #tpu.memory_space<vmem>>, vector<16xf32>,
        %mul3A_561 = arith.constant 1.600000e+01 : f32
        %mul3A_562 = vector.broadcast %mul3A_561 : f32 to vector<16xf32>
        %mul3A_563 = arith.mulf %get3A_550, %mul3A_562 : vector<16xf32>
        %convert_element_type3A_564 = arith.fptosi %mul3A_563 : vector<16xf32> to vector<16xi32>
        %mul3A_565 = arith.constant 1.600000e+01 : f32
        %mul3A_566 = vector.broadcast %mul3A_565 : f32 to vector<16xf32>
        %mul3A_567 = arith.mulf %get3A_555, %mul3A_566 : vector<16xf32>
        %convert_element_type3A_568 = arith.fptosi %mul3A_567 : vector<16xf32> to vector<16xi32>
        %mul3A_569 = arith.constant 1.600000e+01 : f32
        %mul3A_570 = vector.broadcast %mul3A_569 : f32 to vector<16xf32>
        %mul3A_571 = arith.mulf %get3A_560, %mul3A_570 : vector<16xf32>
        %convert_element_type3A_572 = arith.fptosi %mul3A_571 : vector<16xf32> to vector<16xi32>
        %shift_left3A_573 = arith.constant 8 : i32
        %shift_left3A_574 = vector.broadcast %shift_left3A_573 : i32 to vector<16xi32>
        %shift_left3A_575 = arith.shli %convert_element_type3A_564, %shift_left3A_574 : vector<16xi32>
        %shift_left3A_576 = arith.constant 4 : i32
        %shift_left3A_577 = vector.broadcast %shift_left3A_576 : i32 to vector<16xi32>
        %shift_left3A_578 = arith.shli %convert_element_type3A_568, %shift_left3A_577 : vector<16xi32>
        %or3A_579 = arith.ori %shift_left3A_575, %shift_left3A_578 : vector<16xi32>
        %or3A_580 = arith.ori %or3A_579, %convert_element_type3A_572 : vector<16xi32>
        %add3A_581 = arith.constant 0 : i32
        %add3A_582 = vector.broadcast %add3A_581 : i32 to vector<16xi32>
        %add3A_583 = arith.addi %or3A_580, %add3A_582 : vector<16xi32>
        tpu.vector_store_idx %arg8[%add3A_583], %get3A_550 {add = true} : memref<65536xf32, #tpu.memory_space<vmem>>[vector<16xi32>], vector<16xf32>,
        %add3A_584 = arith.constant 4096 : i32
        %add3A_585 = vector.broadcast %add3A_584 : i32 to vector<16xi32>
        %add3A_586 = arith.addi %add3A_583, %add3A_585 : vector<16xi32>
        tpu.vector_store_idx %arg8[%add3A_586], %get3A_555 {add = true} : memref<65536xf32, #tpu.memory_space<vmem>>[vector<16xi32>], vector<16xf32>,
        %add3A_587 = arith.constant 8192 : i32
        %add3A_588 = vector.broadcast %add3A_587 : i32 to vector<16xi32>
        %add3A_589 = arith.addi %add3A_583, %add3A_588 : vector<16xi32>
        tpu.vector_store_idx %arg8[%add3A_589], %get3A_560 {add = true} : memref<65536xf32, #tpu.memory_space<vmem>>[vector<16xi32>], vector<16xf32>,
        %add3A_590 = arith.constant 12288 : i32
        %add3A_591 = vector.broadcast %add3A_590 : i32 to vector<16xi32>
        %add3A_592 = arith.addi %add3A_583, %add3A_591 : vector<16xi32>
        tpu.vector_store_idx %arg8[%add3A_592], %broadcast_in_dim3A_2 {add = true} : memref<65536xf32, #tpu.memory_space<vmem>>[vector<16xi32>], vector<16xf32>,
        %mul3A_593 = arith.constant 4 : i32
        %mul3A_594 = arith.muli %arg0, %mul3A_593 : i32
        %add3A_595 = arith.constant 1 : i32
        %add3A_596 = arith.addi %mul3A_594, %add3A_595 : i32
        %get3A_597 = arith.index_cast %add3A_596 : i32 to index
        %get3A_598 = arith.index_cast %mul3A_543 : i32 to index
        %get3A_599 = tpu.vector_load %arg7[%get3A_597, %get3A_598] {strides = array<i32>} : memref<24x512xf32, #tpu.memory_space<vmem>>, vector<16xf32>,
        %add3A_600 = arith.constant 8 : i32
        %add3A_601 = arith.addi %add3A_600, %add3A_596 : i32
        %get3A_602 = arith.index_cast %add3A_601 : i32 to index
        %get3A_603 = arith.index_cast %mul3A_543 : i32 to index
        %get3A_604 = tpu.vector_load %arg7[%get3A_602, %get3A_603] {strides = array<i32>} : memref<24x512xf32, #tpu.memory_space<vmem>>, vector<16xf32>,
        %add3A_605 = arith.constant 16 : i32
        %add3A_606 = arith.addi %add3A_605, %add3A_596 : i32
        %get3A_607 = arith.index_cast %add3A_606 : i32 to index
        %get3A_608 = arith.index_cast %mul3A_543 : i32 to index
        %get3A_609 = tpu.vector_load %arg7[%get3A_607, %get3A_608] {strides = array<i32>} : memref<24x512xf32, #tpu.memory_space<vmem>>, vector<16xf32>,
        %mul3A_610 = arith.constant 1.600000e+01 : f32
        %mul3A_611 = vector.broadcast %mul3A_610 : f32 to vector<16xf32>
        %mul3A_612 = arith.mulf %get3A_599, %mul3A_611 : vector<16xf32>
        %convert_element_type3A_613 = arith.fptosi %mul3A_612 : vector<16xf32> to vector<16xi32>
        %mul3A_614 = arith.constant 1.600000e+01 : f32
        %mul3A_615 = vector.broadcast %mul3A_614 : f32 to vector<16xf32>
        %mul3A_616 = arith.mulf %get3A_604, %mul3A_615 : vector<16xf32>
        %convert_element_type3A_617 = arith.fptosi %mul3A_616 : vector<16xf32> to vector<16xi32>
        %mul3A_618 = arith.constant 1.600000e+01 : f32
        %mul3A_619 = vector.broadcast %mul3A_618 : f32 to vector<16xf32>
        %mul3A_620 = arith.mulf %get3A_609, %mul3A_619 : vector<16xf32>
        %convert_element_type3A_621 = arith.fptosi %mul3A_620 : vector<16xf32> to vector<16xi32>
        %shift_left3A_622 = arith.constant 8 : i32
        %shift_left3A_623 = vector.broadcast %shift_left3A_622 : i32 to vector<16xi32>
        %shift_left3A_624 = arith.shli %convert_element_type3A_613, %shift_left3A_623 : vector<16xi32>
        %shift_left3A_625 = arith.constant 4 : i32
        %shift_left3A_626 = vector.broadcast %shift_left3A_625 : i32 to vector<16xi32>
        %shift_left3A_627 = arith.shli %convert_element_type3A_617, %shift_left3A_626 : vector<16xi32>
        %or3A_628 = arith.ori %shift_left3A_624, %shift_left3A_627 : vector<16xi32>
        %or3A_629 = arith.ori %or3A_628, %convert_element_type3A_621 : vector<16xi32>
        %add3A_630 = arith.constant 16384 : i32
        %add3A_631 = vector.broadcast %add3A_630 : i32 to vector<16xi32>
        %add3A_632 = arith.addi %or3A_629, %add3A_631 : vector<16xi32>
        tpu.vector_store_idx %arg8[%add3A_632], %get3A_599 {add = true} : memref<65536xf32, #tpu.memory_space<vmem>>[vector<16xi32>], vector<16xf32>,
        %add3A_633 = arith.constant 4096 : i32
        %add3A_634 = vector.broadcast %add3A_633 : i32 to vector<16xi32>
        %add3A_635 = arith.addi %add3A_632, %add3A_634 : vector<16xi32>
        tpu.vector_store_idx %arg8[%add3A_635], %get3A_604 {add = true} : memref<65536xf32, #tpu.memory_space<vmem>>[vector<16xi32>], vector<16xf32>,
        %add3A_636 = arith.constant 8192 : i32
        %add3A_637 = vector.broadcast %add3A_636 : i32 to vector<16xi32>
        %add3A_638 = arith.addi %add3A_632, %add3A_637 : vector<16xi32>
        tpu.vector_store_idx %arg8[%add3A_638], %get3A_609 {add = true} : memref<65536xf32, #tpu.memory_space<vmem>>[vector<16xi32>], vector<16xf32>,
        %add3A_639 = arith.constant 12288 : i32
        %add3A_640 = vector.broadcast %add3A_639 : i32 to vector<16xi32>
        %add3A_641 = arith.addi %add3A_632, %add3A_640 : vector<16xi32>
        tpu.vector_store_idx %arg8[%add3A_641], %broadcast_in_dim3A_2 {add = true} : memref<65536xf32, #tpu.memory_space<vmem>>[vector<16xi32>], vector<16xf32>,
        %mul3A_642 = arith.constant 4 : i32
        %mul3A_643 = arith.muli %arg0, %mul3A_642 : i32
        %add3A_644 = arith.constant 2 : i32
        %add3A_645 = arith.addi %mul3A_643, %add3A_644 : i32
        %get3A_646 = arith.index_cast %add3A_645 : i32 to index
        %get3A_647 = arith.index_cast %mul3A_543 : i32 to index
        %get3A_648 = tpu.vector_load %arg7[%get3A_646, %get3A_647] {strides = array<i32>} : memref<24x512xf32, #tpu.memory_space<vmem>>, vector<16xf32>,
        %add3A_649 = arith.constant 8 : i32
        %add3A_650 = arith.addi %add3A_649, %add3A_645 : i32
        %get3A_651 = arith.index_cast %add3A_650 : i32 to index
        %get3A_652 = arith.index_cast %mul3A_543 : i32 to index
        %get3A_653 = tpu.vector_load %arg7[%get3A_651, %get3A_652] {strides = array<i32>} : memref<24x512xf32, #tpu.memory_space<vmem>>, vector<16xf32>,
        %add3A_654 = arith.constant 16 : i32
        %add3A_655 = arith.addi %add3A_654, %add3A_645 : i32
        %get3A_656 = arith.index_cast %add3A_655 : i32 to index
        %get3A_657 = arith.index_cast %mul3A_543 : i32 to index
        %get3A_658 = tpu.vector_load %arg7[%get3A_656, %get3A_657] {strides = array<i32>} : memref<24x512xf32, #tpu.memory_space<vmem>>, vector<16xf32>,
        %mul3A_659 = arith.constant 1.600000e+01 : f32
        %mul3A_660 = vector.broadcast %mul3A_659 : f32 to vector<16xf32>
        %mul3A_661 = arith.mulf %get3A_648, %mul3A_660 : vector<16xf32>
        %convert_element_type3A_662 = arith.fptosi %mul3A_661 : vector<16xf32> to vector<16xi32>
        %mul3A_663 = arith.constant 1.600000e+01 : f32
        %mul3A_664 = vector.broadcast %mul3A_663 : f32 to vector<16xf32>
        %mul3A_665 = arith.mulf %get3A_653, %mul3A_664 : vector<16xf32>
        %convert_element_type3A_666 = arith.fptosi %mul3A_665 : vector<16xf32> to vector<16xi32>
        %mul3A_667 = arith.constant 1.600000e+01 : f32
        %mul3A_668 = vector.broadcast %mul3A_667 : f32 to vector<16xf32>
        %mul3A_669 = arith.mulf %get3A_658, %mul3A_668 : vector<16xf32>
        %convert_element_type3A_670 = arith.fptosi %mul3A_669 : vector<16xf32> to vector<16xi32>
        %shift_left3A_671 = arith.constant 8 : i32
        %shift_left3A_672 = vector.broadcast %shift_left3A_671 : i32 to vector<16xi32>
        %shift_left3A_673 = arith.shli %convert_element_type3A_662, %shift_left3A_672 : vector<16xi32>
        %shift_left3A_674 = arith.constant 4 : i32
        %shift_left3A_675 = vector.broadcast %shift_left3A_674 : i32 to vector<16xi32>
        %shift_left3A_676 = arith.shli %convert_element_type3A_666, %shift_left3A_675 : vector<16xi32>
        %or3A_677 = arith.ori %shift_left3A_673, %shift_left3A_676 : vector<16xi32>
        %or3A_678 = arith.ori %or3A_677, %convert_element_type3A_670 : vector<16xi32>
        %add3A_679 = arith.constant 32768 : i32
        %add3A_680 = vector.broadcast %add3A_679 : i32 to vector<16xi32>
        %add3A_681 = arith.addi %or3A_678, %add3A_680 : vector<16xi32>
        tpu.vector_store_idx %arg8[%add3A_681], %get3A_648 {add = true} : memref<65536xf32, #tpu.memory_space<vmem>>[vector<16xi32>], vector<16xf32>,
        %add3A_682 = arith.constant 4096 : i32
        %add3A_683 = vector.broadcast %add3A_682 : i32 to vector<16xi32>
        %add3A_684 = arith.addi %add3A_681, %add3A_683 : vector<16xi32>
        tpu.vector_store_idx %arg8[%add3A_684], %get3A_653 {add = true} : memref<65536xf32, #tpu.memory_space<vmem>>[vector<16xi32>], vector<16xf32>,
        %add3A_685 = arith.constant 8192 : i32
        %add3A_686 = vector.broadcast %add3A_685 : i32 to vector<16xi32>
        %add3A_687 = arith.addi %add3A_681, %add3A_686 : vector<16xi32>
        tpu.vector_store_idx %arg8[%add3A_687], %get3A_658 {add = true} : memref<65536xf32, #tpu.memory_space<vmem>>[vector<16xi32>], vector<16xf32>,
        %add3A_688 = arith.constant 12288 : i32
        %add3A_689 = vector.broadcast %add3A_688 : i32 to vector<16xi32>
        %add3A_690 = arith.addi %add3A_681, %add3A_689 : vector<16xi32>
        tpu.vector_store_idx %arg8[%add3A_690], %broadcast_in_dim3A_2 {add = true} : memref<65536xf32, #tpu.memory_space<vmem>>[vector<16xi32>], vector<16xf32>,
        %mul3A_691 = arith.constant 4 : i32
        %mul3A_692 = arith.muli %arg0, %mul3A_691 : i32
        %add3A_693 = arith.constant 3 : i32
        %add3A_694 = arith.addi %mul3A_692, %add3A_693 : i32
        %get3A_695 = arith.index_cast %add3A_694 : i32 to index
        %get3A_696 = arith.index_cast %mul3A_543 : i32 to index
        %get3A_697 = tpu.vector_load %arg7[%get3A_695, %get3A_696] {strides = array<i32>} : memref<24x512xf32, #tpu.memory_space<vmem>>, vector<16xf32>,
        %add3A_698 = arith.constant 8 : i32
        %add3A_699 = arith.addi %add3A_698, %add3A_694 : i32
        %get3A_700 = arith.index_cast %add3A_699 : i32 to index
        %get3A_701 = arith.index_cast %mul3A_543 : i32 to index
        %get3A_702 = tpu.vector_load %arg7[%get3A_700, %get3A_701] {strides = array<i32>} : memref<24x512xf32, #tpu.memory_space<vmem>>, vector<16xf32>,
        %add3A_703 = arith.constant 16 : i32
        %add3A_704 = arith.addi %add3A_703, %add3A_694 : i32
        %get3A_705 = arith.index_cast %add3A_704 : i32 to index
        %get3A_706 = arith.index_cast %mul3A_543 : i32 to index
        %get3A_707 = tpu.vector_load %arg7[%get3A_705, %get3A_706] {strides = array<i32>} : memref<24x512xf32, #tpu.memory_space<vmem>>, vector<16xf32>,
        %mul3A_708 = arith.constant 1.600000e+01 : f32
        %mul3A_709 = vector.broadcast %mul3A_708 : f32 to vector<16xf32>
        %mul3A_710 = arith.mulf %get3A_697, %mul3A_709 : vector<16xf32>
        %convert_element_type3A_711 = arith.fptosi %mul3A_710 : vector<16xf32> to vector<16xi32>
        %mul3A_712 = arith.constant 1.600000e+01 : f32
        %mul3A_713 = vector.broadcast %mul3A_712 : f32 to vector<16xf32>
        %mul3A_714 = arith.mulf %get3A_702, %mul3A_713 : vector<16xf32>
        %convert_element_type3A_715 = arith.fptosi %mul3A_714 : vector<16xf32> to vector<16xi32>
        %mul3A_716 = arith.constant 1.600000e+01 : f32
        %mul3A_717 = vector.broadcast %mul3A_716 : f32 to vector<16xf32>
        %mul3A_718 = arith.mulf %get3A_707, %mul3A_717 : vector<16xf32>
        %convert_element_type3A_719 = arith.fptosi %mul3A_718 : vector<16xf32> to vector<16xi32>
        %shift_left3A_720 = arith.constant 8 : i32
        %shift_left3A_721 = vector.broadcast %shift_left3A_720 : i32 to vector<16xi32>
        %shift_left3A_722 = arith.shli %convert_element_type3A_711, %shift_left3A_721 : vector<16xi32>
        %shift_left3A_723 = arith.constant 4 : i32
        %shift_left3A_724 = vector.broadcast %shift_left3A_723 : i32 to vector<16xi32>
        %shift_left3A_725 = arith.shli %convert_element_type3A_715, %shift_left3A_724 : vector<16xi32>
        %or3A_726 = arith.ori %shift_left3A_722, %shift_left3A_725 : vector<16xi32>
        %or3A_727 = arith.ori %or3A_726, %convert_element_type3A_719 : vector<16xi32>
        %add3A_728 = arith.constant 49152 : i32
        %add3A_729 = vector.broadcast %add3A_728 : i32 to vector<16xi32>
        %add3A_730 = arith.addi %or3A_727, %add3A_729 : vector<16xi32>
        tpu.vector_store_idx %arg8[%add3A_730], %get3A_697 {add = true} : memref<65536xf32, #tpu.memory_space<vmem>>[vector<16xi32>], vector<16xf32>,
        %add3A_731 = arith.constant 4096 : i32
        %add3A_732 = vector.broadcast %add3A_731 : i32 to vector<16xi32>
        %add3A_733 = arith.addi %add3A_730, %add3A_732 : vector<16xi32>
        tpu.vector_store_idx %arg8[%add3A_733], %get3A_702 {add = true} : memref<65536xf32, #tpu.memory_space<vmem>>[vector<16xi32>], vector<16xf32>,
        %add3A_734 = arith.constant 8192 : i32
        %add3A_735 = vector.broadcast %add3A_734 : i32 to vector<16xi32>
        %add3A_736 = arith.addi %add3A_730, %add3A_735 : vector<16xi32>
        tpu.vector_store_idx %arg8[%add3A_736], %get3A_707 {add = true} : memref<65536xf32, #tpu.memory_space<vmem>>[vector<16xi32>], vector<16xf32>,
        %add3A_737 = arith.constant 12288 : i32
        %add3A_738 = vector.broadcast %add3A_737 : i32 to vector<16xi32>
        %add3A_739 = arith.addi %add3A_730, %add3A_738 : vector<16xi32>
        tpu.vector_store_idx %arg8[%add3A_739], %broadcast_in_dim3A_2 {add = true} : memref<65536xf32, #tpu.memory_space<vmem>>[vector<16xi32>], vector<16xf32>,
        %mul3A_740 = arith.constant 4 : i32
        %mul3A_741 = arith.muli %scan3A_136, %mul3A_740 : i32
        %add3A_742 = arith.constant 3 : i32
        %add3A_743 = arith.addi %mul3A_741, %add3A_742 : i32
        %mul3A_744 = arith.constant 16 : i32
        %mul3A_745 = arith.muli %add3A_743, %mul3A_744 : i32
        %mul3A_746 = arith.constant 4 : i32
        %mul3A_747 = arith.muli %arg0, %mul3A_746 : i32
        %add3A_748 = arith.constant 0 : i32
        %add3A_749 = arith.addi %mul3A_747, %add3A_748 : i32
        %get3A_750 = arith.index_cast %add3A_749 : i32 to index
        %get3A_751 = arith.index_cast %mul3A_745 : i32 to index
        %get3A_752 = tpu.vector_load %arg7[%get3A_750, %get3A_751] {strides = array<i32>} : memref<24x512xf32, #tpu.memory_space<vmem>>, vector<16xf32>,
        %add3A_753 = arith.constant 8 : i32
        %add3A_754 = arith.addi %add3A_753, %add3A_749 : i32
        %get3A_755 = arith.index_cast %add3A_754 : i32 to index
        %get3A_756 = arith.index_cast %mul3A_745 : i32 to index
        %get3A_757 = tpu.vector_load %arg7[%get3A_755, %get3A_756] {strides = array<i32>} : memref<24x512xf32, #tpu.memory_space<vmem>>, vector<16xf32>,
        %add3A_758 = arith.constant 16 : i32
        %add3A_759 = arith.addi %add3A_758, %add3A_749 : i32
        %get3A_760 = arith.index_cast %add3A_759 : i32 to index
        %get3A_761 = arith.index_cast %mul3A_745 : i32 to index
        %get3A_762 = tpu.vector_load %arg7[%get3A_760, %get3A_761] {strides = array<i32>} : memref<24x512xf32, #tpu.memory_space<vmem>>, vector<16xf32>,
        %mul3A_763 = arith.constant 1.600000e+01 : f32
        %mul3A_764 = vector.broadcast %mul3A_763 : f32 to vector<16xf32>
        %mul3A_765 = arith.mulf %get3A_752, %mul3A_764 : vector<16xf32>
        %convert_element_type3A_766 = arith.fptosi %mul3A_765 : vector<16xf32> to vector<16xi32>
        %mul3A_767 = arith.constant 1.600000e+01 : f32
        %mul3A_768 = vector.broadcast %mul3A_767 : f32 to vector<16xf32>
        %mul3A_769 = arith.mulf %get3A_757, %mul3A_768 : vector<16xf32>
        %convert_element_type3A_770 = arith.fptosi %mul3A_769 : vector<16xf32> to vector<16xi32>
        %mul3A_771 = arith.constant 1.600000e+01 : f32
        %mul3A_772 = vector.broadcast %mul3A_771 : f32 to vector<16xf32>
        %mul3A_773 = arith.mulf %get3A_762, %mul3A_772 : vector<16xf32>
        %convert_element_type3A_774 = arith.fptosi %mul3A_773 : vector<16xf32> to vector<16xi32>
        %shift_left3A_775 = arith.constant 8 : i32
        %shift_left3A_776 = vector.broadcast %shift_left3A_775 : i32 to vector<16xi32>
        %shift_left3A_777 = arith.shli %convert_element_type3A_766, %shift_left3A_776 : vector<16xi32>
        %shift_left3A_778 = arith.constant 4 : i32
        %shift_left3A_779 = vector.broadcast %shift_left3A_778 : i32 to vector<16xi32>
        %shift_left3A_780 = arith.shli %convert_element_type3A_770, %shift_left3A_779 : vector<16xi32>
        %or3A_781 = arith.ori %shift_left3A_777, %shift_left3A_780 : vector<16xi32>
        %or3A_782 = arith.ori %or3A_781, %convert_element_type3A_774 : vector<16xi32>
        %add3A_783 = arith.constant 0 : i32
        %add3A_784 = vector.broadcast %add3A_783 : i32 to vector<16xi32>
        %add3A_785 = arith.addi %or3A_782, %add3A_784 : vector<16xi32>
        tpu.vector_store_idx %arg8[%add3A_785], %get3A_752 {add = true} : memref<65536xf32, #tpu.memory_space<vmem>>[vector<16xi32>], vector<16xf32>,
        %add3A_786 = arith.constant 4096 : i32
        %add3A_787 = vector.broadcast %add3A_786 : i32 to vector<16xi32>
        %add3A_788 = arith.addi %add3A_785, %add3A_787 : vector<16xi32>
        tpu.vector_store_idx %arg8[%add3A_788], %get3A_757 {add = true} : memref<65536xf32, #tpu.memory_space<vmem>>[vector<16xi32>], vector<16xf32>,
        %add3A_789 = arith.constant 8192 : i32
        %add3A_790 = vector.broadcast %add3A_789 : i32 to vector<16xi32>
        %add3A_791 = arith.addi %add3A_785, %add3A_790 : vector<16xi32>
        tpu.vector_store_idx %arg8[%add3A_791], %get3A_762 {add = true} : memref<65536xf32, #tpu.memory_space<vmem>>[vector<16xi32>], vector<16xf32>,
        %add3A_792 = arith.constant 12288 : i32
        %add3A_793 = vector.broadcast %add3A_792 : i32 to vector<16xi32>
        %add3A_794 = arith.addi %add3A_785, %add3A_793 : vector<16xi32>
        tpu.vector_store_idx %arg8[%add3A_794], %broadcast_in_dim3A_2 {add = true} : memref<65536xf32, #tpu.memory_space<vmem>>[vector<16xi32>], vector<16xf32>,
        %mul3A_795 = arith.constant 4 : i32
        %mul3A_796 = arith.muli %arg0, %mul3A_795 : i32
        %add3A_797 = arith.constant 1 : i32
        %add3A_798 = arith.addi %mul3A_796, %add3A_797 : i32
        %get3A_799 = arith.index_cast %add3A_798 : i32 to index
        %get3A_800 = arith.index_cast %mul3A_745 : i32 to index
        %get3A_801 = tpu.vector_load %arg7[%get3A_799, %get3A_800] {strides = array<i32>} : memref<24x512xf32, #tpu.memory_space<vmem>>, vector<16xf32>,
        %add3A_802 = arith.constant 8 : i32
        %add3A_803 = arith.addi %add3A_802, %add3A_798 : i32
        %get3A_804 = arith.index_cast %add3A_803 : i32 to index
        %get3A_805 = arith.index_cast %mul3A_745 : i32 to index
        %get3A_806 = tpu.vector_load %arg7[%get3A_804, %get3A_805] {strides = array<i32>} : memref<24x512xf32, #tpu.memory_space<vmem>>, vector<16xf32>,
        %add3A_807 = arith.constant 16 : i32
        %add3A_808 = arith.addi %add3A_807, %add3A_798 : i32
        %get3A_809 = arith.index_cast %add3A_808 : i32 to index
        %get3A_810 = arith.index_cast %mul3A_745 : i32 to index
        %get3A_811 = tpu.vector_load %arg7[%get3A_809, %get3A_810] {strides = array<i32>} : memref<24x512xf32, #tpu.memory_space<vmem>>, vector<16xf32>,
        %mul3A_812 = arith.constant 1.600000e+01 : f32
        %mul3A_813 = vector.broadcast %mul3A_812 : f32 to vector<16xf32>
        %mul3A_814 = arith.mulf %get3A_801, %mul3A_813 : vector<16xf32>
        %convert_element_type3A_815 = arith.fptosi %mul3A_814 : vector<16xf32> to vector<16xi32>
        %mul3A_816 = arith.constant 1.600000e+01 : f32
        %mul3A_817 = vector.broadcast %mul3A_816 : f32 to vector<16xf32>
        %mul3A_818 = arith.mulf %get3A_806, %mul3A_817 : vector<16xf32>
        %convert_element_type3A_819 = arith.fptosi %mul3A_818 : vector<16xf32> to vector<16xi32>
        %mul3A_820 = arith.constant 1.600000e+01 : f32
        %mul3A_821 = vector.broadcast %mul3A_820 : f32 to vector<16xf32>
        %mul3A_822 = arith.mulf %get3A_811, %mul3A_821 : vector<16xf32>
        %convert_element_type3A_823 = arith.fptosi %mul3A_822 : vector<16xf32> to vector<16xi32>
        %shift_left3A_824 = arith.constant 8 : i32
        %shift_left3A_825 = vector.broadcast %shift_left3A_824 : i32 to vector<16xi32>
        %shift_left3A_826 = arith.shli %convert_element_type3A_815, %shift_left3A_825 : vector<16xi32>
        %shift_left3A_827 = arith.constant 4 : i32
        %shift_left3A_828 = vector.broadcast %shift_left3A_827 : i32 to vector<16xi32>
        %shift_left3A_829 = arith.shli %convert_element_type3A_819, %shift_left3A_828 : vector<16xi32>
        %or3A_830 = arith.ori %shift_left3A_826, %shift_left3A_829 : vector<16xi32>
        %or3A_831 = arith.ori %or3A_830, %convert_element_type3A_823 : vector<16xi32>
        %add3A_832 = arith.constant 16384 : i32
        %add3A_833 = vector.broadcast %add3A_832 : i32 to vector<16xi32>
        %add3A_834 = arith.addi %or3A_831, %add3A_833 : vector<16xi32>
        tpu.vector_store_idx %arg8[%add3A_834], %get3A_801 {add = true} : memref<65536xf32, #tpu.memory_space<vmem>>[vector<16xi32>], vector<16xf32>,
        %add3A_835 = arith.constant 4096 : i32
        %add3A_836 = vector.broadcast %add3A_835 : i32 to vector<16xi32>
        %add3A_837 = arith.addi %add3A_834, %add3A_836 : vector<16xi32>
        tpu.vector_store_idx %arg8[%add3A_837], %get3A_806 {add = true} : memref<65536xf32, #tpu.memory_space<vmem>>[vector<16xi32>], vector<16xf32>,
        %add3A_838 = arith.constant 8192 : i32
        %add3A_839 = vector.broadcast %add3A_838 : i32 to vector<16xi32>
        %add3A_840 = arith.addi %add3A_834, %add3A_839 : vector<16xi32>
        tpu.vector_store_idx %arg8[%add3A_840], %get3A_811 {add = true} : memref<65536xf32, #tpu.memory_space<vmem>>[vector<16xi32>], vector<16xf32>,
        %add3A_841 = arith.constant 12288 : i32
        %add3A_842 = vector.broadcast %add3A_841 : i32 to vector<16xi32>
        %add3A_843 = arith.addi %add3A_834, %add3A_842 : vector<16xi32>
        tpu.vector_store_idx %arg8[%add3A_843], %broadcast_in_dim3A_2 {add = true} : memref<65536xf32, #tpu.memory_space<vmem>>[vector<16xi32>], vector<16xf32>,
        %mul3A_844 = arith.constant 4 : i32
        %mul3A_845 = arith.muli %arg0, %mul3A_844 : i32
        %add3A_846 = arith.constant 2 : i32
        %add3A_847 = arith.addi %mul3A_845, %add3A_846 : i32
        %get3A_848 = arith.index_cast %add3A_847 : i32 to index
        %get3A_849 = arith.index_cast %mul3A_745 : i32 to index
        %get3A_850 = tpu.vector_load %arg7[%get3A_848, %get3A_849] {strides = array<i32>} : memref<24x512xf32, #tpu.memory_space<vmem>>, vector<16xf32>,
        %add3A_851 = arith.constant 8 : i32
        %add3A_852 = arith.addi %add3A_851, %add3A_847 : i32
        %get3A_853 = arith.index_cast %add3A_852 : i32 to index
        %get3A_854 = arith.index_cast %mul3A_745 : i32 to index
        %get3A_855 = tpu.vector_load %arg7[%get3A_853, %get3A_854] {strides = array<i32>} : memref<24x512xf32, #tpu.memory_space<vmem>>, vector<16xf32>,
        %add3A_856 = arith.constant 16 : i32
        %add3A_857 = arith.addi %add3A_856, %add3A_847 : i32
        %get3A_858 = arith.index_cast %add3A_857 : i32 to index
        %get3A_859 = arith.index_cast %mul3A_745 : i32 to index
        %get3A_860 = tpu.vector_load %arg7[%get3A_858, %get3A_859] {strides = array<i32>} : memref<24x512xf32, #tpu.memory_space<vmem>>, vector<16xf32>,
        %mul3A_861 = arith.constant 1.600000e+01 : f32
        %mul3A_862 = vector.broadcast %mul3A_861 : f32 to vector<16xf32>
        %mul3A_863 = arith.mulf %get3A_850, %mul3A_862 : vector<16xf32>
        %convert_element_type3A_864 = arith.fptosi %mul3A_863 : vector<16xf32> to vector<16xi32>
        %mul3A_865 = arith.constant 1.600000e+01 : f32
        %mul3A_866 = vector.broadcast %mul3A_865 : f32 to vector<16xf32>
        %mul3A_867 = arith.mulf %get3A_855, %mul3A_866 : vector<16xf32>
        %convert_element_type3A_868 = arith.fptosi %mul3A_867 : vector<16xf32> to vector<16xi32>
        %mul3A_869 = arith.constant 1.600000e+01 : f32
        %mul3A_870 = vector.broadcast %mul3A_869 : f32 to vector<16xf32>
        %mul3A_871 = arith.mulf %get3A_860, %mul3A_870 : vector<16xf32>
        %convert_element_type3A_872 = arith.fptosi %mul3A_871 : vector<16xf32> to vector<16xi32>
        %shift_left3A_873 = arith.constant 8 : i32
        %shift_left3A_874 = vector.broadcast %shift_left3A_873 : i32 to vector<16xi32>
        %shift_left3A_875 = arith.shli %convert_element_type3A_864, %shift_left3A_874 : vector<16xi32>
        %shift_left3A_876 = arith.constant 4 : i32
        %shift_left3A_877 = vector.broadcast %shift_left3A_876 : i32 to vector<16xi32>
        %shift_left3A_878 = arith.shli %convert_element_type3A_868, %shift_left3A_877 : vector<16xi32>
        %or3A_879 = arith.ori %shift_left3A_875, %shift_left3A_878 : vector<16xi32>
        %or3A_880 = arith.ori %or3A_879, %convert_element_type3A_872 : vector<16xi32>
        %add3A_881 = arith.constant 32768 : i32
        %add3A_882 = vector.broadcast %add3A_881 : i32 to vector<16xi32>
        %add3A_883 = arith.addi %or3A_880, %add3A_882 : vector<16xi32>
        tpu.vector_store_idx %arg8[%add3A_883], %get3A_850 {add = true} : memref<65536xf32, #tpu.memory_space<vmem>>[vector<16xi32>], vector<16xf32>,
        %add3A_884 = arith.constant 4096 : i32
        %add3A_885 = vector.broadcast %add3A_884 : i32 to vector<16xi32>
        %add3A_886 = arith.addi %add3A_883, %add3A_885 : vector<16xi32>
        tpu.vector_store_idx %arg8[%add3A_886], %get3A_855 {add = true} : memref<65536xf32, #tpu.memory_space<vmem>>[vector<16xi32>], vector<16xf32>,
        %add3A_887 = arith.constant 8192 : i32
        %add3A_888 = vector.broadcast %add3A_887 : i32 to vector<16xi32>
        %add3A_889 = arith.addi %add3A_883, %add3A_888 : vector<16xi32>
        tpu.vector_store_idx %arg8[%add3A_889], %get3A_860 {add = true} : memref<65536xf32, #tpu.memory_space<vmem>>[vector<16xi32>], vector<16xf32>,
        %add3A_890 = arith.constant 12288 : i32
        %add3A_891 = vector.broadcast %add3A_890 : i32 to vector<16xi32>
        %add3A_892 = arith.addi %add3A_883, %add3A_891 : vector<16xi32>
        tpu.vector_store_idx %arg8[%add3A_892], %broadcast_in_dim3A_2 {add = true} : memref<65536xf32, #tpu.memory_space<vmem>>[vector<16xi32>], vector<16xf32>,
        %mul3A_893 = arith.constant 4 : i32
        %mul3A_894 = arith.muli %arg0, %mul3A_893 : i32
        %add3A_895 = arith.constant 3 : i32
        %add3A_896 = arith.addi %mul3A_894, %add3A_895 : i32
        %get3A_897 = arith.index_cast %add3A_896 : i32 to index
        %get3A_898 = arith.index_cast %mul3A_745 : i32 to index
        %get3A_899 = tpu.vector_load %arg7[%get3A_897, %get3A_898] {strides = array<i32>} : memref<24x512xf32, #tpu.memory_space<vmem>>, vector<16xf32>,
        %add3A_900 = arith.constant 8 : i32
        %add3A_901 = arith.addi %add3A_900, %add3A_896 : i32
        %get3A_902 = arith.index_cast %add3A_901 : i32 to index
        %get3A_903 = arith.index_cast %mul3A_745 : i32 to index
        %get3A_904 = tpu.vector_load %arg7[%get3A_902, %get3A_903] {strides = array<i32>} : memref<24x512xf32, #tpu.memory_space<vmem>>, vector<16xf32>,
        %add3A_905 = arith.constant 16 : i32
        %add3A_906 = arith.addi %add3A_905, %add3A_896 : i32
        %get3A_907 = arith.index_cast %add3A_906 : i32 to index
        %get3A_908 = arith.index_cast %mul3A_745 : i32 to index
        %get3A_909 = tpu.vector_load %arg7[%get3A_907, %get3A_908] {strides = array<i32>} : memref<24x512xf32, #tpu.memory_space<vmem>>, vector<16xf32>,
        %mul3A_910 = arith.constant 1.600000e+01 : f32
        %mul3A_911 = vector.broadcast %mul3A_910 : f32 to vector<16xf32>
        %mul3A_912 = arith.mulf %get3A_899, %mul3A_911 : vector<16xf32>
        %convert_element_type3A_913 = arith.fptosi %mul3A_912 : vector<16xf32> to vector<16xi32>
        %mul3A_914 = arith.constant 1.600000e+01 : f32
        %mul3A_915 = vector.broadcast %mul3A_914 : f32 to vector<16xf32>
        %mul3A_916 = arith.mulf %get3A_904, %mul3A_915 : vector<16xf32>
        %convert_element_type3A_917 = arith.fptosi %mul3A_916 : vector<16xf32> to vector<16xi32>
        %mul3A_918 = arith.constant 1.600000e+01 : f32
        %mul3A_919 = vector.broadcast %mul3A_918 : f32 to vector<16xf32>
        %mul3A_920 = arith.mulf %get3A_909, %mul3A_919 : vector<16xf32>
        %convert_element_type3A_921 = arith.fptosi %mul3A_920 : vector<16xf32> to vector<16xi32>
        %shift_left3A_922 = arith.constant 8 : i32
        %shift_left3A_923 = vector.broadcast %shift_left3A_922 : i32 to vector<16xi32>
        %shift_left3A_924 = arith.shli %convert_element_type3A_913, %shift_left3A_923 : vector<16xi32>
        %shift_left3A_925 = arith.constant 4 : i32
        %shift_left3A_926 = vector.broadcast %shift_left3A_925 : i32 to vector<16xi32>
        %shift_left3A_927 = arith.shli %convert_element_type3A_917, %shift_left3A_926 : vector<16xi32>
        %or3A_928 = arith.ori %shift_left3A_924, %shift_left3A_927 : vector<16xi32>
        %or3A_929 = arith.ori %or3A_928, %convert_element_type3A_921 : vector<16xi32>
        %add3A_930 = arith.constant 49152 : i32
        %add3A_931 = vector.broadcast %add3A_930 : i32 to vector<16xi32>
        %add3A_932 = arith.addi %or3A_929, %add3A_931 : vector<16xi32>
        tpu.vector_store_idx %arg8[%add3A_932], %get3A_899 {add = true} : memref<65536xf32, #tpu.memory_space<vmem>>[vector<16xi32>], vector<16xf32>,
        %add3A_933 = arith.constant 4096 : i32
        %add3A_934 = vector.broadcast %add3A_933 : i32 to vector<16xi32>
        %add3A_935 = arith.addi %add3A_932, %add3A_934 : vector<16xi32>
        tpu.vector_store_idx %arg8[%add3A_935], %get3A_904 {add = true} : memref<65536xf32, #tpu.memory_space<vmem>>[vector<16xi32>], vector<16xf32>,
        %add3A_936 = arith.constant 8192 : i32
        %add3A_937 = vector.broadcast %add3A_936 : i32 to vector<16xi32>
        %add3A_938 = arith.addi %add3A_932, %add3A_937 : vector<16xi32>
        tpu.vector_store_idx %arg8[%add3A_938], %get3A_909 {add = true} : memref<65536xf32, #tpu.memory_space<vmem>>[vector<16xi32>], vector<16xf32>,
        %add3A_939 = arith.constant 12288 : i32
        %add3A_940 = vector.broadcast %add3A_939 : i32 to vector<16xi32>
        %add3A_941 = arith.addi %add3A_932, %add3A_940 : vector<16xi32>
        tpu.vector_store_idx %arg8[%add3A_941], %broadcast_in_dim3A_2 {add = true} : memref<65536xf32, #tpu.memory_space<vmem>>[vector<16xi32>], vector<16xf32>,
      }
      %scan3A_135 = arith.constant 8 : i32
    }
    %scan3A_31 = arith.constant 20 : i32
    %add3A_32 = arith.constant 30720 : i32
    %add3A_33 = arith.addi %mul3A_9, %add3A_32 : i32
    %dma_wait3A = arith.constant 0 : i32
    %dma_wait3A_34 = tpu.memref_slice %arg2[%dma_wait3A, %add3A_33] : memref<24x500000xf32, #tpu.memory_space<hbm>> -> memref<24x512xf32, #tpu.memory_space<hbm>>
    %dma_wait3A_35 = arith.constant 0 : i32
    %dma_wait3A_36 = tpu.memref_slice %arg2[%dma_wait3A_35, %add3A_33] : memref<24x500000xf32, #tpu.memory_space<hbm>> -> memref<24x512xf32, #tpu.memory_space<hbm>>
    tpu.wait_dma2 semaphore(%arg13 : memref<!tpu.dma_semaphore, #tpu.memory_space<semaphore_mem>>) src(%dma_wait3A_36 : memref<24x512xf32, #tpu.memory_space<hbm>>) dst(%arg5 : memref<24x512xf32, #tpu.memory_space<vmem>>)
    %scan3A_37 = arith.constant 0 : i32
    %scan3A_38 = arith.constant 0 : i32
    %scan3A_39 = arith.constant 8 : i32
    %scan3A_40 = arith.addi %scan3A_38, %scan3A_39 : i32
    %scan3A_41 = arith.constant 1 : i32
    scf.for %scan3A_63 = %scan3A_38 to %scan3A_40 step %scan3A_41  : i32 {
      %mul3A_64 = arith.constant 4 : i32
      %mul3A_65 = arith.muli %scan3A_63, %mul3A_64 : i32
      %add3A_66 = arith.constant 0 : i32
      %add3A_67 = arith.addi %mul3A_65, %add3A_66 : i32
      %mul3A_68 = arith.constant 16 : i32
      %mul3A_69 = arith.muli %add3A_67, %mul3A_68 : i32
      %mul3A_70 = arith.constant 4 : i32
      %mul3A_71 = arith.muli %arg0, %mul3A_70 : i32
      %add3A_72 = arith.constant 0 : i32
      %add3A_73 = arith.addi %mul3A_71, %add3A_72 : i32
      %get3A = arith.index_cast %add3A_73 : i32 to index
      %get3A_74 = arith.index_cast %mul3A_69 : i32 to index
      %get3A_75 = tpu.vector_load %arg5[%get3A, %get3A_74] {strides = array<i32>} : memref<24x512xf32, #tpu.memory_space<vmem>>, vector<16xf32>,
      %add3A_76 = arith.constant 8 : i32
      %add3A_77 = arith.addi %add3A_76, %add3A_73 : i32
      %get3A_78 = arith.index_cast %add3A_77 : i32 to index
      %get3A_79 = arith.index_cast %mul3A_69 : i32 to index
      %get3A_80 = tpu.vector_load %arg5[%get3A_78, %get3A_79] {strides = array<i32>} : memref<24x512xf32, #tpu.memory_space<vmem>>, vector<16xf32>,
      %add3A_81 = arith.constant 16 : i32
      %add3A_82 = arith.addi %add3A_81, %add3A_73 : i32
      %get3A_83 = arith.index_cast %add3A_82 : i32 to index
      %get3A_84 = arith.index_cast %mul3A_69 : i32 to index
      %get3A_85 = tpu.vector_load %arg5[%get3A_83, %get3A_84] {strides = array<i32>} : memref<24x512xf32, #tpu.memory_space<vmem>>, vector<16xf32>,
      %mul3A_86 = arith.constant 1.600000e+01 : f32
      %mul3A_87 = vector.broadcast %mul3A_86 : f32 to vector<16xf32>
      %mul3A_88 = arith.mulf %get3A_75, %mul3A_87 : vector<16xf32>
      %convert_element_type3A_89 = arith.fptosi %mul3A_88 : vector<16xf32> to vector<16xi32>
      %mul3A_90 = arith.constant 1.600000e+01 : f32
      %mul3A_91 = vector.broadcast %mul3A_90 : f32 to vector<16xf32>
      %mul3A_92 = arith.mulf %get3A_80, %mul3A_91 : vector<16xf32>
      %convert_element_type3A_93 = arith.fptosi %mul3A_92 : vector<16xf32> to vector<16xi32>
      %mul3A_94 = arith.constant 1.600000e+01 : f32
      %mul3A_95 = vector.broadcast %mul3A_94 : f32 to vector<16xf32>
      %mul3A_96 = arith.mulf %get3A_85, %mul3A_95 : vector<16xf32>
      %convert_element_type3A_97 = arith.fptosi %mul3A_96 : vector<16xf32> to vector<16xi32>
      %shift_left3A = arith.constant 8 : i32
      %shift_left3A_98 = vector.broadcast %shift_left3A : i32 to vector<16xi32>
      %shift_left3A_99 = arith.shli %convert_element_type3A_89, %shift_left3A_98 : vector<16xi32>
      %shift_left3A_100 = arith.constant 4 : i32
      %shift_left3A_101 = vector.broadcast %shift_left3A_100 : i32 to vector<16xi32>
      %shift_left3A_102 = arith.shli %convert_element_type3A_93, %shift_left3A_101 : vector<16xi32>
      %or3A = arith.ori %shift_left3A_99, %shift_left3A_102 : vector<16xi32>
      %or3A_103 = arith.ori %or3A, %convert_element_type3A_97 : vector<16xi32>
      %add3A_104 = arith.constant 0 : i32
      %add3A_105 = vector.broadcast %add3A_104 : i32 to vector<16xi32>
      %add3A_106 = arith.addi %or3A_103, %add3A_105 : vector<16xi32>
      tpu.vector_store_idx %arg8[%add3A_106], %get3A_75 {add = true} : memref<65536xf32, #tpu.memory_space<vmem>>[vector<16xi32>], vector<16xf32>,
      %add3A_107 = arith.constant 4096 : i32
      %add3A_108 = vector.broadcast %add3A_107 : i32 to vector<16xi32>
      %add3A_109 = arith.addi %add3A_106, %add3A_108 : vector<16xi32>
      tpu.vector_store_idx %arg8[%add3A_109], %get3A_80 {add = true} : memref<65536xf32, #tpu.memory_space<vmem>>[vector<16xi32>], vector<16xf32>,
      %add3A_110 = arith.constant 8192 : i32
      %add3A_111 = vector.broadcast %add3A_110 : i32 to vector<16xi32>
      %add3A_112 = arith.addi %add3A_106, %add3A_111 : vector<16xi32>
      tpu.vector_store_idx %arg8[%add3A_112], %get3A_85 {add = true} : memref<65536xf32, #tpu.memory_space<vmem>>[vector<16xi32>], vector<16xf32>,
      %add3A_113 = arith.constant 12288 : i32
      %add3A_114 = vector.broadcast %add3A_113 : i32 to vector<16xi32>
      %add3A_115 = arith.addi %add3A_106, %add3A_114 : vector<16xi32>
      tpu.vector_store_idx %arg8[%add3A_115], %broadcast_in_dim3A_2 {add = true} : memref<65536xf32, #tpu.memory_space<vmem>>[vector<16xi32>], vector<16xf32>,
      %mul3A_116 = arith.constant 4 : i32
      %mul3A_117 = arith.muli %arg0, %mul3A_116 : i32
      %add3A_118 = arith.constant 1 : i32
      %add3A_119 = arith.addi %mul3A_117, %add3A_118 : i32
      %get3A_120 = arith.index_cast %add3A_119 : i32 to index
      %get3A_121 = arith.index_cast %mul3A_69 : i32 to index
      %get3A_122 = tpu.vector_load %arg5[%get3A_120, %get3A_121] {strides = array<i32>} : memref<24x512xf32, #tpu.memory_space<vmem>>, vector<16xf32>,
      %add3A_123 = arith.constant 8 : i32
      %add3A_124 = arith.addi %add3A_123, %add3A_119 : i32
      %get3A_125 = arith.index_cast %add3A_124 : i32 to index
      %get3A_126 = arith.index_cast %mul3A_69 : i32 to index
      %get3A_127 = tpu.vector_load %arg5[%get3A_125, %get3A_126] {strides = array<i32>} : memref<24x512xf32, #tpu.memory_space<vmem>>, vector<16xf32>,
      %add3A_128 = arith.constant 16 : i32
      %add3A_129 = arith.addi %add3A_128, %add3A_119 : i32
      %get3A_130 = arith.index_cast %add3A_129 : i32 to index
      %get3A_131 = arith.index_cast %mul3A_69 : i32 to index
      %get3A_132 = tpu.vector_load %arg5[%get3A_130, %get3A_131] {strides = array<i32>} : memref<24x512xf32, #tpu.memory_space<vmem>>, vector<16xf32>,
      %mul3A_133 = arith.constant 1.600000e+01 : f32
      %mul3A_134 = vector.broadcast %mul3A_133 : f32 to vector<16xf32>
      %mul3A_135 = arith.mulf %get3A_122, %mul3A_134 : vector<16xf32>
      %convert_element_type3A_136 = arith.fptosi %mul3A_135 : vector<16xf32> to vector<16xi32>
      %mul3A_137 = arith.constant 1.600000e+01 : f32
      %mul3A_138 = vector.broadcast %mul3A_137 : f32 to vector<16xf32>
      %mul3A_139 = arith.mulf %get3A_127, %mul3A_138 : vector<16xf32>
      %convert_element_type3A_140 = arith.fptosi %mul3A_139 : vector<16xf32> to vector<16xi32>
      %mul3A_141 = arith.constant 1.600000e+01 : f32
      %mul3A_142 = vector.broadcast %mul3A_141 : f32 to vector<16xf32>
      %mul3A_143 = arith.mulf %get3A_132, %mul3A_142 : vector<16xf32>
      %convert_element_type3A_144 = arith.fptosi %mul3A_143 : vector<16xf32> to vector<16xi32>
      %shift_left3A_145 = arith.constant 8 : i32
      %shift_left3A_146 = vector.broadcast %shift_left3A_145 : i32 to vector<16xi32>
      %shift_left3A_147 = arith.shli %convert_element_type3A_136, %shift_left3A_146 : vector<16xi32>
      %shift_left3A_148 = arith.constant 4 : i32
      %shift_left3A_149 = vector.broadcast %shift_left3A_148 : i32 to vector<16xi32>
      %shift_left3A_150 = arith.shli %convert_element_type3A_140, %shift_left3A_149 : vector<16xi32>
      %or3A_151 = arith.ori %shift_left3A_147, %shift_left3A_150 : vector<16xi32>
      %or3A_152 = arith.ori %or3A_151, %convert_element_type3A_144 : vector<16xi32>
      %add3A_153 = arith.constant 16384 : i32
      %add3A_154 = vector.broadcast %add3A_153 : i32 to vector<16xi32>
      %add3A_155 = arith.addi %or3A_152, %add3A_154 : vector<16xi32>
      tpu.vector_store_idx %arg8[%add3A_155], %get3A_122 {add = true} : memref<65536xf32, #tpu.memory_space<vmem>>[vector<16xi32>], vector<16xf32>,
      %add3A_156 = arith.constant 4096 : i32
      %add3A_157 = vector.broadcast %add3A_156 : i32 to vector<16xi32>
      %add3A_158 = arith.addi %add3A_155, %add3A_157 : vector<16xi32>
      tpu.vector_store_idx %arg8[%add3A_158], %get3A_127 {add = true} : memref<65536xf32, #tpu.memory_space<vmem>>[vector<16xi32>], vector<16xf32>,
      %add3A_159 = arith.constant 8192 : i32
      %add3A_160 = vector.broadcast %add3A_159 : i32 to vector<16xi32>
      %add3A_161 = arith.addi %add3A_155, %add3A_160 : vector<16xi32>
      tpu.vector_store_idx %arg8[%add3A_161], %get3A_132 {add = true} : memref<65536xf32, #tpu.memory_space<vmem>>[vector<16xi32>], vector<16xf32>,
      %add3A_162 = arith.constant 12288 : i32
      %add3A_163 = vector.broadcast %add3A_162 : i32 to vector<16xi32>
      %add3A_164 = arith.addi %add3A_155, %add3A_163 : vector<16xi32>
      tpu.vector_store_idx %arg8[%add3A_164], %broadcast_in_dim3A_2 {add = true} : memref<65536xf32, #tpu.memory_space<vmem>>[vector<16xi32>], vector<16xf32>,
      %mul3A_165 = arith.constant 4 : i32
      %mul3A_166 = arith.muli %arg0, %mul3A_165 : i32
      %add3A_167 = arith.constant 2 : i32
      %add3A_168 = arith.addi %mul3A_166, %add3A_167 : i32
      %get3A_169 = arith.index_cast %add3A_168 : i32 to index
      %get3A_170 = arith.index_cast %mul3A_69 : i32 to index
      %get3A_171 = tpu.vector_load %arg5[%get3A_169, %get3A_170] {strides = array<i32>} : memref<24x512xf32, #tpu.memory_space<vmem>>, vector<16xf32>,
      %add3A_172 = arith.constant 8 : i32
      %add3A_173 = arith.addi %add3A_172, %add3A_168 : i32
      %get3A_174 = arith.index_cast %add3A_173 : i32 to index
      %get3A_175 = arith.index_cast %mul3A_69 : i32 to index
      %get3A_176 = tpu.vector_load %arg5[%get3A_174, %get3A_175] {strides = array<i32>} : memref<24x512xf32, #tpu.memory_space<vmem>>, vector<16xf32>,
      %add3A_177 = arith.constant 16 : i32
      %add3A_178 = arith.addi %add3A_177, %add3A_168 : i32
      %get3A_179 = arith.index_cast %add3A_178 : i32 to index
      %get3A_180 = arith.index_cast %mul3A_69 : i32 to index
      %get3A_181 = tpu.vector_load %arg5[%get3A_179, %get3A_180] {strides = array<i32>} : memref<24x512xf32, #tpu.memory_space<vmem>>, vector<16xf32>,
      %mul3A_182 = arith.constant 1.600000e+01 : f32
      %mul3A_183 = vector.broadcast %mul3A_182 : f32 to vector<16xf32>
      %mul3A_184 = arith.mulf %get3A_171, %mul3A_183 : vector<16xf32>
      %convert_element_type3A_185 = arith.fptosi %mul3A_184 : vector<16xf32> to vector<16xi32>
      %mul3A_186 = arith.constant 1.600000e+01 : f32
      %mul3A_187 = vector.broadcast %mul3A_186 : f32 to vector<16xf32>
      %mul3A_188 = arith.mulf %get3A_176, %mul3A_187 : vector<16xf32>
      %convert_element_type3A_189 = arith.fptosi %mul3A_188 : vector<16xf32> to vector<16xi32>
      %mul3A_190 = arith.constant 1.600000e+01 : f32
      %mul3A_191 = vector.broadcast %mul3A_190 : f32 to vector<16xf32>
      %mul3A_192 = arith.mulf %get3A_181, %mul3A_191 : vector<16xf32>
      %convert_element_type3A_193 = arith.fptosi %mul3A_192 : vector<16xf32> to vector<16xi32>
      %shift_left3A_194 = arith.constant 8 : i32
      %shift_left3A_195 = vector.broadcast %shift_left3A_194 : i32 to vector<16xi32>
      %shift_left3A_196 = arith.shli %convert_element_type3A_185, %shift_left3A_195 : vector<16xi32>
      %shift_left3A_197 = arith.constant 4 : i32
      %shift_left3A_198 = vector.broadcast %shift_left3A_197 : i32 to vector<16xi32>
      %shift_left3A_199 = arith.shli %convert_element_type3A_189, %shift_left3A_198 : vector<16xi32>
      %or3A_200 = arith.ori %shift_left3A_196, %shift_left3A_199 : vector<16xi32>
      %or3A_201 = arith.ori %or3A_200, %convert_element_type3A_193 : vector<16xi32>
      %add3A_202 = arith.constant 32768 : i32
      %add3A_203 = vector.broadcast %add3A_202 : i32 to vector<16xi32>
      %add3A_204 = arith.addi %or3A_201, %add3A_203 : vector<16xi32>
      tpu.vector_store_idx %arg8[%add3A_204], %get3A_171 {add = true} : memref<65536xf32, #tpu.memory_space<vmem>>[vector<16xi32>], vector<16xf32>,
      %add3A_205 = arith.constant 4096 : i32
      %add3A_206 = vector.broadcast %add3A_205 : i32 to vector<16xi32>
      %add3A_207 = arith.addi %add3A_204, %add3A_206 : vector<16xi32>
      tpu.vector_store_idx %arg8[%add3A_207], %get3A_176 {add = true} : memref<65536xf32, #tpu.memory_space<vmem>>[vector<16xi32>], vector<16xf32>,
      %add3A_208 = arith.constant 8192 : i32
      %add3A_209 = vector.broadcast %add3A_208 : i32 to vector<16xi32>
      %add3A_210 = arith.addi %add3A_204, %add3A_209 : vector<16xi32>
      tpu.vector_store_idx %arg8[%add3A_210], %get3A_181 {add = true} : memref<65536xf32, #tpu.memory_space<vmem>>[vector<16xi32>], vector<16xf32>,
      %add3A_211 = arith.constant 12288 : i32
      %add3A_212 = vector.broadcast %add3A_211 : i32 to vector<16xi32>
      %add3A_213 = arith.addi %add3A_204, %add3A_212 : vector<16xi32>
      tpu.vector_store_idx %arg8[%add3A_213], %broadcast_in_dim3A_2 {add = true} : memref<65536xf32, #tpu.memory_space<vmem>>[vector<16xi32>], vector<16xf32>,
      %mul3A_214 = arith.constant 4 : i32
      %mul3A_215 = arith.muli %arg0, %mul3A_214 : i32
      %add3A_216 = arith.constant 3 : i32
      %add3A_217 = arith.addi %mul3A_215, %add3A_216 : i32
      %get3A_218 = arith.index_cast %add3A_217 : i32 to index
      %get3A_219 = arith.index_cast %mul3A_69 : i32 to index
      %get3A_220 = tpu.vector_load %arg5[%get3A_218, %get3A_219] {strides = array<i32>} : memref<24x512xf32, #tpu.memory_space<vmem>>, vector<16xf32>,
      %add3A_221 = arith.constant 8 : i32
      %add3A_222 = arith.addi %add3A_221, %add3A_217 : i32
      %get3A_223 = arith.index_cast %add3A_222 : i32 to index
      %get3A_224 = arith.index_cast %mul3A_69 : i32 to index
      %get3A_225 = tpu.vector_load %arg5[%get3A_223, %get3A_224] {strides = array<i32>} : memref<24x512xf32, #tpu.memory_space<vmem>>, vector<16xf32>,
      %add3A_226 = arith.constant 16 : i32
      %add3A_227 = arith.addi %add3A_226, %add3A_217 : i32
      %get3A_228 = arith.index_cast %add3A_227 : i32 to index
      %get3A_229 = arith.index_cast %mul3A_69 : i32 to index
      %get3A_230 = tpu.vector_load %arg5[%get3A_228, %get3A_229] {strides = array<i32>} : memref<24x512xf32, #tpu.memory_space<vmem>>, vector<16xf32>,
      %mul3A_231 = arith.constant 1.600000e+01 : f32
      %mul3A_232 = vector.broadcast %mul3A_231 : f32 to vector<16xf32>
      %mul3A_233 = arith.mulf %get3A_220, %mul3A_232 : vector<16xf32>
      %convert_element_type3A_234 = arith.fptosi %mul3A_233 : vector<16xf32> to vector<16xi32>
      %mul3A_235 = arith.constant 1.600000e+01 : f32
      %mul3A_236 = vector.broadcast %mul3A_235 : f32 to vector<16xf32>
      %mul3A_237 = arith.mulf %get3A_225, %mul3A_236 : vector<16xf32>
      %convert_element_type3A_238 = arith.fptosi %mul3A_237 : vector<16xf32> to vector<16xi32>
      %mul3A_239 = arith.constant 1.600000e+01 : f32
      %mul3A_240 = vector.broadcast %mul3A_239 : f32 to vector<16xf32>
      %mul3A_241 = arith.mulf %get3A_230, %mul3A_240 : vector<16xf32>
      %convert_element_type3A_242 = arith.fptosi %mul3A_241 : vector<16xf32> to vector<16xi32>
      %shift_left3A_243 = arith.constant 8 : i32
      %shift_left3A_244 = vector.broadcast %shift_left3A_243 : i32 to vector<16xi32>
      %shift_left3A_245 = arith.shli %convert_element_type3A_234, %shift_left3A_244 : vector<16xi32>
      %shift_left3A_246 = arith.constant 4 : i32
      %shift_left3A_247 = vector.broadcast %shift_left3A_246 : i32 to vector<16xi32>
      %shift_left3A_248 = arith.shli %convert_element_type3A_238, %shift_left3A_247 : vector<16xi32>
      %or3A_249 = arith.ori %shift_left3A_245, %shift_left3A_248 : vector<16xi32>
      %or3A_250 = arith.ori %or3A_249, %convert_element_type3A_242 : vector<16xi32>
      %add3A_251 = arith.constant 49152 : i32
      %add3A_252 = vector.broadcast %add3A_251 : i32 to vector<16xi32>
      %add3A_253 = arith.addi %or3A_250, %add3A_252 : vector<16xi32>
      tpu.vector_store_idx %arg8[%add3A_253], %get3A_220 {add = true} : memref<65536xf32, #tpu.memory_space<vmem>>[vector<16xi32>], vector<16xf32>,
      %add3A_254 = arith.constant 4096 : i32
      %add3A_255 = vector.broadcast %add3A_254 : i32 to vector<16xi32>
      %add3A_256 = arith.addi %add3A_253, %add3A_255 : vector<16xi32>
      tpu.vector_store_idx %arg8[%add3A_256], %get3A_225 {add = true} : memref<65536xf32, #tpu.memory_space<vmem>>[vector<16xi32>], vector<16xf32>,
      %add3A_257 = arith.constant 8192 : i32
      %add3A_258 = vector.broadcast %add3A_257 : i32 to vector<16xi32>
      %add3A_259 = arith.addi %add3A_253, %add3A_258 : vector<16xi32>
      tpu.vector_store_idx %arg8[%add3A_259], %get3A_230 {add = true} : memref<65536xf32, #tpu.memory_space<vmem>>[vector<16xi32>], vector<16xf32>,
      %add3A_260 = arith.constant 12288 : i32
      %add3A_261 = vector.broadcast %add3A_260 : i32 to vector<16xi32>
      %add3A_262 = arith.addi %add3A_253, %add3A_261 : vector<16xi32>
      tpu.vector_store_idx %arg8[%add3A_262], %broadcast_in_dim3A_2 {add = true} : memref<65536xf32, #tpu.memory_space<vmem>>[vector<16xi32>], vector<16xf32>,
      %mul3A_263 = arith.constant 4 : i32
      %mul3A_264 = arith.muli %scan3A_63, %mul3A_263 : i32
      %add3A_265 = arith.constant 1 : i32
      %add3A_266 = arith.addi %mul3A_264, %add3A_265 : i32
      %mul3A_267 = arith.constant 16 : i32
      %mul3A_268 = arith.muli %add3A_266, %mul3A_267 : i32
      %mul3A_269 = arith.constant 4 : i32
      %mul3A_270 = arith.muli %arg0, %mul3A_269 : i32
      %add3A_271 = arith.constant 0 : i32
      %add3A_272 = arith.addi %mul3A_270, %add3A_271 : i32
      %get3A_273 = arith.index_cast %add3A_272 : i32 to index
      %get3A_274 = arith.index_cast %mul3A_268 : i32 to index
      %get3A_275 = tpu.vector_load %arg5[%get3A_273, %get3A_274] {strides = array<i32>} : memref<24x512xf32, #tpu.memory_space<vmem>>, vector<16xf32>,
      %add3A_276 = arith.constant 8 : i32
      %add3A_277 = arith.addi %add3A_276, %add3A_272 : i32
      %get3A_278 = arith.index_cast %add3A_277 : i32 to index
      %get3A_279 = arith.index_cast %mul3A_268 : i32 to index
      %get3A_280 = tpu.vector_load %arg5[%get3A_278, %get3A_279] {strides = array<i32>} : memref<24x512xf32, #tpu.memory_space<vmem>>, vector<16xf32>,
      %add3A_281 = arith.constant 16 : i32
      %add3A_282 = arith.addi %add3A_281, %add3A_272 : i32
      %get3A_283 = arith.index_cast %add3A_282 : i32 to index
      %get3A_284 = arith.index_cast %mul3A_268 : i32 to index
      %get3A_285 = tpu.vector_load %arg5[%get3A_283, %get3A_284] {strides = array<i32>} : memref<24x512xf32, #tpu.memory_space<vmem>>, vector<16xf32>,
      %mul3A_286 = arith.constant 1.600000e+01 : f32
      %mul3A_287 = vector.broadcast %mul3A_286 : f32 to vector<16xf32>
      %mul3A_288 = arith.mulf %get3A_275, %mul3A_287 : vector<16xf32>
      %convert_element_type3A_289 = arith.fptosi %mul3A_288 : vector<16xf32> to vector<16xi32>
      %mul3A_290 = arith.constant 1.600000e+01 : f32
      %mul3A_291 = vector.broadcast %mul3A_290 : f32 to vector<16xf32>
      %mul3A_292 = arith.mulf %get3A_280, %mul3A_291 : vector<16xf32>
      %convert_element_type3A_293 = arith.fptosi %mul3A_292 : vector<16xf32> to vector<16xi32>
      %mul3A_294 = arith.constant 1.600000e+01 : f32
      %mul3A_295 = vector.broadcast %mul3A_294 : f32 to vector<16xf32>
      %mul3A_296 = arith.mulf %get3A_285, %mul3A_295 : vector<16xf32>
      %convert_element_type3A_297 = arith.fptosi %mul3A_296 : vector<16xf32> to vector<16xi32>
      %shift_left3A_298 = arith.constant 8 : i32
      %shift_left3A_299 = vector.broadcast %shift_left3A_298 : i32 to vector<16xi32>
      %shift_left3A_300 = arith.shli %convert_element_type3A_289, %shift_left3A_299 : vector<16xi32>
      %shift_left3A_301 = arith.constant 4 : i32
      %shift_left3A_302 = vector.broadcast %shift_left3A_301 : i32 to vector<16xi32>
      %shift_left3A_303 = arith.shli %convert_element_type3A_293, %shift_left3A_302 : vector<16xi32>
      %or3A_304 = arith.ori %shift_left3A_300, %shift_left3A_303 : vector<16xi32>
      %or3A_305 = arith.ori %or3A_304, %convert_element_type3A_297 : vector<16xi32>
      %add3A_306 = arith.constant 0 : i32
      %add3A_307 = vector.broadcast %add3A_306 : i32 to vector<16xi32>
      %add3A_308 = arith.addi %or3A_305, %add3A_307 : vector<16xi32>
      tpu.vector_store_idx %arg8[%add3A_308], %get3A_275 {add = true} : memref<65536xf32, #tpu.memory_space<vmem>>[vector<16xi32>], vector<16xf32>,
      %add3A_309 = arith.constant 4096 : i32
      %add3A_310 = vector.broadcast %add3A_309 : i32 to vector<16xi32>
      %add3A_311 = arith.addi %add3A_308, %add3A_310 : vector<16xi32>
      tpu.vector_store_idx %arg8[%add3A_311], %get3A_280 {add = true} : memref<65536xf32, #tpu.memory_space<vmem>>[vector<16xi32>], vector<16xf32>,
      %add3A_312 = arith.constant 8192 : i32
      %add3A_313 = vector.broadcast %add3A_312 : i32 to vector<16xi32>
      %add3A_314 = arith.addi %add3A_308, %add3A_313 : vector<16xi32>
      tpu.vector_store_idx %arg8[%add3A_314], %get3A_285 {add = true} : memref<65536xf32, #tpu.memory_space<vmem>>[vector<16xi32>], vector<16xf32>,
      %add3A_315 = arith.constant 12288 : i32
      %add3A_316 = vector.broadcast %add3A_315 : i32 to vector<16xi32>
      %add3A_317 = arith.addi %add3A_308, %add3A_316 : vector<16xi32>
      tpu.vector_store_idx %arg8[%add3A_317], %broadcast_in_dim3A_2 {add = true} : memref<65536xf32, #tpu.memory_space<vmem>>[vector<16xi32>], vector<16xf32>,
      %mul3A_318 = arith.constant 4 : i32
      %mul3A_319 = arith.muli %arg0, %mul3A_318 : i32
      %add3A_320 = arith.constant 1 : i32
      %add3A_321 = arith.addi %mul3A_319, %add3A_320 : i32
      %get3A_322 = arith.index_cast %add3A_321 : i32 to index
      %get3A_323 = arith.index_cast %mul3A_268 : i32 to index
      %get3A_324 = tpu.vector_load %arg5[%get3A_322, %get3A_323] {strides = array<i32>} : memref<24x512xf32, #tpu.memory_space<vmem>>, vector<16xf32>,
      %add3A_325 = arith.constant 8 : i32
      %add3A_326 = arith.addi %add3A_325, %add3A_321 : i32
      %get3A_327 = arith.index_cast %add3A_326 : i32 to index
      %get3A_328 = arith.index_cast %mul3A_268 : i32 to index
      %get3A_329 = tpu.vector_load %arg5[%get3A_327, %get3A_328] {strides = array<i32>} : memref<24x512xf32, #tpu.memory_space<vmem>>, vector<16xf32>,
      %add3A_330 = arith.constant 16 : i32
      %add3A_331 = arith.addi %add3A_330, %add3A_321 : i32
      %get3A_332 = arith.index_cast %add3A_331 : i32 to index
      %get3A_333 = arith.index_cast %mul3A_268 : i32 to index
      %get3A_334 = tpu.vector_load %arg5[%get3A_332, %get3A_333] {strides = array<i32>} : memref<24x512xf32, #tpu.memory_space<vmem>>, vector<16xf32>,
      %mul3A_335 = arith.constant 1.600000e+01 : f32
      %mul3A_336 = vector.broadcast %mul3A_335 : f32 to vector<16xf32>
      %mul3A_337 = arith.mulf %get3A_324, %mul3A_336 : vector<16xf32>
      %convert_element_type3A_338 = arith.fptosi %mul3A_337 : vector<16xf32> to vector<16xi32>
      %mul3A_339 = arith.constant 1.600000e+01 : f32
      %mul3A_340 = vector.broadcast %mul3A_339 : f32 to vector<16xf32>
      %mul3A_341 = arith.mulf %get3A_329, %mul3A_340 : vector<16xf32>
      %convert_element_type3A_342 = arith.fptosi %mul3A_341 : vector<16xf32> to vector<16xi32>
      %mul3A_343 = arith.constant 1.600000e+01 : f32
      %mul3A_344 = vector.broadcast %mul3A_343 : f32 to vector<16xf32>
      %mul3A_345 = arith.mulf %get3A_334, %mul3A_344 : vector<16xf32>
      %convert_element_type3A_346 = arith.fptosi %mul3A_345 : vector<16xf32> to vector<16xi32>
      %shift_left3A_347 = arith.constant 8 : i32
      %shift_left3A_348 = vector.broadcast %shift_left3A_347 : i32 to vector<16xi32>
      %shift_left3A_349 = arith.shli %convert_element_type3A_338, %shift_left3A_348 : vector<16xi32>
      %shift_left3A_350 = arith.constant 4 : i32
      %shift_left3A_351 = vector.broadcast %shift_left3A_350 : i32 to vector<16xi32>
      %shift_left3A_352 = arith.shli %convert_element_type3A_342, %shift_left3A_351 : vector<16xi32>
      %or3A_353 = arith.ori %shift_left3A_349, %shift_left3A_352 : vector<16xi32>
      %or3A_354 = arith.ori %or3A_353, %convert_element_type3A_346 : vector<16xi32>
      %add3A_355 = arith.constant 16384 : i32
      %add3A_356 = vector.broadcast %add3A_355 : i32 to vector<16xi32>
      %add3A_357 = arith.addi %or3A_354, %add3A_356 : vector<16xi32>
      tpu.vector_store_idx %arg8[%add3A_357], %get3A_324 {add = true} : memref<65536xf32, #tpu.memory_space<vmem>>[vector<16xi32>], vector<16xf32>,
      %add3A_358 = arith.constant 4096 : i32
      %add3A_359 = vector.broadcast %add3A_358 : i32 to vector<16xi32>
      %add3A_360 = arith.addi %add3A_357, %add3A_359 : vector<16xi32>
      tpu.vector_store_idx %arg8[%add3A_360], %get3A_329 {add = true} : memref<65536xf32, #tpu.memory_space<vmem>>[vector<16xi32>], vector<16xf32>,
      %add3A_361 = arith.constant 8192 : i32
      %add3A_362 = vector.broadcast %add3A_361 : i32 to vector<16xi32>
      %add3A_363 = arith.addi %add3A_357, %add3A_362 : vector<16xi32>
      tpu.vector_store_idx %arg8[%add3A_363], %get3A_334 {add = true} : memref<65536xf32, #tpu.memory_space<vmem>>[vector<16xi32>], vector<16xf32>,
      %add3A_364 = arith.constant 12288 : i32
      %add3A_365 = vector.broadcast %add3A_364 : i32 to vector<16xi32>
      %add3A_366 = arith.addi %add3A_357, %add3A_365 : vector<16xi32>
      tpu.vector_store_idx %arg8[%add3A_366], %broadcast_in_dim3A_2 {add = true} : memref<65536xf32, #tpu.memory_space<vmem>>[vector<16xi32>], vector<16xf32>,
      %mul3A_367 = arith.constant 4 : i32
      %mul3A_368 = arith.muli %arg0, %mul3A_367 : i32
      %add3A_369 = arith.constant 2 : i32
      %add3A_370 = arith.addi %mul3A_368, %add3A_369 : i32
      %get3A_371 = arith.index_cast %add3A_370 : i32 to index
      %get3A_372 = arith.index_cast %mul3A_268 : i32 to index
      %get3A_373 = tpu.vector_load %arg5[%get3A_371, %get3A_372] {strides = array<i32>} : memref<24x512xf32, #tpu.memory_space<vmem>>, vector<16xf32>,
      %add3A_374 = arith.constant 8 : i32
      %add3A_375 = arith.addi %add3A_374, %add3A_370 : i32
      %get3A_376 = arith.index_cast %add3A_375 : i32 to index
      %get3A_377 = arith.index_cast %mul3A_268 : i32 to index
      %get3A_378 = tpu.vector_load %arg5[%get3A_376, %get3A_377] {strides = array<i32>} : memref<24x512xf32, #tpu.memory_space<vmem>>, vector<16xf32>,
      %add3A_379 = arith.constant 16 : i32
      %add3A_380 = arith.addi %add3A_379, %add3A_370 : i32
      %get3A_381 = arith.index_cast %add3A_380 : i32 to index
      %get3A_382 = arith.index_cast %mul3A_268 : i32 to index
      %get3A_383 = tpu.vector_load %arg5[%get3A_381, %get3A_382] {strides = array<i32>} : memref<24x512xf32, #tpu.memory_space<vmem>>, vector<16xf32>,
      %mul3A_384 = arith.constant 1.600000e+01 : f32
      %mul3A_385 = vector.broadcast %mul3A_384 : f32 to vector<16xf32>
      %mul3A_386 = arith.mulf %get3A_373, %mul3A_385 : vector<16xf32>
      %convert_element_type3A_387 = arith.fptosi %mul3A_386 : vector<16xf32> to vector<16xi32>
      %mul3A_388 = arith.constant 1.600000e+01 : f32
      %mul3A_389 = vector.broadcast %mul3A_388 : f32 to vector<16xf32>
      %mul3A_390 = arith.mulf %get3A_378, %mul3A_389 : vector<16xf32>
      %convert_element_type3A_391 = arith.fptosi %mul3A_390 : vector<16xf32> to vector<16xi32>
      %mul3A_392 = arith.constant 1.600000e+01 : f32
      %mul3A_393 = vector.broadcast %mul3A_392 : f32 to vector<16xf32>
      %mul3A_394 = arith.mulf %get3A_383, %mul3A_393 : vector<16xf32>
      %convert_element_type3A_395 = arith.fptosi %mul3A_394 : vector<16xf32> to vector<16xi32>
      %shift_left3A_396 = arith.constant 8 : i32
      %shift_left3A_397 = vector.broadcast %shift_left3A_396 : i32 to vector<16xi32>
      %shift_left3A_398 = arith.shli %convert_element_type3A_387, %shift_left3A_397 : vector<16xi32>
      %shift_left3A_399 = arith.constant 4 : i32
      %shift_left3A_400 = vector.broadcast %shift_left3A_399 : i32 to vector<16xi32>
      %shift_left3A_401 = arith.shli %convert_element_type3A_391, %shift_left3A_400 : vector<16xi32>
      %or3A_402 = arith.ori %shift_left3A_398, %shift_left3A_401 : vector<16xi32>
      %or3A_403 = arith.ori %or3A_402, %convert_element_type3A_395 : vector<16xi32>
      %add3A_404 = arith.constant 32768 : i32
      %add3A_405 = vector.broadcast %add3A_404 : i32 to vector<16xi32>
      %add3A_406 = arith.addi %or3A_403, %add3A_405 : vector<16xi32>
      tpu.vector_store_idx %arg8[%add3A_406], %get3A_373 {add = true} : memref<65536xf32, #tpu.memory_space<vmem>>[vector<16xi32>], vector<16xf32>,
      %add3A_407 = arith.constant 4096 : i32
      %add3A_408 = vector.broadcast %add3A_407 : i32 to vector<16xi32>
      %add3A_409 = arith.addi %add3A_406, %add3A_408 : vector<16xi32>
      tpu.vector_store_idx %arg8[%add3A_409], %get3A_378 {add = true} : memref<65536xf32, #tpu.memory_space<vmem>>[vector<16xi32>], vector<16xf32>,
      %add3A_410 = arith.constant 8192 : i32
      %add3A_411 = vector.broadcast %add3A_410 : i32 to vector<16xi32>
      %add3A_412 = arith.addi %add3A_406, %add3A_411 : vector<16xi32>
      tpu.vector_store_idx %arg8[%add3A_412], %get3A_383 {add = true} : memref<65536xf32, #tpu.memory_space<vmem>>[vector<16xi32>], vector<16xf32>,
      %add3A_413 = arith.constant 12288 : i32
      %add3A_414 = vector.broadcast %add3A_413 : i32 to vector<16xi32>
      %add3A_415 = arith.addi %add3A_406, %add3A_414 : vector<16xi32>
      tpu.vector_store_idx %arg8[%add3A_415], %broadcast_in_dim3A_2 {add = true} : memref<65536xf32, #tpu.memory_space<vmem>>[vector<16xi32>], vector<16xf32>,
      %mul3A_416 = arith.constant 4 : i32
      %mul3A_417 = arith.muli %arg0, %mul3A_416 : i32
      %add3A_418 = arith.constant 3 : i32
      %add3A_419 = arith.addi %mul3A_417, %add3A_418 : i32
      %get3A_420 = arith.index_cast %add3A_419 : i32 to index
      %get3A_421 = arith.index_cast %mul3A_268 : i32 to index
      %get3A_422 = tpu.vector_load %arg5[%get3A_420, %get3A_421] {strides = array<i32>} : memref<24x512xf32, #tpu.memory_space<vmem>>, vector<16xf32>,
      %add3A_423 = arith.constant 8 : i32
      %add3A_424 = arith.addi %add3A_423, %add3A_419 : i32
      %get3A_425 = arith.index_cast %add3A_424 : i32 to index
      %get3A_426 = arith.index_cast %mul3A_268 : i32 to index
      %get3A_427 = tpu.vector_load %arg5[%get3A_425, %get3A_426] {strides = array<i32>} : memref<24x512xf32, #tpu.memory_space<vmem>>, vector<16xf32>,
      %add3A_428 = arith.constant 16 : i32
      %add3A_429 = arith.addi %add3A_428, %add3A_419 : i32
      %get3A_430 = arith.index_cast %add3A_429 : i32 to index
      %get3A_431 = arith.index_cast %mul3A_268 : i32 to index
      %get3A_432 = tpu.vector_load %arg5[%get3A_430, %get3A_431] {strides = array<i32>} : memref<24x512xf32, #tpu.memory_space<vmem>>, vector<16xf32>,
      %mul3A_433 = arith.constant 1.600000e+01 : f32
      %mul3A_434 = vector.broadcast %mul3A_433 : f32 to vector<16xf32>
      %mul3A_435 = arith.mulf %get3A_422, %mul3A_434 : vector<16xf32>
      %convert_element_type3A_436 = arith.fptosi %mul3A_435 : vector<16xf32> to vector<16xi32>
      %mul3A_437 = arith.constant 1.600000e+01 : f32
      %mul3A_438 = vector.broadcast %mul3A_437 : f32 to vector<16xf32>
      %mul3A_439 = arith.mulf %get3A_427, %mul3A_438 : vector<16xf32>
      %convert_element_type3A_440 = arith.fptosi %mul3A_439 : vector<16xf32> to vector<16xi32>
      %mul3A_441 = arith.constant 1.600000e+01 : f32
      %mul3A_442 = vector.broadcast %mul3A_441 : f32 to vector<16xf32>
      %mul3A_443 = arith.mulf %get3A_432, %mul3A_442 : vector<16xf32>
      %convert_element_type3A_444 = arith.fptosi %mul3A_443 : vector<16xf32> to vector<16xi32>
      %shift_left3A_445 = arith.constant 8 : i32
      %shift_left3A_446 = vector.broadcast %shift_left3A_445 : i32 to vector<16xi32>
      %shift_left3A_447 = arith.shli %convert_element_type3A_436, %shift_left3A_446 : vector<16xi32>
      %shift_left3A_448 = arith.constant 4 : i32
      %shift_left3A_449 = vector.broadcast %shift_left3A_448 : i32 to vector<16xi32>
      %shift_left3A_450 = arith.shli %convert_element_type3A_440, %shift_left3A_449 : vector<16xi32>
      %or3A_451 = arith.ori %shift_left3A_447, %shift_left3A_450 : vector<16xi32>
      %or3A_452 = arith.ori %or3A_451, %convert_element_type3A_444 : vector<16xi32>
      %add3A_453 = arith.constant 49152 : i32
      %add3A_454 = vector.broadcast %add3A_453 : i32 to vector<16xi32>
      %add3A_455 = arith.addi %or3A_452, %add3A_454 : vector<16xi32>
      tpu.vector_store_idx %arg8[%add3A_455], %get3A_422 {add = true} : memref<65536xf32, #tpu.memory_space<vmem>>[vector<16xi32>], vector<16xf32>,
      %add3A_456 = arith.constant 4096 : i32
      %add3A_457 = vector.broadcast %add3A_456 : i32 to vector<16xi32>
      %add3A_458 = arith.addi %add3A_455, %add3A_457 : vector<16xi32>
      tpu.vector_store_idx %arg8[%add3A_458], %get3A_427 {add = true} : memref<65536xf32, #tpu.memory_space<vmem>>[vector<16xi32>], vector<16xf32>,
      %add3A_459 = arith.constant 8192 : i32
      %add3A_460 = vector.broadcast %add3A_459 : i32 to vector<16xi32>
      %add3A_461 = arith.addi %add3A_455, %add3A_460 : vector<16xi32>
      tpu.vector_store_idx %arg8[%add3A_461], %get3A_432 {add = true} : memref<65536xf32, #tpu.memory_space<vmem>>[vector<16xi32>], vector<16xf32>,
      %add3A_462 = arith.constant 12288 : i32
      %add3A_463 = vector.broadcast %add3A_462 : i32 to vector<16xi32>
      %add3A_464 = arith.addi %add3A_455, %add3A_463 : vector<16xi32>
      tpu.vector_store_idx %arg8[%add3A_464], %broadcast_in_dim3A_2 {add = true} : memref<65536xf32, #tpu.memory_space<vmem>>[vector<16xi32>], vector<16xf32>,
      %mul3A_465 = arith.constant 4 : i32
      %mul3A_466 = arith.muli %scan3A_63, %mul3A_465 : i32
      %add3A_467 = arith.constant 2 : i32
      %add3A_468 = arith.addi %mul3A_466, %add3A_467 : i32
      %mul3A_469 = arith.constant 16 : i32
      %mul3A_470 = arith.muli %add3A_468, %mul3A_469 : i32
      %mul3A_471 = arith.constant 4 : i32
      %mul3A_472 = arith.muli %arg0, %mul3A_471 : i32
      %add3A_473 = arith.constant 0 : i32
      %add3A_474 = arith.addi %mul3A_472, %add3A_473 : i32
      %get3A_475 = arith.index_cast %add3A_474 : i32 to index
      %get3A_476 = arith.index_cast %mul3A_470 : i32 to index
      %get3A_477 = tpu.vector_load %arg5[%get3A_475, %get3A_476] {strides = array<i32>} : memref<24x512xf32, #tpu.memory_space<vmem>>, vector<16xf32>,
      %add3A_478 = arith.constant 8 : i32
      %add3A_479 = arith.addi %add3A_478, %add3A_474 : i32
      %get3A_480 = arith.index_cast %add3A_479 : i32 to index
      %get3A_481 = arith.index_cast %mul3A_470 : i32 to index
      %get3A_482 = tpu.vector_load %arg5[%get3A_480, %get3A_481] {strides = array<i32>} : memref<24x512xf32, #tpu.memory_space<vmem>>, vector<16xf32>,
      %add3A_483 = arith.constant 16 : i32
      %add3A_484 = arith.addi %add3A_483, %add3A_474 : i32
      %get3A_485 = arith.index_cast %add3A_484 : i32 to index
      %get3A_486 = arith.index_cast %mul3A_470 : i32 to index
      %get3A_487 = tpu.vector_load %arg5[%get3A_485, %get3A_486] {strides = array<i32>} : memref<24x512xf32, #tpu.memory_space<vmem>>, vector<16xf32>,
      %mul3A_488 = arith.constant 1.600000e+01 : f32
      %mul3A_489 = vector.broadcast %mul3A_488 : f32 to vector<16xf32>
      %mul3A_490 = arith.mulf %get3A_477, %mul3A_489 : vector<16xf32>
      %convert_element_type3A_491 = arith.fptosi %mul3A_490 : vector<16xf32> to vector<16xi32>
      %mul3A_492 = arith.constant 1.600000e+01 : f32
      %mul3A_493 = vector.broadcast %mul3A_492 : f32 to vector<16xf32>
      %mul3A_494 = arith.mulf %get3A_482, %mul3A_493 : vector<16xf32>
      %convert_element_type3A_495 = arith.fptosi %mul3A_494 : vector<16xf32> to vector<16xi32>
      %mul3A_496 = arith.constant 1.600000e+01 : f32
      %mul3A_497 = vector.broadcast %mul3A_496 : f32 to vector<16xf32>
      %mul3A_498 = arith.mulf %get3A_487, %mul3A_497 : vector<16xf32>
      %convert_element_type3A_499 = arith.fptosi %mul3A_498 : vector<16xf32> to vector<16xi32>
      %shift_left3A_500 = arith.constant 8 : i32
      %shift_left3A_501 = vector.broadcast %shift_left3A_500 : i32 to vector<16xi32>
      %shift_left3A_502 = arith.shli %convert_element_type3A_491, %shift_left3A_501 : vector<16xi32>
      %shift_left3A_503 = arith.constant 4 : i32
      %shift_left3A_504 = vector.broadcast %shift_left3A_503 : i32 to vector<16xi32>
      %shift_left3A_505 = arith.shli %convert_element_type3A_495, %shift_left3A_504 : vector<16xi32>
      %or3A_506 = arith.ori %shift_left3A_502, %shift_left3A_505 : vector<16xi32>
      %or3A_507 = arith.ori %or3A_506, %convert_element_type3A_499 : vector<16xi32>
      %add3A_508 = arith.constant 0 : i32
      %add3A_509 = vector.broadcast %add3A_508 : i32 to vector<16xi32>
      %add3A_510 = arith.addi %or3A_507, %add3A_509 : vector<16xi32>
      tpu.vector_store_idx %arg8[%add3A_510], %get3A_477 {add = true} : memref<65536xf32, #tpu.memory_space<vmem>>[vector<16xi32>], vector<16xf32>,
      %add3A_511 = arith.constant 4096 : i32
      %add3A_512 = vector.broadcast %add3A_511 : i32 to vector<16xi32>
      %add3A_513 = arith.addi %add3A_510, %add3A_512 : vector<16xi32>
      tpu.vector_store_idx %arg8[%add3A_513], %get3A_482 {add = true} : memref<65536xf32, #tpu.memory_space<vmem>>[vector<16xi32>], vector<16xf32>,
      %add3A_514 = arith.constant 8192 : i32
      %add3A_515 = vector.broadcast %add3A_514 : i32 to vector<16xi32>
      %add3A_516 = arith.addi %add3A_510, %add3A_515 : vector<16xi32>
      tpu.vector_store_idx %arg8[%add3A_516], %get3A_487 {add = true} : memref<65536xf32, #tpu.memory_space<vmem>>[vector<16xi32>], vector<16xf32>,
      %add3A_517 = arith.constant 12288 : i32
      %add3A_518 = vector.broadcast %add3A_517 : i32 to vector<16xi32>
      %add3A_519 = arith.addi %add3A_510, %add3A_518 : vector<16xi32>
      tpu.vector_store_idx %arg8[%add3A_519], %broadcast_in_dim3A_2 {add = true} : memref<65536xf32, #tpu.memory_space<vmem>>[vector<16xi32>], vector<16xf32>,
      %mul3A_520 = arith.constant 4 : i32
      %mul3A_521 = arith.muli %arg0, %mul3A_520 : i32
      %add3A_522 = arith.constant 1 : i32
      %add3A_523 = arith.addi %mul3A_521, %add3A_522 : i32
      %get3A_524 = arith.index_cast %add3A_523 : i32 to index
      %get3A_525 = arith.index_cast %mul3A_470 : i32 to index
      %get3A_526 = tpu.vector_load %arg5[%get3A_524, %get3A_525] {strides = array<i32>} : memref<24x512xf32, #tpu.memory_space<vmem>>, vector<16xf32>,
      %add3A_527 = arith.constant 8 : i32
      %add3A_528 = arith.addi %add3A_527, %add3A_523 : i32
      %get3A_529 = arith.index_cast %add3A_528 : i32 to index
      %get3A_530 = arith.index_cast %mul3A_470 : i32 to index
      %get3A_531 = tpu.vector_load %arg5[%get3A_529, %get3A_530] {strides = array<i32>} : memref<24x512xf32, #tpu.memory_space<vmem>>, vector<16xf32>,
      %add3A_532 = arith.constant 16 : i32
      %add3A_533 = arith.addi %add3A_532, %add3A_523 : i32
      %get3A_534 = arith.index_cast %add3A_533 : i32 to index
      %get3A_535 = arith.index_cast %mul3A_470 : i32 to index
      %get3A_536 = tpu.vector_load %arg5[%get3A_534, %get3A_535] {strides = array<i32>} : memref<24x512xf32, #tpu.memory_space<vmem>>, vector<16xf32>,
      %mul3A_537 = arith.constant 1.600000e+01 : f32
      %mul3A_538 = vector.broadcast %mul3A_537 : f32 to vector<16xf32>
      %mul3A_539 = arith.mulf %get3A_526, %mul3A_538 : vector<16xf32>
      %convert_element_type3A_540 = arith.fptosi %mul3A_539 : vector<16xf32> to vector<16xi32>
      %mul3A_541 = arith.constant 1.600000e+01 : f32
      %mul3A_542 = vector.broadcast %mul3A_541 : f32 to vector<16xf32>
      %mul3A_543 = arith.mulf %get3A_531, %mul3A_542 : vector<16xf32>
      %convert_element_type3A_544 = arith.fptosi %mul3A_543 : vector<16xf32> to vector<16xi32>
      %mul3A_545 = arith.constant 1.600000e+01 : f32
      %mul3A_546 = vector.broadcast %mul3A_545 : f32 to vector<16xf32>
      %mul3A_547 = arith.mulf %get3A_536, %mul3A_546 : vector<16xf32>
      %convert_element_type3A_548 = arith.fptosi %mul3A_547 : vector<16xf32> to vector<16xi32>
      %shift_left3A_549 = arith.constant 8 : i32
      %shift_left3A_550 = vector.broadcast %shift_left3A_549 : i32 to vector<16xi32>
      %shift_left3A_551 = arith.shli %convert_element_type3A_540, %shift_left3A_550 : vector<16xi32>
      %shift_left3A_552 = arith.constant 4 : i32
      %shift_left3A_553 = vector.broadcast %shift_left3A_552 : i32 to vector<16xi32>
      %shift_left3A_554 = arith.shli %convert_element_type3A_544, %shift_left3A_553 : vector<16xi32>
      %or3A_555 = arith.ori %shift_left3A_551, %shift_left3A_554 : vector<16xi32>
      %or3A_556 = arith.ori %or3A_555, %convert_element_type3A_548 : vector<16xi32>
      %add3A_557 = arith.constant 16384 : i32
      %add3A_558 = vector.broadcast %add3A_557 : i32 to vector<16xi32>
      %add3A_559 = arith.addi %or3A_556, %add3A_558 : vector<16xi32>
      tpu.vector_store_idx %arg8[%add3A_559], %get3A_526 {add = true} : memref<65536xf32, #tpu.memory_space<vmem>>[vector<16xi32>], vector<16xf32>,
      %add3A_560 = arith.constant 4096 : i32
      %add3A_561 = vector.broadcast %add3A_560 : i32 to vector<16xi32>
      %add3A_562 = arith.addi %add3A_559, %add3A_561 : vector<16xi32>
      tpu.vector_store_idx %arg8[%add3A_562], %get3A_531 {add = true} : memref<65536xf32, #tpu.memory_space<vmem>>[vector<16xi32>], vector<16xf32>,
      %add3A_563 = arith.constant 8192 : i32
      %add3A_564 = vector.broadcast %add3A_563 : i32 to vector<16xi32>
      %add3A_565 = arith.addi %add3A_559, %add3A_564 : vector<16xi32>
      tpu.vector_store_idx %arg8[%add3A_565], %get3A_536 {add = true} : memref<65536xf32, #tpu.memory_space<vmem>>[vector<16xi32>], vector<16xf32>,
      %add3A_566 = arith.constant 12288 : i32
      %add3A_567 = vector.broadcast %add3A_566 : i32 to vector<16xi32>
      %add3A_568 = arith.addi %add3A_559, %add3A_567 : vector<16xi32>
      tpu.vector_store_idx %arg8[%add3A_568], %broadcast_in_dim3A_2 {add = true} : memref<65536xf32, #tpu.memory_space<vmem>>[vector<16xi32>], vector<16xf32>,
      %mul3A_569 = arith.constant 4 : i32
      %mul3A_570 = arith.muli %arg0, %mul3A_569 : i32
      %add3A_571 = arith.constant 2 : i32
      %add3A_572 = arith.addi %mul3A_570, %add3A_571 : i32
      %get3A_573 = arith.index_cast %add3A_572 : i32 to index
      %get3A_574 = arith.index_cast %mul3A_470 : i32 to index
      %get3A_575 = tpu.vector_load %arg5[%get3A_573, %get3A_574] {strides = array<i32>} : memref<24x512xf32, #tpu.memory_space<vmem>>, vector<16xf32>,
      %add3A_576 = arith.constant 8 : i32
      %add3A_577 = arith.addi %add3A_576, %add3A_572 : i32
      %get3A_578 = arith.index_cast %add3A_577 : i32 to index
      %get3A_579 = arith.index_cast %mul3A_470 : i32 to index
      %get3A_580 = tpu.vector_load %arg5[%get3A_578, %get3A_579] {strides = array<i32>} : memref<24x512xf32, #tpu.memory_space<vmem>>, vector<16xf32>,
      %add3A_581 = arith.constant 16 : i32
      %add3A_582 = arith.addi %add3A_581, %add3A_572 : i32
      %get3A_583 = arith.index_cast %add3A_582 : i32 to index
      %get3A_584 = arith.index_cast %mul3A_470 : i32 to index
      %get3A_585 = tpu.vector_load %arg5[%get3A_583, %get3A_584] {strides = array<i32>} : memref<24x512xf32, #tpu.memory_space<vmem>>, vector<16xf32>,
      %mul3A_586 = arith.constant 1.600000e+01 : f32
      %mul3A_587 = vector.broadcast %mul3A_586 : f32 to vector<16xf32>
      %mul3A_588 = arith.mulf %get3A_575, %mul3A_587 : vector<16xf32>
      %convert_element_type3A_589 = arith.fptosi %mul3A_588 : vector<16xf32> to vector<16xi32>
      %mul3A_590 = arith.constant 1.600000e+01 : f32
      %mul3A_591 = vector.broadcast %mul3A_590 : f32 to vector<16xf32>
      %mul3A_592 = arith.mulf %get3A_580, %mul3A_591 : vector<16xf32>
      %convert_element_type3A_593 = arith.fptosi %mul3A_592 : vector<16xf32> to vector<16xi32>
      %mul3A_594 = arith.constant 1.600000e+01 : f32
      %mul3A_595 = vector.broadcast %mul3A_594 : f32 to vector<16xf32>
      %mul3A_596 = arith.mulf %get3A_585, %mul3A_595 : vector<16xf32>
      %convert_element_type3A_597 = arith.fptosi %mul3A_596 : vector<16xf32> to vector<16xi32>
      %shift_left3A_598 = arith.constant 8 : i32
      %shift_left3A_599 = vector.broadcast %shift_left3A_598 : i32 to vector<16xi32>
      %shift_left3A_600 = arith.shli %convert_element_type3A_589, %shift_left3A_599 : vector<16xi32>
      %shift_left3A_601 = arith.constant 4 : i32
      %shift_left3A_602 = vector.broadcast %shift_left3A_601 : i32 to vector<16xi32>
      %shift_left3A_603 = arith.shli %convert_element_type3A_593, %shift_left3A_602 : vector<16xi32>
      %or3A_604 = arith.ori %shift_left3A_600, %shift_left3A_603 : vector<16xi32>
      %or3A_605 = arith.ori %or3A_604, %convert_element_type3A_597 : vector<16xi32>
      %add3A_606 = arith.constant 32768 : i32
      %add3A_607 = vector.broadcast %add3A_606 : i32 to vector<16xi32>
      %add3A_608 = arith.addi %or3A_605, %add3A_607 : vector<16xi32>
      tpu.vector_store_idx %arg8[%add3A_608], %get3A_575 {add = true} : memref<65536xf32, #tpu.memory_space<vmem>>[vector<16xi32>], vector<16xf32>,
      %add3A_609 = arith.constant 4096 : i32
      %add3A_610 = vector.broadcast %add3A_609 : i32 to vector<16xi32>
      %add3A_611 = arith.addi %add3A_608, %add3A_610 : vector<16xi32>
      tpu.vector_store_idx %arg8[%add3A_611], %get3A_580 {add = true} : memref<65536xf32, #tpu.memory_space<vmem>>[vector<16xi32>], vector<16xf32>,
      %add3A_612 = arith.constant 8192 : i32
      %add3A_613 = vector.broadcast %add3A_612 : i32 to vector<16xi32>
      %add3A_614 = arith.addi %add3A_608, %add3A_613 : vector<16xi32>
      tpu.vector_store_idx %arg8[%add3A_614], %get3A_585 {add = true} : memref<65536xf32, #tpu.memory_space<vmem>>[vector<16xi32>], vector<16xf32>,
      %add3A_615 = arith.constant 12288 : i32
      %add3A_616 = vector.broadcast %add3A_615 : i32 to vector<16xi32>
      %add3A_617 = arith.addi %add3A_608, %add3A_616 : vector<16xi32>
      tpu.vector_store_idx %arg8[%add3A_617], %broadcast_in_dim3A_2 {add = true} : memref<65536xf32, #tpu.memory_space<vmem>>[vector<16xi32>], vector<16xf32>,
      %mul3A_618 = arith.constant 4 : i32
      %mul3A_619 = arith.muli %arg0, %mul3A_618 : i32
      %add3A_620 = arith.constant 3 : i32
      %add3A_621 = arith.addi %mul3A_619, %add3A_620 : i32
      %get3A_622 = arith.index_cast %add3A_621 : i32 to index
      %get3A_623 = arith.index_cast %mul3A_470 : i32 to index
      %get3A_624 = tpu.vector_load %arg5[%get3A_622, %get3A_623] {strides = array<i32>} : memref<24x512xf32, #tpu.memory_space<vmem>>, vector<16xf32>,
      %add3A_625 = arith.constant 8 : i32
      %add3A_626 = arith.addi %add3A_625, %add3A_621 : i32
      %get3A_627 = arith.index_cast %add3A_626 : i32 to index
      %get3A_628 = arith.index_cast %mul3A_470 : i32 to index
      %get3A_629 = tpu.vector_load %arg5[%get3A_627, %get3A_628] {strides = array<i32>} : memref<24x512xf32, #tpu.memory_space<vmem>>, vector<16xf32>,
      %add3A_630 = arith.constant 16 : i32
      %add3A_631 = arith.addi %add3A_630, %add3A_621 : i32
      %get3A_632 = arith.index_cast %add3A_631 : i32 to index
      %get3A_633 = arith.index_cast %mul3A_470 : i32 to index
      %get3A_634 = tpu.vector_load %arg5[%get3A_632, %get3A_633] {strides = array<i32>} : memref<24x512xf32, #tpu.memory_space<vmem>>, vector<16xf32>,
      %mul3A_635 = arith.constant 1.600000e+01 : f32
      %mul3A_636 = vector.broadcast %mul3A_635 : f32 to vector<16xf32>
      %mul3A_637 = arith.mulf %get3A_624, %mul3A_636 : vector<16xf32>
      %convert_element_type3A_638 = arith.fptosi %mul3A_637 : vector<16xf32> to vector<16xi32>
      %mul3A_639 = arith.constant 1.600000e+01 : f32
      %mul3A_640 = vector.broadcast %mul3A_639 : f32 to vector<16xf32>
      %mul3A_641 = arith.mulf %get3A_629, %mul3A_640 : vector<16xf32>
      %convert_element_type3A_642 = arith.fptosi %mul3A_641 : vector<16xf32> to vector<16xi32>
      %mul3A_643 = arith.constant 1.600000e+01 : f32
      %mul3A_644 = vector.broadcast %mul3A_643 : f32 to vector<16xf32>
      %mul3A_645 = arith.mulf %get3A_634, %mul3A_644 : vector<16xf32>
      %convert_element_type3A_646 = arith.fptosi %mul3A_645 : vector<16xf32> to vector<16xi32>
      %shift_left3A_647 = arith.constant 8 : i32
      %shift_left3A_648 = vector.broadcast %shift_left3A_647 : i32 to vector<16xi32>
      %shift_left3A_649 = arith.shli %convert_element_type3A_638, %shift_left3A_648 : vector<16xi32>
      %shift_left3A_650 = arith.constant 4 : i32
      %shift_left3A_651 = vector.broadcast %shift_left3A_650 : i32 to vector<16xi32>
      %shift_left3A_652 = arith.shli %convert_element_type3A_642, %shift_left3A_651 : vector<16xi32>
      %or3A_653 = arith.ori %shift_left3A_649, %shift_left3A_652 : vector<16xi32>
      %or3A_654 = arith.ori %or3A_653, %convert_element_type3A_646 : vector<16xi32>
      %add3A_655 = arith.constant 49152 : i32
      %add3A_656 = vector.broadcast %add3A_655 : i32 to vector<16xi32>
      %add3A_657 = arith.addi %or3A_654, %add3A_656 : vector<16xi32>
      tpu.vector_store_idx %arg8[%add3A_657], %get3A_624 {add = true} : memref<65536xf32, #tpu.memory_space<vmem>>[vector<16xi32>], vector<16xf32>,
      %add3A_658 = arith.constant 4096 : i32
      %add3A_659 = vector.broadcast %add3A_658 : i32 to vector<16xi32>
      %add3A_660 = arith.addi %add3A_657, %add3A_659 : vector<16xi32>
      tpu.vector_store_idx %arg8[%add3A_660], %get3A_629 {add = true} : memref<65536xf32, #tpu.memory_space<vmem>>[vector<16xi32>], vector<16xf32>,
      %add3A_661 = arith.constant 8192 : i32
      %add3A_662 = vector.broadcast %add3A_661 : i32 to vector<16xi32>
      %add3A_663 = arith.addi %add3A_657, %add3A_662 : vector<16xi32>
      tpu.vector_store_idx %arg8[%add3A_663], %get3A_634 {add = true} : memref<65536xf32, #tpu.memory_space<vmem>>[vector<16xi32>], vector<16xf32>,
      %add3A_664 = arith.constant 12288 : i32
      %add3A_665 = vector.broadcast %add3A_664 : i32 to vector<16xi32>
      %add3A_666 = arith.addi %add3A_657, %add3A_665 : vector<16xi32>
      tpu.vector_store_idx %arg8[%add3A_666], %broadcast_in_dim3A_2 {add = true} : memref<65536xf32, #tpu.memory_space<vmem>>[vector<16xi32>], vector<16xf32>,
      %mul3A_667 = arith.constant 4 : i32
      %mul3A_668 = arith.muli %scan3A_63, %mul3A_667 : i32
      %add3A_669 = arith.constant 3 : i32
      %add3A_670 = arith.addi %mul3A_668, %add3A_669 : i32
      %mul3A_671 = arith.constant 16 : i32
      %mul3A_672 = arith.muli %add3A_670, %mul3A_671 : i32
      %mul3A_673 = arith.constant 4 : i32
      %mul3A_674 = arith.muli %arg0, %mul3A_673 : i32
      %add3A_675 = arith.constant 0 : i32
      %add3A_676 = arith.addi %mul3A_674, %add3A_675 : i32
      %get3A_677 = arith.index_cast %add3A_676 : i32 to index
      %get3A_678 = arith.index_cast %mul3A_672 : i32 to index
      %get3A_679 = tpu.vector_load %arg5[%get3A_677, %get3A_678] {strides = array<i32>} : memref<24x512xf32, #tpu.memory_space<vmem>>, vector<16xf32>,
      %add3A_680 = arith.constant 8 : i32
      %add3A_681 = arith.addi %add3A_680, %add3A_676 : i32
      %get3A_682 = arith.index_cast %add3A_681 : i32 to index
      %get3A_683 = arith.index_cast %mul3A_672 : i32 to index
      %get3A_684 = tpu.vector_load %arg5[%get3A_682, %get3A_683] {strides = array<i32>} : memref<24x512xf32, #tpu.memory_space<vmem>>, vector<16xf32>,
      %add3A_685 = arith.constant 16 : i32
      %add3A_686 = arith.addi %add3A_685, %add3A_676 : i32
      %get3A_687 = arith.index_cast %add3A_686 : i32 to index
      %get3A_688 = arith.index_cast %mul3A_672 : i32 to index
      %get3A_689 = tpu.vector_load %arg5[%get3A_687, %get3A_688] {strides = array<i32>} : memref<24x512xf32, #tpu.memory_space<vmem>>, vector<16xf32>,
      %mul3A_690 = arith.constant 1.600000e+01 : f32
      %mul3A_691 = vector.broadcast %mul3A_690 : f32 to vector<16xf32>
      %mul3A_692 = arith.mulf %get3A_679, %mul3A_691 : vector<16xf32>
      %convert_element_type3A_693 = arith.fptosi %mul3A_692 : vector<16xf32> to vector<16xi32>
      %mul3A_694 = arith.constant 1.600000e+01 : f32
      %mul3A_695 = vector.broadcast %mul3A_694 : f32 to vector<16xf32>
      %mul3A_696 = arith.mulf %get3A_684, %mul3A_695 : vector<16xf32>
      %convert_element_type3A_697 = arith.fptosi %mul3A_696 : vector<16xf32> to vector<16xi32>
      %mul3A_698 = arith.constant 1.600000e+01 : f32
      %mul3A_699 = vector.broadcast %mul3A_698 : f32 to vector<16xf32>
      %mul3A_700 = arith.mulf %get3A_689, %mul3A_699 : vector<16xf32>
      %convert_element_type3A_701 = arith.fptosi %mul3A_700 : vector<16xf32> to vector<16xi32>
      %shift_left3A_702 = arith.constant 8 : i32
      %shift_left3A_703 = vector.broadcast %shift_left3A_702 : i32 to vector<16xi32>
      %shift_left3A_704 = arith.shli %convert_element_type3A_693, %shift_left3A_703 : vector<16xi32>
      %shift_left3A_705 = arith.constant 4 : i32
      %shift_left3A_706 = vector.broadcast %shift_left3A_705 : i32 to vector<16xi32>
      %shift_left3A_707 = arith.shli %convert_element_type3A_697, %shift_left3A_706 : vector<16xi32>
      %or3A_708 = arith.ori %shift_left3A_704, %shift_left3A_707 : vector<16xi32>
      %or3A_709 = arith.ori %or3A_708, %convert_element_type3A_701 : vector<16xi32>
      %add3A_710 = arith.constant 0 : i32
      %add3A_711 = vector.broadcast %add3A_710 : i32 to vector<16xi32>
      %add3A_712 = arith.addi %or3A_709, %add3A_711 : vector<16xi32>
      tpu.vector_store_idx %arg8[%add3A_712], %get3A_679 {add = true} : memref<65536xf32, #tpu.memory_space<vmem>>[vector<16xi32>], vector<16xf32>,
      %add3A_713 = arith.constant 4096 : i32
      %add3A_714 = vector.broadcast %add3A_713 : i32 to vector<16xi32>
      %add3A_715 = arith.addi %add3A_712, %add3A_714 : vector<16xi32>
      tpu.vector_store_idx %arg8[%add3A_715], %get3A_684 {add = true} : memref<65536xf32, #tpu.memory_space<vmem>>[vector<16xi32>], vector<16xf32>,
      %add3A_716 = arith.constant 8192 : i32
      %add3A_717 = vector.broadcast %add3A_716 : i32 to vector<16xi32>
      %add3A_718 = arith.addi %add3A_712, %add3A_717 : vector<16xi32>
      tpu.vector_store_idx %arg8[%add3A_718], %get3A_689 {add = true} : memref<65536xf32, #tpu.memory_space<vmem>>[vector<16xi32>], vector<16xf32>,
      %add3A_719 = arith.constant 12288 : i32
      %add3A_720 = vector.broadcast %add3A_719 : i32 to vector<16xi32>
      %add3A_721 = arith.addi %add3A_712, %add3A_720 : vector<16xi32>
      tpu.vector_store_idx %arg8[%add3A_721], %broadcast_in_dim3A_2 {add = true} : memref<65536xf32, #tpu.memory_space<vmem>>[vector<16xi32>], vector<16xf32>,
      %mul3A_722 = arith.constant 4 : i32
      %mul3A_723 = arith.muli %arg0, %mul3A_722 : i32
      %add3A_724 = arith.constant 1 : i32
      %add3A_725 = arith.addi %mul3A_723, %add3A_724 : i32
      %get3A_726 = arith.index_cast %add3A_725 : i32 to index
      %get3A_727 = arith.index_cast %mul3A_672 : i32 to index
      %get3A_728 = tpu.vector_load %arg5[%get3A_726, %get3A_727] {strides = array<i32>} : memref<24x512xf32, #tpu.memory_space<vmem>>, vector<16xf32>,
      %add3A_729 = arith.constant 8 : i32
      %add3A_730 = arith.addi %add3A_729, %add3A_725 : i32
      %get3A_731 = arith.index_cast %add3A_730 : i32 to index
      %get3A_732 = arith.index_cast %mul3A_672 : i32 to index
      %get3A_733 = tpu.vector_load %arg5[%get3A_731, %get3A_732] {strides = array<i32>} : memref<24x512xf32, #tpu.memory_space<vmem>>, vector<16xf32>,
      %add3A_734 = arith.constant 16 : i32
      %add3A_735 = arith.addi %add3A_734, %add3A_725 : i32
      %get3A_736 = arith.index_cast %add3A_735 : i32 to index
      %get3A_737 = arith.index_cast %mul3A_672 : i32 to index
      %get3A_738 = tpu.vector_load %arg5[%get3A_736, %get3A_737] {strides = array<i32>} : memref<24x512xf32, #tpu.memory_space<vmem>>, vector<16xf32>,
      %mul3A_739 = arith.constant 1.600000e+01 : f32
      %mul3A_740 = vector.broadcast %mul3A_739 : f32 to vector<16xf32>
      %mul3A_741 = arith.mulf %get3A_728, %mul3A_740 : vector<16xf32>
      %convert_element_type3A_742 = arith.fptosi %mul3A_741 : vector<16xf32> to vector<16xi32>
      %mul3A_743 = arith.constant 1.600000e+01 : f32
      %mul3A_744 = vector.broadcast %mul3A_743 : f32 to vector<16xf32>
      %mul3A_745 = arith.mulf %get3A_733, %mul3A_744 : vector<16xf32>
      %convert_element_type3A_746 = arith.fptosi %mul3A_745 : vector<16xf32> to vector<16xi32>
      %mul3A_747 = arith.constant 1.600000e+01 : f32
      %mul3A_748 = vector.broadcast %mul3A_747 : f32 to vector<16xf32>
      %mul3A_749 = arith.mulf %get3A_738, %mul3A_748 : vector<16xf32>
      %convert_element_type3A_750 = arith.fptosi %mul3A_749 : vector<16xf32> to vector<16xi32>
      %shift_left3A_751 = arith.constant 8 : i32
      %shift_left3A_752 = vector.broadcast %shift_left3A_751 : i32 to vector<16xi32>
      %shift_left3A_753 = arith.shli %convert_element_type3A_742, %shift_left3A_752 : vector<16xi32>
      %shift_left3A_754 = arith.constant 4 : i32
      %shift_left3A_755 = vector.broadcast %shift_left3A_754 : i32 to vector<16xi32>
      %shift_left3A_756 = arith.shli %convert_element_type3A_746, %shift_left3A_755 : vector<16xi32>
      %or3A_757 = arith.ori %shift_left3A_753, %shift_left3A_756 : vector<16xi32>
      %or3A_758 = arith.ori %or3A_757, %convert_element_type3A_750 : vector<16xi32>
      %add3A_759 = arith.constant 16384 : i32
      %add3A_760 = vector.broadcast %add3A_759 : i32 to vector<16xi32>
      %add3A_761 = arith.addi %or3A_758, %add3A_760 : vector<16xi32>
      tpu.vector_store_idx %arg8[%add3A_761], %get3A_728 {add = true} : memref<65536xf32, #tpu.memory_space<vmem>>[vector<16xi32>], vector<16xf32>,
      %add3A_762 = arith.constant 4096 : i32
      %add3A_763 = vector.broadcast %add3A_762 : i32 to vector<16xi32>
      %add3A_764 = arith.addi %add3A_761, %add3A_763 : vector<16xi32>
      tpu.vector_store_idx %arg8[%add3A_764], %get3A_733 {add = true} : memref<65536xf32, #tpu.memory_space<vmem>>[vector<16xi32>], vector<16xf32>,
      %add3A_765 = arith.constant 8192 : i32
      %add3A_766 = vector.broadcast %add3A_765 : i32 to vector<16xi32>
      %add3A_767 = arith.addi %add3A_761, %add3A_766 : vector<16xi32>
      tpu.vector_store_idx %arg8[%add3A_767], %get3A_738 {add = true} : memref<65536xf32, #tpu.memory_space<vmem>>[vector<16xi32>], vector<16xf32>,
      %add3A_768 = arith.constant 12288 : i32
      %add3A_769 = vector.broadcast %add3A_768 : i32 to vector<16xi32>
      %add3A_770 = arith.addi %add3A_761, %add3A_769 : vector<16xi32>
      tpu.vector_store_idx %arg8[%add3A_770], %broadcast_in_dim3A_2 {add = true} : memref<65536xf32, #tpu.memory_space<vmem>>[vector<16xi32>], vector<16xf32>,
      %mul3A_771 = arith.constant 4 : i32
      %mul3A_772 = arith.muli %arg0, %mul3A_771 : i32
      %add3A_773 = arith.constant 2 : i32
      %add3A_774 = arith.addi %mul3A_772, %add3A_773 : i32
      %get3A_775 = arith.index_cast %add3A_774 : i32 to index
      %get3A_776 = arith.index_cast %mul3A_672 : i32 to index
      %get3A_777 = tpu.vector_load %arg5[%get3A_775, %get3A_776] {strides = array<i32>} : memref<24x512xf32, #tpu.memory_space<vmem>>, vector<16xf32>,
      %add3A_778 = arith.constant 8 : i32
      %add3A_779 = arith.addi %add3A_778, %add3A_774 : i32
      %get3A_780 = arith.index_cast %add3A_779 : i32 to index
      %get3A_781 = arith.index_cast %mul3A_672 : i32 to index
      %get3A_782 = tpu.vector_load %arg5[%get3A_780, %get3A_781] {strides = array<i32>} : memref<24x512xf32, #tpu.memory_space<vmem>>, vector<16xf32>,
      %add3A_783 = arith.constant 16 : i32
      %add3A_784 = arith.addi %add3A_783, %add3A_774 : i32
      %get3A_785 = arith.index_cast %add3A_784 : i32 to index
      %get3A_786 = arith.index_cast %mul3A_672 : i32 to index
      %get3A_787 = tpu.vector_load %arg5[%get3A_785, %get3A_786] {strides = array<i32>} : memref<24x512xf32, #tpu.memory_space<vmem>>, vector<16xf32>,
      %mul3A_788 = arith.constant 1.600000e+01 : f32
      %mul3A_789 = vector.broadcast %mul3A_788 : f32 to vector<16xf32>
      %mul3A_790 = arith.mulf %get3A_777, %mul3A_789 : vector<16xf32>
      %convert_element_type3A_791 = arith.fptosi %mul3A_790 : vector<16xf32> to vector<16xi32>
      %mul3A_792 = arith.constant 1.600000e+01 : f32
      %mul3A_793 = vector.broadcast %mul3A_792 : f32 to vector<16xf32>
      %mul3A_794 = arith.mulf %get3A_782, %mul3A_793 : vector<16xf32>
      %convert_element_type3A_795 = arith.fptosi %mul3A_794 : vector<16xf32> to vector<16xi32>
      %mul3A_796 = arith.constant 1.600000e+01 : f32
      %mul3A_797 = vector.broadcast %mul3A_796 : f32 to vector<16xf32>
      %mul3A_798 = arith.mulf %get3A_787, %mul3A_797 : vector<16xf32>
      %convert_element_type3A_799 = arith.fptosi %mul3A_798 : vector<16xf32> to vector<16xi32>
      %shift_left3A_800 = arith.constant 8 : i32
      %shift_left3A_801 = vector.broadcast %shift_left3A_800 : i32 to vector<16xi32>
      %shift_left3A_802 = arith.shli %convert_element_type3A_791, %shift_left3A_801 : vector<16xi32>
      %shift_left3A_803 = arith.constant 4 : i32
      %shift_left3A_804 = vector.broadcast %shift_left3A_803 : i32 to vector<16xi32>
      %shift_left3A_805 = arith.shli %convert_element_type3A_795, %shift_left3A_804 : vector<16xi32>
      %or3A_806 = arith.ori %shift_left3A_802, %shift_left3A_805 : vector<16xi32>
      %or3A_807 = arith.ori %or3A_806, %convert_element_type3A_799 : vector<16xi32>
      %add3A_808 = arith.constant 32768 : i32
      %add3A_809 = vector.broadcast %add3A_808 : i32 to vector<16xi32>
      %add3A_810 = arith.addi %or3A_807, %add3A_809 : vector<16xi32>
      tpu.vector_store_idx %arg8[%add3A_810], %get3A_777 {add = true} : memref<65536xf32, #tpu.memory_space<vmem>>[vector<16xi32>], vector<16xf32>,
      %add3A_811 = arith.constant 4096 : i32
      %add3A_812 = vector.broadcast %add3A_811 : i32 to vector<16xi32>
      %add3A_813 = arith.addi %add3A_810, %add3A_812 : vector<16xi32>
      tpu.vector_store_idx %arg8[%add3A_813], %get3A_782 {add = true} : memref<65536xf32, #tpu.memory_space<vmem>>[vector<16xi32>], vector<16xf32>,
      %add3A_814 = arith.constant 8192 : i32
      %add3A_815 = vector.broadcast %add3A_814 : i32 to vector<16xi32>
      %add3A_816 = arith.addi %add3A_810, %add3A_815 : vector<16xi32>
      tpu.vector_store_idx %arg8[%add3A_816], %get3A_787 {add = true} : memref<65536xf32, #tpu.memory_space<vmem>>[vector<16xi32>], vector<16xf32>,
      %add3A_817 = arith.constant 12288 : i32
      %add3A_818 = vector.broadcast %add3A_817 : i32 to vector<16xi32>
      %add3A_819 = arith.addi %add3A_810, %add3A_818 : vector<16xi32>
      tpu.vector_store_idx %arg8[%add3A_819], %broadcast_in_dim3A_2 {add = true} : memref<65536xf32, #tpu.memory_space<vmem>>[vector<16xi32>], vector<16xf32>,
      %mul3A_820 = arith.constant 4 : i32
      %mul3A_821 = arith.muli %arg0, %mul3A_820 : i32
      %add3A_822 = arith.constant 3 : i32
      %add3A_823 = arith.addi %mul3A_821, %add3A_822 : i32
      %get3A_824 = arith.index_cast %add3A_823 : i32 to index
      %get3A_825 = arith.index_cast %mul3A_672 : i32 to index
      %get3A_826 = tpu.vector_load %arg5[%get3A_824, %get3A_825] {strides = array<i32>} : memref<24x512xf32, #tpu.memory_space<vmem>>, vector<16xf32>,
      %add3A_827 = arith.constant 8 : i32
      %add3A_828 = arith.addi %add3A_827, %add3A_823 : i32
      %get3A_829 = arith.index_cast %add3A_828 : i32 to index
      %get3A_830 = arith.index_cast %mul3A_672 : i32 to index
      %get3A_831 = tpu.vector_load %arg5[%get3A_829, %get3A_830] {strides = array<i32>} : memref<24x512xf32, #tpu.memory_space<vmem>>, vector<16xf32>,
      %add3A_832 = arith.constant 16 : i32
      %add3A_833 = arith.addi %add3A_832, %add3A_823 : i32
      %get3A_834 = arith.index_cast %add3A_833 : i32 to index
      %get3A_835 = arith.index_cast %mul3A_672 : i32 to index
      %get3A_836 = tpu.vector_load %arg5[%get3A_834, %get3A_835] {strides = array<i32>} : memref<24x512xf32, #tpu.memory_space<vmem>>, vector<16xf32>,
      %mul3A_837 = arith.constant 1.600000e+01 : f32
      %mul3A_838 = vector.broadcast %mul3A_837 : f32 to vector<16xf32>
      %mul3A_839 = arith.mulf %get3A_826, %mul3A_838 : vector<16xf32>
      %convert_element_type3A_840 = arith.fptosi %mul3A_839 : vector<16xf32> to vector<16xi32>
      %mul3A_841 = arith.constant 1.600000e+01 : f32
      %mul3A_842 = vector.broadcast %mul3A_841 : f32 to vector<16xf32>
      %mul3A_843 = arith.mulf %get3A_831, %mul3A_842 : vector<16xf32>
      %convert_element_type3A_844 = arith.fptosi %mul3A_843 : vector<16xf32> to vector<16xi32>
      %mul3A_845 = arith.constant 1.600000e+01 : f32
      %mul3A_846 = vector.broadcast %mul3A_845 : f32 to vector<16xf32>
      %mul3A_847 = arith.mulf %get3A_836, %mul3A_846 : vector<16xf32>
      %convert_element_type3A_848 = arith.fptosi %mul3A_847 : vector<16xf32> to vector<16xi32>
      %shift_left3A_849 = arith.constant 8 : i32
      %shift_left3A_850 = vector.broadcast %shift_left3A_849 : i32 to vector<16xi32>
      %shift_left3A_851 = arith.shli %convert_element_type3A_840, %shift_left3A_850 : vector<16xi32>
      %shift_left3A_852 = arith.constant 4 : i32
      %shift_left3A_853 = vector.broadcast %shift_left3A_852 : i32 to vector<16xi32>
      %shift_left3A_854 = arith.shli %convert_element_type3A_844, %shift_left3A_853 : vector<16xi32>
      %or3A_855 = arith.ori %shift_left3A_851, %shift_left3A_854 : vector<16xi32>
      %or3A_856 = arith.ori %or3A_855, %convert_element_type3A_848 : vector<16xi32>
      %add3A_857 = arith.constant 49152 : i32
      %add3A_858 = vector.broadcast %add3A_857 : i32 to vector<16xi32>
      %add3A_859 = arith.addi %or3A_856, %add3A_858 : vector<16xi32>
      tpu.vector_store_idx %arg8[%add3A_859], %get3A_826 {add = true} : memref<65536xf32, #tpu.memory_space<vmem>>[vector<16xi32>], vector<16xf32>,
      %add3A_860 = arith.constant 4096 : i32
      %add3A_861 = vector.broadcast %add3A_860 : i32 to vector<16xi32>
      %add3A_862 = arith.addi %add3A_859, %add3A_861 : vector<16xi32>
      tpu.vector_store_idx %arg8[%add3A_862], %get3A_831 {add = true} : memref<65536xf32, #tpu.memory_space<vmem>>[vector<16xi32>], vector<16xf32>,
      %add3A_863 = arith.constant 8192 : i32
      %add3A_864 = vector.broadcast %add3A_863 : i32 to vector<16xi32>
      %add3A_865 = arith.addi %add3A_859, %add3A_864 : vector<16xi32>
      tpu.vector_store_idx %arg8[%add3A_865], %get3A_836 {add = true} : memref<65536xf32, #tpu.memory_space<vmem>>[vector<16xi32>], vector<16xf32>,
      %add3A_866 = arith.constant 12288 : i32
      %add3A_867 = vector.broadcast %add3A_866 : i32 to vector<16xi32>
      %add3A_868 = arith.addi %add3A_859, %add3A_867 : vector<16xi32>
      tpu.vector_store_idx %arg8[%add3A_868], %broadcast_in_dim3A_2 {add = true} : memref<65536xf32, #tpu.memory_space<vmem>>[vector<16xi32>], vector<16xf32>,
    }
    %scan3A_42 = arith.constant 8 : i32
    %lt3A = arith.constant 2 : i32
    %lt3A_43 = arith.cmpi slt, %arg1, %lt3A : i32
    %convert_element_type3A = arith.extui %lt3A_43 : i1 to i32
    %cond3A = arith.constant 0 : i32
    %cond3A_44 = arith.cmpi ne, %convert_element_type3A, %cond3A : i32
    scf.if %cond3A_44 {
      %add3A_63 = arith.constant 31232 : i32
      %add3A_64 = arith.addi %mul3A_9, %add3A_63 : i32
      "tpu.region"() ({
        %run_scoped3A = tpu.sem_alloc : memref<!tpu.dma_semaphore, #tpu.memory_space<semaphore_mem>>
        %dma_start3A_71 = arith.constant 0 : i32
        %dma_start3A_72 = arith.constant 0 : i32
        %dma_start3A_73 = tpu.memref_slice %arg5[%dma_start3A_71, %dma_start3A_72] : memref<24x512xf32, #tpu.memory_space<vmem>> -> memref<24x128xf32, #tpu.memory_space<vmem>>
        %dma_start3A_74 = arith.constant 0 : i32
        %dma_start3A_75 = tpu.memref_slice %arg2[%dma_start3A_74, %add3A_64] : memref<24x500000xf32, #tpu.memory_space<hbm>> -> memref<24x128xf32, #tpu.memory_space<hbm>>
        %dma_start3A_76 = arith.constant 0 : i32
        %dma_start3A_77 = arith.constant 0 : i32
        %dma_start3A_78 = tpu.memref_slice %arg5[%dma_start3A_76, %dma_start3A_77] : memref<24x512xf32, #tpu.memory_space<vmem>> -> memref<24x128xf32, #tpu.memory_space<vmem>>
        %dma_start3A_79 = arith.constant 0 : i32
        %dma_start3A_80 = tpu.memref_slice %arg2[%dma_start3A_79, %add3A_64] : memref<24x500000xf32, #tpu.memory_space<hbm>> -> memref<24x128xf32, #tpu.memory_space<hbm>>
        tpu.enqueue_dma source(%dma_start3A_80 : memref<24x128xf32, #tpu.memory_space<hbm>>) target(%dma_start3A_78 : memref<24x128xf32, #tpu.memory_space<vmem>>) target_semaphore(%run_scoped3A : memref<!tpu.dma_semaphore, #tpu.memory_space<semaphore_mem>>)
        %dma_wait3A_81 = arith.constant 0 : i32
        %dma_wait3A_82 = arith.constant 0 : i32
        %dma_wait3A_83 = tpu.memref_slice %arg5[%dma_wait3A_81, %dma_wait3A_82] : memref<24x512xf32, #tpu.memory_space<vmem>> -> memref<24x128xf32, #tpu.memory_space<vmem>>
        %dma_wait3A_84 = arith.constant 0 : i32
        %dma_wait3A_85 = tpu.memref_slice %arg2[%dma_wait3A_84, %add3A_64] : memref<24x500000xf32, #tpu.memory_space<hbm>> -> memref<24x128xf32, #tpu.memory_space<hbm>>
        %dma_wait3A_86 = arith.constant 0 : i32
        %dma_wait3A_87 = arith.constant 0 : i32
        %dma_wait3A_88 = tpu.memref_slice %arg5[%dma_wait3A_86, %dma_wait3A_87] : memref<24x512xf32, #tpu.memory_space<vmem>> -> memref<24x128xf32, #tpu.memory_space<vmem>>
        %dma_wait3A_89 = arith.constant 0 : i32
        %dma_wait3A_90 = tpu.memref_slice %arg2[%dma_wait3A_89, %add3A_64] : memref<24x500000xf32, #tpu.memory_space<hbm>> -> memref<24x128xf32, #tpu.memory_space<hbm>>
        tpu.wait_dma2 semaphore(%run_scoped3A : memref<!tpu.dma_semaphore, #tpu.memory_space<semaphore_mem>>) src(%dma_wait3A_90 : memref<24x128xf32, #tpu.memory_space<hbm>>) dst(%dma_wait3A_88 : memref<24x128xf32, #tpu.memory_space<vmem>>)
        tpu.yield
      }) : () -> ()
      %scan3A_65 = arith.constant 0 : i32
      %scan3A_66 = arith.constant 0 : i32
      %scan3A_67 = arith.constant 8 : i32
      %scan3A_68 = arith.addi %scan3A_66, %scan3A_67 : i32
      %scan3A_69 = arith.constant 1 : i32
      scf.for %scan3A_71 = %scan3A_66 to %scan3A_68 step %scan3A_69  : i32 {
        %mul3A_72 = arith.constant 1 : i32
        %mul3A_73 = arith.muli %scan3A_71, %mul3A_72 : i32
        %add3A_74 = arith.constant 0 : i32
        %add3A_75 = arith.addi %mul3A_73, %add3A_74 : i32
        %mul3A_76 = arith.constant 16 : i32
        %mul3A_77 = arith.muli %add3A_75, %mul3A_76 : i32
        %mul3A_78 = arith.constant 4 : i32
        %mul3A_79 = arith.muli %arg0, %mul3A_78 : i32
        %add3A_80 = arith.constant 0 : i32
        %add3A_81 = arith.addi %mul3A_79, %add3A_80 : i32
        %get3A = arith.index_cast %add3A_81 : i32 to index
        %get3A_82 = arith.index_cast %mul3A_77 : i32 to index
        %get3A_83 = tpu.vector_load %arg5[%get3A, %get3A_82] {strides = array<i32>} : memref<24x512xf32, #tpu.memory_space<vmem>>, vector<16xf32>,
        %add3A_84 = arith.constant 8 : i32
        %add3A_85 = arith.addi %add3A_84, %add3A_81 : i32
        %get3A_86 = arith.index_cast %add3A_85 : i32 to index
        %get3A_87 = arith.index_cast %mul3A_77 : i32 to index
        %get3A_88 = tpu.vector_load %arg5[%get3A_86, %get3A_87] {strides = array<i32>} : memref<24x512xf32, #tpu.memory_space<vmem>>, vector<16xf32>,
        %add3A_89 = arith.constant 16 : i32
        %add3A_90 = arith.addi %add3A_89, %add3A_81 : i32
        %get3A_91 = arith.index_cast %add3A_90 : i32 to index
        %get3A_92 = arith.index_cast %mul3A_77 : i32 to index
        %get3A_93 = tpu.vector_load %arg5[%get3A_91, %get3A_92] {strides = array<i32>} : memref<24x512xf32, #tpu.memory_space<vmem>>, vector<16xf32>,
        %mul3A_94 = arith.constant 1.600000e+01 : f32
        %mul3A_95 = vector.broadcast %mul3A_94 : f32 to vector<16xf32>
        %mul3A_96 = arith.mulf %get3A_83, %mul3A_95 : vector<16xf32>
        %convert_element_type3A_97 = arith.fptosi %mul3A_96 : vector<16xf32> to vector<16xi32>
        %mul3A_98 = arith.constant 1.600000e+01 : f32
        %mul3A_99 = vector.broadcast %mul3A_98 : f32 to vector<16xf32>
        %mul3A_100 = arith.mulf %get3A_88, %mul3A_99 : vector<16xf32>
        %convert_element_type3A_101 = arith.fptosi %mul3A_100 : vector<16xf32> to vector<16xi32>
        %mul3A_102 = arith.constant 1.600000e+01 : f32
        %mul3A_103 = vector.broadcast %mul3A_102 : f32 to vector<16xf32>
        %mul3A_104 = arith.mulf %get3A_93, %mul3A_103 : vector<16xf32>
        %convert_element_type3A_105 = arith.fptosi %mul3A_104 : vector<16xf32> to vector<16xi32>
        %shift_left3A = arith.constant 8 : i32
        %shift_left3A_106 = vector.broadcast %shift_left3A : i32 to vector<16xi32>
        %shift_left3A_107 = arith.shli %convert_element_type3A_97, %shift_left3A_106 : vector<16xi32>
        %shift_left3A_108 = arith.constant 4 : i32
        %shift_left3A_109 = vector.broadcast %shift_left3A_108 : i32 to vector<16xi32>
        %shift_left3A_110 = arith.shli %convert_element_type3A_101, %shift_left3A_109 : vector<16xi32>
        %or3A = arith.ori %shift_left3A_107, %shift_left3A_110 : vector<16xi32>
        %or3A_111 = arith.ori %or3A, %convert_element_type3A_105 : vector<16xi32>
        %add3A_112 = arith.constant 0 : i32
        %add3A_113 = vector.broadcast %add3A_112 : i32 to vector<16xi32>
        %add3A_114 = arith.addi %or3A_111, %add3A_113 : vector<16xi32>
        tpu.vector_store_idx %arg8[%add3A_114], %get3A_83 {add = true} : memref<65536xf32, #tpu.memory_space<vmem>>[vector<16xi32>], vector<16xf32>,
        %add3A_115 = arith.constant 4096 : i32
        %add3A_116 = vector.broadcast %add3A_115 : i32 to vector<16xi32>
        %add3A_117 = arith.addi %add3A_114, %add3A_116 : vector<16xi32>
        tpu.vector_store_idx %arg8[%add3A_117], %get3A_88 {add = true} : memref<65536xf32, #tpu.memory_space<vmem>>[vector<16xi32>], vector<16xf32>,
        %add3A_118 = arith.constant 8192 : i32
        %add3A_119 = vector.broadcast %add3A_118 : i32 to vector<16xi32>
        %add3A_120 = arith.addi %add3A_114, %add3A_119 : vector<16xi32>
        tpu.vector_store_idx %arg8[%add3A_120], %get3A_93 {add = true} : memref<65536xf32, #tpu.memory_space<vmem>>[vector<16xi32>], vector<16xf32>,
        %add3A_121 = arith.constant 12288 : i32
        %add3A_122 = vector.broadcast %add3A_121 : i32 to vector<16xi32>
        %add3A_123 = arith.addi %add3A_114, %add3A_122 : vector<16xi32>
        tpu.vector_store_idx %arg8[%add3A_123], %broadcast_in_dim3A_2 {add = true} : memref<65536xf32, #tpu.memory_space<vmem>>[vector<16xi32>], vector<16xf32>,
        %mul3A_124 = arith.constant 4 : i32
        %mul3A_125 = arith.muli %arg0, %mul3A_124 : i32
        %add3A_126 = arith.constant 1 : i32
        %add3A_127 = arith.addi %mul3A_125, %add3A_126 : i32
        %get3A_128 = arith.index_cast %add3A_127 : i32 to index
        %get3A_129 = arith.index_cast %mul3A_77 : i32 to index
        %get3A_130 = tpu.vector_load %arg5[%get3A_128, %get3A_129] {strides = array<i32>} : memref<24x512xf32, #tpu.memory_space<vmem>>, vector<16xf32>,
        %add3A_131 = arith.constant 8 : i32
        %add3A_132 = arith.addi %add3A_131, %add3A_127 : i32
        %get3A_133 = arith.index_cast %add3A_132 : i32 to index
        %get3A_134 = arith.index_cast %mul3A_77 : i32 to index
        %get3A_135 = tpu.vector_load %arg5[%get3A_133, %get3A_134] {strides = array<i32>} : memref<24x512xf32, #tpu.memory_space<vmem>>, vector<16xf32>,
        %add3A_136 = arith.constant 16 : i32
        %add3A_137 = arith.addi %add3A_136, %add3A_127 : i32
        %get3A_138 = arith.index_cast %add3A_137 : i32 to index
        %get3A_139 = arith.index_cast %mul3A_77 : i32 to index
        %get3A_140 = tpu.vector_load %arg5[%get3A_138, %get3A_139] {strides = array<i32>} : memref<24x512xf32, #tpu.memory_space<vmem>>, vector<16xf32>,
        %mul3A_141 = arith.constant 1.600000e+01 : f32
        %mul3A_142 = vector.broadcast %mul3A_141 : f32 to vector<16xf32>
        %mul3A_143 = arith.mulf %get3A_130, %mul3A_142 : vector<16xf32>
        %convert_element_type3A_144 = arith.fptosi %mul3A_143 : vector<16xf32> to vector<16xi32>
        %mul3A_145 = arith.constant 1.600000e+01 : f32
        %mul3A_146 = vector.broadcast %mul3A_145 : f32 to vector<16xf32>
        %mul3A_147 = arith.mulf %get3A_135, %mul3A_146 : vector<16xf32>
        %convert_element_type3A_148 = arith.fptosi %mul3A_147 : vector<16xf32> to vector<16xi32>
        %mul3A_149 = arith.constant 1.600000e+01 : f32
        %mul3A_150 = vector.broadcast %mul3A_149 : f32 to vector<16xf32>
        %mul3A_151 = arith.mulf %get3A_140, %mul3A_150 : vector<16xf32>
        %convert_element_type3A_152 = arith.fptosi %mul3A_151 : vector<16xf32> to vector<16xi32>
        %shift_left3A_153 = arith.constant 8 : i32
        %shift_left3A_154 = vector.broadcast %shift_left3A_153 : i32 to vector<16xi32>
        %shift_left3A_155 = arith.shli %convert_element_type3A_144, %shift_left3A_154 : vector<16xi32>
        %shift_left3A_156 = arith.constant 4 : i32
        %shift_left3A_157 = vector.broadcast %shift_left3A_156 : i32 to vector<16xi32>
        %shift_left3A_158 = arith.shli %convert_element_type3A_148, %shift_left3A_157 : vector<16xi32>
        %or3A_159 = arith.ori %shift_left3A_155, %shift_left3A_158 : vector<16xi32>
        %or3A_160 = arith.ori %or3A_159, %convert_element_type3A_152 : vector<16xi32>
        %add3A_161 = arith.constant 16384 : i32
        %add3A_162 = vector.broadcast %add3A_161 : i32 to vector<16xi32>
        %add3A_163 = arith.addi %or3A_160, %add3A_162 : vector<16xi32>
        tpu.vector_store_idx %arg8[%add3A_163], %get3A_130 {add = true} : memref<65536xf32, #tpu.memory_space<vmem>>[vector<16xi32>], vector<16xf32>,
        %add3A_164 = arith.constant 4096 : i32
        %add3A_165 = vector.broadcast %add3A_164 : i32 to vector<16xi32>
        %add3A_166 = arith.addi %add3A_163, %add3A_165 : vector<16xi32>
        tpu.vector_store_idx %arg8[%add3A_166], %get3A_135 {add = true} : memref<65536xf32, #tpu.memory_space<vmem>>[vector<16xi32>], vector<16xf32>,
        %add3A_167 = arith.constant 8192 : i32
        %add3A_168 = vector.broadcast %add3A_167 : i32 to vector<16xi32>
        %add3A_169 = arith.addi %add3A_163, %add3A_168 : vector<16xi32>
        tpu.vector_store_idx %arg8[%add3A_169], %get3A_140 {add = true} : memref<65536xf32, #tpu.memory_space<vmem>>[vector<16xi32>], vector<16xf32>,
        %add3A_170 = arith.constant 12288 : i32
        %add3A_171 = vector.broadcast %add3A_170 : i32 to vector<16xi32>
        %add3A_172 = arith.addi %add3A_163, %add3A_171 : vector<16xi32>
        tpu.vector_store_idx %arg8[%add3A_172], %broadcast_in_dim3A_2 {add = true} : memref<65536xf32, #tpu.memory_space<vmem>>[vector<16xi32>], vector<16xf32>,
        %mul3A_173 = arith.constant 4 : i32
        %mul3A_174 = arith.muli %arg0, %mul3A_173 : i32
        %add3A_175 = arith.constant 2 : i32
        %add3A_176 = arith.addi %mul3A_174, %add3A_175 : i32
        %get3A_177 = arith.index_cast %add3A_176 : i32 to index
        %get3A_178 = arith.index_cast %mul3A_77 : i32 to index
        %get3A_179 = tpu.vector_load %arg5[%get3A_177, %get3A_178] {strides = array<i32>} : memref<24x512xf32, #tpu.memory_space<vmem>>, vector<16xf32>,
        %add3A_180 = arith.constant 8 : i32
        %add3A_181 = arith.addi %add3A_180, %add3A_176 : i32
        %get3A_182 = arith.index_cast %add3A_181 : i32 to index
        %get3A_183 = arith.index_cast %mul3A_77 : i32 to index
        %get3A_184 = tpu.vector_load %arg5[%get3A_182, %get3A_183] {strides = array<i32>} : memref<24x512xf32, #tpu.memory_space<vmem>>, vector<16xf32>,
        %add3A_185 = arith.constant 16 : i32
        %add3A_186 = arith.addi %add3A_185, %add3A_176 : i32
        %get3A_187 = arith.index_cast %add3A_186 : i32 to index
        %get3A_188 = arith.index_cast %mul3A_77 : i32 to index
        %get3A_189 = tpu.vector_load %arg5[%get3A_187, %get3A_188] {strides = array<i32>} : memref<24x512xf32, #tpu.memory_space<vmem>>, vector<16xf32>,
        %mul3A_190 = arith.constant 1.600000e+01 : f32
        %mul3A_191 = vector.broadcast %mul3A_190 : f32 to vector<16xf32>
        %mul3A_192 = arith.mulf %get3A_179, %mul3A_191 : vector<16xf32>
        %convert_element_type3A_193 = arith.fptosi %mul3A_192 : vector<16xf32> to vector<16xi32>
        %mul3A_194 = arith.constant 1.600000e+01 : f32
        %mul3A_195 = vector.broadcast %mul3A_194 : f32 to vector<16xf32>
        %mul3A_196 = arith.mulf %get3A_184, %mul3A_195 : vector<16xf32>
        %convert_element_type3A_197 = arith.fptosi %mul3A_196 : vector<16xf32> to vector<16xi32>
        %mul3A_198 = arith.constant 1.600000e+01 : f32
        %mul3A_199 = vector.broadcast %mul3A_198 : f32 to vector<16xf32>
        %mul3A_200 = arith.mulf %get3A_189, %mul3A_199 : vector<16xf32>
        %convert_element_type3A_201 = arith.fptosi %mul3A_200 : vector<16xf32> to vector<16xi32>
        %shift_left3A_202 = arith.constant 8 : i32
        %shift_left3A_203 = vector.broadcast %shift_left3A_202 : i32 to vector<16xi32>
        %shift_left3A_204 = arith.shli %convert_element_type3A_193, %shift_left3A_203 : vector<16xi32>
        %shift_left3A_205 = arith.constant 4 : i32
        %shift_left3A_206 = vector.broadcast %shift_left3A_205 : i32 to vector<16xi32>
        %shift_left3A_207 = arith.shli %convert_element_type3A_197, %shift_left3A_206 : vector<16xi32>
        %or3A_208 = arith.ori %shift_left3A_204, %shift_left3A_207 : vector<16xi32>
        %or3A_209 = arith.ori %or3A_208, %convert_element_type3A_201 : vector<16xi32>
        %add3A_210 = arith.constant 32768 : i32
        %add3A_211 = vector.broadcast %add3A_210 : i32 to vector<16xi32>
        %add3A_212 = arith.addi %or3A_209, %add3A_211 : vector<16xi32>
        tpu.vector_store_idx %arg8[%add3A_212], %get3A_179 {add = true} : memref<65536xf32, #tpu.memory_space<vmem>>[vector<16xi32>], vector<16xf32>,
        %add3A_213 = arith.constant 4096 : i32
        %add3A_214 = vector.broadcast %add3A_213 : i32 to vector<16xi32>
        %add3A_215 = arith.addi %add3A_212, %add3A_214 : vector<16xi32>
        tpu.vector_store_idx %arg8[%add3A_215], %get3A_184 {add = true} : memref<65536xf32, #tpu.memory_space<vmem>>[vector<16xi32>], vector<16xf32>,
        %add3A_216 = arith.constant 8192 : i32
        %add3A_217 = vector.broadcast %add3A_216 : i32 to vector<16xi32>
        %add3A_218 = arith.addi %add3A_212, %add3A_217 : vector<16xi32>
        tpu.vector_store_idx %arg8[%add3A_218], %get3A_189 {add = true} : memref<65536xf32, #tpu.memory_space<vmem>>[vector<16xi32>], vector<16xf32>,
        %add3A_219 = arith.constant 12288 : i32
        %add3A_220 = vector.broadcast %add3A_219 : i32 to vector<16xi32>
        %add3A_221 = arith.addi %add3A_212, %add3A_220 : vector<16xi32>
        tpu.vector_store_idx %arg8[%add3A_221], %broadcast_in_dim3A_2 {add = true} : memref<65536xf32, #tpu.memory_space<vmem>>[vector<16xi32>], vector<16xf32>,
        %mul3A_222 = arith.constant 4 : i32
        %mul3A_223 = arith.muli %arg0, %mul3A_222 : i32
        %add3A_224 = arith.constant 3 : i32
        %add3A_225 = arith.addi %mul3A_223, %add3A_224 : i32
        %get3A_226 = arith.index_cast %add3A_225 : i32 to index
        %get3A_227 = arith.index_cast %mul3A_77 : i32 to index
        %get3A_228 = tpu.vector_load %arg5[%get3A_226, %get3A_227] {strides = array<i32>} : memref<24x512xf32, #tpu.memory_space<vmem>>, vector<16xf32>,
        %add3A_229 = arith.constant 8 : i32
        %add3A_230 = arith.addi %add3A_229, %add3A_225 : i32
        %get3A_231 = arith.index_cast %add3A_230 : i32 to index
        %get3A_232 = arith.index_cast %mul3A_77 : i32 to index
        %get3A_233 = tpu.vector_load %arg5[%get3A_231, %get3A_232] {strides = array<i32>} : memref<24x512xf32, #tpu.memory_space<vmem>>, vector<16xf32>,
        %add3A_234 = arith.constant 16 : i32
        %add3A_235 = arith.addi %add3A_234, %add3A_225 : i32
        %get3A_236 = arith.index_cast %add3A_235 : i32 to index
        %get3A_237 = arith.index_cast %mul3A_77 : i32 to index
        %get3A_238 = tpu.vector_load %arg5[%get3A_236, %get3A_237] {strides = array<i32>} : memref<24x512xf32, #tpu.memory_space<vmem>>, vector<16xf32>,
        %mul3A_239 = arith.constant 1.600000e+01 : f32
        %mul3A_240 = vector.broadcast %mul3A_239 : f32 to vector<16xf32>
        %mul3A_241 = arith.mulf %get3A_228, %mul3A_240 : vector<16xf32>
        %convert_element_type3A_242 = arith.fptosi %mul3A_241 : vector<16xf32> to vector<16xi32>
        %mul3A_243 = arith.constant 1.600000e+01 : f32
        %mul3A_244 = vector.broadcast %mul3A_243 : f32 to vector<16xf32>
        %mul3A_245 = arith.mulf %get3A_233, %mul3A_244 : vector<16xf32>
        %convert_element_type3A_246 = arith.fptosi %mul3A_245 : vector<16xf32> to vector<16xi32>
        %mul3A_247 = arith.constant 1.600000e+01 : f32
        %mul3A_248 = vector.broadcast %mul3A_247 : f32 to vector<16xf32>
        %mul3A_249 = arith.mulf %get3A_238, %mul3A_248 : vector<16xf32>
        %convert_element_type3A_250 = arith.fptosi %mul3A_249 : vector<16xf32> to vector<16xi32>
        %shift_left3A_251 = arith.constant 8 : i32
        %shift_left3A_252 = vector.broadcast %shift_left3A_251 : i32 to vector<16xi32>
        %shift_left3A_253 = arith.shli %convert_element_type3A_242, %shift_left3A_252 : vector<16xi32>
        %shift_left3A_254 = arith.constant 4 : i32
        %shift_left3A_255 = vector.broadcast %shift_left3A_254 : i32 to vector<16xi32>
        %shift_left3A_256 = arith.shli %convert_element_type3A_246, %shift_left3A_255 : vector<16xi32>
        %or3A_257 = arith.ori %shift_left3A_253, %shift_left3A_256 : vector<16xi32>
        %or3A_258 = arith.ori %or3A_257, %convert_element_type3A_250 : vector<16xi32>
        %add3A_259 = arith.constant 49152 : i32
        %add3A_260 = vector.broadcast %add3A_259 : i32 to vector<16xi32>
        %add3A_261 = arith.addi %or3A_258, %add3A_260 : vector<16xi32>
        tpu.vector_store_idx %arg8[%add3A_261], %get3A_228 {add = true} : memref<65536xf32, #tpu.memory_space<vmem>>[vector<16xi32>], vector<16xf32>,
        %add3A_262 = arith.constant 4096 : i32
        %add3A_263 = vector.broadcast %add3A_262 : i32 to vector<16xi32>
        %add3A_264 = arith.addi %add3A_261, %add3A_263 : vector<16xi32>
        tpu.vector_store_idx %arg8[%add3A_264], %get3A_233 {add = true} : memref<65536xf32, #tpu.memory_space<vmem>>[vector<16xi32>], vector<16xf32>,
        %add3A_265 = arith.constant 8192 : i32
        %add3A_266 = vector.broadcast %add3A_265 : i32 to vector<16xi32>
        %add3A_267 = arith.addi %add3A_261, %add3A_266 : vector<16xi32>
        tpu.vector_store_idx %arg8[%add3A_267], %get3A_238 {add = true} : memref<65536xf32, #tpu.memory_space<vmem>>[vector<16xi32>], vector<16xf32>,
        %add3A_268 = arith.constant 12288 : i32
        %add3A_269 = vector.broadcast %add3A_268 : i32 to vector<16xi32>
        %add3A_270 = arith.addi %add3A_261, %add3A_269 : vector<16xi32>
        tpu.vector_store_idx %arg8[%add3A_270], %broadcast_in_dim3A_2 {add = true} : memref<65536xf32, #tpu.memory_space<vmem>>[vector<16xi32>], vector<16xf32>,
      }
      %scan3A_70 = arith.constant 8 : i32
    } else {
    }
    %eq3A = arith.constant 15 : i32
    %eq3A_45 = arith.cmpi eq, %arg1, %eq3A : i32
    %convert_element_type3A_46 = arith.extui %eq3A_45 : i1 to i32
    %cond3A_47 = arith.constant 0 : i32
    %cond3A_48 = arith.cmpi ne, %convert_element_type3A_46, %cond3A_47 : i32
    scf.if %cond3A_48 {
      "tpu.region"() ({
        %run_scoped3A = tpu.sem_alloc : memref<!tpu.dma_semaphore, #tpu.memory_space<semaphore_mem>>
        %dma_start3A_69 = arith.constant 0 : i32
        %dma_start3A_70 = arith.constant 0 : i32
        %dma_start3A_71 = tpu.memref_slice %arg5[%dma_start3A_69, %dma_start3A_70] : memref<24x512xf32, #tpu.memory_space<vmem>> -> memref<24x128xf32, #tpu.memory_space<vmem>>
        %dma_start3A_72 = arith.constant 0 : i32
        %dma_start3A_73 = arith.constant 0 : i32
        %dma_start3A_74 = tpu.memref_slice %arg5[%dma_start3A_72, %dma_start3A_73] : memref<24x512xf32, #tpu.memory_space<vmem>> -> memref<24x128xf32, #tpu.memory_space<vmem>>
        tpu.enqueue_dma source(%arg3 : memref<24x128xf32, #tpu.memory_space<hbm>>) target(%dma_start3A_74 : memref<24x128xf32, #tpu.memory_space<vmem>>) target_semaphore(%run_scoped3A : memref<!tpu.dma_semaphore, #tpu.memory_space<semaphore_mem>>)
        %dma_wait3A_75 = arith.constant 0 : i32
        %dma_wait3A_76 = arith.constant 0 : i32
        %dma_wait3A_77 = tpu.memref_slice %arg5[%dma_wait3A_75, %dma_wait3A_76] : memref<24x512xf32, #tpu.memory_space<vmem>> -> memref<24x128xf32, #tpu.memory_space<vmem>>
        %dma_wait3A_78 = arith.constant 0 : i32
        %dma_wait3A_79 = arith.constant 0 : i32
        %dma_wait3A_80 = tpu.memref_slice %arg5[%dma_wait3A_78, %dma_wait3A_79] : memref<24x512xf32, #tpu.memory_space<vmem>> -> memref<24x128xf32, #tpu.memory_space<vmem>>
        tpu.wait_dma2 semaphore(%run_scoped3A : memref<!tpu.dma_semaphore, #tpu.memory_space<semaphore_mem>>) src(%arg3 : memref<24x128xf32, #tpu.memory_space<hbm>>) dst(%dma_wait3A_80 : memref<24x128xf32, #tpu.memory_space<vmem>>)
        tpu.yield
      }) : () -> ()
      %scan3A_63 = arith.constant 0 : i32
      %scan3A_64 = arith.constant 0 : i32
      %scan3A_65 = arith.constant 2 : i32
      %scan3A_66 = arith.addi %scan3A_64, %scan3A_65 : i32
      %scan3A_67 = arith.constant 1 : i32
      scf.for %scan3A_69 = %scan3A_64 to %scan3A_66 step %scan3A_67  : i32 {
        %mul3A_70 = arith.constant 1 : i32
        %mul3A_71 = arith.muli %scan3A_69, %mul3A_70 : i32
        %add3A_72 = arith.constant 0 : i32
        %add3A_73 = arith.addi %mul3A_71, %add3A_72 : i32
        %mul3A_74 = arith.constant 16 : i32
        %mul3A_75 = arith.muli %add3A_73, %mul3A_74 : i32
        %mul3A_76 = arith.constant 4 : i32
        %mul3A_77 = arith.muli %arg0, %mul3A_76 : i32
        %add3A_78 = arith.constant 0 : i32
        %add3A_79 = arith.addi %mul3A_77, %add3A_78 : i32
        %get3A = arith.index_cast %add3A_79 : i32 to index
        %get3A_80 = arith.index_cast %mul3A_75 : i32 to index
        %get3A_81 = tpu.vector_load %arg5[%get3A, %get3A_80] {strides = array<i32>} : memref<24x512xf32, #tpu.memory_space<vmem>>, vector<16xf32>,
        %add3A_82 = arith.constant 8 : i32
        %add3A_83 = arith.addi %add3A_82, %add3A_79 : i32
        %get3A_84 = arith.index_cast %add3A_83 : i32 to index
        %get3A_85 = arith.index_cast %mul3A_75 : i32 to index
        %get3A_86 = tpu.vector_load %arg5[%get3A_84, %get3A_85] {strides = array<i32>} : memref<24x512xf32, #tpu.memory_space<vmem>>, vector<16xf32>,
        %add3A_87 = arith.constant 16 : i32
        %add3A_88 = arith.addi %add3A_87, %add3A_79 : i32
        %get3A_89 = arith.index_cast %add3A_88 : i32 to index
        %get3A_90 = arith.index_cast %mul3A_75 : i32 to index
        %get3A_91 = tpu.vector_load %arg5[%get3A_89, %get3A_90] {strides = array<i32>} : memref<24x512xf32, #tpu.memory_space<vmem>>, vector<16xf32>,
        %mul3A_92 = arith.constant 1.600000e+01 : f32
        %mul3A_93 = vector.broadcast %mul3A_92 : f32 to vector<16xf32>
        %mul3A_94 = arith.mulf %get3A_81, %mul3A_93 : vector<16xf32>
        %convert_element_type3A_95 = arith.fptosi %mul3A_94 : vector<16xf32> to vector<16xi32>
        %mul3A_96 = arith.constant 1.600000e+01 : f32
        %mul3A_97 = vector.broadcast %mul3A_96 : f32 to vector<16xf32>
        %mul3A_98 = arith.mulf %get3A_86, %mul3A_97 : vector<16xf32>
        %convert_element_type3A_99 = arith.fptosi %mul3A_98 : vector<16xf32> to vector<16xi32>
        %mul3A_100 = arith.constant 1.600000e+01 : f32
        %mul3A_101 = vector.broadcast %mul3A_100 : f32 to vector<16xf32>
        %mul3A_102 = arith.mulf %get3A_91, %mul3A_101 : vector<16xf32>
        %convert_element_type3A_103 = arith.fptosi %mul3A_102 : vector<16xf32> to vector<16xi32>
        %shift_left3A = arith.constant 8 : i32
        %shift_left3A_104 = vector.broadcast %shift_left3A : i32 to vector<16xi32>
        %shift_left3A_105 = arith.shli %convert_element_type3A_95, %shift_left3A_104 : vector<16xi32>
        %shift_left3A_106 = arith.constant 4 : i32
        %shift_left3A_107 = vector.broadcast %shift_left3A_106 : i32 to vector<16xi32>
        %shift_left3A_108 = arith.shli %convert_element_type3A_99, %shift_left3A_107 : vector<16xi32>
        %or3A = arith.ori %shift_left3A_105, %shift_left3A_108 : vector<16xi32>
        %or3A_109 = arith.ori %or3A, %convert_element_type3A_103 : vector<16xi32>
        %add3A_110 = arith.constant 0 : i32
        %add3A_111 = vector.broadcast %add3A_110 : i32 to vector<16xi32>
        %add3A_112 = arith.addi %or3A_109, %add3A_111 : vector<16xi32>
        tpu.vector_store_idx %arg8[%add3A_112], %get3A_81 {add = true} : memref<65536xf32, #tpu.memory_space<vmem>>[vector<16xi32>], vector<16xf32>,
        %add3A_113 = arith.constant 4096 : i32
        %add3A_114 = vector.broadcast %add3A_113 : i32 to vector<16xi32>
        %add3A_115 = arith.addi %add3A_112, %add3A_114 : vector<16xi32>
        tpu.vector_store_idx %arg8[%add3A_115], %get3A_86 {add = true} : memref<65536xf32, #tpu.memory_space<vmem>>[vector<16xi32>], vector<16xf32>,
        %add3A_116 = arith.constant 8192 : i32
        %add3A_117 = vector.broadcast %add3A_116 : i32 to vector<16xi32>
        %add3A_118 = arith.addi %add3A_112, %add3A_117 : vector<16xi32>
        tpu.vector_store_idx %arg8[%add3A_118], %get3A_91 {add = true} : memref<65536xf32, #tpu.memory_space<vmem>>[vector<16xi32>], vector<16xf32>,
        %add3A_119 = arith.constant 12288 : i32
        %add3A_120 = vector.broadcast %add3A_119 : i32 to vector<16xi32>
        %add3A_121 = arith.addi %add3A_112, %add3A_120 : vector<16xi32>
        tpu.vector_store_idx %arg8[%add3A_121], %broadcast_in_dim3A_2 {add = true} : memref<65536xf32, #tpu.memory_space<vmem>>[vector<16xi32>], vector<16xf32>,
        %mul3A_122 = arith.constant 4 : i32
        %mul3A_123 = arith.muli %arg0, %mul3A_122 : i32
        %add3A_124 = arith.constant 1 : i32
        %add3A_125 = arith.addi %mul3A_123, %add3A_124 : i32
        %get3A_126 = arith.index_cast %add3A_125 : i32 to index
        %get3A_127 = arith.index_cast %mul3A_75 : i32 to index
        %get3A_128 = tpu.vector_load %arg5[%get3A_126, %get3A_127] {strides = array<i32>} : memref<24x512xf32, #tpu.memory_space<vmem>>, vector<16xf32>,
        %add3A_129 = arith.constant 8 : i32
        %add3A_130 = arith.addi %add3A_129, %add3A_125 : i32
        %get3A_131 = arith.index_cast %add3A_130 : i32 to index
        %get3A_132 = arith.index_cast %mul3A_75 : i32 to index
        %get3A_133 = tpu.vector_load %arg5[%get3A_131, %get3A_132] {strides = array<i32>} : memref<24x512xf32, #tpu.memory_space<vmem>>, vector<16xf32>,
        %add3A_134 = arith.constant 16 : i32
        %add3A_135 = arith.addi %add3A_134, %add3A_125 : i32
        %get3A_136 = arith.index_cast %add3A_135 : i32 to index
        %get3A_137 = arith.index_cast %mul3A_75 : i32 to index
        %get3A_138 = tpu.vector_load %arg5[%get3A_136, %get3A_137] {strides = array<i32>} : memref<24x512xf32, #tpu.memory_space<vmem>>, vector<16xf32>,
        %mul3A_139 = arith.constant 1.600000e+01 : f32
        %mul3A_140 = vector.broadcast %mul3A_139 : f32 to vector<16xf32>
        %mul3A_141 = arith.mulf %get3A_128, %mul3A_140 : vector<16xf32>
        %convert_element_type3A_142 = arith.fptosi %mul3A_141 : vector<16xf32> to vector<16xi32>
        %mul3A_143 = arith.constant 1.600000e+01 : f32
        %mul3A_144 = vector.broadcast %mul3A_143 : f32 to vector<16xf32>
        %mul3A_145 = arith.mulf %get3A_133, %mul3A_144 : vector<16xf32>
        %convert_element_type3A_146 = arith.fptosi %mul3A_145 : vector<16xf32> to vector<16xi32>
        %mul3A_147 = arith.constant 1.600000e+01 : f32
        %mul3A_148 = vector.broadcast %mul3A_147 : f32 to vector<16xf32>
        %mul3A_149 = arith.mulf %get3A_138, %mul3A_148 : vector<16xf32>
        %convert_element_type3A_150 = arith.fptosi %mul3A_149 : vector<16xf32> to vector<16xi32>
        %shift_left3A_151 = arith.constant 8 : i32
        %shift_left3A_152 = vector.broadcast %shift_left3A_151 : i32 to vector<16xi32>
        %shift_left3A_153 = arith.shli %convert_element_type3A_142, %shift_left3A_152 : vector<16xi32>
        %shift_left3A_154 = arith.constant 4 : i32
        %shift_left3A_155 = vector.broadcast %shift_left3A_154 : i32 to vector<16xi32>
        %shift_left3A_156 = arith.shli %convert_element_type3A_146, %shift_left3A_155 : vector<16xi32>
        %or3A_157 = arith.ori %shift_left3A_153, %shift_left3A_156 : vector<16xi32>
        %or3A_158 = arith.ori %or3A_157, %convert_element_type3A_150 : vector<16xi32>
        %add3A_159 = arith.constant 16384 : i32
        %add3A_160 = vector.broadcast %add3A_159 : i32 to vector<16xi32>
        %add3A_161 = arith.addi %or3A_158, %add3A_160 : vector<16xi32>
        tpu.vector_store_idx %arg8[%add3A_161], %get3A_128 {add = true} : memref<65536xf32, #tpu.memory_space<vmem>>[vector<16xi32>], vector<16xf32>,
        %add3A_162 = arith.constant 4096 : i32
        %add3A_163 = vector.broadcast %add3A_162 : i32 to vector<16xi32>
        %add3A_164 = arith.addi %add3A_161, %add3A_163 : vector<16xi32>
        tpu.vector_store_idx %arg8[%add3A_164], %get3A_133 {add = true} : memref<65536xf32, #tpu.memory_space<vmem>>[vector<16xi32>], vector<16xf32>,
        %add3A_165 = arith.constant 8192 : i32
        %add3A_166 = vector.broadcast %add3A_165 : i32 to vector<16xi32>
        %add3A_167 = arith.addi %add3A_161, %add3A_166 : vector<16xi32>
        tpu.vector_store_idx %arg8[%add3A_167], %get3A_138 {add = true} : memref<65536xf32, #tpu.memory_space<vmem>>[vector<16xi32>], vector<16xf32>,
        %add3A_168 = arith.constant 12288 : i32
        %add3A_169 = vector.broadcast %add3A_168 : i32 to vector<16xi32>
        %add3A_170 = arith.addi %add3A_161, %add3A_169 : vector<16xi32>
        tpu.vector_store_idx %arg8[%add3A_170], %broadcast_in_dim3A_2 {add = true} : memref<65536xf32, #tpu.memory_space<vmem>>[vector<16xi32>], vector<16xf32>,
        %mul3A_171 = arith.constant 4 : i32
        %mul3A_172 = arith.muli %arg0, %mul3A_171 : i32
        %add3A_173 = arith.constant 2 : i32
        %add3A_174 = arith.addi %mul3A_172, %add3A_173 : i32
        %get3A_175 = arith.index_cast %add3A_174 : i32 to index
        %get3A_176 = arith.index_cast %mul3A_75 : i32 to index
        %get3A_177 = tpu.vector_load %arg5[%get3A_175, %get3A_176] {strides = array<i32>} : memref<24x512xf32, #tpu.memory_space<vmem>>, vector<16xf32>,
        %add3A_178 = arith.constant 8 : i32
        %add3A_179 = arith.addi %add3A_178, %add3A_174 : i32
        %get3A_180 = arith.index_cast %add3A_179 : i32 to index
        %get3A_181 = arith.index_cast %mul3A_75 : i32 to index
        %get3A_182 = tpu.vector_load %arg5[%get3A_180, %get3A_181] {strides = array<i32>} : memref<24x512xf32, #tpu.memory_space<vmem>>, vector<16xf32>,
        %add3A_183 = arith.constant 16 : i32
        %add3A_184 = arith.addi %add3A_183, %add3A_174 : i32
        %get3A_185 = arith.index_cast %add3A_184 : i32 to index
        %get3A_186 = arith.index_cast %mul3A_75 : i32 to index
        %get3A_187 = tpu.vector_load %arg5[%get3A_185, %get3A_186] {strides = array<i32>} : memref<24x512xf32, #tpu.memory_space<vmem>>, vector<16xf32>,
        %mul3A_188 = arith.constant 1.600000e+01 : f32
        %mul3A_189 = vector.broadcast %mul3A_188 : f32 to vector<16xf32>
        %mul3A_190 = arith.mulf %get3A_177, %mul3A_189 : vector<16xf32>
        %convert_element_type3A_191 = arith.fptosi %mul3A_190 : vector<16xf32> to vector<16xi32>
        %mul3A_192 = arith.constant 1.600000e+01 : f32
        %mul3A_193 = vector.broadcast %mul3A_192 : f32 to vector<16xf32>
        %mul3A_194 = arith.mulf %get3A_182, %mul3A_193 : vector<16xf32>
        %convert_element_type3A_195 = arith.fptosi %mul3A_194 : vector<16xf32> to vector<16xi32>
        %mul3A_196 = arith.constant 1.600000e+01 : f32
        %mul3A_197 = vector.broadcast %mul3A_196 : f32 to vector<16xf32>
        %mul3A_198 = arith.mulf %get3A_187, %mul3A_197 : vector<16xf32>
        %convert_element_type3A_199 = arith.fptosi %mul3A_198 : vector<16xf32> to vector<16xi32>
        %shift_left3A_200 = arith.constant 8 : i32
        %shift_left3A_201 = vector.broadcast %shift_left3A_200 : i32 to vector<16xi32>
        %shift_left3A_202 = arith.shli %convert_element_type3A_191, %shift_left3A_201 : vector<16xi32>
        %shift_left3A_203 = arith.constant 4 : i32
        %shift_left3A_204 = vector.broadcast %shift_left3A_203 : i32 to vector<16xi32>
        %shift_left3A_205 = arith.shli %convert_element_type3A_195, %shift_left3A_204 : vector<16xi32>
        %or3A_206 = arith.ori %shift_left3A_202, %shift_left3A_205 : vector<16xi32>
        %or3A_207 = arith.ori %or3A_206, %convert_element_type3A_199 : vector<16xi32>
        %add3A_208 = arith.constant 32768 : i32
        %add3A_209 = vector.broadcast %add3A_208 : i32 to vector<16xi32>
        %add3A_210 = arith.addi %or3A_207, %add3A_209 : vector<16xi32>
        tpu.vector_store_idx %arg8[%add3A_210], %get3A_177 {add = true} : memref<65536xf32, #tpu.memory_space<vmem>>[vector<16xi32>], vector<16xf32>,
        %add3A_211 = arith.constant 4096 : i32
        %add3A_212 = vector.broadcast %add3A_211 : i32 to vector<16xi32>
        %add3A_213 = arith.addi %add3A_210, %add3A_212 : vector<16xi32>
        tpu.vector_store_idx %arg8[%add3A_213], %get3A_182 {add = true} : memref<65536xf32, #tpu.memory_space<vmem>>[vector<16xi32>], vector<16xf32>,
        %add3A_214 = arith.constant 8192 : i32
        %add3A_215 = vector.broadcast %add3A_214 : i32 to vector<16xi32>
        %add3A_216 = arith.addi %add3A_210, %add3A_215 : vector<16xi32>
        tpu.vector_store_idx %arg8[%add3A_216], %get3A_187 {add = true} : memref<65536xf32, #tpu.memory_space<vmem>>[vector<16xi32>], vector<16xf32>,
        %add3A_217 = arith.constant 12288 : i32
        %add3A_218 = vector.broadcast %add3A_217 : i32 to vector<16xi32>
        %add3A_219 = arith.addi %add3A_210, %add3A_218 : vector<16xi32>
        tpu.vector_store_idx %arg8[%add3A_219], %broadcast_in_dim3A_2 {add = true} : memref<65536xf32, #tpu.memory_space<vmem>>[vector<16xi32>], vector<16xf32>,
        %mul3A_220 = arith.constant 4 : i32
        %mul3A_221 = arith.muli %arg0, %mul3A_220 : i32
        %add3A_222 = arith.constant 3 : i32
        %add3A_223 = arith.addi %mul3A_221, %add3A_222 : i32
        %get3A_224 = arith.index_cast %add3A_223 : i32 to index
        %get3A_225 = arith.index_cast %mul3A_75 : i32 to index
        %get3A_226 = tpu.vector_load %arg5[%get3A_224, %get3A_225] {strides = array<i32>} : memref<24x512xf32, #tpu.memory_space<vmem>>, vector<16xf32>,
        %add3A_227 = arith.constant 8 : i32
        %add3A_228 = arith.addi %add3A_227, %add3A_223 : i32
        %get3A_229 = arith.index_cast %add3A_228 : i32 to index
        %get3A_230 = arith.index_cast %mul3A_75 : i32 to index
        %get3A_231 = tpu.vector_load %arg5[%get3A_229, %get3A_230] {strides = array<i32>} : memref<24x512xf32, #tpu.memory_space<vmem>>, vector<16xf32>,
        %add3A_232 = arith.constant 16 : i32
        %add3A_233 = arith.addi %add3A_232, %add3A_223 : i32
        %get3A_234 = arith.index_cast %add3A_233 : i32 to index
        %get3A_235 = arith.index_cast %mul3A_75 : i32 to index
        %get3A_236 = tpu.vector_load %arg5[%get3A_234, %get3A_235] {strides = array<i32>} : memref<24x512xf32, #tpu.memory_space<vmem>>, vector<16xf32>,
        %mul3A_237 = arith.constant 1.600000e+01 : f32
        %mul3A_238 = vector.broadcast %mul3A_237 : f32 to vector<16xf32>
        %mul3A_239 = arith.mulf %get3A_226, %mul3A_238 : vector<16xf32>
        %convert_element_type3A_240 = arith.fptosi %mul3A_239 : vector<16xf32> to vector<16xi32>
        %mul3A_241 = arith.constant 1.600000e+01 : f32
        %mul3A_242 = vector.broadcast %mul3A_241 : f32 to vector<16xf32>
        %mul3A_243 = arith.mulf %get3A_231, %mul3A_242 : vector<16xf32>
        %convert_element_type3A_244 = arith.fptosi %mul3A_243 : vector<16xf32> to vector<16xi32>
        %mul3A_245 = arith.constant 1.600000e+01 : f32
        %mul3A_246 = vector.broadcast %mul3A_245 : f32 to vector<16xf32>
        %mul3A_247 = arith.mulf %get3A_236, %mul3A_246 : vector<16xf32>
        %convert_element_type3A_248 = arith.fptosi %mul3A_247 : vector<16xf32> to vector<16xi32>
        %shift_left3A_249 = arith.constant 8 : i32
        %shift_left3A_250 = vector.broadcast %shift_left3A_249 : i32 to vector<16xi32>
        %shift_left3A_251 = arith.shli %convert_element_type3A_240, %shift_left3A_250 : vector<16xi32>
        %shift_left3A_252 = arith.constant 4 : i32
        %shift_left3A_253 = vector.broadcast %shift_left3A_252 : i32 to vector<16xi32>
        %shift_left3A_254 = arith.shli %convert_element_type3A_244, %shift_left3A_253 : vector<16xi32>
        %or3A_255 = arith.ori %shift_left3A_251, %shift_left3A_254 : vector<16xi32>
        %or3A_256 = arith.ori %or3A_255, %convert_element_type3A_248 : vector<16xi32>
        %add3A_257 = arith.constant 49152 : i32
        %add3A_258 = vector.broadcast %add3A_257 : i32 to vector<16xi32>
        %add3A_259 = arith.addi %or3A_256, %add3A_258 : vector<16xi32>
        tpu.vector_store_idx %arg8[%add3A_259], %get3A_226 {add = true} : memref<65536xf32, #tpu.memory_space<vmem>>[vector<16xi32>], vector<16xf32>,
        %add3A_260 = arith.constant 4096 : i32
        %add3A_261 = vector.broadcast %add3A_260 : i32 to vector<16xi32>
        %add3A_262 = arith.addi %add3A_259, %add3A_261 : vector<16xi32>
        tpu.vector_store_idx %arg8[%add3A_262], %get3A_231 {add = true} : memref<65536xf32, #tpu.memory_space<vmem>>[vector<16xi32>], vector<16xf32>,
        %add3A_263 = arith.constant 8192 : i32
        %add3A_264 = vector.broadcast %add3A_263 : i32 to vector<16xi32>
        %add3A_265 = arith.addi %add3A_259, %add3A_264 : vector<16xi32>
        tpu.vector_store_idx %arg8[%add3A_265], %get3A_236 {add = true} : memref<65536xf32, #tpu.memory_space<vmem>>[vector<16xi32>], vector<16xf32>,
        %add3A_266 = arith.constant 12288 : i32
        %add3A_267 = vector.broadcast %add3A_266 : i32 to vector<16xi32>
        %add3A_268 = arith.addi %add3A_259, %add3A_267 : vector<16xi32>
        tpu.vector_store_idx %arg8[%add3A_268], %broadcast_in_dim3A_2 {add = true} : memref<65536xf32, #tpu.memory_space<vmem>>[vector<16xi32>], vector<16xf32>,
      }
      %scan3A_68 = arith.constant 2 : i32
    } else {
    }
    %mul3A_49 = arith.constant 4096 : i32
    %mul3A_50 = arith.muli %arg1, %mul3A_49 : i32
    %scan3A_51 = arith.constant 0 : i32
    %scan3A_52 = arith.constant 0 : i32
    %scan3A_53 = arith.constant 15 : i32
    %scan3A_54 = arith.addi %scan3A_52, %scan3A_53 : i32
    %scan3A_55 = arith.constant 1 : i32
    scf.for %scan3A_63 = %scan3A_52 to %scan3A_54 step %scan3A_55  : i32 {
      %add3A_64 = arith.constant 1 : i32
      %add3A_65 = arith.addi %arg1, %add3A_64 : i32
      %add3A_66 = arith.addi %add3A_65, %scan3A_63 : i32
      %rem3A = arith.constant 16 : i32
      %rem3A_67 = arith.remsi %add3A_66, %rem3A : i32
      %mul3A_68 = arith.constant 4096 : i32
      %mul3A_69 = arith.muli %rem3A_67, %mul3A_68 : i32
      "tpu.region"() ({
        %run_scoped3A = tpu.sem_alloc : memref<!tpu.dma_semaphore, #tpu.memory_space<semaphore_mem>>
        %dma_start3A_82 = tpu.memref_slice %arg8[%mul3A_69] : memref<65536xf32, #tpu.memory_space<vmem>> -> memref<4096xf32, #tpu.memory_space<vmem>>
        %dma_start3A_83 = arith.constant 0 : i32
        %dma_start3A_84 = tpu.memref_slice %arg12[%arg1, %dma_start3A_83] : memref<16x4096xf32, #tpu.memory_space<vmem_shared>> -> memref<1x4096xf32, #tpu.memory_space<vmem_shared>>
        %dma_start3A_85 = tpu.memref_squeeze %dma_start3A_84 : memref<1x4096xf32, #tpu.memory_space<vmem_shared>> -> memref<4096xf32, #tpu.memory_space<vmem_shared>>
        %dma_start3A_86 = arith.constant 0 : i32
        %dma_start3A_87 = tpu.memref_slice %arg12[%arg1, %dma_start3A_86] : memref<16x4096xf32, #tpu.memory_space<vmem_shared>> -> memref<1x4096xf32, #tpu.memory_space<vmem_shared>>
        %dma_start3A_88 = tpu.memref_squeeze %dma_start3A_87 : memref<1x4096xf32, #tpu.memory_space<vmem_shared>> -> memref<4096xf32, #tpu.memory_space<vmem_shared>>
        %dma_start3A_89 = tpu.memref_slice %arg8[%mul3A_69] : memref<65536xf32, #tpu.memory_space<vmem>> -> memref<4096xf32, #tpu.memory_space<vmem>>
        tpu.enqueue_dma source(%dma_start3A_89 : memref<4096xf32, #tpu.memory_space<vmem>>) target(%dma_start3A_88 : memref<4096xf32, #tpu.memory_space<vmem_shared>>) target_semaphore(%run_scoped3A : memref<!tpu.dma_semaphore, #tpu.memory_space<semaphore_mem>>)
        %dma_wait3A_90 = tpu.memref_slice %arg8[%mul3A_69] : memref<65536xf32, #tpu.memory_space<vmem>> -> memref<4096xf32, #tpu.memory_space<vmem>>
        %dma_wait3A_91 = arith.constant 0 : i32
        %dma_wait3A_92 = tpu.memref_slice %arg12[%arg1, %dma_wait3A_91] : memref<16x4096xf32, #tpu.memory_space<vmem_shared>> -> memref<1x4096xf32, #tpu.memory_space<vmem_shared>>
        %dma_wait3A_93 = tpu.memref_squeeze %dma_wait3A_92 : memref<1x4096xf32, #tpu.memory_space<vmem_shared>> -> memref<4096xf32, #tpu.memory_space<vmem_shared>>
        %dma_wait3A_94 = arith.constant 0 : i32
        %dma_wait3A_95 = tpu.memref_slice %arg12[%arg1, %dma_wait3A_94] : memref<16x4096xf32, #tpu.memory_space<vmem_shared>> -> memref<1x4096xf32, #tpu.memory_space<vmem_shared>>
        %dma_wait3A_96 = tpu.memref_squeeze %dma_wait3A_95 : memref<1x4096xf32, #tpu.memory_space<vmem_shared>> -> memref<4096xf32, #tpu.memory_space<vmem_shared>>
        %dma_wait3A_97 = tpu.memref_slice %arg8[%mul3A_69] : memref<65536xf32, #tpu.memory_space<vmem>> -> memref<4096xf32, #tpu.memory_space<vmem>>
        tpu.wait_dma2 semaphore(%run_scoped3A : memref<!tpu.dma_semaphore, #tpu.memory_space<semaphore_mem>>) src(%dma_wait3A_97 : memref<4096xf32, #tpu.memory_space<vmem>>) dst(%dma_wait3A_96 : memref<4096xf32, #tpu.memory_space<vmem_shared>>)
        tpu.yield
      }) : () -> ()
      %barrier3A_70 = arith.constant 0 : index
      tpu.barrier barrier_id(%barrier3A_70)
      %add3A_71 = arith.constant 15 : i32
      %add3A_72 = arith.addi %arg1, %add3A_71 : i32
      %sub3A = arith.subi %add3A_72, %scan3A_63 : i32
      %rem3A_73 = arith.constant 16 : i32
      %rem3A_74 = arith.remsi %sub3A, %rem3A_73 : i32
      "tpu.region"() ({
        %run_scoped3A = tpu.sem_alloc : memref<!tpu.dma_semaphore, #tpu.memory_space<semaphore_mem>>
        %dma_start3A_82 = arith.constant 0 : i32
        %dma_start3A_83 = tpu.memref_slice %arg12[%rem3A_74, %dma_start3A_82] : memref<16x4096xf32, #tpu.memory_space<vmem_shared>> -> memref<1x4096xf32, #tpu.memory_space<vmem_shared>>
        %dma_start3A_84 = tpu.memref_squeeze %dma_start3A_83 : memref<1x4096xf32, #tpu.memory_space<vmem_shared>> -> memref<4096xf32, #tpu.memory_space<vmem_shared>>
        %dma_start3A_85 = arith.constant 0 : i32
        %dma_start3A_86 = tpu.memref_slice %arg12[%rem3A_74, %dma_start3A_85] : memref<16x4096xf32, #tpu.memory_space<vmem_shared>> -> memref<1x4096xf32, #tpu.memory_space<vmem_shared>>
        %dma_start3A_87 = tpu.memref_squeeze %dma_start3A_86 : memref<1x4096xf32, #tpu.memory_space<vmem_shared>> -> memref<4096xf32, #tpu.memory_space<vmem_shared>>
        tpu.enqueue_dma source(%dma_start3A_87 : memref<4096xf32, #tpu.memory_space<vmem_shared>>) target(%arg9 : memref<4096xf32, #tpu.memory_space<vmem>>) target_semaphore(%run_scoped3A : memref<!tpu.dma_semaphore, #tpu.memory_space<semaphore_mem>>)
        %dma_wait3A_88 = arith.constant 0 : i32
        %dma_wait3A_89 = tpu.memref_slice %arg12[%rem3A_74, %dma_wait3A_88] : memref<16x4096xf32, #tpu.memory_space<vmem_shared>> -> memref<1x4096xf32, #tpu.memory_space<vmem_shared>>
        %dma_wait3A_90 = tpu.memref_squeeze %dma_wait3A_89 : memref<1x4096xf32, #tpu.memory_space<vmem_shared>> -> memref<4096xf32, #tpu.memory_space<vmem_shared>>
        %dma_wait3A_91 = arith.constant 0 : i32
        %dma_wait3A_92 = tpu.memref_slice %arg12[%rem3A_74, %dma_wait3A_91] : memref<16x4096xf32, #tpu.memory_space<vmem_shared>> -> memref<1x4096xf32, #tpu.memory_space<vmem_shared>>
        %dma_wait3A_93 = tpu.memref_squeeze %dma_wait3A_92 : memref<1x4096xf32, #tpu.memory_space<vmem_shared>> -> memref<4096xf32, #tpu.memory_space<vmem_shared>>
        tpu.wait_dma2 semaphore(%run_scoped3A : memref<!tpu.dma_semaphore, #tpu.memory_space<semaphore_mem>>) src(%dma_wait3A_93 : memref<4096xf32, #tpu.memory_space<vmem_shared>>) dst(%arg9 : memref<4096xf32, #tpu.memory_space<vmem>>)
        tpu.yield
      }) : () -> ()
      %barrier3A_75 = arith.constant 0 : index
      tpu.barrier barrier_id(%barrier3A_75)
      %scan3A_76 = arith.constant 0 : i32
      %scan3A_77 = arith.constant 0 : i32
      %scan3A_78 = arith.constant 256 : i32
      %scan3A_79 = arith.addi %scan3A_77, %scan3A_78 : i32
      %scan3A_80 = arith.constant 1 : i32
      scf.for %scan3A_82 = %scan3A_77 to %scan3A_79 step %scan3A_80  : i32 {
        %mul3A_83 = arith.constant 16 : i32
        %mul3A_84 = arith.muli %scan3A_82, %mul3A_83 : i32
        %add3A_85 = arith.addi %mul3A_50, %mul3A_84 : i32
        %get3A = arith.index_cast %add3A_85 : i32 to index
        %get3A_86 = tpu.vector_load %arg8[%get3A] {strides = array<i32>} : memref<65536xf32, #tpu.memory_space<vmem>>, vector<16xf32>,
        %mul3A_87 = arith.constant 16 : i32
        %mul3A_88 = arith.muli %scan3A_82, %mul3A_87 : i32
        %get3A_89 = arith.index_cast %mul3A_88 : i32 to index
        %get3A_90 = tpu.vector_load %arg9[%get3A_89] {strides = array<i32>} : memref<4096xf32, #tpu.memory_space<vmem>>, vector<16xf32>,
        %add3A_91 = arith.addf %get3A_86, %get3A_90 : vector<16xf32>
        %swap3A = arith.index_cast %add3A_85 : i32 to index
        %swap3A_92 = tpu.vector_load %arg8[%swap3A] {strides = array<i32>} : memref<65536xf32, #tpu.memory_space<vmem>>, vector<16xf32>,
        tpu.vector_store %arg8[%swap3A], %add3A_91 {strides = array<i32>} : memref<65536xf32, #tpu.memory_space<vmem>>, vector<16xf32>,
      }
      %scan3A_81 = arith.constant 256 : i32
    }
    %scan3A_56 = arith.constant 15 : i32
    "tpu.region"() ({
      %run_scoped3A = tpu.sem_alloc : memref<!tpu.dma_semaphore, #tpu.memory_space<semaphore_mem>>
      %dma_start3A_63 = tpu.memref_slice %arg8[%mul3A_50] : memref<65536xf32, #tpu.memory_space<vmem>> -> memref<4096xf32, #tpu.memory_space<vmem>>
      %dma_start3A_64 = arith.constant 0 : i32
      %dma_start3A_65 = tpu.memref_slice %arg12[%arg1, %dma_start3A_64] : memref<16x4096xf32, #tpu.memory_space<vmem_shared>> -> memref<1x4096xf32, #tpu.memory_space<vmem_shared>>
      %dma_start3A_66 = tpu.memref_squeeze %dma_start3A_65 : memref<1x4096xf32, #tpu.memory_space<vmem_shared>> -> memref<4096xf32, #tpu.memory_space<vmem_shared>>
      %dma_start3A_67 = arith.constant 0 : i32
      %dma_start3A_68 = tpu.memref_slice %arg12[%arg1, %dma_start3A_67] : memref<16x4096xf32, #tpu.memory_space<vmem_shared>> -> memref<1x4096xf32, #tpu.memory_space<vmem_shared>>
      %dma_start3A_69 = tpu.memref_squeeze %dma_start3A_68 : memref<1x4096xf32, #tpu.memory_space<vmem_shared>> -> memref<4096xf32, #tpu.memory_space<vmem_shared>>
      %dma_start3A_70 = tpu.memref_slice %arg8[%mul3A_50] : memref<65536xf32, #tpu.memory_space<vmem>> -> memref<4096xf32, #tpu.memory_space<vmem>>
      tpu.enqueue_dma source(%dma_start3A_70 : memref<4096xf32, #tpu.memory_space<vmem>>) target(%dma_start3A_69 : memref<4096xf32, #tpu.memory_space<vmem_shared>>) target_semaphore(%run_scoped3A : memref<!tpu.dma_semaphore, #tpu.memory_space<semaphore_mem>>)
      %dma_wait3A_71 = tpu.memref_slice %arg8[%mul3A_50] : memref<65536xf32, #tpu.memory_space<vmem>> -> memref<4096xf32, #tpu.memory_space<vmem>>
      %dma_wait3A_72 = arith.constant 0 : i32
      %dma_wait3A_73 = tpu.memref_slice %arg12[%arg1, %dma_wait3A_72] : memref<16x4096xf32, #tpu.memory_space<vmem_shared>> -> memref<1x4096xf32, #tpu.memory_space<vmem_shared>>
      %dma_wait3A_74 = tpu.memref_squeeze %dma_wait3A_73 : memref<1x4096xf32, #tpu.memory_space<vmem_shared>> -> memref<4096xf32, #tpu.memory_space<vmem_shared>>
      %dma_wait3A_75 = arith.constant 0 : i32
      %dma_wait3A_76 = tpu.memref_slice %arg12[%arg1, %dma_wait3A_75] : memref<16x4096xf32, #tpu.memory_space<vmem_shared>> -> memref<1x4096xf32, #tpu.memory_space<vmem_shared>>
      %dma_wait3A_77 = tpu.memref_squeeze %dma_wait3A_76 : memref<1x4096xf32, #tpu.memory_space<vmem_shared>> -> memref<4096xf32, #tpu.memory_space<vmem_shared>>
      %dma_wait3A_78 = tpu.memref_slice %arg8[%mul3A_50] : memref<65536xf32, #tpu.memory_space<vmem>> -> memref<4096xf32, #tpu.memory_space<vmem>>
      tpu.wait_dma2 semaphore(%run_scoped3A : memref<!tpu.dma_semaphore, #tpu.memory_space<semaphore_mem>>) src(%dma_wait3A_78 : memref<4096xf32, #tpu.memory_space<vmem>>) dst(%dma_wait3A_77 : memref<4096xf32, #tpu.memory_space<vmem_shared>>)
      tpu.yield
    }) : () -> ()
    %barrier3A = arith.constant 0 : index
    tpu.barrier barrier_id(%barrier3A)
    %and3A = arith.constant 3 : i32
    %and3A_57 = arith.andi %arg1, %and3A : i32
    %eq3A_58 = arith.constant 0 : i32
    %eq3A_59 = arith.cmpi eq, %and3A_57, %eq3A_58 : i32
    %convert_element_type3A_60 = arith.extui %eq3A_59 : i1 to i32
    %cond3A_61 = arith.constant 0 : i32
    %cond3A_62 = arith.cmpi ne, %convert_element_type3A_60, %cond3A_61 : i32
    scf.if %cond3A_62 {
      %shift_right_arithmetic3A = arith.constant 2 : i32
      %shift_right_arithmetic3A_63 = arith.shrsi %arg1, %shift_right_arithmetic3A : i32
      %mul3A_64 = arith.constant 4 : i32
      %mul3A_65 = arith.muli %arg0, %mul3A_64 : i32
      %add3A_66 = arith.addi %mul3A_65, %shift_right_arithmetic3A_63 : i32
      %mul3A_67 = arith.constant 4 : i32
      %mul3A_68 = arith.muli %mul3A_67, %shift_right_arithmetic3A_63 : i32
      %add3A_69 = arith.constant 1 : i32
      %add3A_70 = arith.addi %mul3A_68, %add3A_69 : i32
      "tpu.region"() ({
        %run_scoped3A = tpu.sem_alloc : memref<!tpu.dma_semaphore, #tpu.memory_space<semaphore_mem>>
        %dma_start3A_87 = arith.constant 0 : i32
        %dma_start3A_88 = tpu.memref_slice %arg12[%add3A_70, %dma_start3A_87] : memref<16x4096xf32, #tpu.memory_space<vmem_shared>> -> memref<1x4096xf32, #tpu.memory_space<vmem_shared>>
        %dma_start3A_89 = tpu.memref_squeeze %dma_start3A_88 : memref<1x4096xf32, #tpu.memory_space<vmem_shared>> -> memref<4096xf32, #tpu.memory_space<vmem_shared>>
        %dma_start3A_90 = arith.constant 0 : i32
        %dma_start3A_91 = tpu.memref_slice %arg12[%add3A_70, %dma_start3A_90] : memref<16x4096xf32, #tpu.memory_space<vmem_shared>> -> memref<1x4096xf32, #tpu.memory_space<vmem_shared>>
        %dma_start3A_92 = tpu.memref_squeeze %dma_start3A_91 : memref<1x4096xf32, #tpu.memory_space<vmem_shared>> -> memref<4096xf32, #tpu.memory_space<vmem_shared>>
        tpu.enqueue_dma source(%dma_start3A_92 : memref<4096xf32, #tpu.memory_space<vmem_shared>>) target(%arg9 : memref<4096xf32, #tpu.memory_space<vmem>>) target_semaphore(%run_scoped3A : memref<!tpu.dma_semaphore, #tpu.memory_space<semaphore_mem>>)
        %dma_wait3A_93 = arith.constant 0 : i32
        %dma_wait3A_94 = tpu.memref_slice %arg12[%add3A_70, %dma_wait3A_93] : memref<16x4096xf32, #tpu.memory_space<vmem_shared>> -> memref<1x4096xf32, #tpu.memory_space<vmem_shared>>
        %dma_wait3A_95 = tpu.memref_squeeze %dma_wait3A_94 : memref<1x4096xf32, #tpu.memory_space<vmem_shared>> -> memref<4096xf32, #tpu.memory_space<vmem_shared>>
        %dma_wait3A_96 = arith.constant 0 : i32
        %dma_wait3A_97 = tpu.memref_slice %arg12[%add3A_70, %dma_wait3A_96] : memref<16x4096xf32, #tpu.memory_space<vmem_shared>> -> memref<1x4096xf32, #tpu.memory_space<vmem_shared>>
        %dma_wait3A_98 = tpu.memref_squeeze %dma_wait3A_97 : memref<1x4096xf32, #tpu.memory_space<vmem_shared>> -> memref<4096xf32, #tpu.memory_space<vmem_shared>>
        tpu.wait_dma2 semaphore(%run_scoped3A : memref<!tpu.dma_semaphore, #tpu.memory_space<semaphore_mem>>) src(%dma_wait3A_98 : memref<4096xf32, #tpu.memory_space<vmem_shared>>) dst(%arg9 : memref<4096xf32, #tpu.memory_space<vmem>>)
        tpu.yield
      }) : () -> ()
      %mul3A_71 = arith.constant 4 : i32
      %mul3A_72 = arith.muli %mul3A_71, %shift_right_arithmetic3A_63 : i32
      %add3A_73 = arith.constant 2 : i32
      %add3A_74 = arith.addi %mul3A_72, %add3A_73 : i32
      "tpu.region"() ({
        %run_scoped3A = tpu.sem_alloc : memref<!tpu.dma_semaphore, #tpu.memory_space<semaphore_mem>>
        %dma_start3A_87 = arith.constant 0 : i32
        %dma_start3A_88 = tpu.memref_slice %arg10[%dma_start3A_87] : memref<8192xf32, #tpu.memory_space<vmem>> -> memref<4096xf32, #tpu.memory_space<vmem>>
        %dma_start3A_89 = arith.constant 0 : i32
        %dma_start3A_90 = tpu.memref_slice %arg12[%add3A_74, %dma_start3A_89] : memref<16x4096xf32, #tpu.memory_space<vmem_shared>> -> memref<1x4096xf32, #tpu.memory_space<vmem_shared>>
        %dma_start3A_91 = tpu.memref_squeeze %dma_start3A_90 : memref<1x4096xf32, #tpu.memory_space<vmem_shared>> -> memref<4096xf32, #tpu.memory_space<vmem_shared>>
        %dma_start3A_92 = arith.constant 0 : i32
        %dma_start3A_93 = tpu.memref_slice %arg10[%dma_start3A_92] : memref<8192xf32, #tpu.memory_space<vmem>> -> memref<4096xf32, #tpu.memory_space<vmem>>
        %dma_start3A_94 = arith.constant 0 : i32
        %dma_start3A_95 = tpu.memref_slice %arg12[%add3A_74, %dma_start3A_94] : memref<16x4096xf32, #tpu.memory_space<vmem_shared>> -> memref<1x4096xf32, #tpu.memory_space<vmem_shared>>
        %dma_start3A_96 = tpu.memref_squeeze %dma_start3A_95 : memref<1x4096xf32, #tpu.memory_space<vmem_shared>> -> memref<4096xf32, #tpu.memory_space<vmem_shared>>
        tpu.enqueue_dma source(%dma_start3A_96 : memref<4096xf32, #tpu.memory_space<vmem_shared>>) target(%dma_start3A_93 : memref<4096xf32, #tpu.memory_space<vmem>>) target_semaphore(%run_scoped3A : memref<!tpu.dma_semaphore, #tpu.memory_space<semaphore_mem>>)
        %dma_wait3A_97 = arith.constant 0 : i32
        %dma_wait3A_98 = tpu.memref_slice %arg10[%dma_wait3A_97] : memref<8192xf32, #tpu.memory_space<vmem>> -> memref<4096xf32, #tpu.memory_space<vmem>>
        %dma_wait3A_99 = arith.constant 0 : i32
        %dma_wait3A_100 = tpu.memref_slice %arg12[%add3A_74, %dma_wait3A_99] : memref<16x4096xf32, #tpu.memory_space<vmem_shared>> -> memref<1x4096xf32, #tpu.memory_space<vmem_shared>>
        %dma_wait3A_101 = tpu.memref_squeeze %dma_wait3A_100 : memref<1x4096xf32, #tpu.memory_space<vmem_shared>> -> memref<4096xf32, #tpu.memory_space<vmem_shared>>
        %dma_wait3A_102 = arith.constant 0 : i32
        %dma_wait3A_103 = tpu.memref_slice %arg10[%dma_wait3A_102] : memref<8192xf32, #tpu.memory_space<vmem>> -> memref<4096xf32, #tpu.memory_space<vmem>>
        %dma_wait3A_104 = arith.constant 0 : i32
        %dma_wait3A_105 = tpu.memref_slice %arg12[%add3A_74, %dma_wait3A_104] : memref<16x4096xf32, #tpu.memory_space<vmem_shared>> -> memref<1x4096xf32, #tpu.memory_space<vmem_shared>>
        %dma_wait3A_106 = tpu.memref_squeeze %dma_wait3A_105 : memref<1x4096xf32, #tpu.memory_space<vmem_shared>> -> memref<4096xf32, #tpu.memory_space<vmem_shared>>
        tpu.wait_dma2 semaphore(%run_scoped3A : memref<!tpu.dma_semaphore, #tpu.memory_space<semaphore_mem>>) src(%dma_wait3A_106 : memref<4096xf32, #tpu.memory_space<vmem_shared>>) dst(%dma_wait3A_103 : memref<4096xf32, #tpu.memory_space<vmem>>)
        tpu.yield
      }) : () -> ()
      %mul3A_75 = arith.constant 4 : i32
      %mul3A_76 = arith.muli %mul3A_75, %shift_right_arithmetic3A_63 : i32
      %add3A_77 = arith.constant 3 : i32
      %add3A_78 = arith.addi %mul3A_76, %add3A_77 : i32
      "tpu.region"() ({
        %run_scoped3A = tpu.sem_alloc : memref<!tpu.dma_semaphore, #tpu.memory_space<semaphore_mem>>
        %dma_start3A_87 = arith.constant 4096 : i32
        %dma_start3A_88 = tpu.memref_slice %arg10[%dma_start3A_87] : memref<8192xf32, #tpu.memory_space<vmem>> -> memref<4096xf32, #tpu.memory_space<vmem>>
        %dma_start3A_89 = arith.constant 0 : i32
        %dma_start3A_90 = tpu.memref_slice %arg12[%add3A_78, %dma_start3A_89] : memref<16x4096xf32, #tpu.memory_space<vmem_shared>> -> memref<1x4096xf32, #tpu.memory_space<vmem_shared>>
        %dma_start3A_91 = tpu.memref_squeeze %dma_start3A_90 : memref<1x4096xf32, #tpu.memory_space<vmem_shared>> -> memref<4096xf32, #tpu.memory_space<vmem_shared>>
        %dma_start3A_92 = arith.constant 4096 : i32
        %dma_start3A_93 = tpu.memref_slice %arg10[%dma_start3A_92] : memref<8192xf32, #tpu.memory_space<vmem>> -> memref<4096xf32, #tpu.memory_space<vmem>>
        %dma_start3A_94 = arith.constant 0 : i32
        %dma_start3A_95 = tpu.memref_slice %arg12[%add3A_78, %dma_start3A_94] : memref<16x4096xf32, #tpu.memory_space<vmem_shared>> -> memref<1x4096xf32, #tpu.memory_space<vmem_shared>>
        %dma_start3A_96 = tpu.memref_squeeze %dma_start3A_95 : memref<1x4096xf32, #tpu.memory_space<vmem_shared>> -> memref<4096xf32, #tpu.memory_space<vmem_shared>>
        tpu.enqueue_dma source(%dma_start3A_96 : memref<4096xf32, #tpu.memory_space<vmem_shared>>) target(%dma_start3A_93 : memref<4096xf32, #tpu.memory_space<vmem>>) target_semaphore(%run_scoped3A : memref<!tpu.dma_semaphore, #tpu.memory_space<semaphore_mem>>)
        %dma_wait3A_97 = arith.constant 4096 : i32
        %dma_wait3A_98 = tpu.memref_slice %arg10[%dma_wait3A_97] : memref<8192xf32, #tpu.memory_space<vmem>> -> memref<4096xf32, #tpu.memory_space<vmem>>
        %dma_wait3A_99 = arith.constant 0 : i32
        %dma_wait3A_100 = tpu.memref_slice %arg12[%add3A_78, %dma_wait3A_99] : memref<16x4096xf32, #tpu.memory_space<vmem_shared>> -> memref<1x4096xf32, #tpu.memory_space<vmem_shared>>
        %dma_wait3A_101 = tpu.memref_squeeze %dma_wait3A_100 : memref<1x4096xf32, #tpu.memory_space<vmem_shared>> -> memref<4096xf32, #tpu.memory_space<vmem_shared>>
        %dma_wait3A_102 = arith.constant 4096 : i32
        %dma_wait3A_103 = tpu.memref_slice %arg10[%dma_wait3A_102] : memref<8192xf32, #tpu.memory_space<vmem>> -> memref<4096xf32, #tpu.memory_space<vmem>>
        %dma_wait3A_104 = arith.constant 0 : i32
        %dma_wait3A_105 = tpu.memref_slice %arg12[%add3A_78, %dma_wait3A_104] : memref<16x4096xf32, #tpu.memory_space<vmem_shared>> -> memref<1x4096xf32, #tpu.memory_space<vmem_shared>>
        %dma_wait3A_106 = tpu.memref_squeeze %dma_wait3A_105 : memref<1x4096xf32, #tpu.memory_space<vmem_shared>> -> memref<4096xf32, #tpu.memory_space<vmem_shared>>
        tpu.wait_dma2 semaphore(%run_scoped3A : memref<!tpu.dma_semaphore, #tpu.memory_space<semaphore_mem>>) src(%dma_wait3A_106 : memref<4096xf32, #tpu.memory_space<vmem_shared>>) dst(%dma_wait3A_103 : memref<4096xf32, #tpu.memory_space<vmem>>)
        tpu.yield
      }) : () -> ()
      %scan3A_79 = arith.constant 0 : i32
      %scan3A_80 = arith.constant 0 : i32
      %scan3A_81 = arith.constant 256 : i32
      %scan3A_82 = arith.addi %scan3A_80, %scan3A_81 : i32
      %scan3A_83 = arith.constant 1 : i32
      scf.for %scan3A_87 = %scan3A_80 to %scan3A_82 step %scan3A_83  : i32 {
        %mul3A_88 = arith.constant 16 : i32
        %mul3A_89 = arith.muli %scan3A_87, %mul3A_88 : i32
        %add3A_90 = arith.addi %mul3A_50, %mul3A_89 : i32
        %get3A = arith.index_cast %add3A_90 : i32 to index
        %get3A_91 = tpu.vector_load %arg8[%get3A] {strides = array<i32>} : memref<65536xf32, #tpu.memory_space<vmem>>, vector<16xf32>,
        %get3A_92 = arith.index_cast %mul3A_89 : i32 to index
        %get3A_93 = tpu.vector_load %arg9[%get3A_92] {strides = array<i32>} : memref<4096xf32, #tpu.memory_space<vmem>>, vector<16xf32>,
        %get3A_94 = arith.index_cast %mul3A_89 : i32 to index
        %get3A_95 = tpu.vector_load %arg10[%get3A_94] {strides = array<i32>} : memref<8192xf32, #tpu.memory_space<vmem>>, vector<16xf32>,
        %add3A_96 = arith.constant 4096 : i32
        %add3A_97 = arith.addi %add3A_96, %mul3A_89 : i32
        %get3A_98 = arith.index_cast %add3A_97 : i32 to index
        %get3A_99 = tpu.vector_load %arg10[%get3A_98] {strides = array<i32>} : memref<8192xf32, #tpu.memory_space<vmem>>, vector<16xf32>,
        %max3A = arith.constant 1.000000e+00 : f32
        %max3A_100 = vector.broadcast %max3A : f32 to vector<16xf32>
        %max3A_101 = arith.maximumf %get3A_99, %max3A_100 : vector<16xf32>
        %gt3A = arith.constant 1.000000e+00 : f32
        %gt3A_102 = vector.broadcast %gt3A : f32 to vector<16xf32>
        %gt3A_103 = arith.cmpf ogt, %get3A_99, %gt3A_102 : vector<16xf32>
        %mul3A_104 = arith.constant 48 : i32
        %mul3A_105 = arith.muli %scan3A_87, %mul3A_104 : i32
        %add3A_106 = vector.broadcast %mul3A_105 : i32 to vector<16xi32>
        %add3A_107 = arith.addi %add3A_106, %mul3A_1 : vector<16xi32>
        %div3A = arith.divf %get3A_91, %max3A_101 : vector<16xf32>
        %select_n3A = arith.select %gt3A_103, %div3A, %broadcast_in_dim3A_4 : vector<16xi1>, vector<16xf32>
        tpu.vector_store_idx %arg11[%add3A_107], %select_n3A : memref<12288xf32, #tpu.memory_space<vmem>>[vector<16xi32>], vector<16xf32>,
        %add3A_108 = arith.constant 1 : i32
        %add3A_109 = vector.broadcast %add3A_108 : i32 to vector<16xi32>
        %add3A_110 = arith.addi %add3A_107, %add3A_109 : vector<16xi32>
        %div3A_111 = arith.divf %get3A_93, %max3A_101 : vector<16xf32>
        %select_n3A_112 = arith.select %gt3A_103, %div3A_111, %broadcast_in_dim3A_4 : vector<16xi1>, vector<16xf32>
        tpu.vector_store_idx %arg11[%add3A_110], %select_n3A_112 : memref<12288xf32, #tpu.memory_space<vmem>>[vector<16xi32>], vector<16xf32>,
        %add3A_113 = arith.constant 2 : i32
        %add3A_114 = vector.broadcast %add3A_113 : i32 to vector<16xi32>
        %add3A_115 = arith.addi %add3A_107, %add3A_114 : vector<16xi32>
        %div3A_116 = arith.divf %get3A_95, %max3A_101 : vector<16xf32>
        %select_n3A_117 = arith.select %gt3A_103, %div3A_116, %broadcast_in_dim3A_4 : vector<16xi1>, vector<16xf32>
        tpu.vector_store_idx %arg11[%add3A_115], %select_n3A_117 : memref<12288xf32, #tpu.memory_space<vmem>>[vector<16xi32>], vector<16xf32>,
      }
      %scan3A_84 = arith.constant 256 : i32
      %mul3A_85 = arith.constant 12288 : i32
      %mul3A_86 = arith.muli %add3A_66, %mul3A_85 : i32
      "tpu.region"() ({
        %run_scoped3A = tpu.sem_alloc : memref<!tpu.dma_semaphore, #tpu.memory_space<semaphore_mem>>
        %dma_start3A_87 = tpu.memref_slice %arg4[%mul3A_86] : memref<98304xf32, #tpu.memory_space<hbm>> -> memref<12288xf32, #tpu.memory_space<hbm>>
        %dma_start3A_88 = tpu.memref_slice %arg4[%mul3A_86] : memref<98304xf32, #tpu.memory_space<hbm>> -> memref<12288xf32, #tpu.memory_space<hbm>>
        tpu.enqueue_dma source(%arg11 : memref<12288xf32, #tpu.memory_space<vmem>>) target(%dma_start3A_88 : memref<12288xf32, #tpu.memory_space<hbm>>) target_semaphore(%run_scoped3A : memref<!tpu.dma_semaphore, #tpu.memory_space<semaphore_mem>>)
        %dma_wait3A_89 = tpu.memref_slice %arg4[%mul3A_86] : memref<98304xf32, #tpu.memory_space<hbm>> -> memref<12288xf32, #tpu.memory_space<hbm>>
        %dma_wait3A_90 = tpu.memref_slice %arg4[%mul3A_86] : memref<98304xf32, #tpu.memory_space<hbm>> -> memref<12288xf32, #tpu.memory_space<hbm>>
        tpu.wait_dma2 semaphore(%run_scoped3A : memref<!tpu.dma_semaphore, #tpu.memory_space<semaphore_mem>>) src(%arg11 : memref<12288xf32, #tpu.memory_space<vmem>>) dst(%dma_wait3A_90 : memref<12288xf32, #tpu.memory_space<hbm>>)
        tpu.yield
      }) : () -> ()
    } else {
    }
    return
  }
}

</mosaic_0001>

<sc_bundles>
// kernel: kernel.3.cloned.1.call-start
scs
__scs_entry_jumppad:
0x0: {  	(pc) =	sbr.rel $0x88, $3  }
0x1: {  	(tag) =	ssettag $0x0;
	lr =	simm.s32 $0x1  }
0x2: {  	[smem:$0x3FA0] =	sst lr;
	_ =	strace $0xD0000000  }
0x3: {  	_ = 	snop  }
0x4: {  	_ = 	snop  }
0x5: {  	_ = 	snop  }
0x6: {  	_ = 	snop  }
0x7: {  	_ = 	snop  }
__scs_overlays_trampoline_lowered:
0x8: {  	[smem:$0x3FAF] =	sst s0  }
0x9: {  	[smem:$0x3FB0] =	sst s1  }
0xa: {  	[smem:$0x3FB1] =	sst s2  }
0xb: {  	[smem:$0x3FB2] =	sst s3  }
0xc: {  	[smem:$0x3FB3] =	sst s4  }
0xd: {  	[smem:$0x3FB4] =	sst s5  }
0xe: {  	[smem:$0x3FB5] =	sst s6  }
0xf: {  	[smem:$0x3FB6] =	sst s7  }
0x10: {  	[smem:$0x3FB7] =	sst s8  }
0x11: {  	[smem:$0x3FB8] =	sst s9;
	s0 =	simm.s32 @!p0 $0x0  }
0x12: {  	s1 =	sld [smem:$0x3F9E];
	s0 =	simm.s32 @p0 $0x1  }
0x13: {  	[smem:$0x3FB9] =	sst s0;
	s0 =	simm.s32 @!p1 $0x0  }
0x14: {  	s2 =	sld [smem:$0x3F9D];
	s0 =	simm.s32 @p1 $0x1  }
0x15: {  	[smem:$0x3FBA] =	sst s0;
	s0 =	simm.s32 @!p2 $0x0  }
0x16: {  	s3 =	sld [smem:$0x3FDB];
	s0 =	simm.s32 @p2 $0x1  }
0x17: {  	s4 =	simm.s32 $0x1BF5;
	[smem:$0x3FBC] =	sst s0  }
0x18: {  	s0 =	sld [smem:$0x3F9F];
	_ =	swait.ge [sflag:s4], $0x0  }
0x19: {  	s7 =	sld [smem:$0x3FA0]  }
0x1a: {  	s8 =	sadd.s32 $0xFFFFE003, lr  }
0x1b: {  	s9 =	sadd.s32 $0xFFFFFEF7, lr;
	s5 =	simm.s32 $0xFFFFFFFF;
	p2 =	slt.u32 s8, $0xFFFFF086  }
0x1c: {  	p1 =	slt.u32 s9, $0xF7A;
	s5 =	simm.s32 @!p2 $0x0  }
0x1d: {  	s5 =	simm.s32 @p1 $0x1;
	p0 =	seq.s32 s7, s2  }
0x1e: {  	s7 =	smul.u32 @!p0 $0xF7A, s2;
	p2 =	seq.s32 @!p0 s5, $0x0  }
0x1f: {  	s9 =	smul.u32 $0xF7A, s1;
	s8 =	simm.s32 @!p0 $0x1BF5;
	p2 =	por !p2, p0  }
0x20: {  	[sflag:s8] =	ssyncset.s32 @!p0 $0xFFFFF086;
	s6 =	sadd.s32 @!p0 s3, s7;
	s7 =	simm.s32 @!p0 $0x108  }
0x21: {  	s3 =	sadd.s32 s3, s9;
	s6 =	sadd.s32 @!p0 $0x88, s6;
	s7 =	simm.s32 @p2 $0x1082  }
0x22: {  	[simem:s7], [sflag:s8] =	dma.local @!p0 [hbm:s6], $0xF7A  }
0x23: {  	s9 =	sor.u32 $0xD0000000, s2;
	s6 =	simm.s32 $0x108;
	_ =	swait.ge @!p0 [sflag:s8], $0x0  }
0x24: {  	s3 =	sadd.s32 $0x88, s3;
	s6 =	simm.s32 @!p1 $0x1082;
	[sflag:s4] =	ssyncset.s32 $0xFFFFF086  }
0x25: {  	[simem:s6], [sflag:s4] =	dma.local [hbm:s3], $0xF7A  }
0x26: {  	[smem:$0x3FA0] =	sst s1;
	(tag) =	ssettag s2;
	_ =	strace s9  }
0x27: {  	s1 =	sld [smem:$0x3FB0]  }
0x28: {  	s2 =	sld [smem:$0x3FB1]  }
0x29: {  	s4 =	sld [smem:$0x3FB3]  }
0x2a: {  	p0 =	seq.s32 s5, $0x0;
	s5 =	sld [smem:$0x3FB4]  }
0x2b: {  	s6 =	sld [smem:$0x3FB5]  }
0x2c: {  	s7 =	sld [smem:$0x3FB6]  }
0x2d: {  	s3 =	simm.s32 $0x108;
	s8 =	sld [smem:$0x3FB7]  }
0x2e: {  	s3 =	simm.s32 @!p0 $0x1082;
	s9 =	sld [smem:$0x3FB8]  }
0x2f: {  	lr =	sadd.s32 s0, s3;
	s0 =	sld [smem:$0x3FAF]  }
0x30: {  	s3 =	sld [smem:$0x3FB2]  }
0x31: {  	[smem:$0x3FBB] =	sst s10  }
0x32: {  	s10 =	sld [smem:$0x3FB9];
	_ =	sdelay $0x3  }
0x33: {  	p0 =	seq.s32 s10, $0x1;
	s10 =	sld [smem:$0x3FBB];
	_ =	sdelay $0x3  }
0x34: {  	[smem:$0x3FBB] =	sst s10  }
0x35: {  	s10 =	sld [smem:$0x3FBA];
	_ =	sdelay $0x3  }
0x36: {  	p1 =	seq.s32 s10, $0x1;
	s10 =	sld [smem:$0x3FBB];
	_ =	sdelay $0x3  }
0x37: {  	[smem:$0x3FBB] =	sst s10  }
0x38: {  	s10 =	sld [smem:$0x3FBC]  }
0x39: {  	_ = 	snop;
	(pc) =	sbr.ind lr, $3  }
0x3a: {  	_ = 	snop  }
0x3b: {  	_ = 	snop  }
0x3c: {  	p2 =	seq.s32 s10, $0x1;
	s10 =	sld [smem:$0x3FBB]  }
0x3d: {  	_ =	shalt  }
0x3e: {  	_ =	shalt  }
0x3f: {  	_ =	shalt  }
0x40: {  	_ =	shalt  }
0x41: {  	_ =	shalt  }
0x42: {  	_ =	shalt  }
0x43: {  	_ =	shalt  }
0x44: {  	_ =	shalt  }
0x45: {  	_ =	shalt  }
0x46: {  	_ =	shalt  }
0x47: {  	_ =	shalt  }
0x48: {  	_ =	shalt  }
0x49: {  	_ =	shalt  }
0x4a: {  	_ =	shalt  }
0x4b: {  	_ =	shalt  }
0x4c: {  	_ =	shalt  }
0x4d: {  	_ =	shalt  }
0x4e: {  	_ =	shalt  }
0x4f: {  	_ =	shalt  }
0x50: {  	_ =	shalt  }
0x51: {  	_ =	shalt  }
0x52: {  	_ =	shalt  }
0x53: {  	_ =	shalt  }
0x54: {  	_ =	shalt  }
0x55: {  	_ =	shalt  }
0x56: {  	_ =	shalt  }
0x57: {  	_ =	shalt  }
0x58: {  	_ =	shalt  }
0x59: {  	_ =	shalt  }
0x5a: {  	_ =	shalt  }
0x5b: {  	_ =	shalt  }
0x5c: {  	_ =	shalt  }
0x5d: {  	_ =	shalt  }
0x5e: {  	_ =	shalt  }
0x5f: {  	_ =	shalt  }
0x60: {  	_ =	shalt  }
0x61: {  	_ =	shalt  }
0x62: {  	_ =	shalt  }
0x63: {  	_ =	shalt  }
0x64: {  	_ =	shalt  }
0x65: {  	_ =	shalt  }
0x66: {  	_ =	shalt  }
0x67: {  	_ =	shalt  }
0x68: {  	_ =	shalt  }
0x69: {  	_ =	shalt  }
0x6a: {  	_ =	shalt  }
0x6b: {  	_ =	shalt  }
0x6c: {  	_ =	shalt  }
0x6d: {  	_ =	shalt  }
0x6e: {  	_ =	shalt  }
0x6f: {  	_ =	shalt  }
0x70: {  	_ =	shalt  }
0x71: {  	_ =	shalt  }
0x72: {  	_ =	shalt  }
0x73: {  	_ =	shalt  }
0x74: {  	_ =	shalt  }
0x75: {  	_ =	shalt  }
0x76: {  	_ =	shalt  }
0x77: {  	_ =	shalt  }
0x78: {  	_ =	shalt  }
0x79: {  	_ =	shalt  }
0x7a: {  	_ =	shalt  }
0x7b: {  	_ =	shalt  }
0x7c: {  	_ =	shalt  }
0x7d: {  	_ =	shalt  }
0x7e: {  	_ =	shalt  }
0x7f: {  	_ =	shalt  }
0x80: {  	_ =	shalt  }
0x81: {  	_ =	shalt  }
0x82: {  	_ =	shalt  }
0x83: {  	_ =	shalt  }
0x84: {  	_ =	shalt  }
0x85: {  	_ =	shalt  }
0x86: {  	_ =	shalt  }
0x87: {  	_ =	shalt  }
.Lfunc_end0:
.L_simem_size_0:
called_computation_lowered:
.L_overlay_start_0:
0x88: {  	s2 =	sld [smem:$0x3FD9]  }
0x89: {  	s3 =	sld [smem:$0x3FFE];
	_ =	sdelay $0x1  }
0x8a: {  	s1 =	srdreg.scid  }
0x8b: {  	s0 =	sand.u32 $0x1, s1  }
0x8c: {  	s17 =	sshll.u32 s0, $0xA;
	s2 =	sadd.s32 s3, s2  }
0x8d: {  	s2 =	sadd.s32 s2, s17  }
0x8e: {  	[smem:$0x3FC7] =	sst s2  }
0x8f: {  	_ = 	snop  }
0x90: {  	s2 =	sld [smem:$0x3FC9]  }
0x91: {  	s18 =	sld [smem:$0x3FD0];
	(tm) =	ssettm $0x1  }
0x92: {  	s4 =	sld [smem:$0x3FFB];
	_ =	sdelay $0x3  }
0x93: {  	_ =	strace s4  }
0x94: {  	s4 =	sld [smem:$0x3FFC];
	_ =	sdelay $0x3  }
0x95: {  	_ =	strace s4  }
0x96: {  	s4 =	sld [smem:$0x3FFD];
	_ =	sdelay $0x3  }
0x97: {  	_ =	strace s4  }
0x98: {  	_ =	strace $0x8FFFFFFF  }
0x99: {  	s19 =	sld [smem:$0x3FDB];
	_ =	sdelay $0x1  }
0x9a: {  	s5 =	simm.s32 $_scs_section_size  }
0x9b: {  	s6 =	simm.s32 $_size__tile_overlayer_lowered;
	s7 =	simm.s32 $_tile_overlayer_lowered  }
0x9c: {  	s22 =	simm.s32 $0x1BFF;
	s21 =	sshll.u32 s7, $0x1;
	s4 =	sadd.s32 s5, s19  }
0x9d: {  	s8 =	simm.s32 $0x0;
	s20 =	sshll.u32 s6, $0x1;
	s6 =	sadd.s32 s21, s4  }
0x9e: {  	[timem:s8], [sflag:s22] =	dma.local [hbm:s6], s20  }
0x9f: {  	_ =	swait.ge [sflag:s22], s20  }
0xa0: {  	s5 =	ssub.s32 $0x0, s20;
	[sflag:s22] =	ssyncset.done $0x0  }
0xa1: {  	[sflag:s22] =	ssyncadd.s32 s5;
	_ =	sdelay $0x1  }
0xa2: {  	s23 =	simm.s32 $0x1B8B  }
0xa3: {  	_ =	swait.ge [sflag:s23], $0x1  }
0xa4: {  	[sflag:s23] =	ssyncset.done $0x0  }
0xa5: {  	s25 =	simm.s32 $0x1B8E;
	s24 =	sld [smem:$0x3FFE];
	[sflag:s23] =	ssyncadd.s32 $0xFFFFFFFF  }
0xa6: {  	s26 =	simm.s32 $execute0_lowered;
	[smem:$0x3FD2] =	sst s25  }
0xa7: {  	s6 =	sshll.u32 s26, $0x1;
	_ =	strace $0x80000046;
	[dreg:$0x1] =	wrdreg $0xFFFFFFFF  }
0xa8: {  	s28 =	simm.s32 $_size_execute0_lowered;
	s4 =	sadd.s32 s4, s6;
	[dreg:$0x0] =	wrdreg $0x0  }
0xa9: {  	s6 =	sshll.u32 s28, $0x1;
	[dreg:$0x2] =	wrdreg s4  }
0xaa: {  	[dreg:$0x3] =	wrdreg s6  }
0xab: {  	[dreg:$0x4] =	wrdreg $0xC0  }
0xac: {  	_ =	task [dreg:s8], $0x5FFFF  }
0xad: {  	[dreg:$0x1] =	wrdreg $0xFFFFFFFF  }
0xae: {  	[dreg:$0x0] =	wrdreg $0x60  }
0xaf: {  	[dreg:$0x2] =	wrdreg s2  }
0xb0: {  	[dreg:$0x3] =	wrdreg s24  }
0xb1: {  	[dreg:$0x4] =	wrdreg s18  }
0xb2: {  	[dreg:$0x5] =	wrdreg $0x1F0000  }
0xb3: {  	[dreg:$0x6] =	wrdreg $0x9  }
0xb4: {  	_ =	task.clear_ibuf [dreg:s8], $0x7FFFF;
	_ =	strace $0x90000046  }
0xb5: {  	s29 =	simm.s32 $0x9;
	_ =	strace $0x80000048  }
0xb6: {  	_ =	swait.ge [sflag:s29], $0x1  }
0xb7: {  	[sflag:s29] =	ssyncadd.s32 $0xFFFFFFFF  }
0xb8: {  	_ =	strace $0x90000048  }
0xb9: {  	_ =	sfence  }
0xba: {  	s30 =	sld [smem:$0x0];
	_ =	sdelay $0x2  }
0xbb: {  	s31 =	sshll.u32 s1, $0xD;
	s1 =	sshrl.u32 s1, $0x2  }
0xbc: {  	s3 =	sand.u32 $0x4000, s31;
	s1 =	sadd.s32 s1, s30  }
0xbd: {  	s0 =	sor.u32 s3, s0;
	s1 =	sshll.u32 s1, $0x11  }
0xbe: {  	s0 =	sor.u32 s1, s0  }
0xbf: {  	s0 =	sadd.s32 $0x8F2B, s0  }
0xc0: {  	[sflag:s0] =	ssyncadd.remote.s32 $0x1  }
0xc1: {  	_ =	sfence.sel $0xFFFF  }
0xc2: {  	[dreg:$0x0] =	wrdreg $0xFFFFFFFF;
	(pc) =	sbr.abs _section_cstart, $3  }
0xc3: {  	[dreg:$0x1] =	wrdreg $0xFFFFFFFF  }
0xc4: {  	_ =	task.clear_ibuf [dreg:s8], $0x2FFFF;
	_ =	strace $0x9FFFFFFF  }
0xc5: {  	(tm) =	ssettm $0x7FFFFFFF  }
tec
execute0_lowered:
.L_overlay_start_1:
0x0: {  	(tag) =	ssettag $0x1  }
0x1: {  	s1 =	rddreg [dreg:$0x0]  }
0x2: {  	s0 =	rddreg [dreg:$0x1]  }
0x3: {  	s2 =	rddreg [dreg:$0x2]  }
0x4: {  	s16 =	rddreg [dreg:$0x3];
	s15 =	stileid.u32;
	s5 =	simm.s32 $0x0  }
0x5: {  	s3 =	srdreg.scid;
	s31 =	simm.s32 $0x1;
	s4 =	smul.u32 $0xF4, s15  }
0x6: {  	[smem:$0x7FF] =	sst s5;
	s3 =	sand.u32 $0x1, s3;
	s21 =	smin.u32 s15, $0x2  }
0x7: {  	s22 =	sadd.s32 $0x400, s0;
	s30 =	sshll.u32 s15, $0xC;
	s9 =	sshll.u32 s15, $0x7  }
0x8: {  	s14 =	sshrl.u32 s15, $0x2;
	s18 =	sand.u32 $0x3, s15;
	p1 =	sgt.u32 s15, $0x1  }
0x9: {  	p2 =	sne.s32 s15, $0xF;
	_ =	strace $0x80000047;
	s6 =	ssub.s32 $0x2, s3  }
0xa: {  	[dreg:$0x5] =	wrdreg s22;
	s7 =	sshll.u32 s3, $0x9;
	s17 =	sand.u32 $0x8000, s30  }
0xb: {  	s13 =	sand.u32 $0x380, s9;
	s3 =	sshll.u32 s3, $0x2;
	s9 =	sand.u32 $0x200, s9  }
0xc: {  	p0 =	sne.s32 s18, $0x0;
	s22 =	sadd.s32 $0x480, s0;
	s0 =	sadd.s32 $0x500, s0  }
0xd: {  	s18 =	sadd.s32 $0x1, s15;
	s4 =	sor.u32 s21, s4;
	s23 =	sshrl.u32 s6, $0x1  }
0xe: {  	s10 =	sor.u32 $0x80, s7;
	s11 =	sor.u32 $0x100, s7;
	[dreg:$0x12] =	wrdreg s22  }
0xf: {  	s12 =	sor.u32 $0x180, s7;
	s3 =	sor.u32 s14, s3;
	[dreg:$0x13] =	wrdreg s0  }
0x10: {  	[dreg:$0x14] =	wrdreg s18;
	s8 =	sshll.u32 s4, $0xA;
	s5 =	ssub.s32 s6, s23  }
0x11: {  	s4 =	sshll.u32 s4, $0x7;
	s3 =	smul.u32 $0x600, s3;
	s23 =	sor.u32 $0x2000, s7  }
0x12: {  	s24 =	sshrl.u32 s8, $0x3;
	s4 =	sadd.s32 s1, s4;
	s26 =	sadd.s32 $0x2000, s8  }
0x13: {  	s28 =	sadd.s32 $0x3000, s8;
	s29 =	sadd.s32 $0x4000, s8;
	s8 =	sadd.s32 s17, s16  }
0x14: {  	s17 =	sadd.s32 $0x9000, s30;
	s21 =	smax.u32 s5, $0x1;
	[dreg:$0x6] =	wrdreg s4  }
0x15: {  	s30 =	sor.u32 $0x2180, s7;
	s5 =	simm.s32 $0x2;
	[dreg:$0x8] =	wrdreg s26  }
0x16: {  	v1 =	vmov s23;
	s23 =	simm.s32 $0x3;
	s25 =	sadd.s32 s1, s24;
	[dreg:$0x9] =	wrdreg s28  }
0x17: {  	[dreg:$0xa] =	wrdreg s29;
	s1 =	sor.u32 $0x1000, s7;
	s16 =	sadd.s32 s13, s8  }
0x18: {  	s8 =	sadd.s32 s9, s8;
	s2 =	sadd.s32 s2, s3;
	[dreg:$0x11] =	wrdreg s21  }
0x19: {  	s24 =	sor.u32 $0x1080, s7;
	s26 =	sor.u32 $0x1100, s7;
	[dreg:$0xe] =	wrdreg s2  }
0x1a: {  	s28 =	sor.u32 $0x2100, s7;
	s6 =	sadd.s32 $0x200, s25;
	[dreg:$0xc] =	wrdreg s16  }
0x1b: {  	s29 =	sor.u32 $0x1180, s7;
	s4 =	sadd.s32 $0x7A00, s25;
	[dreg:$0x7] =	wrdreg s6  }
.Ltmp0:
0x1c: {  	v8 =	vimm.f32 $0.0e+00;
	v10 =	vlaneseq.u32;
	v11 =	vmov s7;
	s9 =	sadd.s32 $0x80, s8;
	[dreg:$0xb] =	wrdreg s4;
	(pc) =	sbr.rel .LBB2_1-.Ltmp0, $4  }
0x1d: {  	v9 =	vimm.f32 $1.000000000e+00;
	s3 =	simm.s32 $0x0;
	s19 =	sadd.s32 $0x100, s8;
	v0 =	vmov s1;
	v4 =	vmov s26;
	[dreg:$0xd] =	wrdreg s9  }
0x1e: {  	v10 =	vmul.u32 $0x3, v10;
	v12 =	vmov s10;
	v13 =	vmov s11;
	s20 =	sadd.s32 $0x180, s8;
	s25 =	sor.u32 $0x2080, s7;
	[dreg:$0xf] =	wrdreg s19  }
0x1f: {  	v14 =	vmov s12;
	v7 =	vmov s30;
	v2 =	vmov s24;
	s2 =	simm.s32 $0x9000;
	[dreg:$0x10] =	wrdreg s20;
	s19 =	sadd.s32 $0xF, s15  }
0x20: {  	v5 =	vmov s28;
	v6 =	vmov s29;
	s24 =	simm.s32 $0x4;
	v3 =	vmov s25;
	s20 =	simm.s32 $0x1C000;
	[dreg:$0x15] =	wrdreg s19  }
.LBB2_27:
0x21: {  	s3 =	sadd.s32 $0x1, s3;
	s0 =	rddreg [dreg:$0x11]  }
0x22: {  	p3 =	sne.s32 s3, s0  }
.Ltmp1:
0x23: {  	_ = 	snop;
	(pc) =	sbr.rel @!p3 .LBB2_28-.Ltmp1, $1  }
0x24: {  	_ =	sdelay $0x3  }
.LBB2_1:
0x25: {  	[dreg:$0x16] =	wrdreg s3  }
0x26: {  	s0 =	simm.s32 $0x0;
	s28 =	rddreg [dreg:$0x6];
	s4 =	simm.s32 $0x1000  }
0x27: {  	s6 =	simm.s32 $0x3D0C00;
	s29 =	rddreg [dreg:$0x7];
	s1 =	simm.s32 $0x3D0C00  }
0x28: {  	[tilespmem:s0], [sflag:$0x1] =	stream.strided.gather [hbm4b:s28+s4], $0x3000, s6, s4, $0x38;
	v63 =	vld [tilespmem:$0x0]  }
0x29: {  	s30 =	simm.s32 $0x3000;
	s3 =	simm.s32 $0x0;
	s0 =	simm.s32 $0x40  }
0x2a: {  	[tilespmem:s30], [sflag:$0x2] =	stream.strided.gather [hbm4b:s29+s4], $0x3000, s6, s4, $0x38;
	v63 =	vld [tilespmem:$0x0]  }
.LBB2_2:
0x2b: {  	p3 =	sne.s32 s0, $0x3FFC0;
	[tilespmem:s3+$0x9000] =	vst v8;
	s3 =	smov.u32 s0;
	s0 =	sadd.s32 $0x40, s0  }
.Ltmp2:
0x2c: {  	(pc) =	sbr.rel @p3 .LBB2_2-.Ltmp2, $2  }
0x2d: {  	_ =	sdelay $0x2  }
0x2e: {  	s3 =	sshra.s32 s3, $0x2  }
0x2f: {  	[tilespmem:s3+$0x9000] =	vst v8;
	s30 =	simm.s32 $0x0  }
.LBB2_4:
0x30: {  	s6 =	smul.u32 $0x3000, s30;
	_ =	swait.ge [sflag:s31], $0x3000  }
0x31: {  	s0 =	rddreg [dreg:$0x8];
	[sflag:s31] =	ssyncset.done $0x0  }
0x32: {  	s29 =	simm.s32 $0x1000;
	s0 =	sadd.s32 s6, s0;
	[sflag:s31] =	ssyncadd.s32 $0xFFFFD000  }
0x33: {  	s4 =	simm.s32 $0x6000;
	s0 =	sshrl.u32 s0, $0x3;
	s3 =	rddreg [dreg:$0x0]  }
0x34: {  	s8 =	simm.s32 $0x0;
	s22 =	simm.s32 $0x0;
	s0 =	sadd.s32 s3, s0  }
0x35: {  	[tilespmem:s4], [sflag:$0x3] =	stream.strided.gather [hbm4b:s0+s29], $0x3000, s1, s29, $0x38;
	v63 =	vld [tilespmem:$0x0]  }
.LBB2_5:
0x36: {  	s16 =	sand.u32 $0xC00, s8  }
0x37: {  	s15 =	sand.u32 $0x40, s22;
	s4 =	sor.u32 s7, s16;
	s18 =	sor.u32 $0x1000, s16  }
0x38: {  	s19 =	sor.u32 $0x2000, s16;
	s0 =	sadd.s32 s15, s4;
	s21 =	sor.u32 s7, s18  }
0x39: {  	s3 =	sor.u32 s7, s19;
	v15 =	vld [tilespmem:s0+$0x0];
	s25 =	sadd.s32 s15, s21  }
0x3a: {  	s26 =	sadd.s32 s15, s3;
	v16 =	vld [tilespmem:s25+$0x0]  }
0x3b: {  	v17 =	vld [tilespmem:s26+$0x0];
	_ =	sdelay $0x3  }
0x3c: {  	v18 =	vmul.f32 $1.600000000e+01, v15;
	v19 =	vmul.f32 $1.600000000e+01, v16  }
0x3d: {  	v20 =	vmul.f32 $1.600000000e+01, v17  }
0x3e: {  	v18 =	vtrunc.f32 v18;
	v19 =	vtrunc.f32 v19  }
0x3f: {  	v18 =	vcvt.f32.s32 v18;
	v19 =	vcvt.f32.s32 v19  }
0x40: {  	v20 =	vtrunc.f32 v20  }
0x41: {  	v20 =	vcvt.f32.s32 v20;
	v18 =	vshll.u32 v18, $0x8;
	v19 =	vshll.u32 v19, $0x4  }
0x42: {  	v18 =	vor.u32 v18, v19  }
0x43: {  	v18 =	vor.u32 v20, v18  }
0x44: {  	v27 =	vadd.s32 $0x1000, v18  }
0x45: {  	v20 =	vadd.s32 $0x2000, v18  }
0x46: {  	v21 =	vadd.s32 $0x3000, v18;
	_ =	sdelay $0x1  }
0x47: {  	[tilespmem:v18+s2+$0x0] =	vst.idx.add.f32.msk $0xffff, v15  }
0x48: {  	[tilespmem:v27+s2+$0x0] =	vst.idx.add.f32.msk $0xffff, v16  }
0x49: {  	s0 =	sor.u32 s10, s16;
	[tilespmem:v20+s2+$0x0] =	vst.idx.add.f32.msk $0xffff, v17  }
0x4a: {  	s9 =	sor.u32 s10, s18;
	s13 =	sadd.s32 s15, s0;
	[tilespmem:v21+s2+$0x0] =	vst.idx.add.f32.msk $0xffff, v9  }
0x4b: {  	s28 =	sadd.s32 s15, s9;
	v15 =	vld [tilespmem:s13+$0x0]  }
0x4c: {  	v16 =	vld [tilespmem:s28+$0x0];
	s13 =	sor.u32 s10, s19  }
0x4d: {  	s14 =	sadd.s32 s15, s13  }
0x4e: {  	v17 =	vld [tilespmem:s14+$0x0];
	_ =	sdelay $0x1  }
0x4f: {  	v28 =	vmul.f32 $1.600000000e+01, v15  }
0x50: {  	v29 =	vmul.f32 $1.600000000e+01, v16  }
0x51: {  	v18 =	vtrunc.f32 v28  }
0x52: {  	v19 =	vtrunc.f32 v29;
	v30 =	vmul.f32 $1.600000000e+01, v17  }
0x53: {  	v18 =	vcvt.f32.s32 v18;
	v19 =	vcvt.f32.s32 v19  }
0x54: {  	v20 =	vtrunc.f32 v30  }
0x55: {  	v20 =	vcvt.f32.s32 v20;
	v18 =	vshll.u32 v18, $0x8;
	v19 =	vshll.u32 v19, $0x4  }
0x56: {  	v18 =	vor.u32 v18, v19  }
0x57: {  	v18 =	vor.u32 v20, v18  }
0x58: {  	v31 =	vadd.s32 $0x4000, v18  }
0x59: {  	v20 =	vadd.s32 $0x5000, v18  }
0x5a: {  	v32 =	vadd.s32 $0x6000, v18  }
0x5b: {  	v18 =	vadd.s32 $0x7000, v18;
	_ =	sdelay $0x1  }
0x5c: {  	[tilespmem:v31+s2+$0x0] =	vst.idx.add.f32.msk $0xffff, v15  }
0x5d: {  	[tilespmem:v20+s2+$0x0] =	vst.idx.add.f32.msk $0xffff, v16  }
0x5e: {  	s14 =	sor.u32 s11, s16;
	[tilespmem:v32+s2+$0x0] =	vst.idx.add.f32.msk $0xffff, v17  }
0x5f: {  	s25 =	sor.u32 s11, s18;
	s26 =	sadd.s32 s15, s14;
	[tilespmem:v18+s2+$0x0] =	vst.idx.add.f32.msk $0xffff, v9  }
0x60: {  	s29 =	sadd.s32 s15, s25;
	v15 =	vld [tilespmem:s26+$0x0]  }
0x61: {  	v16 =	vld [tilespmem:s29+$0x0];
	s26 =	sor.u32 s11, s19  }
0x62: {  	s29 =	sadd.s32 s15, s26  }
0x63: {  	v17 =	vld [tilespmem:s29+$0x0];
	_ =	sdelay $0x1  }
0x64: {  	v33 =	vmul.f32 $1.600000000e+01, v15  }
0x65: {  	v34 =	vmul.f32 $1.600000000e+01, v16  }
0x66: {  	v18 =	vtrunc.f32 v33  }
0x67: {  	v19 =	vtrunc.f32 v34;
	v35 =	vmul.f32 $1.600000000e+01, v17  }
0x68: {  	v18 =	vcvt.f32.s32 v18;
	v19 =	vcvt.f32.s32 v19  }
0x69: {  	v20 =	vtrunc.f32 v35  }
0x6a: {  	v20 =	vcvt.f32.s32 v20;
	v18 =	vshll.u32 v18, $0x8;
	v19 =	vshll.u32 v19, $0x4  }
0x6b: {  	v18 =	vor.u32 v18, v19  }
0x6c: {  	v18 =	vor.u32 v20, v18  }
0x6d: {  	v36 =	vadd.s32 $0x8000, v18  }
0x6e: {  	v20 =	vadd.s32 $0x9000, v18  }
0x6f: {  	v37 =	vadd.s32 $0xA000, v18  }
0x70: {  	v18 =	vadd.s32 $0xB000, v18;
	_ =	sdelay $0x1  }
0x71: {  	[tilespmem:v36+s2+$0x0] =	vst.idx.add.f32.msk $0xffff, v15  }
0x72: {  	[tilespmem:v20+s2+$0x0] =	vst.idx.add.f32.msk $0xffff, v16  }
0x73: {  	s16 =	sor.u32 s12, s16;
	[tilespmem:v37+s2+$0x0] =	vst.idx.add.f32.msk $0xffff, v17  }
0x74: {  	s28 =	sadd.s32 s15, s16;
	s29 =	sor.u32 s12, s18;
	[tilespmem:v18+s2+$0x0] =	vst.idx.add.f32.msk $0xffff, v9  }
0x75: {  	s18 =	sadd.s32 s15, s29;
	v15 =	vld [tilespmem:s28+$0x0]  }
0x76: {  	v16 =	vld [tilespmem:s18+$0x0];
	s18 =	sor.u32 s12, s19  }
0x77: {  	s19 =	sadd.s32 s15, s18  }
0x78: {  	v17 =	vld [tilespmem:s19+$0x0];
	_ =	sdelay $0x1  }
0x79: {  	v38 =	vmul.f32 $1.600000000e+01, v15  }
0x7a: {  	v39 =	vmul.f32 $1.600000000e+01, v16  }
0x7b: {  	v18 =	vtrunc.f32 v38  }
0x7c: {  	v19 =	vtrunc.f32 v39;
	v40 =	vmul.f32 $1.600000000e+01, v17  }
0x7d: {  	v18 =	vcvt.f32.s32 v18;
	v19 =	vcvt.f32.s32 v19  }
0x7e: {  	v20 =	vtrunc.f32 v40  }
0x7f: {  	v20 =	vcvt.f32.s32 v20;
	v18 =	vshll.u32 v18, $0x8;
	v19 =	vshll.u32 v19, $0x4  }
0x80: {  	v18 =	vor.u32 v18, v19  }
0x81: {  	v18 =	vor.u32 v20, v18  }
0x82: {  	v41 =	vadd.s32 $0xC000, v18  }
0x83: {  	v20 =	vadd.s32 $0xD000, v18  }
0x84: {  	v42 =	vadd.s32 $0xE000, v18  }
0x85: {  	v18 =	vadd.s32 $0xF000, v18;
	_ =	sdelay $0x1  }
0x86: {  	[tilespmem:v41+s2+$0x0] =	vst.idx.add.f32.msk $0xffff, v15  }
0x87: {  	[tilespmem:v20+s2+$0x0] =	vst.idx.add.f32.msk $0xffff, v16  }
0x88: {  	s19 =	sor.u32 $0x10, s15;
	[tilespmem:v42+s2+$0x0] =	vst.idx.add.f32.msk $0xffff, v17  }
0x89: {  	s28 =	sadd.s32 s19, s4;
	[tilespmem:v18+s2+$0x0] =	vst.idx.add.f32.msk $0xffff, v9  }
0x8a: {  	v15 =	vld [tilespmem:s28+$0x0];
	s28 =	sadd.s32 s19, s21  }
0x8b: {  	v16 =	vld [tilespmem:s28+$0x0]  }
0x8c: {  	s28 =	sadd.s32 s19, s3  }
0x8d: {  	v17 =	vld [tilespmem:s28+$0x0];
	_ =	sdelay $0x1  }
0x8e: {  	v43 =	vmul.f32 $1.600000000e+01, v15  }
0x8f: {  	v44 =	vmul.f32 $1.600000000e+01, v16  }
0x90: {  	v18 =	vtrunc.f32 v43  }
0x91: {  	v45 =	vmul.f32 $1.600000000e+01, v17;
	v19 =	vtrunc.f32 v44  }
0x92: {  	v18 =	vcvt.f32.s32 v18;
	v19 =	vcvt.f32.s32 v19  }
0x93: {  	v20 =	vtrunc.f32 v45  }
0x94: {  	v20 =	vcvt.f32.s32 v20;
	v18 =	vshll.u32 v18, $0x8;
	v19 =	vshll.u32 v19, $0x4  }
0x95: {  	v18 =	vor.u32 v18, v19  }
0x96: {  	v18 =	vor.u32 v20, v18  }
0x97: {  	v46 =	vadd.s32 $0x1000, v18  }
0x98: {  	v20 =	vadd.s32 $0x2000, v18  }
0x99: {  	v47 =	vadd.s32 $0x3000, v18;
	_ =	sdelay $0x1  }
0x9a: {  	[tilespmem:v18+s2+$0x0] =	vst.idx.add.f32.msk $0xffff, v15  }
0x9b: {  	[tilespmem:v46+s2+$0x0] =	vst.idx.add.f32.msk $0xffff, v16  }
0x9c: {  	[tilespmem:v20+s2+$0x0] =	vst.idx.add.f32.msk $0xffff, v17  }
0x9d: {  	s28 =	sadd.s32 s19, s0;
	[tilespmem:v47+s2+$0x0] =	vst.idx.add.f32.msk $0xffff, v9  }
0x9e: {  	v15 =	vld [tilespmem:s28+$0x0];
	s28 =	sadd.s32 s19, s9  }
0x9f: {  	v16 =	vld [tilespmem:s28+$0x0]  }
0xa0: {  	s28 =	sadd.s32 s19, s13  }
0xa1: {  	v17 =	vld [tilespmem:s28+$0x0];
	_ =	sdelay $0x1  }
0xa2: {  	v48 =	vmul.f32 $1.600000000e+01, v15  }
0xa3: {  	v49 =	vmul.f32 $1.600000000e+01, v16  }
0xa4: {  	v18 =	vtrunc.f32 v48  }
0xa5: {  	v50 =	vmul.f32 $1.600000000e+01, v17;
	v19 =	vtrunc.f32 v49  }
0xa6: {  	v18 =	vcvt.f32.s32 v18;
	v19 =	vcvt.f32.s32 v19  }
0xa7: {  	v20 =	vtrunc.f32 v50  }
0xa8: {  	v20 =	vcvt.f32.s32 v20;
	v18 =	vshll.u32 v18, $0x8;
	v19 =	vshll.u32 v19, $0x4  }
0xa9: {  	v18 =	vor.u32 v18, v19  }
0xaa: {  	v18 =	vor.u32 v20, v18  }
0xab: {  	v51 =	vadd.s32 $0x4000, v18  }
0xac: {  	v20 =	vadd.s32 $0x5000, v18  }
0xad: {  	v52 =	vadd.s32 $0x6000, v18  }
0xae: {  	v18 =	vadd.s32 $0x7000, v18;
	_ =	sdelay $0x1  }
0xaf: {  	[tilespmem:v51+s2+$0x0] =	vst.idx.add.f32.msk $0xffff, v15  }
0xb0: {  	[tilespmem:v20+s2+$0x0] =	vst.idx.add.f32.msk $0xffff, v16  }
0xb1: {  	[tilespmem:v52+s2+$0x0] =	vst.idx.add.f32.msk $0xffff, v17  }
0xb2: {  	s28 =	sadd.s32 s19, s14;
	[tilespmem:v18+s2+$0x0] =	vst.idx.add.f32.msk $0xffff, v9  }
0xb3: {  	v15 =	vld [tilespmem:s28+$0x0];
	s28 =	sadd.s32 s19, s25  }
0xb4: {  	v16 =	vld [tilespmem:s28+$0x0]  }
0xb5: {  	s28 =	sadd.s32 s19, s26  }
0xb6: {  	v17 =	vld [tilespmem:s28+$0x0];
	_ =	sdelay $0x1  }
0xb7: {  	v53 =	vmul.f32 $1.600000000e+01, v15  }
0xb8: {  	v54 =	vmul.f32 $1.600000000e+01, v16  }
0xb9: {  	v18 =	vtrunc.f32 v53  }
0xba: {  	v55 =	vmul.f32 $1.600000000e+01, v17;
	v19 =	vtrunc.f32 v54  }
0xbb: {  	v18 =	vcvt.f32.s32 v18;
	v19 =	vcvt.f32.s32 v19  }
0xbc: {  	v20 =	vtrunc.f32 v55  }
0xbd: {  	v20 =	vcvt.f32.s32 v20;
	v18 =	vshll.u32 v18, $0x8;
	v19 =	vshll.u32 v19, $0x4  }
0xbe: {  	v18 =	vor.u32 v18, v19  }
0xbf: {  	v18 =	vor.u32 v20, v18  }
0xc0: {  	v56 =	vadd.s32 $0x8000, v18  }
0xc1: {  	v20 =	vadd.s32 $0x9000, v18  }
0xc2: {  	v57 =	vadd.s32 $0xA000, v18  }
0xc3: {  	v18 =	vadd.s32 $0xB000, v18;
	_ =	sdelay $0x1  }
0xc4: {  	[tilespmem:v56+s2+$0x0] =	vst.idx.add.f32.msk $0xffff, v15  }
0xc5: {  	[tilespmem:v20+s2+$0x0] =	vst.idx.add.f32.msk $0xffff, v16  }
0xc6: {  	[tilespmem:v57+s2+$0x0] =	vst.idx.add.f32.msk $0xffff, v17  }
0xc7: {  	s28 =	sadd.s32 s19, s16;
	[tilespmem:v18+s2+$0x0] =	vst.idx.add.f32.msk $0xffff, v9  }
0xc8: {  	v15 =	vld [tilespmem:s28+$0x0];
	s28 =	sadd.s32 s19, s29  }
0xc9: {  	s19 =	sadd.s32 s19, s18;
	v16 =	vld [tilespmem:s28+$0x0]  }
0xca: {  	v17 =	vld [tilespmem:s19+$0x0];
	_ =	sdelay $0x3  }
0xcb: {  	v58 =	vmul.f32 $1.600000000e+01, v15;
	v59 =	vmul.f32 $1.600000000e+01, v16  }
0xcc: {  	v60 =	vmul.f32 $1.600000000e+01, v17  }
0xcd: {  	v18 =	vtrunc.f32 v58;
	v19 =	vtrunc.f32 v59  }
0xce: {  	v18 =	vcvt.f32.s32 v18;
	v19 =	vcvt.f32.s32 v19  }
0xcf: {  	v20 =	vtrunc.f32 v60  }
0xd0: {  	v20 =	vcvt.f32.s32 v20;
	v18 =	vshll.u32 v18, $0x8;
	v19 =	vshll.u32 v19, $0x4  }
0xd1: {  	v18 =	vor.u32 v18, v19  }
0xd2: {  	v18 =	vor.u32 v20, v18  }
0xd3: {  	v61 =	vadd.s32 $0xC000, v18  }
0xd4: {  	v20 =	vadd.s32 $0xD000, v18  }
0xd5: {  	v62 =	vadd.s32 $0xE000, v18  }
0xd6: {  	v18 =	vadd.s32 $0xF000, v18;
	_ =	sdelay $0x1  }
0xd7: {  	[tilespmem:v61+s2+$0x0] =	vst.idx.add.f32.msk $0xffff, v15  }
0xd8: {  	[tilespmem:v20+s2+$0x0] =	vst.idx.add.f32.msk $0xffff, v16  }
0xd9: {  	s19 =	sor.u32 $0x20, s15;
	[tilespmem:v62+s2+$0x0] =	vst.idx.add.f32.msk $0xffff, v17  }
0xda: {  	s28 =	sadd.s32 s19, s4;
	[tilespmem:v18+s2+$0x0] =	vst.idx.add.f32.msk $0xffff, v9  }
0xdb: {  	v15 =	vld [tilespmem:s28+$0x0];
	s28 =	sadd.s32 s19, s21  }
0xdc: {  	v16 =	vld [tilespmem:s28+$0x0]  }
0xdd: {  	s28 =	sadd.s32 s19, s3  }
0xde: {  	v17 =	vld [tilespmem:s28+$0x0];
	_ =	sdelay $0x1  }
0xdf: {  	v23 =	vmul.f32 $1.600000000e+01, v15  }
0xe0: {  	v24 =	vmul.f32 $1.600000000e+01, v16  }
0xe1: {  	v18 =	vtrunc.f32 v23  }
0xe2: {  	v25 =	vmul.f32 $1.600000000e+01, v17;
	v19 =	vtrunc.f32 v24  }
0xe3: {  	v18 =	vcvt.f32.s32 v18;
	v19 =	vcvt.f32.s32 v19  }
0xe4: {  	v20 =	vtrunc.f32 v25  }
0xe5: {  	v20 =	vcvt.f32.s32 v20;
	v18 =	vshll.u32 v18, $0x8;
	v19 =	vshll.u32 v19, $0x4  }
0xe6: {  	v18 =	vor.u32 v18, v19  }
0xe7: {  	v18 =	vor.u32 v20, v18  }
0xe8: {  	v26 =	vadd.s32 $0x1000, v18  }
0xe9: {  	v20 =	vadd.s32 $0x2000, v18  }
0xea: {  	v27 =	vadd.s32 $0x3000, v18;
	_ =	sdelay $0x1  }
0xeb: {  	[tilespmem:v18+s2+$0x0] =	vst.idx.add.f32.msk $0xffff, v15  }
0xec: {  	[tilespmem:v26+s2+$0x0] =	vst.idx.add.f32.msk $0xffff, v16  }
0xed: {  	[tilespmem:v20+s2+$0x0] =	vst.idx.add.f32.msk $0xffff, v17  }
0xee: {  	s28 =	sadd.s32 s19, s0;
	[tilespmem:v27+s2+$0x0] =	vst.idx.add.f32.msk $0xffff, v9  }
0xef: {  	v15 =	vld [tilespmem:s28+$0x0];
	s28 =	sadd.s32 s19, s9  }
0xf0: {  	v16 =	vld [tilespmem:s28+$0x0]  }
0xf1: {  	s28 =	sadd.s32 s19, s13  }
0xf2: {  	v17 =	vld [tilespmem:s28+$0x0];
	_ =	sdelay $0x1  }
0xf3: {  	v28 =	vmul.f32 $1.600000000e+01, v15  }
0xf4: {  	v29 =	vmul.f32 $1.600000000e+01, v16  }
0xf5: {  	v18 =	vtrunc.f32 v28  }
0xf6: {  	v30 =	vmul.f32 $1.600000000e+01, v17;
	v19 =	vtrunc.f32 v29  }
0xf7: {  	v18 =	vcvt.f32.s32 v18;
	v19 =	vcvt.f32.s32 v19  }
0xf8: {  	v20 =	vtrunc.f32 v30  }
0xf9: {  	v20 =	vcvt.f32.s32 v20;
	v18 =	vshll.u32 v18, $0x8;
	v19 =	vshll.u32 v19, $0x4  }
0xfa: {  	v18 =	vor.u32 v18, v19  }
0xfb: {  	v18 =	vor.u32 v20, v18  }
0xfc: {  	v31 =	vadd.s32 $0x4000, v18  }
0xfd: {  	v20 =	vadd.s32 $0x5000, v18  }
0xfe: {  	v32 =	vadd.s32 $0x6000, v18  }
0xff: {  	v18 =	vadd.s32 $0x7000, v18;
	_ =	sdelay $0x1  }
0x100: {  	[tilespmem:v31+s2+$0x0] =	vst.idx.add.f32.msk $0xffff, v15  }
0x101: {  	[tilespmem:v20+s2+$0x0] =	vst.idx.add.f32.msk $0xffff, v16  }
0x102: {  	[tilespmem:v32+s2+$0x0] =	vst.idx.add.f32.msk $0xffff, v17  }
0x103: {  	s28 =	sadd.s32 s19, s14;
	[tilespmem:v18+s2+$0x0] =	vst.idx.add.f32.msk $0xffff, v9  }
0x104: {  	v15 =	vld [tilespmem:s28+$0x0];
	s28 =	sadd.s32 s19, s25  }
0x105: {  	v16 =	vld [tilespmem:s28+$0x0]  }
0x106: {  	s28 =	sadd.s32 s19, s26  }
0x107: {  	v17 =	vld [tilespmem:s28+$0x0];
	_ =	sdelay $0x1  }
0x108: {  	v33 =	vmul.f32 $1.600000000e+01, v15  }
0x109: {  	v34 =	vmul.f32 $1.600000000e+01, v16  }
0x10a: {  	v18 =	vtrunc.f32 v33  }
0x10b: {  	v35 =	vmul.f32 $1.600000000e+01, v17;
	v19 =	vtrunc.f32 v34  }
0x10c: {  	v18 =	vcvt.f32.s32 v18;
	v19 =	vcvt.f32.s32 v19  }
0x10d: {  	v20 =	vtrunc.f32 v35  }
0x10e: {  	v20 =	vcvt.f32.s32 v20;
	v18 =	vshll.u32 v18, $0x8;
	v19 =	vshll.u32 v19, $0x4  }
0x10f: {  	v18 =	vor.u32 v18, v19  }
0x110: {  	v18 =	vor.u32 v20, v18  }
0x111: {  	v36 =	vadd.s32 $0x8000, v18  }
0x112: {  	v20 =	vadd.s32 $0x9000, v18  }
0x113: {  	v37 =	vadd.s32 $0xA000, v18  }
0x114: {  	v18 =	vadd.s32 $0xB000, v18;
	_ =	sdelay $0x1  }
0x115: {  	[tilespmem:v36+s2+$0x0] =	vst.idx.add.f32.msk $0xffff, v15  }
0x116: {  	[tilespmem:v20+s2+$0x0] =	vst.idx.add.f32.msk $0xffff, v16  }
0x117: {  	[tilespmem:v37+s2+$0x0] =	vst.idx.add.f32.msk $0xffff, v17  }
0x118: {  	s28 =	sadd.s32 s19, s16;
	[tilespmem:v18+s2+$0x0] =	vst.idx.add.f32.msk $0xffff, v9  }
0x119: {  	v15 =	vld [tilespmem:s28+$0x0];
	s28 =	sadd.s32 s19, s29  }
0x11a: {  	s19 =	sadd.s32 s19, s18;
	v16 =	vld [tilespmem:s28+$0x0]  }
0x11b: {  	v17 =	vld [tilespmem:s19+$0x0];
	_ =	sdelay $0x3  }
0x11c: {  	v38 =	vmul.f32 $1.600000000e+01, v15;
	v39 =	vmul.f32 $1.600000000e+01, v16  }
0x11d: {  	v40 =	vmul.f32 $1.600000000e+01, v17  }
0x11e: {  	v18 =	vtrunc.f32 v38;
	v19 =	vtrunc.f32 v39  }
0x11f: {  	v18 =	vcvt.f32.s32 v18;
	v19 =	vcvt.f32.s32 v19  }
0x120: {  	v20 =	vtrunc.f32 v40  }
0x121: {  	v20 =	vcvt.f32.s32 v20;
	v18 =	vshll.u32 v18, $0x8;
	v19 =	vshll.u32 v19, $0x4  }
0x122: {  	v18 =	vor.u32 v18, v19  }
0x123: {  	v18 =	vor.u32 v20, v18  }
0x124: {  	v41 =	vadd.s32 $0xC000, v18  }
0x125: {  	v20 =	vadd.s32 $0xD000, v18  }
0x126: {  	v42 =	vadd.s32 $0xE000, v18  }
0x127: {  	v18 =	vadd.s32 $0xF000, v18;
	_ =	sdelay $0x1  }
0x128: {  	[tilespmem:v41+s2+$0x0] =	vst.idx.add.f32.msk $0xffff, v15  }
0x129: {  	[tilespmem:v20+s2+$0x0] =	vst.idx.add.f32.msk $0xffff, v16  }
0x12a: {  	s15 =	sor.u32 $0x30, s15;
	[tilespmem:v42+s2+$0x0] =	vst.idx.add.f32.msk $0xffff, v17  }
0x12b: {  	s4 =	sadd.s32 s15, s4;
	[tilespmem:v18+s2+$0x0] =	vst.idx.add.f32.msk $0xffff, v9  }
0x12c: {  	s28 =	sadd.s32 s15, s21;
	v15 =	vld [tilespmem:s4+$0x0]  }
0x12d: {  	s3 =	sadd.s32 s15, s3;
	v16 =	vld [tilespmem:s28+$0x0]  }
0x12e: {  	v17 =	vld [tilespmem:s3+$0x0];
	_ =	sdelay $0x3  }
0x12f: {  	v43 =	vmul.f32 $1.600000000e+01, v15;
	v44 =	vmul.f32 $1.600000000e+01, v16  }
0x130: {  	v45 =	vmul.f32 $1.600000000e+01, v17  }
0x131: {  	v18 =	vtrunc.f32 v43;
	v19 =	vtrunc.f32 v44  }
0x132: {  	v18 =	vcvt.f32.s32 v18;
	v19 =	vcvt.f32.s32 v19  }
0x133: {  	v20 =	vtrunc.f32 v45  }
0x134: {  	v20 =	vcvt.f32.s32 v20;
	v18 =	vshll.u32 v18, $0x8;
	v19 =	vshll.u32 v19, $0x4  }
0x135: {  	v18 =	vor.u32 v18, v19  }
0x136: {  	v18 =	vor.u32 v20, v18  }
0x137: {  	v46 =	vadd.s32 $0x1000, v18  }
0x138: {  	v20 =	vadd.s32 $0x2000, v18  }
0x139: {  	v47 =	vadd.s32 $0x3000, v18;
	_ =	sdelay $0x1  }
0x13a: {  	[tilespmem:v18+s2+$0x0] =	vst.idx.add.f32.msk $0xffff, v15  }
0x13b: {  	[tilespmem:v46+s2+$0x0] =	vst.idx.add.f32.msk $0xffff, v16  }
0x13c: {  	[tilespmem:v20+s2+$0x0] =	vst.idx.add.f32.msk $0xffff, v17  }
0x13d: {  	s0 =	sadd.s32 s15, s0;
	[tilespmem:v47+s2+$0x0] =	vst.idx.add.f32.msk $0xffff, v9  }
0x13e: {  	s9 =	sadd.s32 s15, s9;
	v15 =	vld [tilespmem:s0+$0x0]  }
0x13f: {  	s13 =	sadd.s32 s15, s13;
	v16 =	vld [tilespmem:s9+$0x0]  }
0x140: {  	v17 =	vld [tilespmem:s13+$0x0];
	_ =	sdelay $0x3  }
0x141: {  	v48 =	vmul.f32 $1.600000000e+01, v15;
	v49 =	vmul.f32 $1.600000000e+01, v16  }
0x142: {  	v50 =	vmul.f32 $1.600000000e+01, v17  }
0x143: {  	v18 =	vtrunc.f32 v48;
	v19 =	vtrunc.f32 v49  }
0x144: {  	v18 =	vcvt.f32.s32 v18;
	v19 =	vcvt.f32.s32 v19  }
0x145: {  	v20 =	vtrunc.f32 v50  }
0x146: {  	v20 =	vcvt.f32.s32 v20;
	v18 =	vshll.u32 v18, $0x8;
	v19 =	vshll.u32 v19, $0x4  }
0x147: {  	v18 =	vor.u32 v18, v19  }
0x148: {  	v18 =	vor.u32 v20, v18  }
0x149: {  	v51 =	vadd.s32 $0x4000, v18  }
0x14a: {  	v20 =	vadd.s32 $0x5000, v18  }
0x14b: {  	v52 =	vadd.s32 $0x6000, v18  }
0x14c: {  	v18 =	vadd.s32 $0x7000, v18;
	_ =	sdelay $0x1  }
0x14d: {  	[tilespmem:v51+s2+$0x0] =	vst.idx.add.f32.msk $0xffff, v15  }
0x14e: {  	[tilespmem:v20+s2+$0x0] =	vst.idx.add.f32.msk $0xffff, v16  }
0x14f: {  	[tilespmem:v52+s2+$0x0] =	vst.idx.add.f32.msk $0xffff, v17  }
0x150: {  	s19 =	sadd.s32 s15, s14;
	[tilespmem:v18+s2+$0x0] =	vst.idx.add.f32.msk $0xffff, v9  }
0x151: {  	s21 =	sadd.s32 s15, s25;
	v15 =	vld [tilespmem:s19+$0x0]  }
0x152: {  	s25 =	sadd.s32 s15, s26;
	v16 =	vld [tilespmem:s21+$0x0]  }
0x153: {  	v17 =	vld [tilespmem:s25+$0x0];
	_ =	sdelay $0x3  }
0x154: {  	v53 =	vmul.f32 $1.600000000e+01, v15;
	v54 =	vmul.f32 $1.600000000e+01, v16  }
0x155: {  	v55 =	vmul.f32 $1.600000000e+01, v17  }
0x156: {  	v18 =	vtrunc.f32 v53;
	v19 =	vtrunc.f32 v54  }
0x157: {  	v18 =	vcvt.f32.s32 v18;
	v19 =	vcvt.f32.s32 v19  }
0x158: {  	v20 =	vtrunc.f32 v55  }
0x159: {  	v20 =	vcvt.f32.s32 v20;
	v18 =	vshll.u32 v18, $0x8;
	v19 =	vshll.u32 v19, $0x4  }
0x15a: {  	v18 =	vor.u32 v18, v19  }
0x15b: {  	v18 =	vor.u32 v20, v18  }
0x15c: {  	v56 =	vadd.s32 $0x8000, v18  }
0x15d: {  	v20 =	vadd.s32 $0x9000, v18  }
0x15e: {  	v57 =	vadd.s32 $0xA000, v18  }
0x15f: {  	v18 =	vadd.s32 $0xB000, v18;
	_ =	sdelay $0x1  }
0x160: {  	[tilespmem:v56+s2+$0x0] =	vst.idx.add.f32.msk $0xffff, v15  }
0x161: {  	[tilespmem:v20+s2+$0x0] =	vst.idx.add.f32.msk $0xffff, v16  }
0x162: {  	[tilespmem:v57+s2+$0x0] =	vst.idx.add.f32.msk $0xffff, v17  }
0x163: {  	s26 =	sadd.s32 s15, s16;
	[tilespmem:v18+s2+$0x0] =	vst.idx.add.f32.msk $0xffff, v9  }
0x164: {  	s28 =	sadd.s32 s15, s29;
	v15 =	vld [tilespmem:s26+$0x0]  }
0x165: {  	s29 =	sadd.s32 s15, s18;
	v16 =	vld [tilespmem:s28+$0x0]  }
0x166: {  	v17 =	vld [tilespmem:s29+$0x0];
	_ =	sdelay $0x3  }
0x167: {  	v58 =	vmul.f32 $1.600000000e+01, v15;
	v59 =	vmul.f32 $1.600000000e+01, v16  }
0x168: {  	v60 =	vmul.f32 $1.600000000e+01, v17  }
0x169: {  	v18 =	vtrunc.f32 v58;
	v19 =	vtrunc.f32 v59  }
0x16a: {  	v18 =	vcvt.f32.s32 v18;
	v19 =	vcvt.f32.s32 v19  }
0x16b: {  	v20 =	vtrunc.f32 v60  }
0x16c: {  	v20 =	vcvt.f32.s32 v20;
	v18 =	vshll.u32 v18, $0x8;
	v19 =	vshll.u32 v19, $0x4  }
0x16d: {  	v18 =	vor.u32 v18, v19  }
0x16e: {  	v18 =	vor.u32 v20, v18  }
0x16f: {  	v61 =	vadd.s32 $0xC000, v18  }
0x170: {  	v20 =	vadd.s32 $0xD000, v18  }
0x171: {  	v62 =	vadd.s32 $0xE000, v18  }
0x172: {  	p3 =	sne.s32 s22, $0x1C0;
	v18 =	vadd.s32 $0xF000, v18  }
.Ltmp3:
0x173: {  	_ = 	snop;
	(pc) =	sbr.rel @p3 .LBB2_5-.Ltmp3, $4  }
0x174: {  	[tilespmem:v61+s2+$0x0] =	vst.idx.add.f32.msk $0xffff, v15  }
0x175: {  	[tilespmem:v20+s2+$0x0] =	vst.idx.add.f32.msk $0xffff, v16  }
0x176: {  	[tilespmem:v62+s2+$0x0] =	vst.idx.add.f32.msk $0xffff, v17  }
0x177: {  	s8 =	sadd.s32 $0x200, s8;
	s22 =	sadd.s32 $0x40, s22;
	[tilespmem:v18+s2+$0x0] =	vst.idx.add.f32.msk $0xffff, v9  }
0x178: {  	_ =	swait.ge [sflag:s5], $0x3000  }
0x179: {  	s0 =	rddreg [dreg:$0x9];
	[sflag:s5] =	ssyncset.done $0x0  }
0x17a: {  	s0 =	sadd.s32 s6, s0;
	[sflag:s5] =	ssyncadd.s32 $0xFFFFD000  }
0x17b: {  	s8 =	simm.s32 $0x0;
	s0 =	sshrl.u32 s0, $0x3;
	s3 =	rddreg [dreg:$0x0]  }
0x17c: {  	s29 =	simm.s32 $0x1000;
	s22 =	simm.s32 $0x0;
	s0 =	sadd.s32 s3, s0  }
0x17d: {  	[tilespmem:s8], [sflag:$0x1] =	stream.strided.gather [hbm4b:s0+s29], $0x3000, s1, s29, $0x38;
	v63 =	vld [tilespmem:$0x0]  }
.LBB2_7:
0x17e: {  	s0 =	sand.u32 $0xC00, s8  }
0x17f: {  	s18 =	sor.u32 $0x3000, s0  }
0x180: {  	s15 =	sand.u32 $0x40, s22;
	s29 =	sor.u32 $0x4000, s0;
	s4 =	sor.u32 s7, s18  }
0x181: {  	s19 =	sor.u32 $0x5000, s0;
	s21 =	sor.u32 s7, s29;
	s3 =	sadd.s32 s15, s4  }
0x182: {  	s0 =	sor.u32 s7, s19;
	s14 =	sadd.s32 s15, s21;
	v15 =	vld [tilespmem:s3+$0x0]  }
0x183: {  	s16 =	sadd.s32 s15, s0;
	v16 =	vld [tilespmem:s14+$0x0]  }
0x184: {  	v17 =	vld [tilespmem:s16+$0x0];
	_ =	sdelay $0x3  }
0x185: {  	v18 =	vmul.f32 $1.600000000e+01, v15;
	v19 =	vmul.f32 $1.600000000e+01, v16  }
0x186: {  	v20 =	vmul.f32 $1.600000000e+01, v17  }
0x187: {  	v18 =	vtrunc.f32 v18;
	v19 =	vtrunc.f32 v19  }
0x188: {  	v18 =	vcvt.f32.s32 v18;
	v19 =	vcvt.f32.s32 v19  }
0x189: {  	v20 =	vtrunc.f32 v20  }
0x18a: {  	v20 =	vcvt.f32.s32 v20;
	v18 =	vshll.u32 v18, $0x8;
	v19 =	vshll.u32 v19, $0x4  }
0x18b: {  	v18 =	vor.u32 v18, v19  }
0x18c: {  	v18 =	vor.u32 v20, v18  }
0x18d: {  	v27 =	vadd.s32 $0x1000, v18  }
0x18e: {  	v20 =	vadd.s32 $0x2000, v18  }
0x18f: {  	v21 =	vadd.s32 $0x3000, v18;
	_ =	sdelay $0x1  }
0x190: {  	[tilespmem:v18+s2+$0x0] =	vst.idx.add.f32.msk $0xffff, v15  }
0x191: {  	[tilespmem:v27+s2+$0x0] =	vst.idx.add.f32.msk $0xffff, v16  }
0x192: {  	s3 =	sor.u32 s10, s18;
	[tilespmem:v20+s2+$0x0] =	vst.idx.add.f32.msk $0xffff, v17  }
0x193: {  	s9 =	sor.u32 s10, s29;
	s13 =	sadd.s32 s15, s3;
	[tilespmem:v21+s2+$0x0] =	vst.idx.add.f32.msk $0xffff, v9  }
0x194: {  	s25 =	sadd.s32 s15, s9;
	v15 =	vld [tilespmem:s13+$0x0]  }
0x195: {  	v16 =	vld [tilespmem:s25+$0x0];
	s13 =	sor.u32 s10, s19  }
0x196: {  	s14 =	sadd.s32 s15, s13  }
0x197: {  	v17 =	vld [tilespmem:s14+$0x0];
	_ =	sdelay $0x1  }
0x198: {  	v28 =	vmul.f32 $1.600000000e+01, v15  }
0x199: {  	v29 =	vmul.f32 $1.600000000e+01, v16  }
0x19a: {  	v18 =	vtrunc.f32 v28  }
0x19b: {  	v19 =	vtrunc.f32 v29;
	v30 =	vmul.f32 $1.600000000e+01, v17  }
0x19c: {  	v18 =	vcvt.f32.s32 v18;
	v19 =	vcvt.f32.s32 v19  }
0x19d: {  	v20 =	vtrunc.f32 v30  }
0x19e: {  	v20 =	vcvt.f32.s32 v20;
	v18 =	vshll.u32 v18, $0x8;
	v19 =	vshll.u32 v19, $0x4  }
0x19f: {  	v18 =	vor.u32 v18, v19  }
0x1a0: {  	v18 =	vor.u32 v20, v18  }
0x1a1: {  	v31 =	vadd.s32 $0x4000, v18  }
0x1a2: {  	v20 =	vadd.s32 $0x5000, v18  }
0x1a3: {  	v32 =	vadd.s32 $0x6000, v18  }
0x1a4: {  	v18 =	vadd.s32 $0x7000, v18;
	_ =	sdelay $0x1  }
0x1a5: {  	[tilespmem:v31+s2+$0x0] =	vst.idx.add.f32.msk $0xffff, v15  }
0x1a6: {  	[tilespmem:v20+s2+$0x0] =	vst.idx.add.f32.msk $0xffff, v16  }
0x1a7: {  	s14 =	sor.u32 s11, s18;
	[tilespmem:v32+s2+$0x0] =	vst.idx.add.f32.msk $0xffff, v17  }
0x1a8: {  	s25 =	sor.u32 s11, s29;
	s16 =	sadd.s32 s15, s14;
	[tilespmem:v18+s2+$0x0] =	vst.idx.add.f32.msk $0xffff, v9  }
0x1a9: {  	s26 =	sadd.s32 s15, s25;
	v15 =	vld [tilespmem:s16+$0x0]  }
0x1aa: {  	v16 =	vld [tilespmem:s26+$0x0];
	s16 =	sor.u32 s11, s19  }
0x1ab: {  	s26 =	sadd.s32 s15, s16  }
0x1ac: {  	v17 =	vld [tilespmem:s26+$0x0];
	_ =	sdelay $0x1  }
0x1ad: {  	v33 =	vmul.f32 $1.600000000e+01, v15  }
0x1ae: {  	v34 =	vmul.f32 $1.600000000e+01, v16  }
0x1af: {  	v18 =	vtrunc.f32 v33  }
0x1b0: {  	v19 =	vtrunc.f32 v34;
	v35 =	vmul.f32 $1.600000000e+01, v17  }
0x1b1: {  	v18 =	vcvt.f32.s32 v18;
	v19 =	vcvt.f32.s32 v19  }
0x1b2: {  	v20 =	vtrunc.f32 v35  }
0x1b3: {  	v20 =	vcvt.f32.s32 v20;
	v18 =	vshll.u32 v18, $0x8;
	v19 =	vshll.u32 v19, $0x4  }
0x1b4: {  	v18 =	vor.u32 v18, v19  }
0x1b5: {  	v18 =	vor.u32 v20, v18  }
0x1b6: {  	v36 =	vadd.s32 $0x8000, v18  }
0x1b7: {  	v20 =	vadd.s32 $0x9000, v18  }
0x1b8: {  	v37 =	vadd.s32 $0xA000, v18  }
0x1b9: {  	v18 =	vadd.s32 $0xB000, v18;
	_ =	sdelay $0x1  }
0x1ba: {  	[tilespmem:v36+s2+$0x0] =	vst.idx.add.f32.msk $0xffff, v15  }
0x1bb: {  	[tilespmem:v20+s2+$0x0] =	vst.idx.add.f32.msk $0xffff, v16  }
0x1bc: {  	s26 =	sor.u32 s12, s18;
	[tilespmem:v37+s2+$0x0] =	vst.idx.add.f32.msk $0xffff, v17  }
0x1bd: {  	s29 =	sor.u32 s12, s29;
	s18 =	sadd.s32 s15, s26;
	[tilespmem:v18+s2+$0x0] =	vst.idx.add.f32.msk $0xffff, v9  }
0x1be: {  	s28 =	sadd.s32 s15, s29;
	v15 =	vld [tilespmem:s18+$0x0]  }
0x1bf: {  	v16 =	vld [tilespmem:s28+$0x0];
	s18 =	sor.u32 s12, s19  }
0x1c0: {  	s19 =	sadd.s32 s15, s18  }
0x1c1: {  	v17 =	vld [tilespmem:s19+$0x0];
	_ =	sdelay $0x1  }
0x1c2: {  	v38 =	vmul.f32 $1.600000000e+01, v15  }
0x1c3: {  	v39 =	vmul.f32 $1.600000000e+01, v16  }
0x1c4: {  	v18 =	vtrunc.f32 v38  }
0x1c5: {  	v19 =	vtrunc.f32 v39;
	v40 =	vmul.f32 $1.600000000e+01, v17  }
0x1c6: {  	v18 =	vcvt.f32.s32 v18;
	v19 =	vcvt.f32.s32 v19  }
0x1c7: {  	v20 =	vtrunc.f32 v40  }
0x1c8: {  	v20 =	vcvt.f32.s32 v20;
	v18 =	vshll.u32 v18, $0x8;
	v19 =	vshll.u32 v19, $0x4  }
0x1c9: {  	v18 =	vor.u32 v18, v19  }
0x1ca: {  	v18 =	vor.u32 v20, v18  }
0x1cb: {  	v41 =	vadd.s32 $0xC000, v18  }
0x1cc: {  	v20 =	vadd.s32 $0xD000, v18  }
0x1cd: {  	v42 =	vadd.s32 $0xE000, v18  }
0x1ce: {  	v18 =	vadd.s32 $0xF000, v18;
	_ =	sdelay $0x1  }
0x1cf: {  	[tilespmem:v41+s2+$0x0] =	vst.idx.add.f32.msk $0xffff, v15  }
0x1d0: {  	[tilespmem:v20+s2+$0x0] =	vst.idx.add.f32.msk $0xffff, v16  }
0x1d1: {  	s19 =	sor.u32 $0x10, s15;
	[tilespmem:v42+s2+$0x0] =	vst.idx.add.f32.msk $0xffff, v17  }
0x1d2: {  	s28 =	sadd.s32 s19, s4;
	[tilespmem:v18+s2+$0x0] =	vst.idx.add.f32.msk $0xffff, v9  }
0x1d3: {  	v15 =	vld [tilespmem:s28+$0x0];
	s28 =	sadd.s32 s19, s21  }
0x1d4: {  	v16 =	vld [tilespmem:s28+$0x0]  }
0x1d5: {  	s28 =	sadd.s32 s19, s0  }
0x1d6: {  	v17 =	vld [tilespmem:s28+$0x0];
	_ =	sdelay $0x1  }
0x1d7: {  	v43 =	vmul.f32 $1.600000000e+01, v15  }
0x1d8: {  	v44 =	vmul.f32 $1.600000000e+01, v16  }
0x1d9: {  	v18 =	vtrunc.f32 v43  }
0x1da: {  	v45 =	vmul.f32 $1.600000000e+01, v17;
	v19 =	vtrunc.f32 v44  }
0x1db: {  	v18 =	vcvt.f32.s32 v18;
	v19 =	vcvt.f32.s32 v19  }
0x1dc: {  	v20 =	vtrunc.f32 v45  }
0x1dd: {  	v20 =	vcvt.f32.s32 v20;
	v18 =	vshll.u32 v18, $0x8;
	v19 =	vshll.u32 v19, $0x4  }
0x1de: {  	v18 =	vor.u32 v18, v19  }
0x1df: {  	v18 =	vor.u32 v20, v18  }
0x1e0: {  	v46 =	vadd.s32 $0x1000, v18  }
0x1e1: {  	v20 =	vadd.s32 $0x2000, v18  }
0x1e2: {  	v47 =	vadd.s32 $0x3000, v18;
	_ =	sdelay $0x1  }
0x1e3: {  	[tilespmem:v18+s2+$0x0] =	vst.idx.add.f32.msk $0xffff, v15  }
0x1e4: {  	[tilespmem:v46+s2+$0x0] =	vst.idx.add.f32.msk $0xffff, v16  }
0x1e5: {  	[tilespmem:v20+s2+$0x0] =	vst.idx.add.f32.msk $0xffff, v17  }
0x1e6: {  	s28 =	sadd.s32 s19, s3;
	[tilespmem:v47+s2+$0x0] =	vst.idx.add.f32.msk $0xffff, v9  }
0x1e7: {  	v15 =	vld [tilespmem:s28+$0x0];
	s28 =	sadd.s32 s19, s9  }
0x1e8: {  	v16 =	vld [tilespmem:s28+$0x0]  }
0x1e9: {  	s28 =	sadd.s32 s19, s13  }
0x1ea: {  	v17 =	vld [tilespmem:s28+$0x0];
	_ =	sdelay $0x1  }
0x1eb: {  	v48 =	vmul.f32 $1.600000000e+01, v15  }
0x1ec: {  	v49 =	vmul.f32 $1.600000000e+01, v16  }
0x1ed: {  	v18 =	vtrunc.f32 v48  }
0x1ee: {  	v50 =	vmul.f32 $1.600000000e+01, v17;
	v19 =	vtrunc.f32 v49  }
0x1ef: {  	v18 =	vcvt.f32.s32 v18;
	v19 =	vcvt.f32.s32 v19  }
0x1f0: {  	v20 =	vtrunc.f32 v50  }
0x1f1: {  	v20 =	vcvt.f32.s32 v20;
	v18 =	vshll.u32 v18, $0x8;
	v19 =	vshll.u32 v19, $0x4  }
0x1f2: {  	v18 =	vor.u32 v18, v19  }
0x1f3: {  	v18 =	vor.u32 v20, v18  }
0x1f4: {  	v51 =	vadd.s32 $0x4000, v18  }
0x1f5: {  	v20 =	vadd.s32 $0x5000, v18  }
0x1f6: {  	v52 =	vadd.s32 $0x6000, v18  }
0x1f7: {  	v18 =	vadd.s32 $0x7000, v18;
	_ =	sdelay $0x1  }
0x1f8: {  	[tilespmem:v51+s2+$0x0] =	vst.idx.add.f32.msk $0xffff, v15  }
0x1f9: {  	[tilespmem:v20+s2+$0x0] =	vst.idx.add.f32.msk $0xffff, v16  }
0x1fa: {  	[tilespmem:v52+s2+$0x0] =	vst.idx.add.f32.msk $0xffff, v17  }
0x1fb: {  	s28 =	sadd.s32 s19, s14;
	[tilespmem:v18+s2+$0x0] =	vst.idx.add.f32.msk $0xffff, v9  }
0x1fc: {  	v15 =	vld [tilespmem:s28+$0x0];
	s28 =	sadd.s32 s19, s25  }
0x1fd: {  	v16 =	vld [tilespmem:s28+$0x0]  }
0x1fe: {  	s28 =	sadd.s32 s19, s16  }
0x1ff: {  	v17 =	vld [tilespmem:s28+$0x0];
	_ =	sdelay $0x1  }
0x200: {  	v53 =	vmul.f32 $1.600000000e+01, v15  }
0x201: {  	v54 =	vmul.f32 $1.600000000e+01, v16  }
0x202: {  	v18 =	vtrunc.f32 v53  }
0x203: {  	v55 =	vmul.f32 $1.600000000e+01, v17;
	v19 =	vtrunc.f32 v54  }
0x204: {  	v18 =	vcvt.f32.s32 v18;
	v19 =	vcvt.f32.s32 v19  }
0x205: {  	v20 =	vtrunc.f32 v55  }
0x206: {  	v20 =	vcvt.f32.s32 v20;
	v18 =	vshll.u32 v18, $0x8;
	v19 =	vshll.u32 v19, $0x4  }
0x207: {  	v18 =	vor.u32 v18, v19  }
0x208: {  	v18 =	vor.u32 v20, v18  }
0x209: {  	v56 =	vadd.s32 $0x8000, v18  }
0x20a: {  	v20 =	vadd.s32 $0x9000, v18  }
0x20b: {  	v57 =	vadd.s32 $0xA000, v18  }
0x20c: {  	v18 =	vadd.s32 $0xB000, v18;
	_ =	sdelay $0x1  }
0x20d: {  	[tilespmem:v56+s2+$0x0] =	vst.idx.add.f32.msk $0xffff, v15  }
0x20e: {  	[tilespmem:v20+s2+$0x0] =	vst.idx.add.f32.msk $0xffff, v16  }
0x20f: {  	[tilespmem:v57+s2+$0x0] =	vst.idx.add.f32.msk $0xffff, v17  }
0x210: {  	s28 =	sadd.s32 s19, s26;
	[tilespmem:v18+s2+$0x0] =	vst.idx.add.f32.msk $0xffff, v9  }
0x211: {  	v15 =	vld [tilespmem:s28+$0x0];
	s28 =	sadd.s32 s19, s29  }
0x212: {  	s19 =	sadd.s32 s19, s18;
	v16 =	vld [tilespmem:s28+$0x0]  }
0x213: {  	v17 =	vld [tilespmem:s19+$0x0];
	_ =	sdelay $0x3  }
0x214: {  	v58 =	vmul.f32 $1.600000000e+01, v15;
	v59 =	vmul.f32 $1.600000000e+01, v16  }
0x215: {  	v60 =	vmul.f32 $1.600000000e+01, v17  }
0x216: {  	v18 =	vtrunc.f32 v58;
	v19 =	vtrunc.f32 v59  }
0x217: {  	v18 =	vcvt.f32.s32 v18;
	v19 =	vcvt.f32.s32 v19  }
0x218: {  	v20 =	vtrunc.f32 v60  }
0x219: {  	v20 =	vcvt.f32.s32 v20;
	v18 =	vshll.u32 v18, $0x8;
	v19 =	vshll.u32 v19, $0x4  }
0x21a: {  	v18 =	vor.u32 v18, v19  }
0x21b: {  	v18 =	vor.u32 v20, v18  }
0x21c: {  	v61 =	vadd.s32 $0xC000, v18  }
0x21d: {  	v20 =	vadd.s32 $0xD000, v18  }
0x21e: {  	v62 =	vadd.s32 $0xE000, v18  }
0x21f: {  	v18 =	vadd.s32 $0xF000, v18;
	_ =	sdelay $0x1  }
0x220: {  	[tilespmem:v61+s2+$0x0] =	vst.idx.add.f32.msk $0xffff, v15  }
0x221: {  	[tilespmem:v20+s2+$0x0] =	vst.idx.add.f32.msk $0xffff, v16  }
0x222: {  	s19 =	sor.u32 $0x20, s15;
	[tilespmem:v62+s2+$0x0] =	vst.idx.add.f32.msk $0xffff, v17  }
0x223: {  	s28 =	sadd.s32 s19, s4;
	[tilespmem:v18+s2+$0x0] =	vst.idx.add.f32.msk $0xffff, v9  }
0x224: {  	v15 =	vld [tilespmem:s28+$0x0];
	s28 =	sadd.s32 s19, s21  }
0x225: {  	v16 =	vld [tilespmem:s28+$0x0]  }
0x226: {  	s28 =	sadd.s32 s19, s0  }
0x227: {  	v17 =	vld [tilespmem:s28+$0x0];
	_ =	sdelay $0x1  }
0x228: {  	v23 =	vmul.f32 $1.600000000e+01, v15  }
0x229: {  	v24 =	vmul.f32 $1.600000000e+01, v16  }
0x22a: {  	v18 =	vtrunc.f32 v23  }
0x22b: {  	v25 =	vmul.f32 $1.600000000e+01, v17;
	v19 =	vtrunc.f32 v24  }
0x22c: {  	v18 =	vcvt.f32.s32 v18;
	v19 =	vcvt.f32.s32 v19  }
0x22d: {  	v20 =	vtrunc.f32 v25  }
0x22e: {  	v20 =	vcvt.f32.s32 v20;
	v18 =	vshll.u32 v18, $0x8;
	v19 =	vshll.u32 v19, $0x4  }
0x22f: {  	v18 =	vor.u32 v18, v19  }
0x230: {  	v18 =	vor.u32 v20, v18  }
0x231: {  	v26 =	vadd.s32 $0x1000, v18  }
0x232: {  	v20 =	vadd.s32 $0x2000, v18  }
0x233: {  	v27 =	vadd.s32 $0x3000, v18;
	_ =	sdelay $0x1  }
0x234: {  	[tilespmem:v18+s2+$0x0] =	vst.idx.add.f32.msk $0xffff, v15  }
0x235: {  	[tilespmem:v26+s2+$0x0] =	vst.idx.add.f32.msk $0xffff, v16  }
0x236: {  	[tilespmem:v20+s2+$0x0] =	vst.idx.add.f32.msk $0xffff, v17  }
0x237: {  	s28 =	sadd.s32 s19, s3;
	[tilespmem:v27+s2+$0x0] =	vst.idx.add.f32.msk $0xffff, v9  }
0x238: {  	v15 =	vld [tilespmem:s28+$0x0];
	s28 =	sadd.s32 s19, s9  }
0x239: {  	v16 =	vld [tilespmem:s28+$0x0]  }
0x23a: {  	s28 =	sadd.s32 s19, s13  }
0x23b: {  	v17 =	vld [tilespmem:s28+$0x0];
	_ =	sdelay $0x1  }
0x23c: {  	v28 =	vmul.f32 $1.600000000e+01, v15  }
0x23d: {  	v29 =	vmul.f32 $1.600000000e+01, v16  }
0x23e: {  	v18 =	vtrunc.f32 v28  }
0x23f: {  	v30 =	vmul.f32 $1.600000000e+01, v17;
	v19 =	vtrunc.f32 v29  }
0x240: {  	v18 =	vcvt.f32.s32 v18;
	v19 =	vcvt.f32.s32 v19  }
0x241: {  	v20 =	vtrunc.f32 v30  }
0x242: {  	v20 =	vcvt.f32.s32 v20;
	v18 =	vshll.u32 v18, $0x8;
	v19 =	vshll.u32 v19, $0x4  }
0x243: {  	v18 =	vor.u32 v18, v19  }
0x244: {  	v18 =	vor.u32 v20, v18  }
0x245: {  	v31 =	vadd.s32 $0x4000, v18  }
0x246: {  	v20 =	vadd.s32 $0x5000, v18  }
0x247: {  	v32 =	vadd.s32 $0x6000, v18  }
0x248: {  	v18 =	vadd.s32 $0x7000, v18;
	_ =	sdelay $0x1  }
0x249: {  	[tilespmem:v31+s2+$0x0] =	vst.idx.add.f32.msk $0xffff, v15  }
0x24a: {  	[tilespmem:v20+s2+$0x0] =	vst.idx.add.f32.msk $0xffff, v16  }
0x24b: {  	[tilespmem:v32+s2+$0x0] =	vst.idx.add.f32.msk $0xffff, v17  }
0x24c: {  	s28 =	sadd.s32 s19, s14;
	[tilespmem:v18+s2+$0x0] =	vst.idx.add.f32.msk $0xffff, v9  }
0x24d: {  	v15 =	vld [tilespmem:s28+$0x0];
	s28 =	sadd.s32 s19, s25  }
0x24e: {  	v16 =	vld [tilespmem:s28+$0x0]  }
0x24f: {  	s28 =	sadd.s32 s19, s16  }
0x250: {  	v17 =	vld [tilespmem:s28+$0x0];
	_ =	sdelay $0x1  }
0x251: {  	v33 =	vmul.f32 $1.600000000e+01, v15  }
0x252: {  	v34 =	vmul.f32 $1.600000000e+01, v16  }
0x253: {  	v18 =	vtrunc.f32 v33  }
0x254: {  	v35 =	vmul.f32 $1.600000000e+01, v17;
	v19 =	vtrunc.f32 v34  }
0x255: {  	v18 =	vcvt.f32.s32 v18;
	v19 =	vcvt.f32.s32 v19  }
0x256: {  	v20 =	vtrunc.f32 v35  }
0x257: {  	v20 =	vcvt.f32.s32 v20;
	v18 =	vshll.u32 v18, $0x8;
	v19 =	vshll.u32 v19, $0x4  }
0x258: {  	v18 =	vor.u32 v18, v19  }
0x259: {  	v18 =	vor.u32 v20, v18  }
0x25a: {  	v36 =	vadd.s32 $0x8000, v18  }
0x25b: {  	v20 =	vadd.s32 $0x9000, v18  }
0x25c: {  	v37 =	vadd.s32 $0xA000, v18  }
0x25d: {  	v18 =	vadd.s32 $0xB000, v18;
	_ =	sdelay $0x1  }
0x25e: {  	[tilespmem:v36+s2+$0x0] =	vst.idx.add.f32.msk $0xffff, v15  }
0x25f: {  	[tilespmem:v20+s2+$0x0] =	vst.idx.add.f32.msk $0xffff, v16  }
0x260: {  	[tilespmem:v37+s2+$0x0] =	vst.idx.add.f32.msk $0xffff, v17  }
0x261: {  	s28 =	sadd.s32 s19, s26;
	[tilespmem:v18+s2+$0x0] =	vst.idx.add.f32.msk $0xffff, v9  }
0x262: {  	v15 =	vld [tilespmem:s28+$0x0];
	s28 =	sadd.s32 s19, s29  }
0x263: {  	s19 =	sadd.s32 s19, s18;
	v16 =	vld [tilespmem:s28+$0x0]  }
0x264: {  	v17 =	vld [tilespmem:s19+$0x0];
	_ =	sdelay $0x3  }
0x265: {  	v38 =	vmul.f32 $1.600000000e+01, v15;
	v39 =	vmul.f32 $1.600000000e+01, v16  }
0x266: {  	v40 =	vmul.f32 $1.600000000e+01, v17  }
0x267: {  	v18 =	vtrunc.f32 v38;
	v19 =	vtrunc.f32 v39  }
0x268: {  	v18 =	vcvt.f32.s32 v18;
	v19 =	vcvt.f32.s32 v19  }
0x269: {  	v20 =	vtrunc.f32 v40  }
0x26a: {  	v20 =	vcvt.f32.s32 v20;
	v18 =	vshll.u32 v18, $0x8;
	v19 =	vshll.u32 v19, $0x4  }
0x26b: {  	v18 =	vor.u32 v18, v19  }
0x26c: {  	v18 =	vor.u32 v20, v18  }
0x26d: {  	v41 =	vadd.s32 $0xC000, v18  }
0x26e: {  	v20 =	vadd.s32 $0xD000, v18  }
0x26f: {  	v42 =	vadd.s32 $0xE000, v18  }
0x270: {  	v18 =	vadd.s32 $0xF000, v18;
	_ =	sdelay $0x1  }
0x271: {  	[tilespmem:v41+s2+$0x0] =	vst.idx.add.f32.msk $0xffff, v15  }
0x272: {  	[tilespmem:v20+s2+$0x0] =	vst.idx.add.f32.msk $0xffff, v16  }
0x273: {  	s15 =	sor.u32 $0x30, s15;
	[tilespmem:v42+s2+$0x0] =	vst.idx.add.f32.msk $0xffff, v17  }
0x274: {  	s4 =	sadd.s32 s15, s4;
	[tilespmem:v18+s2+$0x0] =	vst.idx.add.f32.msk $0xffff, v9  }
0x275: {  	s28 =	sadd.s32 s15, s21;
	v15 =	vld [tilespmem:s4+$0x0]  }
0x276: {  	s0 =	sadd.s32 s15, s0;
	v16 =	vld [tilespmem:s28+$0x0]  }
0x277: {  	v17 =	vld [tilespmem:s0+$0x0];
	_ =	sdelay $0x3  }
0x278: {  	v43 =	vmul.f32 $1.600000000e+01, v15;
	v44 =	vmul.f32 $1.600000000e+01, v16  }
0x279: {  	v45 =	vmul.f32 $1.600000000e+01, v17  }
0x27a: {  	v18 =	vtrunc.f32 v43;
	v19 =	vtrunc.f32 v44  }
0x27b: {  	v18 =	vcvt.f32.s32 v18;
	v19 =	vcvt.f32.s32 v19  }
0x27c: {  	v20 =	vtrunc.f32 v45  }
0x27d: {  	v20 =	vcvt.f32.s32 v20;
	v18 =	vshll.u32 v18, $0x8;
	v19 =	vshll.u32 v19, $0x4  }
0x27e: {  	v18 =	vor.u32 v18, v19  }
0x27f: {  	v18 =	vor.u32 v20, v18  }
0x280: {  	v46 =	vadd.s32 $0x1000, v18  }
0x281: {  	v20 =	vadd.s32 $0x2000, v18  }
0x282: {  	v47 =	vadd.s32 $0x3000, v18;
	_ =	sdelay $0x1  }
0x283: {  	[tilespmem:v18+s2+$0x0] =	vst.idx.add.f32.msk $0xffff, v15  }
0x284: {  	[tilespmem:v46+s2+$0x0] =	vst.idx.add.f32.msk $0xffff, v16  }
0x285: {  	[tilespmem:v20+s2+$0x0] =	vst.idx.add.f32.msk $0xffff, v17  }
0x286: {  	s4 =	sadd.s32 s15, s3;
	[tilespmem:v47+s2+$0x0] =	vst.idx.add.f32.msk $0xffff, v9  }
0x287: {  	s9 =	sadd.s32 s15, s9;
	v15 =	vld [tilespmem:s4+$0x0]  }
0x288: {  	s13 =	sadd.s32 s15, s13;
	v16 =	vld [tilespmem:s9+$0x0]  }
0x289: {  	v17 =	vld [tilespmem:s13+$0x0];
	_ =	sdelay $0x3  }
0x28a: {  	v48 =	vmul.f32 $1.600000000e+01, v15;
	v49 =	vmul.f32 $1.600000000e+01, v16  }
0x28b: {  	v50 =	vmul.f32 $1.600000000e+01, v17  }
0x28c: {  	v18 =	vtrunc.f32 v48;
	v19 =	vtrunc.f32 v49  }
0x28d: {  	v18 =	vcvt.f32.s32 v18;
	v19 =	vcvt.f32.s32 v19  }
0x28e: {  	v20 =	vtrunc.f32 v50  }
0x28f: {  	v20 =	vcvt.f32.s32 v20;
	v18 =	vshll.u32 v18, $0x8;
	v19 =	vshll.u32 v19, $0x4  }
0x290: {  	v18 =	vor.u32 v18, v19  }
0x291: {  	v18 =	vor.u32 v20, v18  }
0x292: {  	v51 =	vadd.s32 $0x4000, v18  }
0x293: {  	v20 =	vadd.s32 $0x5000, v18  }
0x294: {  	v52 =	vadd.s32 $0x6000, v18  }
0x295: {  	v18 =	vadd.s32 $0x7000, v18;
	_ =	sdelay $0x1  }
0x296: {  	[tilespmem:v51+s2+$0x0] =	vst.idx.add.f32.msk $0xffff, v15  }
0x297: {  	[tilespmem:v20+s2+$0x0] =	vst.idx.add.f32.msk $0xffff, v16  }
0x298: {  	[tilespmem:v52+s2+$0x0] =	vst.idx.add.f32.msk $0xffff, v17  }
0x299: {  	s19 =	sadd.s32 s15, s14;
	[tilespmem:v18+s2+$0x0] =	vst.idx.add.f32.msk $0xffff, v9  }
0x29a: {  	s21 =	sadd.s32 s15, s25;
	v15 =	vld [tilespmem:s19+$0x0]  }
0x29b: {  	s25 =	sadd.s32 s15, s16;
	v16 =	vld [tilespmem:s21+$0x0]  }
0x29c: {  	v17 =	vld [tilespmem:s25+$0x0];
	_ =	sdelay $0x3  }
0x29d: {  	v53 =	vmul.f32 $1.600000000e+01, v15;
	v54 =	vmul.f32 $1.600000000e+01, v16  }
0x29e: {  	v55 =	vmul.f32 $1.600000000e+01, v17  }
0x29f: {  	v18 =	vtrunc.f32 v53;
	v19 =	vtrunc.f32 v54  }
0x2a0: {  	v18 =	vcvt.f32.s32 v18;
	v19 =	vcvt.f32.s32 v19  }
0x2a1: {  	v20 =	vtrunc.f32 v55  }
0x2a2: {  	v20 =	vcvt.f32.s32 v20;
	v18 =	vshll.u32 v18, $0x8;
	v19 =	vshll.u32 v19, $0x4  }
0x2a3: {  	v18 =	vor.u32 v18, v19  }
0x2a4: {  	v18 =	vor.u32 v20, v18  }
0x2a5: {  	v56 =	vadd.s32 $0x8000, v18  }
0x2a6: {  	v20 =	vadd.s32 $0x9000, v18  }
0x2a7: {  	v57 =	vadd.s32 $0xA000, v18  }
0x2a8: {  	v18 =	vadd.s32 $0xB000, v18;
	_ =	sdelay $0x1  }
0x2a9: {  	[tilespmem:v56+s2+$0x0] =	vst.idx.add.f32.msk $0xffff, v15  }
0x2aa: {  	[tilespmem:v20+s2+$0x0] =	vst.idx.add.f32.msk $0xffff, v16  }
0x2ab: {  	[tilespmem:v57+s2+$0x0] =	vst.idx.add.f32.msk $0xffff, v17  }
0x2ac: {  	s26 =	sadd.s32 s15, s26;
	[tilespmem:v18+s2+$0x0] =	vst.idx.add.f32.msk $0xffff, v9  }
0x2ad: {  	s28 =	sadd.s32 s15, s29;
	v15 =	vld [tilespmem:s26+$0x0]  }
0x2ae: {  	s29 =	sadd.s32 s15, s18;
	v16 =	vld [tilespmem:s28+$0x0]  }
0x2af: {  	v17 =	vld [tilespmem:s29+$0x0];
	_ =	sdelay $0x3  }
0x2b0: {  	v58 =	vmul.f32 $1.600000000e+01, v15;
	v59 =	vmul.f32 $1.600000000e+01, v16  }
0x2b1: {  	v60 =	vmul.f32 $1.600000000e+01, v17  }
0x2b2: {  	v18 =	vtrunc.f32 v58;
	v19 =	vtrunc.f32 v59  }
0x2b3: {  	v18 =	vcvt.f32.s32 v18;
	v19 =	vcvt.f32.s32 v19  }
0x2b4: {  	v20 =	vtrunc.f32 v60  }
0x2b5: {  	v20 =	vcvt.f32.s32 v20;
	v18 =	vshll.u32 v18, $0x8;
	v19 =	vshll.u32 v19, $0x4  }
0x2b6: {  	v18 =	vor.u32 v18, v19  }
0x2b7: {  	v18 =	vor.u32 v20, v18  }
0x2b8: {  	v61 =	vadd.s32 $0xC000, v18  }
0x2b9: {  	v20 =	vadd.s32 $0xD000, v18  }
0x2ba: {  	v62 =	vadd.s32 $0xE000, v18  }
0x2bb: {  	p3 =	sne.s32 s22, $0x1C0;
	v18 =	vadd.s32 $0xF000, v18  }
.Ltmp4:
0x2bc: {  	_ = 	snop;
	(pc) =	sbr.rel @p3 .LBB2_7-.Ltmp4, $4  }
0x2bd: {  	[tilespmem:v61+s2+$0x0] =	vst.idx.add.f32.msk $0xffff, v15  }
0x2be: {  	[tilespmem:v20+s2+$0x0] =	vst.idx.add.f32.msk $0xffff, v16  }
0x2bf: {  	[tilespmem:v62+s2+$0x0] =	vst.idx.add.f32.msk $0xffff, v17  }
0x2c0: {  	s8 =	sadd.s32 $0x200, s8;
	s22 =	sadd.s32 $0x40, s22;
	[tilespmem:v18+s2+$0x0] =	vst.idx.add.f32.msk $0xffff, v9  }
0x2c1: {  	_ =	swait.ge [sflag:s23], $0x3000  }
0x2c2: {  	p3 =	seq.s32 s30, $0x13;
	s0 =	rddreg [dreg:$0xa];
	[sflag:s23] =	ssyncset.done $0x0  }
0x2c3: {  	s0 =	sadd.s32 @!p3 s6, s0;
	[sflag:s23] =	ssyncadd.s32 $0xFFFFD000  }
0x2c4: {  	s4 =	simm.s32 @!p3 $0x3D0C00;
	s0 =	sshrl.u32 @!p3 s0, $0x3;
	s3 =	rddreg [dreg:$0x0]  }
0x2c5: {  	s6 =	simm.s32 @!p3 $0x3000;
	s0 =	sadd.s32 @!p3 s3, s0;
	s3 =	simm.s32 @!p3 $0x1000  }
0x2c6: {  	[tilespmem:s6], [sflag:$0x2] =	stream.strided.gather @!p3 [hbm4b:s0+s3], $0x3000, s4, s3, $0x38;
	v63 =	vld [tilespmem:$0x0]  }
0x2c7: {  	s8 =	simm.s32 $0x0;
	s6 =	simm.s32 $0x0  }
.LBB2_9:
0x2c8: {  	s0 =	sand.u32 $0xC00, s6  }
0x2c9: {  	s18 =	sor.u32 $0x6000, s0  }
0x2ca: {  	s15 =	sand.u32 $0x40, s8;
	s26 =	sor.u32 $0x7000, s0;
	s4 =	sor.u32 s7, s18  }
0x2cb: {  	s19 =	sor.u32 $0x8000, s0;
	s21 =	sor.u32 s7, s26;
	s3 =	sadd.s32 s15, s4  }
0x2cc: {  	s0 =	sor.u32 s7, s19;
	s14 =	sadd.s32 s15, s21;
	v15 =	vld [tilespmem:s3+$0x0]  }
0x2cd: {  	s16 =	sadd.s32 s15, s0;
	v16 =	vld [tilespmem:s14+$0x0]  }
0x2ce: {  	v17 =	vld [tilespmem:s16+$0x0];
	_ =	sdelay $0x3  }
0x2cf: {  	v18 =	vmul.f32 $1.600000000e+01, v15;
	v19 =	vmul.f32 $1.600000000e+01, v16  }
0x2d0: {  	v20 =	vmul.f32 $1.600000000e+01, v17  }
0x2d1: {  	v18 =	vtrunc.f32 v18;
	v19 =	vtrunc.f32 v19  }
0x2d2: {  	v18 =	vcvt.f32.s32 v18;
	v19 =	vcvt.f32.s32 v19  }
0x2d3: {  	v20 =	vtrunc.f32 v20  }
0x2d4: {  	v20 =	vcvt.f32.s32 v20;
	v18 =	vshll.u32 v18, $0x8;
	v19 =	vshll.u32 v19, $0x4  }
0x2d5: {  	v18 =	vor.u32 v18, v19  }
0x2d6: {  	v18 =	vor.u32 v20, v18  }
0x2d7: {  	v27 =	vadd.s32 $0x1000, v18  }
0x2d8: {  	v20 =	vadd.s32 $0x2000, v18  }
0x2d9: {  	v21 =	vadd.s32 $0x3000, v18;
	_ =	sdelay $0x1  }
0x2da: {  	[tilespmem:v18+s2+$0x0] =	vst.idx.add.f32.msk $0xffff, v15  }
0x2db: {  	[tilespmem:v27+s2+$0x0] =	vst.idx.add.f32.msk $0xffff, v16  }
0x2dc: {  	s3 =	sor.u32 s10, s18;
	[tilespmem:v20+s2+$0x0] =	vst.idx.add.f32.msk $0xffff, v17  }
0x2dd: {  	s9 =	sor.u32 s10, s26;
	s13 =	sadd.s32 s15, s3;
	[tilespmem:v21+s2+$0x0] =	vst.idx.add.f32.msk $0xffff, v9  }
0x2de: {  	s22 =	sadd.s32 s15, s9;
	v15 =	vld [tilespmem:s13+$0x0]  }
0x2df: {  	v16 =	vld [tilespmem:s22+$0x0];
	s13 =	sor.u32 s10, s19  }
0x2e0: {  	s14 =	sadd.s32 s15, s13  }
0x2e1: {  	v17 =	vld [tilespmem:s14+$0x0];
	_ =	sdelay $0x1  }
0x2e2: {  	v28 =	vmul.f32 $1.600000000e+01, v15  }
0x2e3: {  	v29 =	vmul.f32 $1.600000000e+01, v16  }
0x2e4: {  	v18 =	vtrunc.f32 v28  }
0x2e5: {  	v19 =	vtrunc.f32 v29;
	v30 =	vmul.f32 $1.600000000e+01, v17  }
0x2e6: {  	v18 =	vcvt.f32.s32 v18;
	v19 =	vcvt.f32.s32 v19  }
0x2e7: {  	v20 =	vtrunc.f32 v30  }
0x2e8: {  	v20 =	vcvt.f32.s32 v20;
	v18 =	vshll.u32 v18, $0x8;
	v19 =	vshll.u32 v19, $0x4  }
0x2e9: {  	v18 =	vor.u32 v18, v19  }
0x2ea: {  	v18 =	vor.u32 v20, v18  }
0x2eb: {  	v31 =	vadd.s32 $0x4000, v18  }
0x2ec: {  	v20 =	vadd.s32 $0x5000, v18  }
0x2ed: {  	v32 =	vadd.s32 $0x6000, v18  }
0x2ee: {  	v18 =	vadd.s32 $0x7000, v18;
	_ =	sdelay $0x1  }
0x2ef: {  	[tilespmem:v31+s2+$0x0] =	vst.idx.add.f32.msk $0xffff, v15  }
0x2f0: {  	[tilespmem:v20+s2+$0x0] =	vst.idx.add.f32.msk $0xffff, v16  }
0x2f1: {  	s14 =	sor.u32 s11, s18;
	[tilespmem:v32+s2+$0x0] =	vst.idx.add.f32.msk $0xffff, v17  }
0x2f2: {  	s22 =	sor.u32 s11, s26;
	s16 =	sadd.s32 s15, s14;
	[tilespmem:v18+s2+$0x0] =	vst.idx.add.f32.msk $0xffff, v9  }
0x2f3: {  	s25 =	sadd.s32 s15, s22;
	v15 =	vld [tilespmem:s16+$0x0]  }
0x2f4: {  	v16 =	vld [tilespmem:s25+$0x0];
	s16 =	sor.u32 s11, s19  }
0x2f5: {  	s25 =	sadd.s32 s15, s16  }
0x2f6: {  	v17 =	vld [tilespmem:s25+$0x0];
	_ =	sdelay $0x1  }
0x2f7: {  	v33 =	vmul.f32 $1.600000000e+01, v15  }
0x2f8: {  	v34 =	vmul.f32 $1.600000000e+01, v16  }
0x2f9: {  	v18 =	vtrunc.f32 v33  }
0x2fa: {  	v19 =	vtrunc.f32 v34;
	v35 =	vmul.f32 $1.600000000e+01, v17  }
0x2fb: {  	v18 =	vcvt.f32.s32 v18;
	v19 =	vcvt.f32.s32 v19  }
0x2fc: {  	v20 =	vtrunc.f32 v35  }
0x2fd: {  	v20 =	vcvt.f32.s32 v20;
	v18 =	vshll.u32 v18, $0x8;
	v19 =	vshll.u32 v19, $0x4  }
0x2fe: {  	v18 =	vor.u32 v18, v19  }
0x2ff: {  	v18 =	vor.u32 v20, v18  }
0x300: {  	v36 =	vadd.s32 $0x8000, v18  }
0x301: {  	v20 =	vadd.s32 $0x9000, v18  }
0x302: {  	v37 =	vadd.s32 $0xA000, v18  }
0x303: {  	v18 =	vadd.s32 $0xB000, v18;
	_ =	sdelay $0x1  }
0x304: {  	[tilespmem:v36+s2+$0x0] =	vst.idx.add.f32.msk $0xffff, v15  }
0x305: {  	[tilespmem:v20+s2+$0x0] =	vst.idx.add.f32.msk $0xffff, v16  }
0x306: {  	s25 =	sor.u32 s12, s18;
	[tilespmem:v37+s2+$0x0] =	vst.idx.add.f32.msk $0xffff, v17  }
0x307: {  	s26 =	sor.u32 s12, s26;
	s18 =	sadd.s32 s15, s25;
	[tilespmem:v18+s2+$0x0] =	vst.idx.add.f32.msk $0xffff, v9  }
0x308: {  	s28 =	sadd.s32 s15, s26;
	v15 =	vld [tilespmem:s18+$0x0]  }
0x309: {  	v16 =	vld [tilespmem:s28+$0x0];
	s18 =	sor.u32 s12, s19  }
0x30a: {  	s19 =	sadd.s32 s15, s18  }
0x30b: {  	v17 =	vld [tilespmem:s19+$0x0];
	_ =	sdelay $0x1  }
0x30c: {  	v38 =	vmul.f32 $1.600000000e+01, v15  }
0x30d: {  	v39 =	vmul.f32 $1.600000000e+01, v16  }
0x30e: {  	v18 =	vtrunc.f32 v38  }
0x30f: {  	v19 =	vtrunc.f32 v39;
	v40 =	vmul.f32 $1.600000000e+01, v17  }
0x310: {  	v18 =	vcvt.f32.s32 v18;
	v19 =	vcvt.f32.s32 v19  }
0x311: {  	v20 =	vtrunc.f32 v40  }
0x312: {  	v20 =	vcvt.f32.s32 v20;
	v18 =	vshll.u32 v18, $0x8;
	v19 =	vshll.u32 v19, $0x4  }
0x313: {  	v18 =	vor.u32 v18, v19  }
0x314: {  	v18 =	vor.u32 v20, v18  }
0x315: {  	v41 =	vadd.s32 $0xC000, v18  }
0x316: {  	v20 =	vadd.s32 $0xD000, v18  }
0x317: {  	v42 =	vadd.s32 $0xE000, v18  }
0x318: {  	v18 =	vadd.s32 $0xF000, v18;
	_ =	sdelay $0x1  }
0x319: {  	[tilespmem:v41+s2+$0x0] =	vst.idx.add.f32.msk $0xffff, v15  }
0x31a: {  	[tilespmem:v20+s2+$0x0] =	vst.idx.add.f32.msk $0xffff, v16  }
0x31b: {  	s19 =	sor.u32 $0x10, s15;
	[tilespmem:v42+s2+$0x0] =	vst.idx.add.f32.msk $0xffff, v17  }
0x31c: {  	s28 =	sadd.s32 s19, s4;
	[tilespmem:v18+s2+$0x0] =	vst.idx.add.f32.msk $0xffff, v9  }
0x31d: {  	s29 =	sadd.s32 s19, s21;
	v15 =	vld [tilespmem:s28+$0x0]  }
0x31e: {  	v16 =	vld [tilespmem:s29+$0x0];
	s29 =	sadd.s32 s19, s0  }
0x31f: {  	v17 =	vld [tilespmem:s29+$0x0];
	_ =	sdelay $0x3  }
0x320: {  	v43 =	vmul.f32 $1.600000000e+01, v15;
	v44 =	vmul.f32 $1.600000000e+01, v16  }
0x321: {  	v45 =	vmul.f32 $1.600000000e+01, v17  }
0x322: {  	v18 =	vtrunc.f32 v43;
	v19 =	vtrunc.f32 v44  }
0x323: {  	v18 =	vcvt.f32.s32 v18;
	v19 =	vcvt.f32.s32 v19  }
0x324: {  	v20 =	vtrunc.f32 v45  }
0x325: {  	v20 =	vcvt.f32.s32 v20;
	v18 =	vshll.u32 v18, $0x8;
	v19 =	vshll.u32 v19, $0x4  }
0x326: {  	v18 =	vor.u32 v18, v19  }
0x327: {  	v18 =	vor.u32 v20, v18  }
0x328: {  	v46 =	vadd.s32 $0x1000, v18  }
0x329: {  	v20 =	vadd.s32 $0x2000, v18  }
0x32a: {  	v47 =	vadd.s32 $0x3000, v18;
	_ =	sdelay $0x1  }
0x32b: {  	[tilespmem:v18+s2+$0x0] =	vst.idx.add.f32.msk $0xffff, v15  }
0x32c: {  	[tilespmem:v46+s2+$0x0] =	vst.idx.add.f32.msk $0xffff, v16  }
0x32d: {  	[tilespmem:v20+s2+$0x0] =	vst.idx.add.f32.msk $0xffff, v17  }
0x32e: {  	s29 =	sadd.s32 s19, s3;
	[tilespmem:v47+s2+$0x0] =	vst.idx.add.f32.msk $0xffff, v9  }
0x32f: {  	v15 =	vld [tilespmem:s29+$0x0];
	s29 =	sadd.s32 s19, s9  }
0x330: {  	v16 =	vld [tilespmem:s29+$0x0]  }
0x331: {  	s29 =	sadd.s32 s19, s13  }
0x332: {  	v17 =	vld [tilespmem:s29+$0x0];
	_ =	sdelay $0x1  }
0x333: {  	v48 =	vmul.f32 $1.600000000e+01, v15  }
0x334: {  	v49 =	vmul.f32 $1.600000000e+01, v16  }
0x335: {  	v18 =	vtrunc.f32 v48  }
0x336: {  	v50 =	vmul.f32 $1.600000000e+01, v17;
	v19 =	vtrunc.f32 v49  }
0x337: {  	v18 =	vcvt.f32.s32 v18;
	v19 =	vcvt.f32.s32 v19  }
0x338: {  	v20 =	vtrunc.f32 v50  }
0x339: {  	v20 =	vcvt.f32.s32 v20;
	v18 =	vshll.u32 v18, $0x8;
	v19 =	vshll.u32 v19, $0x4  }
0x33a: {  	v18 =	vor.u32 v18, v19  }
0x33b: {  	v18 =	vor.u32 v20, v18  }
0x33c: {  	v51 =	vadd.s32 $0x4000, v18  }
0x33d: {  	v20 =	vadd.s32 $0x5000, v18  }
0x33e: {  	v52 =	vadd.s32 $0x6000, v18  }
0x33f: {  	v18 =	vadd.s32 $0x7000, v18;
	_ =	sdelay $0x1  }
0x340: {  	[tilespmem:v51+s2+$0x0] =	vst.idx.add.f32.msk $0xffff, v15  }
0x341: {  	[tilespmem:v20+s2+$0x0] =	vst.idx.add.f32.msk $0xffff, v16  }
0x342: {  	[tilespmem:v52+s2+$0x0] =	vst.idx.add.f32.msk $0xffff, v17  }
0x343: {  	s29 =	sadd.s32 s19, s14;
	[tilespmem:v18+s2+$0x0] =	vst.idx.add.f32.msk $0xffff, v9  }
0x344: {  	v15 =	vld [tilespmem:s29+$0x0];
	s29 =	sadd.s32 s19, s22  }
0x345: {  	v16 =	vld [tilespmem:s29+$0x0]  }
0x346: {  	s29 =	sadd.s32 s19, s16  }
0x347: {  	v17 =	vld [tilespmem:s29+$0x0];
	_ =	sdelay $0x1  }
0x348: {  	v53 =	vmul.f32 $1.600000000e+01, v15  }
0x349: {  	v54 =	vmul.f32 $1.600000000e+01, v16  }
0x34a: {  	v18 =	vtrunc.f32 v53  }
0x34b: {  	v55 =	vmul.f32 $1.600000000e+01, v17;
	v19 =	vtrunc.f32 v54  }
0x34c: {  	v18 =	vcvt.f32.s32 v18;
	v19 =	vcvt.f32.s32 v19  }
0x34d: {  	v20 =	vtrunc.f32 v55  }
0x34e: {  	v20 =	vcvt.f32.s32 v20;
	v18 =	vshll.u32 v18, $0x8;
	v19 =	vshll.u32 v19, $0x4  }
0x34f: {  	v18 =	vor.u32 v18, v19  }
0x350: {  	v18 =	vor.u32 v20, v18  }
0x351: {  	v56 =	vadd.s32 $0x8000, v18  }
0x352: {  	v20 =	vadd.s32 $0x9000, v18  }
0x353: {  	v57 =	vadd.s32 $0xA000, v18  }
0x354: {  	v18 =	vadd.s32 $0xB000, v18;
	_ =	sdelay $0x1  }
0x355: {  	[tilespmem:v56+s2+$0x0] =	vst.idx.add.f32.msk $0xffff, v15  }
0x356: {  	[tilespmem:v20+s2+$0x0] =	vst.idx.add.f32.msk $0xffff, v16  }
0x357: {  	[tilespmem:v57+s2+$0x0] =	vst.idx.add.f32.msk $0xffff, v17  }
0x358: {  	s29 =	sadd.s32 s19, s25;
	[tilespmem:v18+s2+$0x0] =	vst.idx.add.f32.msk $0xffff, v9  }
0x359: {  	v15 =	vld [tilespmem:s29+$0x0];
	s29 =	sadd.s32 s19, s26  }
0x35a: {  	s19 =	sadd.s32 s19, s18;
	v16 =	vld [tilespmem:s29+$0x0]  }
0x35b: {  	v17 =	vld [tilespmem:s19+$0x0];
	_ =	sdelay $0x3  }
0x35c: {  	v58 =	vmul.f32 $1.600000000e+01, v15;
	v59 =	vmul.f32 $1.600000000e+01, v16  }
0x35d: {  	v60 =	vmul.f32 $1.600000000e+01, v17  }
0x35e: {  	v18 =	vtrunc.f32 v58;
	v19 =	vtrunc.f32 v59  }
0x35f: {  	v18 =	vcvt.f32.s32 v18;
	v19 =	vcvt.f32.s32 v19  }
0x360: {  	v20 =	vtrunc.f32 v60  }
0x361: {  	v20 =	vcvt.f32.s32 v20;
	v18 =	vshll.u32 v18, $0x8;
	v19 =	vshll.u32 v19, $0x4  }
0x362: {  	v18 =	vor.u32 v18, v19  }
0x363: {  	v18 =	vor.u32 v20, v18  }
0x364: {  	v61 =	vadd.s32 $0xC000, v18  }
0x365: {  	v20 =	vadd.s32 $0xD000, v18  }
0x366: {  	v62 =	vadd.s32 $0xE000, v18  }
0x367: {  	v18 =	vadd.s32 $0xF000, v18;
	_ =	sdelay $0x1  }
0x368: {  	[tilespmem:v61+s2+$0x0] =	vst.idx.add.f32.msk $0xffff, v15  }
0x369: {  	[tilespmem:v20+s2+$0x0] =	vst.idx.add.f32.msk $0xffff, v16  }
0x36a: {  	s19 =	sor.u32 $0x20, s15;
	[tilespmem:v62+s2+$0x0] =	vst.idx.add.f32.msk $0xffff, v17  }
0x36b: {  	s29 =	sadd.s32 s19, s4;
	[tilespmem:v18+s2+$0x0] =	vst.idx.add.f32.msk $0xffff, v9  }
0x36c: {  	v15 =	vld [tilespmem:s29+$0x0];
	s29 =	sadd.s32 s19, s21  }
0x36d: {  	v16 =	vld [tilespmem:s29+$0x0]  }
0x36e: {  	s29 =	sadd.s32 s19, s0  }
0x36f: {  	v17 =	vld [tilespmem:s29+$0x0];
	_ =	sdelay $0x1  }
0x370: {  	v23 =	vmul.f32 $1.600000000e+01, v15  }
0x371: {  	v24 =	vmul.f32 $1.600000000e+01, v16  }
0x372: {  	v18 =	vtrunc.f32 v23  }
0x373: {  	v25 =	vmul.f32 $1.600000000e+01, v17;
	v19 =	vtrunc.f32 v24  }
0x374: {  	v18 =	vcvt.f32.s32 v18;
	v19 =	vcvt.f32.s32 v19  }
0x375: {  	v20 =	vtrunc.f32 v25  }
0x376: {  	v20 =	vcvt.f32.s32 v20;
	v18 =	vshll.u32 v18, $0x8;
	v19 =	vshll.u32 v19, $0x4  }
0x377: {  	v18 =	vor.u32 v18, v19  }
0x378: {  	v18 =	vor.u32 v20, v18  }
0x379: {  	v26 =	vadd.s32 $0x1000, v18  }
0x37a: {  	v20 =	vadd.s32 $0x2000, v18  }
0x37b: {  	v27 =	vadd.s32 $0x3000, v18;
	_ =	sdelay $0x1  }
0x37c: {  	[tilespmem:v18+s2+$0x0] =	vst.idx.add.f32.msk $0xffff, v15  }
0x37d: {  	[tilespmem:v26+s2+$0x0] =	vst.idx.add.f32.msk $0xffff, v16  }
0x37e: {  	[tilespmem:v20+s2+$0x0] =	vst.idx.add.f32.msk $0xffff, v17  }
0x37f: {  	s29 =	sadd.s32 s19, s3;
	[tilespmem:v27+s2+$0x0] =	vst.idx.add.f32.msk $0xffff, v9  }
0x380: {  	v15 =	vld [tilespmem:s29+$0x0];
	s29 =	sadd.s32 s19, s9  }
0x381: {  	v16 =	vld [tilespmem:s29+$0x0]  }
0x382: {  	s29 =	sadd.s32 s19, s13  }
0x383: {  	v17 =	vld [tilespmem:s29+$0x0];
	_ =	sdelay $0x1  }
0x384: {  	v28 =	vmul.f32 $1.600000000e+01, v15  }
0x385: {  	v29 =	vmul.f32 $1.600000000e+01, v16  }
0x386: {  	v18 =	vtrunc.f32 v28  }
0x387: {  	v30 =	vmul.f32 $1.600000000e+01, v17;
	v19 =	vtrunc.f32 v29  }
0x388: {  	v18 =	vcvt.f32.s32 v18;
	v19 =	vcvt.f32.s32 v19  }
0x389: {  	v20 =	vtrunc.f32 v30  }
0x38a: {  	v20 =	vcvt.f32.s32 v20;
	v18 =	vshll.u32 v18, $0x8;
	v19 =	vshll.u32 v19, $0x4  }
0x38b: {  	v18 =	vor.u32 v18, v19  }
0x38c: {  	v18 =	vor.u32 v20, v18  }
0x38d: {  	v31 =	vadd.s32 $0x4000, v18  }
0x38e: {  	v20 =	vadd.s32 $0x5000, v18  }
0x38f: {  	v32 =	vadd.s32 $0x6000, v18  }
0x390: {  	v18 =	vadd.s32 $0x7000, v18;
	_ =	sdelay $0x1  }
0x391: {  	[tilespmem:v31+s2+$0x0] =	vst.idx.add.f32.msk $0xffff, v15  }
0x392: {  	[tilespmem:v20+s2+$0x0] =	vst.idx.add.f32.msk $0xffff, v16  }
0x393: {  	[tilespmem:v32+s2+$0x0] =	vst.idx.add.f32.msk $0xffff, v17  }
0x394: {  	s29 =	sadd.s32 s19, s14;
	[tilespmem:v18+s2+$0x0] =	vst.idx.add.f32.msk $0xffff, v9  }
0x395: {  	v15 =	vld [tilespmem:s29+$0x0];
	s29 =	sadd.s32 s19, s22  }
0x396: {  	v16 =	vld [tilespmem:s29+$0x0]  }
0x397: {  	s29 =	sadd.s32 s19, s16  }
0x398: {  	v17 =	vld [tilespmem:s29+$0x0];
	_ =	sdelay $0x1  }
0x399: {  	v33 =	vmul.f32 $1.600000000e+01, v15  }
0x39a: {  	v34 =	vmul.f32 $1.600000000e+01, v16  }
0x39b: {  	v18 =	vtrunc.f32 v33  }
0x39c: {  	v35 =	vmul.f32 $1.600000000e+01, v17;
	v19 =	vtrunc.f32 v34  }
0x39d: {  	v18 =	vcvt.f32.s32 v18;
	v19 =	vcvt.f32.s32 v19  }
0x39e: {  	v20 =	vtrunc.f32 v35  }
0x39f: {  	v20 =	vcvt.f32.s32 v20;
	v18 =	vshll.u32 v18, $0x8;
	v19 =	vshll.u32 v19, $0x4  }
0x3a0: {  	v18 =	vor.u32 v18, v19  }
0x3a1: {  	v18 =	vor.u32 v20, v18  }
0x3a2: {  	v36 =	vadd.s32 $0x8000, v18  }
0x3a3: {  	v20 =	vadd.s32 $0x9000, v18  }
0x3a4: {  	v37 =	vadd.s32 $0xA000, v18  }
0x3a5: {  	v18 =	vadd.s32 $0xB000, v18;
	_ =	sdelay $0x1  }
0x3a6: {  	[tilespmem:v36+s2+$0x0] =	vst.idx.add.f32.msk $0xffff, v15  }
0x3a7: {  	[tilespmem:v20+s2+$0x0] =	vst.idx.add.f32.msk $0xffff, v16  }
0x3a8: {  	[tilespmem:v37+s2+$0x0] =	vst.idx.add.f32.msk $0xffff, v17  }
0x3a9: {  	s29 =	sadd.s32 s19, s25;
	[tilespmem:v18+s2+$0x0] =	vst.idx.add.f32.msk $0xffff, v9  }
0x3aa: {  	v15 =	vld [tilespmem:s29+$0x0];
	s29 =	sadd.s32 s19, s26  }
0x3ab: {  	s19 =	sadd.s32 s19, s18;
	v16 =	vld [tilespmem:s29+$0x0]  }
0x3ac: {  	v17 =	vld [tilespmem:s19+$0x0];
	_ =	sdelay $0x3  }
0x3ad: {  	v38 =	vmul.f32 $1.600000000e+01, v15;
	v39 =	vmul.f32 $1.600000000e+01, v16  }
0x3ae: {  	v40 =	vmul.f32 $1.600000000e+01, v17  }
0x3af: {  	v18 =	vtrunc.f32 v38;
	v19 =	vtrunc.f32 v39  }
0x3b0: {  	v18 =	vcvt.f32.s32 v18;
	v19 =	vcvt.f32.s32 v19  }
0x3b1: {  	v20 =	vtrunc.f32 v40  }
0x3b2: {  	v20 =	vcvt.f32.s32 v20;
	v18 =	vshll.u32 v18, $0x8;
	v19 =	vshll.u32 v19, $0x4  }
0x3b3: {  	v18 =	vor.u32 v18, v19  }
0x3b4: {  	v18 =	vor.u32 v20, v18  }
0x3b5: {  	v41 =	vadd.s32 $0xC000, v18  }
0x3b6: {  	v20 =	vadd.s32 $0xD000, v18  }
0x3b7: {  	v42 =	vadd.s32 $0xE000, v18  }
0x3b8: {  	v18 =	vadd.s32 $0xF000, v18;
	_ =	sdelay $0x1  }
0x3b9: {  	[tilespmem:v41+s2+$0x0] =	vst.idx.add.f32.msk $0xffff, v15  }
0x3ba: {  	[tilespmem:v20+s2+$0x0] =	vst.idx.add.f32.msk $0xffff, v16  }
0x3bb: {  	s15 =	sor.u32 $0x30, s15;
	[tilespmem:v42+s2+$0x0] =	vst.idx.add.f32.msk $0xffff, v17  }
0x3bc: {  	s4 =	sadd.s32 s15, s4;
	[tilespmem:v18+s2+$0x0] =	vst.idx.add.f32.msk $0xffff, v9  }
0x3bd: {  	s29 =	sadd.s32 s15, s21;
	v15 =	vld [tilespmem:s4+$0x0]  }
0x3be: {  	s0 =	sadd.s32 s15, s0;
	v16 =	vld [tilespmem:s29+$0x0]  }
0x3bf: {  	v17 =	vld [tilespmem:s0+$0x0];
	_ =	sdelay $0x3  }
0x3c0: {  	v43 =	vmul.f32 $1.600000000e+01, v15;
	v44 =	vmul.f32 $1.600000000e+01, v16  }
0x3c1: {  	v45 =	vmul.f32 $1.600000000e+01, v17  }
0x3c2: {  	v18 =	vtrunc.f32 v43;
	v19 =	vtrunc.f32 v44  }
0x3c3: {  	v18 =	vcvt.f32.s32 v18;
	v19 =	vcvt.f32.s32 v19  }
0x3c4: {  	v20 =	vtrunc.f32 v45  }
0x3c5: {  	v20 =	vcvt.f32.s32 v20;
	v18 =	vshll.u32 v18, $0x8;
	v19 =	vshll.u32 v19, $0x4  }
0x3c6: {  	v18 =	vor.u32 v18, v19  }
0x3c7: {  	v18 =	vor.u32 v20, v18  }
0x3c8: {  	v46 =	vadd.s32 $0x1000, v18  }
0x3c9: {  	v20 =	vadd.s32 $0x2000, v18  }
0x3ca: {  	v47 =	vadd.s32 $0x3000, v18;
	_ =	sdelay $0x1  }
0x3cb: {  	[tilespmem:v18+s2+$0x0] =	vst.idx.add.f32.msk $0xffff, v15  }
0x3cc: {  	[tilespmem:v46+s2+$0x0] =	vst.idx.add.f32.msk $0xffff, v16  }
0x3cd: {  	[tilespmem:v20+s2+$0x0] =	vst.idx.add.f32.msk $0xffff, v17  }
0x3ce: {  	s4 =	sadd.s32 s15, s3;
	[tilespmem:v47+s2+$0x0] =	vst.idx.add.f32.msk $0xffff, v9  }
0x3cf: {  	s9 =	sadd.s32 s15, s9;
	v15 =	vld [tilespmem:s4+$0x0]  }
0x3d0: {  	s13 =	sadd.s32 s15, s13;
	v16 =	vld [tilespmem:s9+$0x0]  }
0x3d1: {  	v17 =	vld [tilespmem:s13+$0x0];
	_ =	sdelay $0x3  }
0x3d2: {  	v48 =	vmul.f32 $1.600000000e+01, v15;
	v49 =	vmul.f32 $1.600000000e+01, v16  }
0x3d3: {  	v50 =	vmul.f32 $1.600000000e+01, v17  }
0x3d4: {  	v18 =	vtrunc.f32 v48;
	v19 =	vtrunc.f32 v49  }
0x3d5: {  	v18 =	vcvt.f32.s32 v18;
	v19 =	vcvt.f32.s32 v19  }
0x3d6: {  	v20 =	vtrunc.f32 v50  }
0x3d7: {  	v20 =	vcvt.f32.s32 v20;
	v18 =	vshll.u32 v18, $0x8;
	v19 =	vshll.u32 v19, $0x4  }
0x3d8: {  	v18 =	vor.u32 v18, v19  }
0x3d9: {  	v18 =	vor.u32 v20, v18  }
0x3da: {  	v51 =	vadd.s32 $0x4000, v18  }
0x3db: {  	v20 =	vadd.s32 $0x5000, v18  }
0x3dc: {  	v52 =	vadd.s32 $0x6000, v18  }
0x3dd: {  	v18 =	vadd.s32 $0x7000, v18;
	_ =	sdelay $0x1  }
0x3de: {  	[tilespmem:v51+s2+$0x0] =	vst.idx.add.f32.msk $0xffff, v15  }
0x3df: {  	[tilespmem:v20+s2+$0x0] =	vst.idx.add.f32.msk $0xffff, v16  }
0x3e0: {  	[tilespmem:v52+s2+$0x0] =	vst.idx.add.f32.msk $0xffff, v17  }
0x3e1: {  	s19 =	sadd.s32 s15, s14;
	[tilespmem:v18+s2+$0x0] =	vst.idx.add.f32.msk $0xffff, v9  }
0x3e2: {  	s21 =	sadd.s32 s15, s22;
	v15 =	vld [tilespmem:s19+$0x0]  }
0x3e3: {  	s22 =	sadd.s32 s15, s16;
	v16 =	vld [tilespmem:s21+$0x0]  }
0x3e4: {  	v17 =	vld [tilespmem:s22+$0x0];
	_ =	sdelay $0x3  }
0x3e5: {  	v53 =	vmul.f32 $1.600000000e+01, v15;
	v54 =	vmul.f32 $1.600000000e+01, v16  }
0x3e6: {  	v55 =	vmul.f32 $1.600000000e+01, v17  }
0x3e7: {  	v18 =	vtrunc.f32 v53;
	v19 =	vtrunc.f32 v54  }
0x3e8: {  	v18 =	vcvt.f32.s32 v18;
	v19 =	vcvt.f32.s32 v19  }
0x3e9: {  	v20 =	vtrunc.f32 v55  }
0x3ea: {  	v20 =	vcvt.f32.s32 v20;
	v18 =	vshll.u32 v18, $0x8;
	v19 =	vshll.u32 v19, $0x4  }
0x3eb: {  	v18 =	vor.u32 v18, v19  }
0x3ec: {  	v18 =	vor.u32 v20, v18  }
0x3ed: {  	v56 =	vadd.s32 $0x8000, v18  }
0x3ee: {  	v20 =	vadd.s32 $0x9000, v18  }
0x3ef: {  	v57 =	vadd.s32 $0xA000, v18  }
0x3f0: {  	v18 =	vadd.s32 $0xB000, v18;
	_ =	sdelay $0x1  }
0x3f1: {  	[tilespmem:v56+s2+$0x0] =	vst.idx.add.f32.msk $0xffff, v15  }
0x3f2: {  	[tilespmem:v20+s2+$0x0] =	vst.idx.add.f32.msk $0xffff, v16  }
0x3f3: {  	[tilespmem:v57+s2+$0x0] =	vst.idx.add.f32.msk $0xffff, v17  }
0x3f4: {  	s25 =	sadd.s32 s15, s25;
	[tilespmem:v18+s2+$0x0] =	vst.idx.add.f32.msk $0xffff, v9  }
0x3f5: {  	s28 =	sadd.s32 s15, s26;
	v15 =	vld [tilespmem:s25+$0x0]  }
0x3f6: {  	s29 =	sadd.s32 s15, s18;
	v16 =	vld [tilespmem:s28+$0x0]  }
0x3f7: {  	v17 =	vld [tilespmem:s29+$0x0];
	_ =	sdelay $0x3  }
0x3f8: {  	v58 =	vmul.f32 $1.600000000e+01, v15;
	v59 =	vmul.f32 $1.600000000e+01, v16  }
0x3f9: {  	v60 =	vmul.f32 $1.600000000e+01, v17  }
0x3fa: {  	v18 =	vtrunc.f32 v58;
	v19 =	vtrunc.f32 v59  }
0x3fb: {  	v18 =	vcvt.f32.s32 v18;
	v19 =	vcvt.f32.s32 v19  }
0x3fc: {  	v20 =	vtrunc.f32 v60  }
0x3fd: {  	v20 =	vcvt.f32.s32 v20;
	v18 =	vshll.u32 v18, $0x8;
	v19 =	vshll.u32 v19, $0x4  }
0x3fe: {  	v18 =	vor.u32 v18, v19  }
0x3ff: {  	v18 =	vor.u32 v20, v18  }
0x400: {  	v61 =	vadd.s32 $0xC000, v18  }
0x401: {  	v20 =	vadd.s32 $0xD000, v18  }
0x402: {  	v62 =	vadd.s32 $0xE000, v18  }
0x403: {  	p3 =	sne.s32 s8, $0x1C0;
	v18 =	vadd.s32 $0xF000, v18  }
.Ltmp5:
0x404: {  	_ = 	snop;
	(pc) =	sbr.rel @p3 .LBB2_9-.Ltmp5, $4  }
0x405: {  	[tilespmem:v61+s2+$0x0] =	vst.idx.add.f32.msk $0xffff, v15  }
0x406: {  	[tilespmem:v20+s2+$0x0] =	vst.idx.add.f32.msk $0xffff, v16  }
0x407: {  	[tilespmem:v62+s2+$0x0] =	vst.idx.add.f32.msk $0xffff, v17  }
0x408: {  	s6 =	sadd.s32 $0x200, s6;
	s8 =	sadd.s32 $0x40, s8;
	[tilespmem:v18+s2+$0x0] =	vst.idx.add.f32.msk $0xffff, v9  }
0x409: {  	s30 =	sadd.s32 $0x1, s30  }
0x40a: {  	p3 =	sne.s32 s30, $0x14  }
.Ltmp6:
0x40b: {  	_ = 	snop;
	(pc) =	sbr.rel @p3 .LBB2_4-.Ltmp6, $1  }
0x40c: {  	_ =	sdelay $0x3  }
0x40d: {  	_ =	swait.ge [sflag:s31], $0x3000  }
0x40e: {  	[sflag:s31] =	ssyncset.done $0x0  }
0x40f: {  	s6 =	simm.s32 $0x0;
	s8 =	simm.s32 $0x0;
	[sflag:s31] =	ssyncadd.s32 $0xFFFFD000  }
.LBB2_12:
0x410: {  	s18 =	sand.u32 $0xC00, s6  }
0x411: {  	s15 =	sand.u32 $0x40, s8;
	s4 =	sor.u32 s7, s18;
	s26 =	sor.u32 $0x1000, s18  }
0x412: {  	s0 =	sadd.s32 s15, s4;
	s21 =	sor.u32 s7, s26  }
0x413: {  	s19 =	sor.u32 $0x2000, s18;
	v15 =	vld [tilespmem:s0+$0x0];
	s25 =	sadd.s32 s15, s21  }
0x414: {  	s0 =	sor.u32 s7, s19;
	v16 =	vld [tilespmem:s25+$0x0]  }
0x415: {  	s3 =	sadd.s32 s15, s0  }
0x416: {  	v17 =	vld [tilespmem:s3+$0x0];
	_ =	sdelay $0x1  }
0x417: {  	v18 =	vmul.f32 $1.600000000e+01, v15  }
0x418: {  	v19 =	vmul.f32 $1.600000000e+01, v16  }
0x419: {  	v18 =	vtrunc.f32 v18  }
0x41a: {  	v20 =	vmul.f32 $1.600000000e+01, v17;
	v19 =	vtrunc.f32 v19  }
0x41b: {  	v18 =	vcvt.f32.s32 v18;
	v19 =	vcvt.f32.s32 v19  }
0x41c: {  	v20 =	vtrunc.f32 v20  }
0x41d: {  	v20 =	vcvt.f32.s32 v20;
	v18 =	vshll.u32 v18, $0x8;
	v19 =	vshll.u32 v19, $0x4  }
0x41e: {  	v18 =	vor.u32 v18, v19  }
0x41f: {  	v18 =	vor.u32 v20, v18  }
0x420: {  	v27 =	vadd.s32 $0x1000, v18  }
0x421: {  	v20 =	vadd.s32 $0x2000, v18  }
0x422: {  	v21 =	vadd.s32 $0x3000, v18;
	_ =	sdelay $0x1  }
0x423: {  	[tilespmem:v18+s2+$0x0] =	vst.idx.add.f32.msk $0xffff, v15  }
0x424: {  	[tilespmem:v27+s2+$0x0] =	vst.idx.add.f32.msk $0xffff, v16  }
0x425: {  	s3 =	sor.u32 s10, s18;
	[tilespmem:v20+s2+$0x0] =	vst.idx.add.f32.msk $0xffff, v17  }
0x426: {  	s9 =	sor.u32 s10, s26;
	s13 =	sadd.s32 s15, s3;
	[tilespmem:v21+s2+$0x0] =	vst.idx.add.f32.msk $0xffff, v9  }
0x427: {  	s28 =	sadd.s32 s15, s9;
	v15 =	vld [tilespmem:s13+$0x0]  }
0x428: {  	v16 =	vld [tilespmem:s28+$0x0];
	s13 =	sor.u32 s10, s19  }
0x429: {  	s14 =	sadd.s32 s15, s13  }
0x42a: {  	v17 =	vld [tilespmem:s14+$0x0];
	_ =	sdelay $0x1  }
0x42b: {  	v28 =	vmul.f32 $1.600000000e+01, v15  }
0x42c: {  	v29 =	vmul.f32 $1.600000000e+01, v16  }
0x42d: {  	v18 =	vtrunc.f32 v28  }
0x42e: {  	v19 =	vtrunc.f32 v29;
	v30 =	vmul.f32 $1.600000000e+01, v17  }
0x42f: {  	v18 =	vcvt.f32.s32 v18;
	v19 =	vcvt.f32.s32 v19  }
0x430: {  	v20 =	vtrunc.f32 v30  }
0x431: {  	v20 =	vcvt.f32.s32 v20;
	v18 =	vshll.u32 v18, $0x8;
	v19 =	vshll.u32 v19, $0x4  }
0x432: {  	v18 =	vor.u32 v18, v19  }
0x433: {  	v18 =	vor.u32 v20, v18  }
0x434: {  	v31 =	vadd.s32 $0x4000, v18  }
0x435: {  	v20 =	vadd.s32 $0x5000, v18  }
0x436: {  	v32 =	vadd.s32 $0x6000, v18  }
0x437: {  	v18 =	vadd.s32 $0x7000, v18;
	_ =	sdelay $0x1  }
0x438: {  	[tilespmem:v31+s2+$0x0] =	vst.idx.add.f32.msk $0xffff, v15  }
0x439: {  	[tilespmem:v20+s2+$0x0] =	vst.idx.add.f32.msk $0xffff, v16  }
0x43a: {  	s14 =	sor.u32 s11, s18;
	[tilespmem:v32+s2+$0x0] =	vst.idx.add.f32.msk $0xffff, v17  }
0x43b: {  	s22 =	sor.u32 s11, s26;
	s16 =	sadd.s32 s15, s14;
	[tilespmem:v18+s2+$0x0] =	vst.idx.add.f32.msk $0xffff, v9  }
0x43c: {  	s29 =	sadd.s32 s15, s22;
	v15 =	vld [tilespmem:s16+$0x0]  }
0x43d: {  	v16 =	vld [tilespmem:s29+$0x0];
	s16 =	sor.u32 s11, s19  }
0x43e: {  	s25 =	sadd.s32 s15, s16  }
0x43f: {  	v17 =	vld [tilespmem:s25+$0x0];
	_ =	sdelay $0x1  }
0x440: {  	v33 =	vmul.f32 $1.600000000e+01, v15  }
0x441: {  	v34 =	vmul.f32 $1.600000000e+01, v16  }
0x442: {  	v18 =	vtrunc.f32 v33  }
0x443: {  	v19 =	vtrunc.f32 v34;
	v35 =	vmul.f32 $1.600000000e+01, v17  }
0x444: {  	v18 =	vcvt.f32.s32 v18;
	v19 =	vcvt.f32.s32 v19  }
0x445: {  	v20 =	vtrunc.f32 v35  }
0x446: {  	v20 =	vcvt.f32.s32 v20;
	v18 =	vshll.u32 v18, $0x8;
	v19 =	vshll.u32 v19, $0x4  }
0x447: {  	v18 =	vor.u32 v18, v19  }
0x448: {  	v18 =	vor.u32 v20, v18  }
0x449: {  	v36 =	vadd.s32 $0x8000, v18  }
0x44a: {  	v20 =	vadd.s32 $0x9000, v18  }
0x44b: {  	v37 =	vadd.s32 $0xA000, v18  }
0x44c: {  	v18 =	vadd.s32 $0xB000, v18;
	_ =	sdelay $0x1  }
0x44d: {  	[tilespmem:v36+s2+$0x0] =	vst.idx.add.f32.msk $0xffff, v15  }
0x44e: {  	[tilespmem:v20+s2+$0x0] =	vst.idx.add.f32.msk $0xffff, v16  }
0x44f: {  	s25 =	sor.u32 s12, s18;
	[tilespmem:v37+s2+$0x0] =	vst.idx.add.f32.msk $0xffff, v17  }
0x450: {  	s26 =	sor.u32 s12, s26;
	s18 =	sadd.s32 s15, s25;
	[tilespmem:v18+s2+$0x0] =	vst.idx.add.f32.msk $0xffff, v9  }
0x451: {  	s30 =	sadd.s32 s15, s26;
	v15 =	vld [tilespmem:s18+$0x0]  }
0x452: {  	v16 =	vld [tilespmem:s30+$0x0];
	s18 =	sor.u32 s12, s19  }
0x453: {  	s19 =	sadd.s32 s15, s18  }
0x454: {  	v17 =	vld [tilespmem:s19+$0x0];
	_ =	sdelay $0x1  }
0x455: {  	v38 =	vmul.f32 $1.600000000e+01, v15  }
0x456: {  	v39 =	vmul.f32 $1.600000000e+01, v16  }
0x457: {  	v18 =	vtrunc.f32 v38  }
0x458: {  	v19 =	vtrunc.f32 v39;
	v40 =	vmul.f32 $1.600000000e+01, v17  }
0x459: {  	v18 =	vcvt.f32.s32 v18;
	v19 =	vcvt.f32.s32 v19  }
0x45a: {  	v20 =	vtrunc.f32 v40  }
0x45b: {  	v20 =	vcvt.f32.s32 v20;
	v18 =	vshll.u32 v18, $0x8;
	v19 =	vshll.u32 v19, $0x4  }
0x45c: {  	v18 =	vor.u32 v18, v19  }
0x45d: {  	v18 =	vor.u32 v20, v18  }
0x45e: {  	v41 =	vadd.s32 $0xC000, v18  }
0x45f: {  	v20 =	vadd.s32 $0xD000, v18  }
0x460: {  	v42 =	vadd.s32 $0xE000, v18  }
0x461: {  	v18 =	vadd.s32 $0xF000, v18;
	_ =	sdelay $0x1  }
0x462: {  	[tilespmem:v41+s2+$0x0] =	vst.idx.add.f32.msk $0xffff, v15  }
0x463: {  	[tilespmem:v20+s2+$0x0] =	vst.idx.add.f32.msk $0xffff, v16  }
0x464: {  	s19 =	sor.u32 $0x10, s15;
	[tilespmem:v42+s2+$0x0] =	vst.idx.add.f32.msk $0xffff, v17  }
0x465: {  	s28 =	sadd.s32 s19, s4;
	[tilespmem:v18+s2+$0x0] =	vst.idx.add.f32.msk $0xffff, v9  }
0x466: {  	s1 =	sadd.s32 s19, s21;
	v15 =	vld [tilespmem:s28+$0x0]  }
0x467: {  	s29 =	sadd.s32 s19, s0;
	v16 =	vld [tilespmem:s1+$0x0]  }
0x468: {  	v17 =	vld [tilespmem:s29+$0x0];
	_ =	sdelay $0x3  }
0x469: {  	v43 =	vmul.f32 $1.600000000e+01, v15;
	v44 =	vmul.f32 $1.600000000e+01, v16  }
0x46a: {  	v45 =	vmul.f32 $1.600000000e+01, v17  }
0x46b: {  	v18 =	vtrunc.f32 v43;
	v19 =	vtrunc.f32 v44  }
0x46c: {  	v18 =	vcvt.f32.s32 v18;
	v19 =	vcvt.f32.s32 v19  }
0x46d: {  	v20 =	vtrunc.f32 v45  }
0x46e: {  	v20 =	vcvt.f32.s32 v20;
	v18 =	vshll.u32 v18, $0x8;
	v19 =	vshll.u32 v19, $0x4  }
0x46f: {  	v18 =	vor.u32 v18, v19  }
0x470: {  	v18 =	vor.u32 v20, v18  }
0x471: {  	v46 =	vadd.s32 $0x1000, v18  }
0x472: {  	v20 =	vadd.s32 $0x2000, v18  }
0x473: {  	v47 =	vadd.s32 $0x3000, v18;
	_ =	sdelay $0x1  }
0x474: {  	[tilespmem:v18+s2+$0x0] =	vst.idx.add.f32.msk $0xffff, v15  }
0x475: {  	[tilespmem:v46+s2+$0x0] =	vst.idx.add.f32.msk $0xffff, v16  }
0x476: {  	[tilespmem:v20+s2+$0x0] =	vst.idx.add.f32.msk $0xffff, v17  }
0x477: {  	s30 =	sadd.s32 s19, s3;
	[tilespmem:v47+s2+$0x0] =	vst.idx.add.f32.msk $0xffff, v9  }
0x478: {  	s1 =	sadd.s32 s19, s9;
	v15 =	vld [tilespmem:s30+$0x0]  }
0x479: {  	s29 =	sadd.s32 s19, s13;
	v16 =	vld [tilespmem:s1+$0x0]  }
0x47a: {  	v17 =	vld [tilespmem:s29+$0x0];
	_ =	sdelay $0x3  }
0x47b: {  	v48 =	vmul.f32 $1.600000000e+01, v15;
	v49 =	vmul.f32 $1.600000000e+01, v16  }
0x47c: {  	v50 =	vmul.f32 $1.600000000e+01, v17  }
0x47d: {  	v18 =	vtrunc.f32 v48;
	v19 =	vtrunc.f32 v49  }
0x47e: {  	v18 =	vcvt.f32.s32 v18;
	v19 =	vcvt.f32.s32 v19  }
0x47f: {  	v20 =	vtrunc.f32 v50  }
0x480: {  	v20 =	vcvt.f32.s32 v20;
	v18 =	vshll.u32 v18, $0x8;
	v19 =	vshll.u32 v19, $0x4  }
0x481: {  	v18 =	vor.u32 v18, v19  }
0x482: {  	v18 =	vor.u32 v20, v18  }
0x483: {  	v51 =	vadd.s32 $0x4000, v18  }
0x484: {  	v20 =	vadd.s32 $0x5000, v18  }
0x485: {  	v52 =	vadd.s32 $0x6000, v18  }
0x486: {  	v18 =	vadd.s32 $0x7000, v18;
	_ =	sdelay $0x1  }
0x487: {  	[tilespmem:v51+s2+$0x0] =	vst.idx.add.f32.msk $0xffff, v15  }
0x488: {  	[tilespmem:v20+s2+$0x0] =	vst.idx.add.f32.msk $0xffff, v16  }
0x489: {  	[tilespmem:v52+s2+$0x0] =	vst.idx.add.f32.msk $0xffff, v17  }
0x48a: {  	s30 =	sadd.s32 s19, s14;
	[tilespmem:v18+s2+$0x0] =	vst.idx.add.f32.msk $0xffff, v9  }
0x48b: {  	s1 =	sadd.s32 s19, s22;
	v15 =	vld [tilespmem:s30+$0x0]  }
0x48c: {  	s29 =	sadd.s32 s19, s16;
	v16 =	vld [tilespmem:s1+$0x0]  }
0x48d: {  	v17 =	vld [tilespmem:s29+$0x0];
	_ =	sdelay $0x3  }
0x48e: {  	v53 =	vmul.f32 $1.600000000e+01, v15;
	v54 =	vmul.f32 $1.600000000e+01, v16  }
0x48f: {  	v55 =	vmul.f32 $1.600000000e+01, v17  }
0x490: {  	v18 =	vtrunc.f32 v53;
	v19 =	vtrunc.f32 v54  }
0x491: {  	v18 =	vcvt.f32.s32 v18;
	v19 =	vcvt.f32.s32 v19  }
0x492: {  	v20 =	vtrunc.f32 v55  }
0x493: {  	v20 =	vcvt.f32.s32 v20;
	v18 =	vshll.u32 v18, $0x8;
	v19 =	vshll.u32 v19, $0x4  }
0x494: {  	v18 =	vor.u32 v18, v19  }
0x495: {  	v18 =	vor.u32 v20, v18  }
0x496: {  	v56 =	vadd.s32 $0x8000, v18  }
0x497: {  	v20 =	vadd.s32 $0x9000, v18  }
0x498: {  	v57 =	vadd.s32 $0xA000, v18  }
0x499: {  	v18 =	vadd.s32 $0xB000, v18;
	_ =	sdelay $0x1  }
0x49a: {  	[tilespmem:v56+s2+$0x0] =	vst.idx.add.f32.msk $0xffff, v15  }
0x49b: {  	[tilespmem:v20+s2+$0x0] =	vst.idx.add.f32.msk $0xffff, v16  }
0x49c: {  	[tilespmem:v57+s2+$0x0] =	vst.idx.add.f32.msk $0xffff, v17  }
0x49d: {  	s30 =	sadd.s32 s19, s25;
	[tilespmem:v18+s2+$0x0] =	vst.idx.add.f32.msk $0xffff, v9  }
0x49e: {  	s1 =	sadd.s32 s19, s26;
	v15 =	vld [tilespmem:s30+$0x0]  }
0x49f: {  	s19 =	sadd.s32 s19, s18;
	v16 =	vld [tilespmem:s1+$0x0]  }
0x4a0: {  	v17 =	vld [tilespmem:s19+$0x0];
	_ =	sdelay $0x3  }
0x4a1: {  	v58 =	vmul.f32 $1.600000000e+01, v15;
	v59 =	vmul.f32 $1.600000000e+01, v16  }
0x4a2: {  	v60 =	vmul.f32 $1.600000000e+01, v17  }
0x4a3: {  	v18 =	vtrunc.f32 v58;
	v19 =	vtrunc.f32 v59  }
0x4a4: {  	v18 =	vcvt.f32.s32 v18;
	v19 =	vcvt.f32.s32 v19  }
0x4a5: {  	v20 =	vtrunc.f32 v60  }
0x4a6: {  	v20 =	vcvt.f32.s32 v20;
	v18 =	vshll.u32 v18, $0x8;
	v19 =	vshll.u32 v19, $0x4  }
0x4a7: {  	v18 =	vor.u32 v18, v19  }
0x4a8: {  	v18 =	vor.u32 v20, v18  }
0x4a9: {  	v61 =	vadd.s32 $0xC000, v18  }
0x4aa: {  	v20 =	vadd.s32 $0xD000, v18  }
0x4ab: {  	v62 =	vadd.s32 $0xE000, v18  }
0x4ac: {  	v18 =	vadd.s32 $0xF000, v18;
	_ =	sdelay $0x1  }
0x4ad: {  	[tilespmem:v61+s2+$0x0] =	vst.idx.add.f32.msk $0xffff, v15  }
0x4ae: {  	[tilespmem:v20+s2+$0x0] =	vst.idx.add.f32.msk $0xffff, v16  }
0x4af: {  	s19 =	sor.u32 $0x20, s15;
	[tilespmem:v62+s2+$0x0] =	vst.idx.add.f32.msk $0xffff, v17  }
0x4b0: {  	s29 =	sadd.s32 s19, s4;
	[tilespmem:v18+s2+$0x0] =	vst.idx.add.f32.msk $0xffff, v9  }
0x4b1: {  	s30 =	sadd.s32 s19, s21;
	v15 =	vld [tilespmem:s29+$0x0]  }
0x4b2: {  	s1 =	sadd.s32 s19, s0;
	v16 =	vld [tilespmem:s30+$0x0]  }
0x4b3: {  	v17 =	vld [tilespmem:s1+$0x0];
	_ =	sdelay $0x3  }
0x4b4: {  	v23 =	vmul.f32 $1.600000000e+01, v15;
	v24 =	vmul.f32 $1.600000000e+01, v16  }
0x4b5: {  	v25 =	vmul.f32 $1.600000000e+01, v17  }
0x4b6: {  	v18 =	vtrunc.f32 v23;
	v19 =	vtrunc.f32 v24  }
0x4b7: {  	v18 =	vcvt.f32.s32 v18;
	v19 =	vcvt.f32.s32 v19  }
0x4b8: {  	v20 =	vtrunc.f32 v25  }
0x4b9: {  	v20 =	vcvt.f32.s32 v20;
	v18 =	vshll.u32 v18, $0x8;
	v19 =	vshll.u32 v19, $0x4  }
0x4ba: {  	v18 =	vor.u32 v18, v19  }
0x4bb: {  	v18 =	vor.u32 v20, v18  }
0x4bc: {  	v26 =	vadd.s32 $0x1000, v18  }
0x4bd: {  	v20 =	vadd.s32 $0x2000, v18  }
0x4be: {  	v27 =	vadd.s32 $0x3000, v18;
	_ =	sdelay $0x1  }
0x4bf: {  	[tilespmem:v18+s2+$0x0] =	vst.idx.add.f32.msk $0xffff, v15  }
0x4c0: {  	[tilespmem:v26+s2+$0x0] =	vst.idx.add.f32.msk $0xffff, v16  }
0x4c1: {  	[tilespmem:v20+s2+$0x0] =	vst.idx.add.f32.msk $0xffff, v17  }
0x4c2: {  	s29 =	sadd.s32 s19, s3;
	[tilespmem:v27+s2+$0x0] =	vst.idx.add.f32.msk $0xffff, v9  }
0x4c3: {  	s30 =	sadd.s32 s19, s9;
	v15 =	vld [tilespmem:s29+$0x0]  }
0x4c4: {  	s1 =	sadd.s32 s19, s13;
	v16 =	vld [tilespmem:s30+$0x0]  }
0x4c5: {  	v17 =	vld [tilespmem:s1+$0x0];
	_ =	sdelay $0x3  }
0x4c6: {  	v28 =	vmul.f32 $1.600000000e+01, v15;
	v29 =	vmul.f32 $1.600000000e+01, v16  }
0x4c7: {  	v30 =	vmul.f32 $1.600000000e+01, v17  }
0x4c8: {  	v18 =	vtrunc.f32 v28;
	v19 =	vtrunc.f32 v29  }
0x4c9: {  	v18 =	vcvt.f32.s32 v18;
	v19 =	vcvt.f32.s32 v19  }
0x4ca: {  	v20 =	vtrunc.f32 v30  }
0x4cb: {  	v20 =	vcvt.f32.s32 v20;
	v18 =	vshll.u32 v18, $0x8;
	v19 =	vshll.u32 v19, $0x4  }
0x4cc: {  	v18 =	vor.u32 v18, v19  }
0x4cd: {  	v18 =	vor.u32 v20, v18  }
0x4ce: {  	v31 =	vadd.s32 $0x4000, v18  }
0x4cf: {  	v20 =	vadd.s32 $0x5000, v18  }
0x4d0: {  	v32 =	vadd.s32 $0x6000, v18  }
0x4d1: {  	v18 =	vadd.s32 $0x7000, v18;
	_ =	sdelay $0x1  }
0x4d2: {  	[tilespmem:v31+s2+$0x0] =	vst.idx.add.f32.msk $0xffff, v15  }
0x4d3: {  	[tilespmem:v20+s2+$0x0] =	vst.idx.add.f32.msk $0xffff, v16  }
0x4d4: {  	[tilespmem:v32+s2+$0x0] =	vst.idx.add.f32.msk $0xffff, v17  }
0x4d5: {  	s29 =	sadd.s32 s19, s14;
	[tilespmem:v18+s2+$0x0] =	vst.idx.add.f32.msk $0xffff, v9  }
0x4d6: {  	s30 =	sadd.s32 s19, s22;
	v15 =	vld [tilespmem:s29+$0x0]  }
0x4d7: {  	s1 =	sadd.s32 s19, s16;
	v16 =	vld [tilespmem:s30+$0x0]  }
0x4d8: {  	v17 =	vld [tilespmem:s1+$0x0];
	_ =	sdelay $0x3  }
0x4d9: {  	v33 =	vmul.f32 $1.600000000e+01, v15;
	v34 =	vmul.f32 $1.600000000e+01, v16  }
0x4da: {  	v35 =	vmul.f32 $1.600000000e+01, v17  }
0x4db: {  	v18 =	vtrunc.f32 v33;
	v19 =	vtrunc.f32 v34  }
0x4dc: {  	v18 =	vcvt.f32.s32 v18;
	v19 =	vcvt.f32.s32 v19  }
0x4dd: {  	v20 =	vtrunc.f32 v35  }
0x4de: {  	v20 =	vcvt.f32.s32 v20;
	v18 =	vshll.u32 v18, $0x8;
	v19 =	vshll.u32 v19, $0x4  }
0x4df: {  	v18 =	vor.u32 v18, v19  }
0x4e0: {  	v18 =	vor.u32 v20, v18  }
0x4e1: {  	v36 =	vadd.s32 $0x8000, v18  }
0x4e2: {  	v20 =	vadd.s32 $0x9000, v18  }
0x4e3: {  	v37 =	vadd.s32 $0xA000, v18  }
0x4e4: {  	v18 =	vadd.s32 $0xB000, v18;
	_ =	sdelay $0x1  }
0x4e5: {  	[tilespmem:v36+s2+$0x0] =	vst.idx.add.f32.msk $0xffff, v15  }
0x4e6: {  	[tilespmem:v20+s2+$0x0] =	vst.idx.add.f32.msk $0xffff, v16  }
0x4e7: {  	[tilespmem:v37+s2+$0x0] =	vst.idx.add.f32.msk $0xffff, v17  }
0x4e8: {  	s29 =	sadd.s32 s19, s25;
	[tilespmem:v18+s2+$0x0] =	vst.idx.add.f32.msk $0xffff, v9  }
0x4e9: {  	s30 =	sadd.s32 s19, s26;
	v15 =	vld [tilespmem:s29+$0x0]  }
0x4ea: {  	s19 =	sadd.s32 s19, s18;
	v16 =	vld [tilespmem:s30+$0x0]  }
0x4eb: {  	v17 =	vld [tilespmem:s19+$0x0];
	_ =	sdelay $0x3  }
0x4ec: {  	v38 =	vmul.f32 $1.600000000e+01, v15;
	v39 =	vmul.f32 $1.600000000e+01, v16  }
0x4ed: {  	v40 =	vmul.f32 $1.600000000e+01, v17  }
0x4ee: {  	v18 =	vtrunc.f32 v38;
	v19 =	vtrunc.f32 v39  }
0x4ef: {  	v18 =	vcvt.f32.s32 v18;
	v19 =	vcvt.f32.s32 v19  }
0x4f0: {  	v20 =	vtrunc.f32 v40  }
0x4f1: {  	v20 =	vcvt.f32.s32 v20;
	v18 =	vshll.u32 v18, $0x8;
	v19 =	vshll.u32 v19, $0x4  }
0x4f2: {  	v18 =	vor.u32 v18, v19  }
0x4f3: {  	v18 =	vor.u32 v20, v18  }
0x4f4: {  	v41 =	vadd.s32 $0xC000, v18  }
0x4f5: {  	v20 =	vadd.s32 $0xD000, v18  }
0x4f6: {  	v42 =	vadd.s32 $0xE000, v18  }
0x4f7: {  	v18 =	vadd.s32 $0xF000, v18;
	_ =	sdelay $0x1  }
0x4f8: {  	[tilespmem:v41+s2+$0x0] =	vst.idx.add.f32.msk $0xffff, v15  }
0x4f9: {  	[tilespmem:v20+s2+$0x0] =	vst.idx.add.f32.msk $0xffff, v16  }
0x4fa: {  	s15 =	sor.u32 $0x30, s15;
	[tilespmem:v42+s2+$0x0] =	vst.idx.add.f32.msk $0xffff, v17  }
0x4fb: {  	s4 =	sadd.s32 s15, s4;
	[tilespmem:v18+s2+$0x0] =	vst.idx.add.f32.msk $0xffff, v9  }
0x4fc: {  	s1 =	sadd.s32 s15, s21;
	v15 =	vld [tilespmem:s4+$0x0]  }
0x4fd: {  	s0 =	sadd.s32 s15, s0;
	v16 =	vld [tilespmem:s1+$0x0]  }
0x4fe: {  	v17 =	vld [tilespmem:s0+$0x0];
	_ =	sdelay $0x3  }
0x4ff: {  	v43 =	vmul.f32 $1.600000000e+01, v15;
	v44 =	vmul.f32 $1.600000000e+01, v16  }
0x500: {  	v45 =	vmul.f32 $1.600000000e+01, v17  }
0x501: {  	v18 =	vtrunc.f32 v43;
	v19 =	vtrunc.f32 v44  }
0x502: {  	v18 =	vcvt.f32.s32 v18;
	v19 =	vcvt.f32.s32 v19  }
0x503: {  	v20 =	vtrunc.f32 v45  }
0x504: {  	v20 =	vcvt.f32.s32 v20;
	v18 =	vshll.u32 v18, $0x8;
	v19 =	vshll.u32 v19, $0x4  }
0x505: {  	v18 =	vor.u32 v18, v19  }
0x506: {  	v18 =	vor.u32 v20, v18  }
0x507: {  	v46 =	vadd.s32 $0x1000, v18  }
0x508: {  	v20 =	vadd.s32 $0x2000, v18  }
0x509: {  	v47 =	vadd.s32 $0x3000, v18;
	_ =	sdelay $0x1  }
0x50a: {  	[tilespmem:v18+s2+$0x0] =	vst.idx.add.f32.msk $0xffff, v15  }
0x50b: {  	[tilespmem:v46+s2+$0x0] =	vst.idx.add.f32.msk $0xffff, v16  }
0x50c: {  	[tilespmem:v20+s2+$0x0] =	vst.idx.add.f32.msk $0xffff, v17  }
0x50d: {  	s4 =	sadd.s32 s15, s3;
	[tilespmem:v47+s2+$0x0] =	vst.idx.add.f32.msk $0xffff, v9  }
0x50e: {  	s9 =	sadd.s32 s15, s9;
	v15 =	vld [tilespmem:s4+$0x0]  }
0x50f: {  	s13 =	sadd.s32 s15, s13;
	v16 =	vld [tilespmem:s9+$0x0]  }
0x510: {  	v17 =	vld [tilespmem:s13+$0x0];
	_ =	sdelay $0x3  }
0x511: {  	v48 =	vmul.f32 $1.600000000e+01, v15;
	v49 =	vmul.f32 $1.600000000e+01, v16  }
0x512: {  	v50 =	vmul.f32 $1.600000000e+01, v17  }
0x513: {  	v18 =	vtrunc.f32 v48;
	v19 =	vtrunc.f32 v49  }
0x514: {  	v18 =	vcvt.f32.s32 v18;
	v19 =	vcvt.f32.s32 v19  }
0x515: {  	v20 =	vtrunc.f32 v50  }
0x516: {  	v20 =	vcvt.f32.s32 v20;
	v18 =	vshll.u32 v18, $0x8;
	v19 =	vshll.u32 v19, $0x4  }
0x517: {  	v18 =	vor.u32 v18, v19  }
0x518: {  	v18 =	vor.u32 v20, v18  }
0x519: {  	v51 =	vadd.s32 $0x4000, v18  }
0x51a: {  	v20 =	vadd.s32 $0x5000, v18  }
0x51b: {  	v52 =	vadd.s32 $0x6000, v18  }
0x51c: {  	v18 =	vadd.s32 $0x7000, v18;
	_ =	sdelay $0x1  }
0x51d: {  	[tilespmem:v51+s2+$0x0] =	vst.idx.add.f32.msk $0xffff, v15  }
0x51e: {  	[tilespmem:v20+s2+$0x0] =	vst.idx.add.f32.msk $0xffff, v16  }
0x51f: {  	[tilespmem:v52+s2+$0x0] =	vst.idx.add.f32.msk $0xffff, v17  }
0x520: {  	s19 =	sadd.s32 s15, s14;
	[tilespmem:v18+s2+$0x0] =	vst.idx.add.f32.msk $0xffff, v9  }
0x521: {  	s21 =	sadd.s32 s15, s22;
	v15 =	vld [tilespmem:s19+$0x0]  }
0x522: {  	s22 =	sadd.s32 s15, s16;
	v16 =	vld [tilespmem:s21+$0x0]  }
0x523: {  	v17 =	vld [tilespmem:s22+$0x0];
	_ =	sdelay $0x3  }
0x524: {  	v53 =	vmul.f32 $1.600000000e+01, v15;
	v54 =	vmul.f32 $1.600000000e+01, v16  }
0x525: {  	v55 =	vmul.f32 $1.600000000e+01, v17  }
0x526: {  	v18 =	vtrunc.f32 v53;
	v19 =	vtrunc.f32 v54  }
0x527: {  	v18 =	vcvt.f32.s32 v18;
	v19 =	vcvt.f32.s32 v19  }
0x528: {  	v20 =	vtrunc.f32 v55  }
0x529: {  	v20 =	vcvt.f32.s32 v20;
	v18 =	vshll.u32 v18, $0x8;
	v19 =	vshll.u32 v19, $0x4  }
0x52a: {  	v18 =	vor.u32 v18, v19  }
0x52b: {  	v18 =	vor.u32 v20, v18  }
0x52c: {  	v56 =	vadd.s32 $0x8000, v18  }
0x52d: {  	v20 =	vadd.s32 $0x9000, v18  }
0x52e: {  	v57 =	vadd.s32 $0xA000, v18  }
0x52f: {  	v18 =	vadd.s32 $0xB000, v18;
	_ =	sdelay $0x1  }
0x530: {  	[tilespmem:v56+s2+$0x0] =	vst.idx.add.f32.msk $0xffff, v15  }
0x531: {  	[tilespmem:v20+s2+$0x0] =	vst.idx.add.f32.msk $0xffff, v16  }
0x532: {  	[tilespmem:v57+s2+$0x0] =	vst.idx.add.f32.msk $0xffff, v17  }
0x533: {  	s28 =	sadd.s32 s15, s25;
	[tilespmem:v18+s2+$0x0] =	vst.idx.add.f32.msk $0xffff, v9  }
0x534: {  	s29 =	sadd.s32 s15, s26;
	v15 =	vld [tilespmem:s28+$0x0]  }
0x535: {  	s30 =	sadd.s32 s15, s18;
	v16 =	vld [tilespmem:s29+$0x0]  }
0x536: {  	v17 =	vld [tilespmem:s30+$0x0];
	_ =	sdelay $0x3  }
0x537: {  	v58 =	vmul.f32 $1.600000000e+01, v15;
	v59 =	vmul.f32 $1.600000000e+01, v16  }
0x538: {  	v60 =	vmul.f32 $1.600000000e+01, v17  }
0x539: {  	v18 =	vtrunc.f32 v58;
	v19 =	vtrunc.f32 v59  }
0x53a: {  	v18 =	vcvt.f32.s32 v18;
	v19 =	vcvt.f32.s32 v19  }
0x53b: {  	v20 =	vtrunc.f32 v60  }
0x53c: {  	v20 =	vcvt.f32.s32 v20;
	v18 =	vshll.u32 v18, $0x8;
	v19 =	vshll.u32 v19, $0x4  }
0x53d: {  	v18 =	vor.u32 v18, v19  }
0x53e: {  	v18 =	vor.u32 v20, v18  }
0x53f: {  	v61 =	vadd.s32 $0xC000, v18  }
0x540: {  	v20 =	vadd.s32 $0xD000, v18  }
0x541: {  	v62 =	vadd.s32 $0xE000, v18  }
0x542: {  	p3 =	sne.s32 s8, $0x1C0;
	v18 =	vadd.s32 $0xF000, v18  }
.Ltmp7:
0x543: {  	_ = 	snop;
	(pc) =	sbr.rel @p3 .LBB2_12-.Ltmp7, $4  }
0x544: {  	[tilespmem:v61+s2+$0x0] =	vst.idx.add.f32.msk $0xffff, v15  }
0x545: {  	[tilespmem:v20+s2+$0x0] =	vst.idx.add.f32.msk $0xffff, v16  }
0x546: {  	[tilespmem:v62+s2+$0x0] =	vst.idx.add.f32.msk $0xffff, v17  }
0x547: {  	s6 =	sadd.s32 $0x200, s6;
	s8 =	sadd.s32 $0x40, s8;
	[tilespmem:v18+s2+$0x0] =	vst.idx.add.f32.msk $0xffff, v9  }
.Ltmp8:
0x548: {  	(pc) =	sbr.rel @p1 .LBB2_16-.Ltmp8, $1  }
0x549: {  	_ =	sdelay $0x3  }
0x54a: {  	s3 =	simm.s32 $0x0;
	s4 =	rddreg [dreg:$0xb]  }
0x54b: {  	[tilespmem:s3], [sflag:$0x4] =	stream.linear.gather [hbm4b:s4+s3], $0x400, $0x38;
	v63 =	vld [tilespmem:$0x0]  }
0x54c: {  	s6 =	simm.s32 $0x1000;
	s0 =	sadd.s32 $0x7A180, s4  }
0x54d: {  	[tilespmem:s6], [sflag:$0x4] =	stream.linear.gather [hbm4b:s0+s3], $0x400, $0x38;
	v63 =	vld [tilespmem:$0x0]  }
0x54e: {  	s1 =	simm.s32 $0x2000;
	s30 =	sadd.s32 $0xF4300, s4  }
0x54f: {  	[tilespmem:s1], [sflag:$0x4] =	stream.linear.gather [hbm4b:s30+s3], $0x400, $0x38;
	v63 =	vld [tilespmem:$0x0]  }
0x550: {  	_ =	swait.ge [sflag:s24], $0xC00  }
0x551: {  	s16 =	rddreg [dreg:$0xc]  }
0x552: {  	[sflag:s24] =	ssyncset.done $0x0;
	s18 =	rddreg [dreg:$0x14]  }
0x553: {  	s19 =	rddreg [dreg:$0x15];
	[sflag:s24] =	ssyncadd.s32 $0xFFFFF400  }
0x554: {  	s15 =	simm.s32 $0x400;
	s0 =	simm.s32 $0xFFFFFE00;
	s14 =	rddreg [dreg:$0x3]  }
.LBB2_15:
0x555: {  	s3 =	sshra.s32 s0, $0x2  }
0x556: {  	v15 =	vld.idx.msk [tilespmem:v4+s3+$0xFFFFEF80 ss:$0x1], $0xffff  }
0x557: {  	v16 =	vld.idx.msk [tilespmem:v4+s3+$0xFFFFFF80 ss:$0x1], $0xffff  }
0x558: {  	v17 =	vld.idx.msk [tilespmem:v4+s3+$0xF80 ss:$0x1], $0xffff;
	_ =	sdelay $0x3  }
0x559: {  	v18 =	vmul.f32 $1.600000000e+01, v15;
	v19 =	vmul.f32 $1.600000000e+01, v16  }
0x55a: {  	v20 =	vmul.f32 $1.600000000e+01, v17  }
0x55b: {  	v18 =	vtrunc.f32 v18;
	v19 =	vtrunc.f32 v19  }
0x55c: {  	v18 =	vcvt.f32.s32 v18;
	v19 =	vcvt.f32.s32 v19  }
0x55d: {  	v20 =	vtrunc.f32 v20  }
0x55e: {  	v20 =	vcvt.f32.s32 v20;
	v18 =	vshll.u32 v18, $0x8;
	v19 =	vshll.u32 v19, $0x4  }
0x55f: {  	v18 =	vor.u32 v18, v19  }
0x560: {  	v18 =	vor.u32 v20, v18  }
0x561: {  	v47 =	vadd.s32 $0x1000, v18  }
0x562: {  	v20 =	vadd.s32 $0x2000, v18  }
0x563: {  	v21 =	vadd.s32 $0x3000, v18;
	_ =	sdelay $0x1  }
0x564: {  	[tilespmem:v18+s2+$0x0] =	vst.idx.add.f32.msk $0xffff, v15  }
0x565: {  	[tilespmem:v47+s2+$0x0] =	vst.idx.add.f32.msk $0xffff, v16  }
0x566: {  	[tilespmem:v20+s2+$0x0] =	vst.idx.add.f32.msk $0xffff, v17  }
0x567: {  	[tilespmem:v21+s2+$0x0] =	vst.idx.add.f32.msk $0xffff, v9  }
0x568: {  	v15 =	vld.idx.msk [tilespmem:v4+s3+$0xFFFFF000 ss:$0x1], $0xffff  }
0x569: {  	v16 =	vld.idx.msk [tilespmem:v4+s3+$0x0 ss:$0x1], $0xffff  }
0x56a: {  	v17 =	vld.idx.msk [tilespmem:v4+s3+$0x1000 ss:$0x1], $0xffff;
	_ =	sdelay $0x3  }
0x56b: {  	v48 =	vmul.f32 $1.600000000e+01, v15;
	v49 =	vmul.f32 $1.600000000e+01, v16  }
0x56c: {  	v50 =	vmul.f32 $1.600000000e+01, v17  }
0x56d: {  	v18 =	vtrunc.f32 v48;
	v19 =	vtrunc.f32 v49  }
0x56e: {  	v18 =	vcvt.f32.s32 v18;
	v19 =	vcvt.f32.s32 v19  }
0x56f: {  	v20 =	vtrunc.f32 v50  }
0x570: {  	v20 =	vcvt.f32.s32 v20;
	v18 =	vshll.u32 v18, $0x8;
	v19 =	vshll.u32 v19, $0x4  }
0x571: {  	v18 =	vor.u32 v18, v19  }
0x572: {  	v18 =	vor.u32 v20, v18  }
0x573: {  	v51 =	vadd.s32 $0x4000, v18  }
0x574: {  	v20 =	vadd.s32 $0x5000, v18  }
0x575: {  	v52 =	vadd.s32 $0x6000, v18  }
0x576: {  	v18 =	vadd.s32 $0x7000, v18;
	_ =	sdelay $0x1  }
0x577: {  	[tilespmem:v51+s2+$0x0] =	vst.idx.add.f32.msk $0xffff, v15  }
0x578: {  	[tilespmem:v20+s2+$0x0] =	vst.idx.add.f32.msk $0xffff, v16  }
0x579: {  	[tilespmem:v52+s2+$0x0] =	vst.idx.add.f32.msk $0xffff, v17  }
0x57a: {  	[tilespmem:v18+s2+$0x0] =	vst.idx.add.f32.msk $0xffff, v9  }
0x57b: {  	v15 =	vld.idx.msk [tilespmem:v4+s3+$0xFFFFF080 ss:$0x1], $0xffff  }
0x57c: {  	v16 =	vld.idx.msk [tilespmem:v4+s3+$0x80 ss:$0x1], $0xffff  }
0x57d: {  	v17 =	vld.idx.msk [tilespmem:v4+s3+$0x1080 ss:$0x1], $0xffff;
	_ =	sdelay $0x3  }
0x57e: {  	v53 =	vmul.f32 $1.600000000e+01, v15;
	v54 =	vmul.f32 $1.600000000e+01, v16  }
0x57f: {  	v55 =	vmul.f32 $1.600000000e+01, v17  }
0x580: {  	v18 =	vtrunc.f32 v53;
	v19 =	vtrunc.f32 v54  }
0x581: {  	v18 =	vcvt.f32.s32 v18;
	v19 =	vcvt.f32.s32 v19  }
0x582: {  	v20 =	vtrunc.f32 v55  }
0x583: {  	v20 =	vcvt.f32.s32 v20;
	v18 =	vshll.u32 v18, $0x8;
	v19 =	vshll.u32 v19, $0x4  }
0x584: {  	v18 =	vor.u32 v18, v19  }
0x585: {  	v18 =	vor.u32 v20, v18  }
0x586: {  	v56 =	vadd.s32 $0x8000, v18  }
0x587: {  	v20 =	vadd.s32 $0x9000, v18  }
0x588: {  	v57 =	vadd.s32 $0xA000, v18  }
0x589: {  	v18 =	vadd.s32 $0xB000, v18;
	_ =	sdelay $0x1  }
0x58a: {  	[tilespmem:v56+s2+$0x0] =	vst.idx.add.f32.msk $0xffff, v15  }
0x58b: {  	[tilespmem:v20+s2+$0x0] =	vst.idx.add.f32.msk $0xffff, v16  }
0x58c: {  	[tilespmem:v57+s2+$0x0] =	vst.idx.add.f32.msk $0xffff, v17  }
0x58d: {  	[tilespmem:v18+s2+$0x0] =	vst.idx.add.f32.msk $0xffff, v9  }
0x58e: {  	v15 =	vld.idx.msk [tilespmem:v4+s3+$0xFFFFF100 ss:$0x1], $0xffff  }
0x58f: {  	v16 =	vld.idx.msk [tilespmem:v4+s3+$0x100 ss:$0x1], $0xffff  }
0x590: {  	v17 =	vld.idx.msk [tilespmem:v4+s3+$0x1100 ss:$0x1], $0xffff;
	_ =	sdelay $0x3  }
0x591: {  	v58 =	vmul.f32 $1.600000000e+01, v15;
	v59 =	vmul.f32 $1.600000000e+01, v16  }
0x592: {  	v60 =	vmul.f32 $1.600000000e+01, v17  }
0x593: {  	v18 =	vtrunc.f32 v58;
	v19 =	vtrunc.f32 v59  }
0x594: {  	v18 =	vcvt.f32.s32 v18;
	v19 =	vcvt.f32.s32 v19  }
0x595: {  	v20 =	vtrunc.f32 v60  }
0x596: {  	v20 =	vcvt.f32.s32 v20;
	v18 =	vshll.u32 v18, $0x8;
	v19 =	vshll.u32 v19, $0x4  }
0x597: {  	v18 =	vor.u32 v18, v19  }
0x598: {  	v18 =	vor.u32 v20, v18  }
0x599: {  	v61 =	vadd.s32 $0xC000, v18  }
0x59a: {  	v20 =	vadd.s32 $0xD000, v18  }
0x59b: {  	v62 =	vadd.s32 $0xE000, v18  }
0x59c: {  	p3 =	seq.s32 s0, $0xFFFFFFC0;
	v18 =	vadd.s32 $0xF000, v18  }
.Ltmp9:
0x59d: {  	_ = 	snop;
	(pc) =	sbr.rel @!p3 .LBB2_15-.Ltmp9, $4  }
0x59e: {  	[tilespmem:v61+s2+$0x0] =	vst.idx.add.f32.msk $0xffff, v15  }
0x59f: {  	[tilespmem:v20+s2+$0x0] =	vst.idx.add.f32.msk $0xffff, v16  }
0x5a0: {  	[tilespmem:v62+s2+$0x0] =	vst.idx.add.f32.msk $0xffff, v17  }
0x5a1: {  	s0 =	sadd.s32 $0x40, s0;
	[tilespmem:v18+s2+$0x0] =	vst.idx.add.f32.msk $0xffff, v9  }
.Ltmp10:
0x5a2: {  	_ = 	snop;
	(pc) =	sbr.rel .LBB2_19-.Ltmp10, $1  }
0x5a3: {  	_ =	sdelay $0x3  }
.LBB2_16:
.Ltmp11:
0x5a4: {  	(pc) =	sbr.rel @p2 .LBB2_19-.Ltmp11, $4  }
0x5a5: {  	s14 =	rddreg [dreg:$0x3]  }
0x5a6: {  	s16 =	rddreg [dreg:$0xc]  }
0x5a7: {  	s18 =	rddreg [dreg:$0x14]  }
0x5a8: {  	s19 =	rddreg [dreg:$0x15];
	s15 =	simm.s32 $0x400  }
0x5a9: {  	s0 =	simm.s32 $0x0;
	s3 =	rddreg [dreg:$0x5]  }
0x5aa: {  	[tilespmem:s0], [sflag:$0x4] =	stream.linear.gather [hbm4b:s3+s0], $0x400, $0x38;
	v63 =	vld [tilespmem:$0x0]  }
0x5ab: {  	s29 =	rddreg [dreg:$0x12];
	s4 =	simm.s32 $0x1000  }
0x5ac: {  	[tilespmem:s4], [sflag:$0x4] =	stream.linear.gather [hbm4b:s29+s0], $0x400, $0x38;
	v63 =	vld [tilespmem:$0x0]  }
0x5ad: {  	s30 =	rddreg [dreg:$0x13];
	s1 =	simm.s32 $0x2000  }
0x5ae: {  	[tilespmem:s1], [sflag:$0x4] =	stream.linear.gather [hbm4b:s30+s0], $0x400, $0x38;
	v63 =	vld [tilespmem:$0x0]  }
0x5af: {  	_ =	swait.ge [sflag:s24], $0xC00  }
0x5b0: {  	[sflag:s24] =	ssyncset.done $0x0  }
0x5b1: {  	p3 =	por $0x1, $0x1;
	[sflag:s24] =	ssyncadd.s32 $0xFFFFF400  }
.LBB2_18:
0x5b2: {  	v15 =	vld.idx.msk [tilespmem:v11+s0+$0x0 ss:$0x1], $0xffff  }
0x5b3: {  	v16 =	vld.idx.msk [tilespmem:v0+s0+$0x0 ss:$0x1], $0xffff  }
0x5b4: {  	v17 =	vld.idx.msk [tilespmem:v1+s0+$0x0 ss:$0x1], $0xffff;
	_ =	sdelay $0x3  }
0x5b5: {  	v18 =	vmul.f32 $1.600000000e+01, v15;
	v19 =	vmul.f32 $1.600000000e+01, v16  }
0x5b6: {  	v20 =	vmul.f32 $1.600000000e+01, v17  }
0x5b7: {  	v18 =	vtrunc.f32 v18;
	v19 =	vtrunc.f32 v19  }
0x5b8: {  	v18 =	vcvt.f32.s32 v18;
	v19 =	vcvt.f32.s32 v19  }
0x5b9: {  	v20 =	vtrunc.f32 v20  }
0x5ba: {  	v20 =	vcvt.f32.s32 v20;
	v18 =	vshll.u32 v18, $0x8;
	v19 =	vshll.u32 v19, $0x4  }
0x5bb: {  	v18 =	vor.u32 v18, v19  }
0x5bc: {  	v18 =	vor.u32 v20, v18  }
0x5bd: {  	v47 =	vadd.s32 $0x1000, v18  }
0x5be: {  	v20 =	vadd.s32 $0x2000, v18  }
0x5bf: {  	v21 =	vadd.s32 $0x3000, v18;
	_ =	sdelay $0x1  }
0x5c0: {  	[tilespmem:v18+s2+$0x0] =	vst.idx.add.f32.msk $0xffff, v15  }
0x5c1: {  	[tilespmem:v47+s2+$0x0] =	vst.idx.add.f32.msk $0xffff, v16  }
0x5c2: {  	[tilespmem:v20+s2+$0x0] =	vst.idx.add.f32.msk $0xffff, v17  }
0x5c3: {  	[tilespmem:v21+s2+$0x0] =	vst.idx.add.f32.msk $0xffff, v9  }
0x5c4: {  	v15 =	vld.idx.msk [tilespmem:v12+s0+$0x0 ss:$0x1], $0xffff  }
0x5c5: {  	v16 =	vld.idx.msk [tilespmem:v2+s0+$0x0 ss:$0x1], $0xffff  }
0x5c6: {  	v17 =	vld.idx.msk [tilespmem:v3+s0+$0x0 ss:$0x1], $0xffff;
	_ =	sdelay $0x3  }
0x5c7: {  	v48 =	vmul.f32 $1.600000000e+01, v15;
	v49 =	vmul.f32 $1.600000000e+01, v16  }
0x5c8: {  	v50 =	vmul.f32 $1.600000000e+01, v17  }
0x5c9: {  	v18 =	vtrunc.f32 v48;
	v19 =	vtrunc.f32 v49  }
0x5ca: {  	v18 =	vcvt.f32.s32 v18;
	v19 =	vcvt.f32.s32 v19  }
0x5cb: {  	v20 =	vtrunc.f32 v50  }
0x5cc: {  	v20 =	vcvt.f32.s32 v20;
	v18 =	vshll.u32 v18, $0x8;
	v19 =	vshll.u32 v19, $0x4  }
0x5cd: {  	v18 =	vor.u32 v18, v19  }
0x5ce: {  	v18 =	vor.u32 v20, v18  }
0x5cf: {  	v51 =	vadd.s32 $0x4000, v18  }
0x5d0: {  	v20 =	vadd.s32 $0x5000, v18  }
0x5d1: {  	v52 =	vadd.s32 $0x6000, v18  }
0x5d2: {  	v18 =	vadd.s32 $0x7000, v18;
	_ =	sdelay $0x1  }
0x5d3: {  	[tilespmem:v51+s2+$0x0] =	vst.idx.add.f32.msk $0xffff, v15  }
0x5d4: {  	[tilespmem:v20+s2+$0x0] =	vst.idx.add.f32.msk $0xffff, v16  }
0x5d5: {  	[tilespmem:v52+s2+$0x0] =	vst.idx.add.f32.msk $0xffff, v17  }
0x5d6: {  	[tilespmem:v18+s2+$0x0] =	vst.idx.add.f32.msk $0xffff, v9  }
0x5d7: {  	v15 =	vld.idx.msk [tilespmem:v13+s0+$0x0 ss:$0x1], $0xffff  }
0x5d8: {  	v16 =	vld.idx.msk [tilespmem:v4+s0+$0x0 ss:$0x1], $0xffff  }
0x5d9: {  	v17 =	vld.idx.msk [tilespmem:v5+s0+$0x0 ss:$0x1], $0xffff;
	_ =	sdelay $0x3  }
0x5da: {  	v53 =	vmul.f32 $1.600000000e+01, v15;
	v54 =	vmul.f32 $1.600000000e+01, v16  }
0x5db: {  	v55 =	vmul.f32 $1.600000000e+01, v17  }
0x5dc: {  	v18 =	vtrunc.f32 v53;
	v19 =	vtrunc.f32 v54  }
0x5dd: {  	v18 =	vcvt.f32.s32 v18;
	v19 =	vcvt.f32.s32 v19  }
0x5de: {  	v20 =	vtrunc.f32 v55  }
0x5df: {  	v20 =	vcvt.f32.s32 v20;
	v18 =	vshll.u32 v18, $0x8;
	v19 =	vshll.u32 v19, $0x4  }
0x5e0: {  	v18 =	vor.u32 v18, v19  }
0x5e1: {  	v18 =	vor.u32 v20, v18  }
0x5e2: {  	v56 =	vadd.s32 $0x8000, v18  }
0x5e3: {  	v20 =	vadd.s32 $0x9000, v18  }
0x5e4: {  	v57 =	vadd.s32 $0xA000, v18  }
0x5e5: {  	v18 =	vadd.s32 $0xB000, v18;
	_ =	sdelay $0x1  }
0x5e6: {  	[tilespmem:v56+s2+$0x0] =	vst.idx.add.f32.msk $0xffff, v15  }
0x5e7: {  	[tilespmem:v20+s2+$0x0] =	vst.idx.add.f32.msk $0xffff, v16  }
0x5e8: {  	[tilespmem:v57+s2+$0x0] =	vst.idx.add.f32.msk $0xffff, v17  }
0x5e9: {  	[tilespmem:v18+s2+$0x0] =	vst.idx.add.f32.msk $0xffff, v9  }
0x5ea: {  	v15 =	vld.idx.msk [tilespmem:v14+s0+$0x0 ss:$0x1], $0xffff  }
0x5eb: {  	v16 =	vld.idx.msk [tilespmem:v6+s0+$0x0 ss:$0x1], $0xffff  }
0x5ec: {  	v17 =	vld.idx.msk [tilespmem:v7+s0+$0x0 ss:$0x1], $0xffff;
	_ =	sdelay $0x3  }
0x5ed: {  	v58 =	vmul.f32 $1.600000000e+01, v15;
	v59 =	vmul.f32 $1.600000000e+01, v16  }
0x5ee: {  	v60 =	vmul.f32 $1.600000000e+01, v17  }
0x5ef: {  	v18 =	vtrunc.f32 v58;
	v19 =	vtrunc.f32 v59  }
0x5f0: {  	v18 =	vcvt.f32.s32 v18;
	v19 =	vcvt.f32.s32 v19  }
0x5f1: {  	v20 =	vtrunc.f32 v60  }
0x5f2: {  	v20 =	vcvt.f32.s32 v20;
	v18 =	vshll.u32 v18, $0x8;
	v19 =	vshll.u32 v19, $0x4  }
0x5f3: {  	v18 =	vor.u32 v18, v19  }
0x5f4: {  	v18 =	vor.u32 v20, v18  }
0x5f5: {  	v61 =	vadd.s32 $0xC000, v18  }
0x5f6: {  	v20 =	vadd.s32 $0xD000, v18  }
0x5f7: {  	v62 =	vadd.s32 $0xE000, v18  }
0x5f8: {  	p4 =	por p3, p3;
	v18 =	vadd.s32 $0xF000, v18  }
.Ltmp12:
0x5f9: {  	_ = 	snop;
	(pc) =	sbr.rel @p4 .LBB2_18-.Ltmp12, $4  }
0x5fa: {  	[tilespmem:v61+s2+$0x0] =	vst.idx.add.f32.msk $0xffff, v15  }
0x5fb: {  	[tilespmem:v20+s2+$0x0] =	vst.idx.add.f32.msk $0xffff, v16  }
0x5fc: {  	[tilespmem:v62+s2+$0x0] =	vst.idx.add.f32.msk $0xffff, v17  }
0x5fd: {  	p3 =	por $0x0, $0x0;
	s0 =	simm.s32 $0x10;
	[tilespmem:v18+s2+$0x0] =	vst.idx.add.f32.msk $0xffff, v9  }
.LBB2_19:
0x5fe: {  	s0 =	simm.s32 $0x0;
	s3 =	simm.s32 $0x0;
	s1 =	simm.s32 $0x80  }
.LBB2_20:
0x5ff: {  	s4 =	sadd.s32 s3, s18  }
0x600: {  	s4 =	sshll.u32 s4, $0xC  }
0x601: {  	s4 =	sand.u32 $0xF000, s4  }
0x602: {  	s28 =	ssub.s32 s19, s3;
	s4 =	sadd.s32 $0x9000, s4  }
0x603: {  	[spmem:s16] =	stream.strided.scatter [tilespmem:s4], [sflag:$0x4], $0x1000, s15, s1, $0x38;
	v63 =	vld [tilespmem:$0x0]  }
0x604: {  	s6 =	sshll.u32 s28, $0xC;
	_ =	swait.ge [sflag:s24], $0x1000  }
0x605: {  	s6 =	sand.u32 $0x8000, s6;
	s4 =	sshll.u32 s28, $0x7;
	[sflag:s24] =	ssyncset.done $0x0  }
0x606: {  	s6 =	sadd.s32 s6, s14;
	s4 =	sand.u32 $0x380, s4;
	[sflag:s24] =	ssyncadd.s32 $0xFFFFF000  }
0x607: {  	s29 =	simm.s32 $0x19000;
	s4 =	sadd.s32 s4, s6;
	[bflag:$0x0] =	sbarrier.arrive $0xFFFF  }
0x608: {  	[tilespmem:s29], [sflag:$0x4] =	stream.strided.gather [spmem:s4], $0x1000, s15, s1, $0x38;
	v63 =	vld [tilespmem:$0x0]  }
0x609: {  	_ =	swait.ge [sflag:s24], $0x1000  }
0x60a: {  	[sflag:s24] =	ssyncset.done $0x0  }
0x60b: {  	s30 =	sand.u32 $0xF80, s0;
	[sflag:s24] =	ssyncadd.s32 $0xFFFFF000  }
0x60c: {  	s8 =	sand.u32 $0x70, s0;
	s4 =	sadd.s32 s30, s17;
	[bflag:$0x0] =	sbarrier.arrive $0xFFFF  }
0x60d: {  	s4 =	sadd.s32 s8, s4;
	v15 =	vld [tilespmem:s29+$0x0]  }
0x60e: {  	v16 =	vld [tilespmem:s4+$0x0];
	_ =	sdelay $0x4  }
0x60f: {  	s9 =	simm.s32 $0x10;
	v15 =	vadd.f32 v15, v16  }
0x610: {  	s13 =	sand.u32 $0xF80, s9;
	s6 =	simm.s32 $0x19010;
	s8 =	simm.s32 $0x20  }
.LBB2_21:
0x611: {  	p3 =	sne.s32 s8, $0xFF0;
	s9 =	sand.u32 $0x70, s9;
	s13 =	sadd.s32 s13, s17;
	[tilespmem:s4+$0x0] =	vst v15  }
0x612: {  	s4 =	sadd.s32 s9, s13;
	v15 =	vld [tilespmem:s6+$0x0];
	s9 =	smov.u32 s8  }
0x613: {  	v16 =	vld [tilespmem:s4+$0x0];
	_ =	sdelay $0x1  }
.Ltmp13:
0x614: {  	(pc) =	sbr.rel @p3 .LBB2_21-.Ltmp13, $3  }
0x615: {  	_ =	sdelay $0x1  }
0x616: {  	v15 =	vadd.f32 v15, v16  }
0x617: {  	s8 =	sadd.s32 $0x10, s8;
	s6 =	sadd.s32 $0x10, s6;
	s13 =	sand.u32 $0xF80, s9  }
0x618: {  	s8 =	sand.u32 $0x70, s9;
	s29 =	sadd.s32 s13, s17;
	[tilespmem:s4+$0x0] =	vst v15  }
0x619: {  	s30 =	sadd.s32 s8, s29;
	v15 =	vld [tilespmem:s6+$0x0]  }
0x61a: {  	v16 =	vld [tilespmem:s30+$0x0]  }
0x61b: {  	s3 =	sadd.s32 $0x1, s3  }
0x61c: {  	p3 =	sne.s32 s3, $0xF  }
.Ltmp14:
0x61d: {  	_ = 	snop;
	(pc) =	sbr.rel @p3 .LBB2_20-.Ltmp14, $3  }
0x61e: {  	_ = 	snop  }
0x61f: {  	v15 =	vadd.f32 v15, v16;
	_ =	sdelay $0x1  }
0x620: {  	[tilespmem:s30+$0x0] =	vst v15  }
0x621: {  	[spmem:s16] =	stream.strided.scatter [tilespmem:s17], [sflag:$0x4], $0x1000, s15, s1, $0x38;
	v63 =	vld [tilespmem:$0x0]  }
.Ltmp15:
0x622: {  	_ =	swait.ge [sflag:s24], $0x1000;
	(pc) =	sbr.rel @p0 .LBB2_27-.Ltmp15, $4  }
0x623: {  	[sflag:s24] =	ssyncset.done $0x0  }
0x624: {  	[sflag:s24] =	ssyncadd.s32 $0xFFFFF000  }
0x625: {  	[bflag:$0x0] =	sbarrier.arrive $0xFFFF  }
0x626: {  	s3 =	rddreg [dreg:$0x16]  }
0x627: {  	s3 =	simm.s32 $0x19000;
	s0 =	rddreg [dreg:$0xd]  }
0x628: {  	[tilespmem:s3], [sflag:$0x4] =	stream.strided.gather [spmem:s0], $0x1000, s15, s1, $0x38;
	v63 =	vld [tilespmem:$0x0]  }
0x629: {  	_ =	swait.ge [sflag:s24], $0x1000  }
0x62a: {  	[sflag:s24] =	ssyncset.done $0x0  }
0x62b: {  	s4 =	simm.s32 $0x1A000;
	s26 =	rddreg [dreg:$0xf];
	[sflag:s24] =	ssyncadd.s32 $0xFFFFF000  }
0x62c: {  	[tilespmem:s4], [sflag:$0x4] =	stream.strided.gather [spmem:s26], $0x1000, s15, s1, $0x38;
	v63 =	vld [tilespmem:$0x0]  }
0x62d: {  	_ =	swait.ge [sflag:s24], $0x1000  }
0x62e: {  	[sflag:s24] =	ssyncset.done $0x0  }
0x62f: {  	s6 =	simm.s32 $0x1B000;
	s28 =	rddreg [dreg:$0x10];
	[sflag:s24] =	ssyncadd.s32 $0xFFFFF000  }
0x630: {  	[tilespmem:s6], [sflag:$0x4] =	stream.strided.gather [spmem:s28], $0x1000, s15, s1, $0x38;
	v63 =	vld [tilespmem:$0x0]  }
0x631: {  	s0 =	simm.s32 $0x0;
	_ =	swait.ge [sflag:s24], $0x1000  }
0x632: {  	s29 =	sand.u32 $0xF80, s0;
	s8 =	sand.u32 $0x70, s0;
	[sflag:s24] =	ssyncset.done $0x0  }
0x633: {  	s9 =	sor.u32 s8, s29;
	[sflag:s24] =	ssyncadd.s32 $0xFFFFF000  }
0x634: {  	v16 =	vld [tilespmem:s9+$0x1B000];
	_ =	sdelay $0x4  }
0x635: {  	v15 =	vmax.f32 v16, $1.000000000e+00  }
0x636: {  	(erf) = vrcp.f32 v15;
	_ =	sdelay $0x2  }
0x637: {  	s6 =	sadd.s32 s29, s17  }
0x638: {  	s6 =	sadd.s32 s8, s6  }
0x639: {  	v17 =	vld [tilespmem:s6+$0x0];
	_ =	sdelay $0x2  }
0x63a: {  	v20 =	vadd.s32 s0, v10;
	v18 =	vld [tilespmem:s3+$0x0]  }
0x63b: {  	v19 =	vld [tilespmem:s4+$0x0];
	v22 =	vpop (erf)  }
0x63c: {  	v15 =	vadd.s32 $0x1, v10;
	v17 =	vmul.f32 v22, v17  }
0x63d: {  	vm0 =	vgt.f32 v16, $1.000000000e+00;
	v21 =	vadd.s32 s0, v15  }
0x63e: {  	v16 =	vadd.s32 $0x2, v10;
	v17 =	vnsel vm0, $0x0, v17  }
0x63f: {  	v18 =	vmul.f32 v22, v18;
	[tilespmem:v20+s20+$0x0] =	vst.idx.msk $0xffff, v17;
	v17 =	vadd.s32 s0, v16  }
0x640: {  	s30 =	simm.s32 $0x10;
	v19 =	vmul.f32 v22, v19  }
0x641: {  	s8 =	sand.u32 $0xF80, s30;
	s9 =	simm.s32 $0x20;
	v18 =	vnsel vm0, $0x0, v18  }
0x642: {  	s3 =	simm.s32 $0x1A010;
	s6 =	sand.u32 $0x70, s30;
	s4 =	simm.s32 $0x19010;
	[tilespmem:v21+s20+$0x0] =	vst.idx.msk $0xffff, v18;
	v18 =	vnsel vm0, $0x0, v19  }
.LBB2_25:
0x643: {  	s13 =	sor.u32 s6, s8  }
0x644: {  	[tilespmem:v17+s20+$0x0] =	vst.idx.msk $0xffff, v18;
	s0 =	sadd.s32 $0x30, s0;
	s14 =	smov.u32 s9;
	s15 =	sadd.s32 $0x10, s9  }
0x645: {  	p3 =	sne.s32 s9, $0xFF0;
	v18 =	vld [tilespmem:s13+$0x1B000];
	_ =	sdelay $0x4  }
0x646: {  	v17 =	vmax.f32 v18, $1.000000000e+00  }
0x647: {  	(erf) = vrcp.f32 v17;
	_ =	sdelay $0x2  }
0x648: {  	s8 =	sadd.s32 s8, s17  }
0x649: {  	s6 =	sadd.s32 s6, s8;
	v19 =	vld [tilespmem:s3+$0x0]  }
0x64a: {  	v17 =	vld [tilespmem:s6+$0x0]  }
0x64b: {  	v20 =	vld [tilespmem:s4+$0x0];
	_ =	sdelay $0x1  }
0x64c: {  	v21 =	vadd.s32 s0, v10  }
0x64d: {  	v22 =	vadd.s32 s0, v15;
	v23 =	vpop (erf)  }
.Ltmp16:
0x64e: {  	v24 =	vmul.f32 v23, v17;
	v17 =	vadd.s32 s0, v16;
	v19 =	vmul.f32 v23, v19;
	(pc) =	sbr.rel @p3 .LBB2_25-.Ltmp16, $4  }
0x64f: {  	vm0 =	vgt.f32 v18, $1.000000000e+00;
	v18 =	vmul.f32 v23, v20  }
0x650: {  	v20 =	vnsel vm0, $0x0, v24  }
0x651: {  	s8 =	sand.u32 $0xF80, s14;
	s3 =	sadd.s32 $0x10, s3;
	[tilespmem:v21+s20+$0x0] =	vst.idx.msk $0xffff, v20;
	v18 =	vnsel vm0, $0x0, v18  }
0x652: {  	s9 =	smov.u32 s15;
	s6 =	sand.u32 $0x70, s14;
	s4 =	sadd.s32 $0x10, s4;
	[tilespmem:v22+s20+$0x0] =	vst.idx.msk $0xffff, v18;
	v18 =	vnsel vm0, $0x0, v19  }
0x653: {  	_ =	sdelay $0x3  }
0x654: {  	s9 =	sor.u32 s6, s8;
	[tilespmem:v17+s20+$0x0] =	vst.idx.msk $0xffff, v18  }
0x655: {  	v17 =	vld [tilespmem:s9+$0x1B000];
	_ =	sdelay $0x4  }
0x656: {  	v59 =	vmax.f32 v17, $1.000000000e+00  }
0x657: {  	(erf) = vrcp.f32 v59;
	_ =	sdelay $0x2  }
0x658: {  	s26 =	sadd.s32 s8, s17  }
0x659: {  	s28 =	sadd.s32 s6, s26  }
0x65a: {  	v60 =	vld [tilespmem:s28+$0x0]  }
0x65b: {  	v19 =	vld [tilespmem:s4+$0x0]  }
0x65c: {  	s0 =	sadd.s32 $0x30, s0;
	v20 =	vld [tilespmem:s3+$0x0]  }
0x65d: {  	v21 =	vadd.s32 s0, v10  }
0x65e: {  	v15 =	vadd.s32 s0, v15;
	v22 =	vpop (erf)  }
0x65f: {  	v16 =	vadd.s32 s0, v16;
	v18 =	vmul.f32 v22, v60  }
0x660: {  	vm0 =	vgt.f32 v17, $1.000000000e+00;
	v61 =	vmul.f32 v22, v19  }
0x661: {  	v62 =	vmul.f32 v22, v20;
	v18 =	vnsel vm0, $0x0, v18  }
0x662: {  	v17 =	vnsel vm0, $0x0, v61;
	[tilespmem:v21+s20+$0x0] =	vst.idx.msk $0xffff, v18  }
0x663: {  	[tilespmem:v15+s20+$0x0] =	vst.idx.msk $0xffff, v17;
	v15 =	vnsel vm0, $0x0, v62  }
.Ltmp17:
0x664: {  	s29 =	simm.s32 $0x0;
	s30 =	rddreg [dreg:$0xe];
	[tilespmem:v16+s20+$0x0] =	vst.idx.msk $0xffff, v15;
	(pc) =	sbr.rel .LBB2_27-.Ltmp17, $4  }
0x665: {  	[hbm4b:s30+s29] =	stream.linear.scatter [tilespmem:s20], [sflag:$0x4], $0x3000, $0x38;
	v63 =	vld [tilespmem:$0x0]  }
0x666: {  	_ =	swait.ge [sflag:s24], $0x3000  }
0x667: {  	[sflag:s24] =	ssyncset.done $0x0  }
0x668: {  	s3 =	rddreg [dreg:$0x16];
	[sflag:s24] =	ssyncadd.s32 $0xFFFFD000  }
.LBB2_28:
0x669: {  	_ =	sfence.sel $0x180000  }
0x66a: {  	[bflag:$0x0] =	sbarrier.arrive $0xFFFF  }
0x66b: {  	_ =	strace $0x90000047  }
0x66c: {  	s0 =	stileid.u32;
	[bflag:$0x2] =	sbarrier.arrive $0xFFFF  }
0x66d: {  	p0 =	sne.s32 s0, $0x0;
	s0 =	rddreg [dreg:$0x4]  }
0x66e: {  	s0 =	sadd.s32 @!p0 $0x100000, s0  }
0x66f: {  	[sflag:s0] =	ssyncadd.tile.s32 @!p0 $0x1;
	_ =	shalt  }
.Lfunc_end2:
_tile_overlayer_lowered:
.L_overlay_start_2:
0x670: {  	(tag) =	ssettag $0x2  }
0x671: {  	s0 =	rddreg [dreg:$0x0];
	s2 =	stileid.u32  }
0x672: {  	s1 =	rddreg [dreg:$0x1];
	p0 =	sne.s32 s2, $0x0  }
0x673: {  	s3 =	rddreg [dreg:$0x2];
	[bflag:$0x3] =	sbarrier.arrive $0xFFFF;
	s2 =	simm.s32 @!p0 $0x1C04  }
0x674: {  	[timem:s3], [sflag:s2] =	dma.local @!p0 [hbm:s0], s1  }
0x675: {  	s0 =	simm.s32 @!p0 $0x4  }
0x676: {  	_ =	swait.ge @!p0 [sflag:s0], s1  }
0x677: {  	s1 =	ssub.s32 @!p0 $0x0, s1;
	[sflag:s0] =	ssyncset.done @!p0 $0x0  }
0x678: {  	[sflag:s0] =	ssyncadd.s32 @!p0 s1  }
0x679: {  	[bflag:$0x3] =	sbarrier.arrive $0xFFFF  }
0x67a: {  	_ =	shalt  }

</sc_bundles>
